<compile_context>
chip_gen: v7x
topology: tpu7x:2x2x1
jax: 0.10.2.dev20260603
libtpu: 0.0.44.dev20260713+nightly
codegen_flags: <defaults>
</compile_context>

<pallas_src>
import functools

import jax
import jax.numpy as jnp
from jax import lax
from jax.experimental import pallas as pl
from jax.experimental.pallas import tpu as pltpu
from jax.experimental.pallas import tpu_sc as plsc

NUM_ROAD = 1000000
D = 32
HALFD = 16
B = 16384
K = 20

NC = 2
NS = 16
NW = NC * NS
PER_W = B // NW
C = 64
NCHUNK = PER_W // C
CK = C * K
NSUB = CK // 128

_TBW = 8192
_T4 = _TBW // 4
_NBLK = pl.cdiv(NUM_ROAD, _TBW)
_NPACK = _NBLK * _TBW


def _transpose_body(i1, i2, i3, o1, o2, o3):
    eye = jnp.eye(D, dtype=jnp.float32)
    dn = (((0,), (0,)), ((), ()))
    for i_ref, o_ref in ((i1, o1), (i2, o2), (i3, o3)):
        acc = None
        for a in range(4):
            ea = jnp.pad(eye, ((0, 0), (a * D, 128 - (a + 1) * D)))
            y = jax.lax.dot_general(i_ref[:, pl.ds(a * _T4, _T4)], ea, dn,
                                    precision=jax.lax.Precision.HIGHEST,
                                    preferred_element_type=jnp.float32)
            acc = y if acc is None else acc + y
        o_ref[...] = acc


_tc_transpose = pl.pallas_call(
    _transpose_body,
    grid=(_NBLK,),
    in_specs=[pl.BlockSpec((D, _TBW), lambda i: (0, i))] * 3,
    out_specs=[pl.BlockSpec((_T4, 128), lambda i: (i, 0))] * 3,
    out_shape=[jax.ShapeDtypeStruct((_NBLK * _T4, 128), jnp.float32)] * 3,
)


def _permute_idx_ref(ref, n):

    def body(i, carry):
        v = ref[pl.ds(i * 16, 16)]
        sub = v & (_TBW - 1)
        ref[pl.ds(i * 16, 16)] = (v - sub) + 4 * (sub & (_T4 - 1)) + (
            sub >> 11)
        return carry

    lax.fori_loop(0, n // 16, body, 0, unroll=1)


def _dot(a0, a1, b0, b1):
    return jnp.sum(a0 * b0 + a1 * b1)


def _body(emb_1st, emb_2nd, emb_context, center, pos, negf,
          pos1, pos2, neg1p, neg2p,
          cen_v, pos_v, neg_v,
          e1_v, e2_v, ep1_v, ep2_v, en1_v, en2_v,
          o_p1, o_p2, o_n1, o_n2, sem):
    wid = lax.axis_index("s") * NC + lax.axis_index("c")
    base = wid * PER_W
    lane = lax.iota(jnp.int32, 16)

    pltpu.sync_copy(center.at[pl.ds(base, PER_W)], cen_v)
    pltpu.sync_copy(pos.at[pl.ds(base, PER_W)], pos_v)
    pltpu.sync_copy(negf.at[pl.ds(base * K, PER_W * K)], neg_v)
    _permute_idx_ref(cen_v, PER_W)
    _permute_idx_ref(pos_v, PER_W)
    _permute_idx_ref(neg_v, PER_W * K)

    def chunk_body(c, carry):
        co = c * C
        copies = []
        copies.append(pltpu.async_copy(
            emb_1st.at[cen_v.at[pl.ds(co, C)]], e1_v, sem))
        copies.append(pltpu.async_copy(
            emb_2nd.at[cen_v.at[pl.ds(co, C)]], e2_v, sem))
        copies.append(pltpu.async_copy(
            emb_1st.at[pos_v.at[pl.ds(co, C)]], ep1_v, sem))
        copies.append(pltpu.async_copy(
            emb_context.at[pos_v.at[pl.ds(co, C)]], ep2_v, sem))
        for j in range(NSUB):
            idx = neg_v.at[pl.ds(c * CK + j * 128, 128)]
            copies.append(pltpu.async_copy(
                emb_1st.at[idx], en1_v.at[pl.ds(j * 128, 128)], sem))
            copies.append(pltpu.async_copy(
                emb_context.at[idx], en2_v.at[pl.ds(j * 128, 128)], sem))
        for cp in copies:
            cp.wait()

        def pos_body(g, carry2):
            i0 = g * 16
            acc1 = jnp.zeros((16,), jnp.float32)
            acc2 = jnp.zeros((16,), jnp.float32)
            for j in range(16):
                i = i0 + j
                e1a = e1_v[i, pl.ds(0, HALFD)]
                e1b = e1_v[i, pl.ds(HALFD, HALFD)]
                ep1a = ep1_v[i, pl.ds(0, HALFD)]
                ep1b = ep1_v[i, pl.ds(HALFD, HALFD)]
                acc1 = jnp.where(lane == j, _dot(e1a, e1b, ep1a, ep1b), acc1)
                e2a = e2_v[i, pl.ds(0, HALFD)]
                e2b = e2_v[i, pl.ds(HALFD, HALFD)]
                ep2a = ep2_v[i, pl.ds(0, HALFD)]
                ep2b = ep2_v[i, pl.ds(HALFD, HALFD)]
                acc2 = jnp.where(lane == j, _dot(e2a, e2b, ep2a, ep2b), acc2)
            o_p1[pl.ds(i0, 16)] = acc1
            o_p2[pl.ds(i0, 16)] = acc2
            return carry2

        lax.fori_loop(0, C // 16, pos_body, 0, unroll=1)

        def neg_body(i, carry2):
            e1a = e1_v[i, pl.ds(0, HALFD)]
            e1b = e1_v[i, pl.ds(HALFD, HALFD)]
            e2a = e2_v[i, pl.ds(0, HALFD)]
            e2b = e2_v[i, pl.ds(HALFD, HALFD)]
            a10 = jnp.zeros((16,), jnp.float32)
            a11 = jnp.zeros((16,), jnp.float32)
            a20 = jnp.zeros((16,), jnp.float32)
            a21 = jnp.zeros((16,), jnp.float32)
            r0 = i * K
            for k in range(K):
                na = en1_v[r0 + k, pl.ds(0, HALFD)]
                nb = en1_v[r0 + k, pl.ds(HALFD, HALFD)]
                s1 = _dot(e1a, e1b, na, nb)
                ma = en2_v[r0 + k, pl.ds(0, HALFD)]
                mb = en2_v[r0 + k, pl.ds(HALFD, HALFD)]
                s2 = _dot(e2a, e2b, ma, mb)
                if k < 16:
                    a10 = jnp.where(lane == k, s1, a10)
                    a20 = jnp.where(lane == k, s2, a20)
                else:
                    a11 = jnp.where(lane == (k - 16), s1, a11)
                    a21 = jnp.where(lane == (k - 16), s2, a21)
            o_n1[i, pl.ds(0, 16)] = a10
            o_n1[i, pl.ds(16, 16)] = a11
            o_n2[i, pl.ds(0, 16)] = a20
            o_n2[i, pl.ds(16, 16)] = a21
            return carry2

        lax.fori_loop(0, C, neg_body, 0, unroll=1)

        pltpu.sync_copy(o_p1, pos1.at[pl.ds(base + co, C)])
        pltpu.sync_copy(o_p2, pos2.at[pl.ds(base + co, C)])
        pltpu.sync_copy(o_n1, neg1p.at[pl.ds(base + co, C)])
        pltpu.sync_copy(o_n2, neg2p.at[pl.ds(base + co, C)])
        return carry

    lax.fori_loop(0, NCHUNK, chunk_body, 0, unroll=1)


@functools.partial(
    pl.kernel,
    out_type=(
        jax.ShapeDtypeStruct((B,), jnp.float32),
        jax.ShapeDtypeStruct((B,), jnp.float32),
        jax.ShapeDtypeStruct((B, D), jnp.float32),
        jax.ShapeDtypeStruct((B, D), jnp.float32),
    ),
    mesh=plsc.VectorSubcoreMesh(core_axis_name="c", subcore_axis_name="s"),
    compiler_params=pltpu.CompilerParams(needs_layout_passes=False,
                                         use_tc_tiling_on_sc=False),
    scratch_types=[
        pltpu.VMEM((PER_W,), jnp.int32),
        pltpu.VMEM((PER_W,), jnp.int32),
        pltpu.VMEM((PER_W * K,), jnp.int32),
        pltpu.VMEM((C, D), jnp.float32),
        pltpu.VMEM((C, D), jnp.float32),
        pltpu.VMEM((C, D), jnp.float32),
        pltpu.VMEM((C, D), jnp.float32),
        pltpu.VMEM((CK, D), jnp.float32),
        pltpu.VMEM((CK, D), jnp.float32),
        pltpu.VMEM((C,), jnp.float32),
        pltpu.VMEM((C,), jnp.float32),
        pltpu.VMEM((C, D), jnp.float32),
        pltpu.VMEM((C, D), jnp.float32),
        pltpu.SemaphoreType.DMA,
    ],
)
def _sc_kernel(emb_1st, emb_2nd, emb_context, center, pos, negf,
               pos1, pos2, neg1p, neg2p, *scratch):
    _body(emb_1st, emb_2nd, emb_context, center, pos, negf,
          pos1, pos2, neg1p, neg2p, *scratch)


def kernel(emb_1st, emb_2nd, emb_context, center, pos, neg):
    t1, t2, t3 = _tc_transpose(emb_1st.T, emb_2nd.T, emb_context.T)
    t1 = t1.reshape(_NPACK, D)
    t2 = t2.reshape(_NPACK, D)
    t3 = t3.reshape(_NPACK, D)
    negf = neg.reshape(B * K)
    p1, p2, n1p, n2p = _sc_kernel(t1, t2, t3, center, pos, negf)
    return (p1, p2, n1p[:, :K], n2p[:, :K])

# --- scband reference (transcript-rebuilt; emitter-appended) ---
"""Pipeline reference for scband-line-61976378081860 (READ-ONLY COPY).

The authoritative reference and input builder live on the scoring server;
editing this copy changes nothing except your own understanding.
"""

import jax, jax.numpy as jnp
import numpy as np

NUM_ROAD = 1000000
EMB_DIM = 64
HALF = EMB_DIM // 2
B = 16384
K_NEG = 20


def setup_inputs(seed: int = 0) -> dict:
    key = jax.random.key(seed)
    k1, k2, k3, k4, k5, k6 = jax.random.split(key, 6)
    center = jax.random.randint(k1, (B,), 0, NUM_ROAD, dtype=jnp.int64 if jax.config.jax_enable_x64 else jnp.int32).astype(jnp.int32)
    pos = jax.random.randint(k2, (B,), 0, NUM_ROAD).astype(jnp.int32)
    neg = jax.random.randint(k3, (B, K_NEG), 0, NUM_ROAD).astype(jnp.int32)
    emb_1st = jax.random.normal(k4, (NUM_ROAD, HALF), dtype=jnp.float32)
    emb_2nd = jax.random.normal(k5, (NUM_ROAD, HALF), dtype=jnp.float32)
    emb_context = jax.random.normal(k6, (NUM_ROAD, HALF), dtype=jnp.float32)
    return {"emb_1st": emb_1st, "emb_2nd": emb_2nd, "emb_context": emb_context,
            "center": center, "pos": pos, "neg": neg}


def reference(emb_1st, emb_2nd, emb_context, center, pos, neg):
    # gathers (embedding lookups)
    e1 = jnp.take(emb_1st, center, axis=0)      # [B, HALF]
    e2 = jnp.take(emb_2nd, center, axis=0)      # [B, HALF]
    ep1 = jnp.take(emb_1st, pos, axis=0)        # [B, HALF]
    ep2 = jnp.take(emb_context, pos, axis=0)    # [B, HALF]
    en1 = jnp.take(emb_1st, neg, axis=0)        # [B, K, HALF]
    en2 = jnp.take(emb_context, neg, axis=0)    # [B, K, HALF]
    # pos1 = (e1[...,None,:] @ ep1[...,:,None]).squeeze() -> [B]
    pos1 = jnp.sum(e1 * ep1, axis=-1)
    pos2 = jnp.sum(e2 * ep2, axis=-1)
    # neg1 = (e1[...,None,:] @ en1.mT).squeeze(-2) -> [B, K]
    neg1 = jnp.einsum('bd,bkd->bk', e1, en1)
    neg2 = jnp.einsum('bd,bkd->bk', e2, en2)
    return (pos1, pos2, neg1, neg2)

if __name__ == "__main__":
    import jax
    _d = setup_inputs()
    print(jax.jit(kernel)(*tuple(_d.values())))

</pallas_src>

<mosaic_0001>
#map = affine_map<(d0, d1) -> (0, 0)>
#map1 = affine_map<(d0, d1) -> (0)>
module attributes {stable_mosaic.version = 14 : i64} {
  func.func @_sc_kernel(%arg0: i32, %arg1: i32, %arg2: memref<1007616x32xf32, #tpu.memory_space<hbm>>, %arg3: memref<1007616x32xf32, #tpu.memory_space<hbm>>, %arg4: memref<1007616x32xf32, #tpu.memory_space<hbm>>, %arg5: memref<16384xi32, #tpu.memory_space<hbm>>, %arg6: memref<16384xi32, #tpu.memory_space<hbm>>, %arg7: memref<327680xi32, #tpu.memory_space<hbm>>, %arg8: memref<16384xf32, #tpu.memory_space<hbm>>, %arg9: memref<16384xf32, #tpu.memory_space<hbm>>, %arg10: memref<16384x32xf32, #tpu.memory_space<hbm>>, %arg11: memref<16384x32xf32, #tpu.memory_space<hbm>>, %arg12: memref<512xi32, #tpu.memory_space<vmem>>, %arg13: memref<512xi32, #tpu.memory_space<vmem>>, %arg14: memref<10240xi32, #tpu.memory_space<vmem>>, %arg15: memref<64x32xf32, #tpu.memory_space<vmem>>, %arg16: memref<64x32xf32, #tpu.memory_space<vmem>>, %arg17: memref<64x32xf32, #tpu.memory_space<vmem>>, %arg18: memref<64x32xf32, #tpu.memory_space<vmem>>, %arg19: memref<1280x32xf32, #tpu.memory_space<vmem>>, %arg20: memref<1280x32xf32, #tpu.memory_space<vmem>>, %arg21: memref<64xf32, #tpu.memory_space<vmem>>, %arg22: memref<64xf32, #tpu.memory_space<vmem>>, %arg23: memref<64x32xf32, #tpu.memory_space<vmem>>, %arg24: memref<64x32xf32, #tpu.memory_space<vmem>>, %arg25: memref<!tpu.dma_semaphore, #tpu.memory_space<semaphore_mem>>) attributes {dimension_semantics = [#tpu.dimension_semantics<core_parallel>, #tpu.dimension_semantics<subcore_parallel>], iteration_bounds = array<i64: 2, 16>, scalar_prefetch = 0 : i64, scratch_operands = 14 : i64, tpu.core_type = #tpu.core_type<sc_vector_subcore>, window_params = [{transform_indices = #map}, {transform_indices = #map}, {transform_indices = #map}, {transform_indices = #map1}, {transform_indices = #map1}, {transform_indices = #map1}, {transform_indices = #map1}, {transform_indices = #map1}, {transform_indices = #map}, {transform_indices = #map}]} {
    %mul3A = arith.constant 2 : i32
    %mul3A_0 = arith.muli %arg1, %mul3A : i32
    %add3A = arith.addi %mul3A_0, %arg0 : i32
    %mul3A_1 = arith.constant 512 : i32
    %mul3A_2 = arith.muli %add3A, %mul3A_1 : i32
    %iota3A = tpu.iota {dimensions = array<i32: 0>} : vector<16xi32>
    "tpu.region"() ({
      %run_scoped3A = tpu.sem_alloc : memref<!tpu.dma_semaphore, #tpu.memory_space<semaphore_mem>>
      %dma_start3A = tpu.memref_slice %arg5[%mul3A_2] : memref<16384xi32, #tpu.memory_space<hbm>> -> memref<512xi32, #tpu.memory_space<hbm>>
      %dma_start3A_28 = tpu.memref_slice %arg5[%mul3A_2] : memref<16384xi32, #tpu.memory_space<hbm>> -> memref<512xi32, #tpu.memory_space<hbm>>
      tpu.enqueue_dma source(%dma_start3A_28 : memref<512xi32, #tpu.memory_space<hbm>>) target(%arg12 : memref<512xi32, #tpu.memory_space<vmem>>) target_semaphore(%run_scoped3A : memref<!tpu.dma_semaphore, #tpu.memory_space<semaphore_mem>>)
      %dma_wait3A = tpu.memref_slice %arg5[%mul3A_2] : memref<16384xi32, #tpu.memory_space<hbm>> -> memref<512xi32, #tpu.memory_space<hbm>>
      %dma_wait3A_29 = tpu.memref_slice %arg5[%mul3A_2] : memref<16384xi32, #tpu.memory_space<hbm>> -> memref<512xi32, #tpu.memory_space<hbm>>
      tpu.wait_dma2 semaphore(%run_scoped3A : memref<!tpu.dma_semaphore, #tpu.memory_space<semaphore_mem>>) src(%dma_wait3A_29 : memref<512xi32, #tpu.memory_space<hbm>>) dst(%arg12 : memref<512xi32, #tpu.memory_space<vmem>>)
      tpu.yield
    }) : () -> ()
    "tpu.region"() ({
      %run_scoped3A = tpu.sem_alloc : memref<!tpu.dma_semaphore, #tpu.memory_space<semaphore_mem>>
      %dma_start3A = tpu.memref_slice %arg6[%mul3A_2] : memref<16384xi32, #tpu.memory_space<hbm>> -> memref<512xi32, #tpu.memory_space<hbm>>
      %dma_start3A_28 = tpu.memref_slice %arg6[%mul3A_2] : memref<16384xi32, #tpu.memory_space<hbm>> -> memref<512xi32, #tpu.memory_space<hbm>>
      tpu.enqueue_dma source(%dma_start3A_28 : memref<512xi32, #tpu.memory_space<hbm>>) target(%arg13 : memref<512xi32, #tpu.memory_space<vmem>>) target_semaphore(%run_scoped3A : memref<!tpu.dma_semaphore, #tpu.memory_space<semaphore_mem>>)
      %dma_wait3A = tpu.memref_slice %arg6[%mul3A_2] : memref<16384xi32, #tpu.memory_space<hbm>> -> memref<512xi32, #tpu.memory_space<hbm>>
      %dma_wait3A_29 = tpu.memref_slice %arg6[%mul3A_2] : memref<16384xi32, #tpu.memory_space<hbm>> -> memref<512xi32, #tpu.memory_space<hbm>>
      tpu.wait_dma2 semaphore(%run_scoped3A : memref<!tpu.dma_semaphore, #tpu.memory_space<semaphore_mem>>) src(%dma_wait3A_29 : memref<512xi32, #tpu.memory_space<hbm>>) dst(%arg13 : memref<512xi32, #tpu.memory_space<vmem>>)
      tpu.yield
    }) : () -> ()
    %mul3A_3 = arith.constant 20 : i32
    %mul3A_4 = arith.muli %mul3A_2, %mul3A_3 : i32
    "tpu.region"() ({
      %run_scoped3A = tpu.sem_alloc : memref<!tpu.dma_semaphore, #tpu.memory_space<semaphore_mem>>
      %dma_start3A = tpu.memref_slice %arg7[%mul3A_4] : memref<327680xi32, #tpu.memory_space<hbm>> -> memref<10240xi32, #tpu.memory_space<hbm>>
      %dma_start3A_28 = tpu.memref_slice %arg7[%mul3A_4] : memref<327680xi32, #tpu.memory_space<hbm>> -> memref<10240xi32, #tpu.memory_space<hbm>>
      tpu.enqueue_dma source(%dma_start3A_28 : memref<10240xi32, #tpu.memory_space<hbm>>) target(%arg14 : memref<10240xi32, #tpu.memory_space<vmem>>) target_semaphore(%run_scoped3A : memref<!tpu.dma_semaphore, #tpu.memory_space<semaphore_mem>>)
      %dma_wait3A = tpu.memref_slice %arg7[%mul3A_4] : memref<327680xi32, #tpu.memory_space<hbm>> -> memref<10240xi32, #tpu.memory_space<hbm>>
      %dma_wait3A_29 = tpu.memref_slice %arg7[%mul3A_4] : memref<327680xi32, #tpu.memory_space<hbm>> -> memref<10240xi32, #tpu.memory_space<hbm>>
      tpu.wait_dma2 semaphore(%run_scoped3A : memref<!tpu.dma_semaphore, #tpu.memory_space<semaphore_mem>>) src(%dma_wait3A_29 : memref<10240xi32, #tpu.memory_space<hbm>>) dst(%arg14 : memref<10240xi32, #tpu.memory_space<vmem>>)
      tpu.yield
    }) : () -> ()
    %scan3A = arith.constant 0 : i32
    %scan3A_5 = arith.constant 0 : i32
    %scan3A_6 = arith.constant 32 : i32
    %scan3A_7 = arith.addi %scan3A_5, %scan3A_6 : i32
    %scan3A_8 = arith.constant 1 : i32
    scf.for %scan3A_28 = %scan3A_5 to %scan3A_7 step %scan3A_8  : i32 {
      %mul3A_29 = arith.constant 16 : i32
      %mul3A_30 = arith.muli %scan3A_28, %mul3A_29 : i32
      %get3A = arith.index_cast %mul3A_30 : i32 to index
      %get3A_31 = tpu.vector_load %arg12[%get3A] {strides = array<i32>} : memref<512xi32, #tpu.memory_space<vmem>>, vector<16xi32>,
      %and3A = arith.constant 8191 : i32
      %and3A_32 = vector.broadcast %and3A : i32 to vector<16xi32>
      %and3A_33 = arith.andi %get3A_31, %and3A_32 : vector<16xi32>
      %sub3A = arith.subi %get3A_31, %and3A_33 : vector<16xi32>
      %and3A_34 = arith.constant 2047 : i32
      %and3A_35 = vector.broadcast %and3A_34 : i32 to vector<16xi32>
      %and3A_36 = arith.andi %and3A_33, %and3A_35 : vector<16xi32>
      %mul3A_37 = arith.constant 4 : i32
      %mul3A_38 = vector.broadcast %mul3A_37 : i32 to vector<16xi32>
      %mul3A_39 = arith.muli %mul3A_38, %and3A_36 : vector<16xi32>
      %add3A_40 = arith.addi %sub3A, %mul3A_39 : vector<16xi32>
      %shift_right_arithmetic3A = arith.constant 11 : i32
      %shift_right_arithmetic3A_41 = vector.broadcast %shift_right_arithmetic3A : i32 to vector<16xi32>
      %shift_right_arithmetic3A_42 = arith.shrsi %and3A_33, %shift_right_arithmetic3A_41 : vector<16xi32>
      %add3A_43 = arith.addi %add3A_40, %shift_right_arithmetic3A_42 : vector<16xi32>
      %mul3A_44 = arith.constant 16 : i32
      %mul3A_45 = arith.muli %scan3A_28, %mul3A_44 : i32
      %swap3A = arith.index_cast %mul3A_45 : i32 to index
      %swap3A_46 = tpu.vector_load %arg12[%swap3A] {strides = array<i32>} : memref<512xi32, #tpu.memory_space<vmem>>, vector<16xi32>,
      tpu.vector_store %arg12[%swap3A], %add3A_43 {strides = array<i32>} : memref<512xi32, #tpu.memory_space<vmem>>, vector<16xi32>,
    }
    %scan3A_9 = arith.constant 32 : i32
    %scan3A_10 = arith.constant 0 : i32
    %scan3A_11 = arith.constant 0 : i32
    %scan3A_12 = arith.constant 32 : i32
    %scan3A_13 = arith.addi %scan3A_11, %scan3A_12 : i32
    %scan3A_14 = arith.constant 1 : i32
    scf.for %scan3A_28 = %scan3A_11 to %scan3A_13 step %scan3A_14  : i32 {
      %mul3A_29 = arith.constant 16 : i32
      %mul3A_30 = arith.muli %scan3A_28, %mul3A_29 : i32
      %get3A = arith.index_cast %mul3A_30 : i32 to index
      %get3A_31 = tpu.vector_load %arg13[%get3A] {strides = array<i32>} : memref<512xi32, #tpu.memory_space<vmem>>, vector<16xi32>,
      %and3A = arith.constant 8191 : i32
      %and3A_32 = vector.broadcast %and3A : i32 to vector<16xi32>
      %and3A_33 = arith.andi %get3A_31, %and3A_32 : vector<16xi32>
      %sub3A = arith.subi %get3A_31, %and3A_33 : vector<16xi32>
      %and3A_34 = arith.constant 2047 : i32
      %and3A_35 = vector.broadcast %and3A_34 : i32 to vector<16xi32>
      %and3A_36 = arith.andi %and3A_33, %and3A_35 : vector<16xi32>
      %mul3A_37 = arith.constant 4 : i32
      %mul3A_38 = vector.broadcast %mul3A_37 : i32 to vector<16xi32>
      %mul3A_39 = arith.muli %mul3A_38, %and3A_36 : vector<16xi32>
      %add3A_40 = arith.addi %sub3A, %mul3A_39 : vector<16xi32>
      %shift_right_arithmetic3A = arith.constant 11 : i32
      %shift_right_arithmetic3A_41 = vector.broadcast %shift_right_arithmetic3A : i32 to vector<16xi32>
      %shift_right_arithmetic3A_42 = arith.shrsi %and3A_33, %shift_right_arithmetic3A_41 : vector<16xi32>
      %add3A_43 = arith.addi %add3A_40, %shift_right_arithmetic3A_42 : vector<16xi32>
      %mul3A_44 = arith.constant 16 : i32
      %mul3A_45 = arith.muli %scan3A_28, %mul3A_44 : i32
      %swap3A = arith.index_cast %mul3A_45 : i32 to index
      %swap3A_46 = tpu.vector_load %arg13[%swap3A] {strides = array<i32>} : memref<512xi32, #tpu.memory_space<vmem>>, vector<16xi32>,
      tpu.vector_store %arg13[%swap3A], %add3A_43 {strides = array<i32>} : memref<512xi32, #tpu.memory_space<vmem>>, vector<16xi32>,
    }
    %scan3A_15 = arith.constant 32 : i32
    %scan3A_16 = arith.constant 0 : i32
    %scan3A_17 = arith.constant 0 : i32
    %scan3A_18 = arith.constant 640 : i32
    %scan3A_19 = arith.addi %scan3A_17, %scan3A_18 : i32
    %scan3A_20 = arith.constant 1 : i32
    scf.for %scan3A_28 = %scan3A_17 to %scan3A_19 step %scan3A_20  : i32 {
      %mul3A_29 = arith.constant 16 : i32
      %mul3A_30 = arith.muli %scan3A_28, %mul3A_29 : i32
      %get3A = arith.index_cast %mul3A_30 : i32 to index
      %get3A_31 = tpu.vector_load %arg14[%get3A] {strides = array<i32>} : memref<10240xi32, #tpu.memory_space<vmem>>, vector<16xi32>,
      %and3A = arith.constant 8191 : i32
      %and3A_32 = vector.broadcast %and3A : i32 to vector<16xi32>
      %and3A_33 = arith.andi %get3A_31, %and3A_32 : vector<16xi32>
      %sub3A = arith.subi %get3A_31, %and3A_33 : vector<16xi32>
      %and3A_34 = arith.constant 2047 : i32
      %and3A_35 = vector.broadcast %and3A_34 : i32 to vector<16xi32>
      %and3A_36 = arith.andi %and3A_33, %and3A_35 : vector<16xi32>
      %mul3A_37 = arith.constant 4 : i32
      %mul3A_38 = vector.broadcast %mul3A_37 : i32 to vector<16xi32>
      %mul3A_39 = arith.muli %mul3A_38, %and3A_36 : vector<16xi32>
      %add3A_40 = arith.addi %sub3A, %mul3A_39 : vector<16xi32>
      %shift_right_arithmetic3A = arith.constant 11 : i32
      %shift_right_arithmetic3A_41 = vector.broadcast %shift_right_arithmetic3A : i32 to vector<16xi32>
      %shift_right_arithmetic3A_42 = arith.shrsi %and3A_33, %shift_right_arithmetic3A_41 : vector<16xi32>
      %add3A_43 = arith.addi %add3A_40, %shift_right_arithmetic3A_42 : vector<16xi32>
      %mul3A_44 = arith.constant 16 : i32
      %mul3A_45 = arith.muli %scan3A_28, %mul3A_44 : i32
      %swap3A = arith.index_cast %mul3A_45 : i32 to index
      %swap3A_46 = tpu.vector_load %arg14[%swap3A] {strides = array<i32>} : memref<10240xi32, #tpu.memory_space<vmem>>, vector<16xi32>,
      tpu.vector_store %arg14[%swap3A], %add3A_43 {strides = array<i32>} : memref<10240xi32, #tpu.memory_space<vmem>>, vector<16xi32>,
    }
    %scan3A_21 = arith.constant 640 : i32
    %scan3A_22 = arith.constant 0 : i32
    %scan3A_23 = arith.constant 0 : i32
    %scan3A_24 = arith.constant 8 : i32
    %scan3A_25 = arith.addi %scan3A_23, %scan3A_24 : i32
    %scan3A_26 = arith.constant 1 : i32
    scf.for %scan3A_28 = %scan3A_23 to %scan3A_25 step %scan3A_26  : i32 {
      %mul3A_29 = arith.constant 64 : i32
      %mul3A_30 = arith.muli %scan3A_28, %mul3A_29 : i32
      %dma_start3A = tpu.memref_slice %arg12[%mul3A_30] : memref<512xi32, #tpu.memory_space<vmem>> -> memref<64xi32, #tpu.memory_space<vmem>>
      %dma_start3A_31 = arith.constant 0 : i32
      %dma_start3A_32 = arith.constant 0 : i32
      %dma_start3A_33 = tpu.memref_slice %arg2[%dma_start3A_31, %dma_start3A_32] : memref<1007616x32xf32, #tpu.memory_space<hbm>> -> memref<1007616x32xf32, #tpu.memory_space<hbm>>
      tpu.enqueue_indirect_dma source(%dma_start3A_33 : memref<1007616x32xf32, #tpu.memory_space<hbm>>) target(%arg15 : memref<64x32xf32, #tpu.memory_space<vmem>>) offsets(%dma_start3A : memref<64xi32, #tpu.memory_space<vmem>>) semaphore(%arg25 : memref<!tpu.dma_semaphore, #tpu.memory_space<semaphore_mem>>)
      %dma_start3A_34 = tpu.memref_slice %arg12[%mul3A_30] : memref<512xi32, #tpu.memory_space<vmem>> -> memref<64xi32, #tpu.memory_space<vmem>>
      %dma_start3A_35 = arith.constant 0 : i32
      %dma_start3A_36 = arith.constant 0 : i32
      %dma_start3A_37 = tpu.memref_slice %arg3[%dma_start3A_35, %dma_start3A_36] : memref<1007616x32xf32, #tpu.memory_space<hbm>> -> memref<1007616x32xf32, #tpu.memory_space<hbm>>
      tpu.enqueue_indirect_dma source(%dma_start3A_37 : memref<1007616x32xf32, #tpu.memory_space<hbm>>) target(%arg16 : memref<64x32xf32, #tpu.memory_space<vmem>>) offsets(%dma_start3A_34 : memref<64xi32, #tpu.memory_space<vmem>>) semaphore(%arg25 : memref<!tpu.dma_semaphore, #tpu.memory_space<semaphore_mem>>)
      %dma_start3A_38 = tpu.memref_slice %arg13[%mul3A_30] : memref<512xi32, #tpu.memory_space<vmem>> -> memref<64xi32, #tpu.memory_space<vmem>>
      %dma_start3A_39 = arith.constant 0 : i32
      %dma_start3A_40 = arith.constant 0 : i32
      %dma_start3A_41 = tpu.memref_slice %arg2[%dma_start3A_39, %dma_start3A_40] : memref<1007616x32xf32, #tpu.memory_space<hbm>> -> memref<1007616x32xf32, #tpu.memory_space<hbm>>
      tpu.enqueue_indirect_dma source(%dma_start3A_41 : memref<1007616x32xf32, #tpu.memory_space<hbm>>) target(%arg17 : memref<64x32xf32, #tpu.memory_space<vmem>>) offsets(%dma_start3A_38 : memref<64xi32, #tpu.memory_space<vmem>>) semaphore(%arg25 : memref<!tpu.dma_semaphore, #tpu.memory_space<semaphore_mem>>)
      %dma_start3A_42 = tpu.memref_slice %arg13[%mul3A_30] : memref<512xi32, #tpu.memory_space<vmem>> -> memref<64xi32, #tpu.memory_space<vmem>>
      %dma_start3A_43 = arith.constant 0 : i32
      %dma_start3A_44 = arith.constant 0 : i32
      %dma_start3A_45 = tpu.memref_slice %arg4[%dma_start3A_43, %dma_start3A_44] : memref<1007616x32xf32, #tpu.memory_space<hbm>> -> memref<1007616x32xf32, #tpu.memory_space<hbm>>
      tpu.enqueue_indirect_dma source(%dma_start3A_45 : memref<1007616x32xf32, #tpu.memory_space<hbm>>) target(%arg18 : memref<64x32xf32, #tpu.memory_space<vmem>>) offsets(%dma_start3A_42 : memref<64xi32, #tpu.memory_space<vmem>>) semaphore(%arg25 : memref<!tpu.dma_semaphore, #tpu.memory_space<semaphore_mem>>)
      %mul3A_46 = arith.constant 1280 : i32
      %mul3A_47 = arith.muli %scan3A_28, %mul3A_46 : i32
      %add3A_48 = arith.constant 0 : i32
      %add3A_49 = arith.addi %mul3A_47, %add3A_48 : i32
      %dma_start3A_50 = arith.constant 0 : i32
      %dma_start3A_51 = arith.constant 0 : i32
      %dma_start3A_52 = tpu.memref_slice %arg19[%dma_start3A_50, %dma_start3A_51] : memref<1280x32xf32, #tpu.memory_space<vmem>> -> memref<128x32xf32, #tpu.memory_space<vmem>>
      %dma_start3A_53 = tpu.memref_slice %arg14[%add3A_49] : memref<10240xi32, #tpu.memory_space<vmem>> -> memref<128xi32, #tpu.memory_space<vmem>>
      %dma_start3A_54 = arith.constant 0 : i32
      %dma_start3A_55 = arith.constant 0 : i32
      %dma_start3A_56 = tpu.memref_slice %arg2[%dma_start3A_54, %dma_start3A_55] : memref<1007616x32xf32, #tpu.memory_space<hbm>> -> memref<1007616x32xf32, #tpu.memory_space<hbm>>
      tpu.enqueue_indirect_dma source(%dma_start3A_56 : memref<1007616x32xf32, #tpu.memory_space<hbm>>) target(%dma_start3A_52 : memref<128x32xf32, #tpu.memory_space<vmem>>) offsets(%dma_start3A_53 : memref<128xi32, #tpu.memory_space<vmem>>) semaphore(%arg25 : memref<!tpu.dma_semaphore, #tpu.memory_space<semaphore_mem>>)
      %dma_start3A_57 = arith.constant 0 : i32
      %dma_start3A_58 = arith.constant 0 : i32
      %dma_start3A_59 = tpu.memref_slice %arg20[%dma_start3A_57, %dma_start3A_58] : memref<1280x32xf32, #tpu.memory_space<vmem>> -> memref<128x32xf32, #tpu.memory_space<vmem>>
      %dma_start3A_60 = tpu.memref_slice %arg14[%add3A_49] : memref<10240xi32, #tpu.memory_space<vmem>> -> memref<128xi32, #tpu.memory_space<vmem>>
      %dma_start3A_61 = arith.constant 0 : i32
      %dma_start3A_62 = arith.constant 0 : i32
      %dma_start3A_63 = tpu.memref_slice %arg4[%dma_start3A_61, %dma_start3A_62] : memref<1007616x32xf32, #tpu.memory_space<hbm>> -> memref<1007616x32xf32, #tpu.memory_space<hbm>>
      tpu.enqueue_indirect_dma source(%dma_start3A_63 : memref<1007616x32xf32, #tpu.memory_space<hbm>>) target(%dma_start3A_59 : memref<128x32xf32, #tpu.memory_space<vmem>>) offsets(%dma_start3A_60 : memref<128xi32, #tpu.memory_space<vmem>>) semaphore(%arg25 : memref<!tpu.dma_semaphore, #tpu.memory_space<semaphore_mem>>)
      %mul3A_64 = arith.constant 1280 : i32
      %mul3A_65 = arith.muli %scan3A_28, %mul3A_64 : i32
      %add3A_66 = arith.constant 128 : i32
      %add3A_67 = arith.addi %mul3A_65, %add3A_66 : i32
      %dma_start3A_68 = arith.constant 128 : i32
      %dma_start3A_69 = arith.constant 0 : i32
      %dma_start3A_70 = tpu.memref_slice %arg19[%dma_start3A_68, %dma_start3A_69] : memref<1280x32xf32, #tpu.memory_space<vmem>> -> memref<128x32xf32, #tpu.memory_space<vmem>>
      %dma_start3A_71 = tpu.memref_slice %arg14[%add3A_67] : memref<10240xi32, #tpu.memory_space<vmem>> -> memref<128xi32, #tpu.memory_space<vmem>>
      %dma_start3A_72 = arith.constant 0 : i32
      %dma_start3A_73 = arith.constant 0 : i32
      %dma_start3A_74 = tpu.memref_slice %arg2[%dma_start3A_72, %dma_start3A_73] : memref<1007616x32xf32, #tpu.memory_space<hbm>> -> memref<1007616x32xf32, #tpu.memory_space<hbm>>
      tpu.enqueue_indirect_dma source(%dma_start3A_74 : memref<1007616x32xf32, #tpu.memory_space<hbm>>) target(%dma_start3A_70 : memref<128x32xf32, #tpu.memory_space<vmem>>) offsets(%dma_start3A_71 : memref<128xi32, #tpu.memory_space<vmem>>) semaphore(%arg25 : memref<!tpu.dma_semaphore, #tpu.memory_space<semaphore_mem>>)
      %dma_start3A_75 = arith.constant 128 : i32
      %dma_start3A_76 = arith.constant 0 : i32
      %dma_start3A_77 = tpu.memref_slice %arg20[%dma_start3A_75, %dma_start3A_76] : memref<1280x32xf32, #tpu.memory_space<vmem>> -> memref<128x32xf32, #tpu.memory_space<vmem>>
      %dma_start3A_78 = tpu.memref_slice %arg14[%add3A_67] : memref<10240xi32, #tpu.memory_space<vmem>> -> memref<128xi32, #tpu.memory_space<vmem>>
      %dma_start3A_79 = arith.constant 0 : i32
      %dma_start3A_80 = arith.constant 0 : i32
      %dma_start3A_81 = tpu.memref_slice %arg4[%dma_start3A_79, %dma_start3A_80] : memref<1007616x32xf32, #tpu.memory_space<hbm>> -> memref<1007616x32xf32, #tpu.memory_space<hbm>>
      tpu.enqueue_indirect_dma source(%dma_start3A_81 : memref<1007616x32xf32, #tpu.memory_space<hbm>>) target(%dma_start3A_77 : memref<128x32xf32, #tpu.memory_space<vmem>>) offsets(%dma_start3A_78 : memref<128xi32, #tpu.memory_space<vmem>>) semaphore(%arg25 : memref<!tpu.dma_semaphore, #tpu.memory_space<semaphore_mem>>)
      %mul3A_82 = arith.constant 1280 : i32
      %mul3A_83 = arith.muli %scan3A_28, %mul3A_82 : i32
      %add3A_84 = arith.constant 256 : i32
      %add3A_85 = arith.addi %mul3A_83, %add3A_84 : i32
      %dma_start3A_86 = arith.constant 256 : i32
      %dma_start3A_87 = arith.constant 0 : i32
      %dma_start3A_88 = tpu.memref_slice %arg19[%dma_start3A_86, %dma_start3A_87] : memref<1280x32xf32, #tpu.memory_space<vmem>> -> memref<128x32xf32, #tpu.memory_space<vmem>>
      %dma_start3A_89 = tpu.memref_slice %arg14[%add3A_85] : memref<10240xi32, #tpu.memory_space<vmem>> -> memref<128xi32, #tpu.memory_space<vmem>>
      %dma_start3A_90 = arith.constant 0 : i32
      %dma_start3A_91 = arith.constant 0 : i32
      %dma_start3A_92 = tpu.memref_slice %arg2[%dma_start3A_90, %dma_start3A_91] : memref<1007616x32xf32, #tpu.memory_space<hbm>> -> memref<1007616x32xf32, #tpu.memory_space<hbm>>
      tpu.enqueue_indirect_dma source(%dma_start3A_92 : memref<1007616x32xf32, #tpu.memory_space<hbm>>) target(%dma_start3A_88 : memref<128x32xf32, #tpu.memory_space<vmem>>) offsets(%dma_start3A_89 : memref<128xi32, #tpu.memory_space<vmem>>) semaphore(%arg25 : memref<!tpu.dma_semaphore, #tpu.memory_space<semaphore_mem>>)
      %dma_start3A_93 = arith.constant 256 : i32
      %dma_start3A_94 = arith.constant 0 : i32
      %dma_start3A_95 = tpu.memref_slice %arg20[%dma_start3A_93, %dma_start3A_94] : memref<1280x32xf32, #tpu.memory_space<vmem>> -> memref<128x32xf32, #tpu.memory_space<vmem>>
      %dma_start3A_96 = tpu.memref_slice %arg14[%add3A_85] : memref<10240xi32, #tpu.memory_space<vmem>> -> memref<128xi32, #tpu.memory_space<vmem>>
      %dma_start3A_97 = arith.constant 0 : i32
      %dma_start3A_98 = arith.constant 0 : i32
      %dma_start3A_99 = tpu.memref_slice %arg4[%dma_start3A_97, %dma_start3A_98] : memref<1007616x32xf32, #tpu.memory_space<hbm>> -> memref<1007616x32xf32, #tpu.memory_space<hbm>>
      tpu.enqueue_indirect_dma source(%dma_start3A_99 : memref<1007616x32xf32, #tpu.memory_space<hbm>>) target(%dma_start3A_95 : memref<128x32xf32, #tpu.memory_space<vmem>>) offsets(%dma_start3A_96 : memref<128xi32, #tpu.memory_space<vmem>>) semaphore(%arg25 : memref<!tpu.dma_semaphore, #tpu.memory_space<semaphore_mem>>)
      %mul3A_100 = arith.constant 1280 : i32
      %mul3A_101 = arith.muli %scan3A_28, %mul3A_100 : i32
      %add3A_102 = arith.constant 384 : i32
      %add3A_103 = arith.addi %mul3A_101, %add3A_102 : i32
      %dma_start3A_104 = arith.constant 384 : i32
      %dma_start3A_105 = arith.constant 0 : i32
      %dma_start3A_106 = tpu.memref_slice %arg19[%dma_start3A_104, %dma_start3A_105] : memref<1280x32xf32, #tpu.memory_space<vmem>> -> memref<128x32xf32, #tpu.memory_space<vmem>>
      %dma_start3A_107 = tpu.memref_slice %arg14[%add3A_103] : memref<10240xi32, #tpu.memory_space<vmem>> -> memref<128xi32, #tpu.memory_space<vmem>>
      %dma_start3A_108 = arith.constant 0 : i32
      %dma_start3A_109 = arith.constant 0 : i32
      %dma_start3A_110 = tpu.memref_slice %arg2[%dma_start3A_108, %dma_start3A_109] : memref<1007616x32xf32, #tpu.memory_space<hbm>> -> memref<1007616x32xf32, #tpu.memory_space<hbm>>
      tpu.enqueue_indirect_dma source(%dma_start3A_110 : memref<1007616x32xf32, #tpu.memory_space<hbm>>) target(%dma_start3A_106 : memref<128x32xf32, #tpu.memory_space<vmem>>) offsets(%dma_start3A_107 : memref<128xi32, #tpu.memory_space<vmem>>) semaphore(%arg25 : memref<!tpu.dma_semaphore, #tpu.memory_space<semaphore_mem>>)
      %dma_start3A_111 = arith.constant 384 : i32
      %dma_start3A_112 = arith.constant 0 : i32
      %dma_start3A_113 = tpu.memref_slice %arg20[%dma_start3A_111, %dma_start3A_112] : memref<1280x32xf32, #tpu.memory_space<vmem>> -> memref<128x32xf32, #tpu.memory_space<vmem>>
      %dma_start3A_114 = tpu.memref_slice %arg14[%add3A_103] : memref<10240xi32, #tpu.memory_space<vmem>> -> memref<128xi32, #tpu.memory_space<vmem>>
      %dma_start3A_115 = arith.constant 0 : i32
      %dma_start3A_116 = arith.constant 0 : i32
      %dma_start3A_117 = tpu.memref_slice %arg4[%dma_start3A_115, %dma_start3A_116] : memref<1007616x32xf32, #tpu.memory_space<hbm>> -> memref<1007616x32xf32, #tpu.memory_space<hbm>>
      tpu.enqueue_indirect_dma source(%dma_start3A_117 : memref<1007616x32xf32, #tpu.memory_space<hbm>>) target(%dma_start3A_113 : memref<128x32xf32, #tpu.memory_space<vmem>>) offsets(%dma_start3A_114 : memref<128xi32, #tpu.memory_space<vmem>>) semaphore(%arg25 : memref<!tpu.dma_semaphore, #tpu.memory_space<semaphore_mem>>)
      %mul3A_118 = arith.constant 1280 : i32
      %mul3A_119 = arith.muli %scan3A_28, %mul3A_118 : i32
      %add3A_120 = arith.constant 512 : i32
      %add3A_121 = arith.addi %mul3A_119, %add3A_120 : i32
      %dma_start3A_122 = arith.constant 512 : i32
      %dma_start3A_123 = arith.constant 0 : i32
      %dma_start3A_124 = tpu.memref_slice %arg19[%dma_start3A_122, %dma_start3A_123] : memref<1280x32xf32, #tpu.memory_space<vmem>> -> memref<128x32xf32, #tpu.memory_space<vmem>>
      %dma_start3A_125 = tpu.memref_slice %arg14[%add3A_121] : memref<10240xi32, #tpu.memory_space<vmem>> -> memref<128xi32, #tpu.memory_space<vmem>>
      %dma_start3A_126 = arith.constant 0 : i32
      %dma_start3A_127 = arith.constant 0 : i32
      %dma_start3A_128 = tpu.memref_slice %arg2[%dma_start3A_126, %dma_start3A_127] : memref<1007616x32xf32, #tpu.memory_space<hbm>> -> memref<1007616x32xf32, #tpu.memory_space<hbm>>
      tpu.enqueue_indirect_dma source(%dma_start3A_128 : memref<1007616x32xf32, #tpu.memory_space<hbm>>) target(%dma_start3A_124 : memref<128x32xf32, #tpu.memory_space<vmem>>) offsets(%dma_start3A_125 : memref<128xi32, #tpu.memory_space<vmem>>) semaphore(%arg25 : memref<!tpu.dma_semaphore, #tpu.memory_space<semaphore_mem>>)
      %dma_start3A_129 = arith.constant 512 : i32
      %dma_start3A_130 = arith.constant 0 : i32
      %dma_start3A_131 = tpu.memref_slice %arg20[%dma_start3A_129, %dma_start3A_130] : memref<1280x32xf32, #tpu.memory_space<vmem>> -> memref<128x32xf32, #tpu.memory_space<vmem>>
      %dma_start3A_132 = tpu.memref_slice %arg14[%add3A_121] : memref<10240xi32, #tpu.memory_space<vmem>> -> memref<128xi32, #tpu.memory_space<vmem>>
      %dma_start3A_133 = arith.constant 0 : i32
      %dma_start3A_134 = arith.constant 0 : i32
      %dma_start3A_135 = tpu.memref_slice %arg4[%dma_start3A_133, %dma_start3A_134] : memref<1007616x32xf32, #tpu.memory_space<hbm>> -> memref<1007616x32xf32, #tpu.memory_space<hbm>>
      tpu.enqueue_indirect_dma source(%dma_start3A_135 : memref<1007616x32xf32, #tpu.memory_space<hbm>>) target(%dma_start3A_131 : memref<128x32xf32, #tpu.memory_space<vmem>>) offsets(%dma_start3A_132 : memref<128xi32, #tpu.memory_space<vmem>>) semaphore(%arg25 : memref<!tpu.dma_semaphore, #tpu.memory_space<semaphore_mem>>)
      %mul3A_136 = arith.constant 1280 : i32
      %mul3A_137 = arith.muli %scan3A_28, %mul3A_136 : i32
      %add3A_138 = arith.constant 640 : i32
      %add3A_139 = arith.addi %mul3A_137, %add3A_138 : i32
      %dma_start3A_140 = arith.constant 640 : i32
      %dma_start3A_141 = arith.constant 0 : i32
      %dma_start3A_142 = tpu.memref_slice %arg19[%dma_start3A_140, %dma_start3A_141] : memref<1280x32xf32, #tpu.memory_space<vmem>> -> memref<128x32xf32, #tpu.memory_space<vmem>>
      %dma_start3A_143 = tpu.memref_slice %arg14[%add3A_139] : memref<10240xi32, #tpu.memory_space<vmem>> -> memref<128xi32, #tpu.memory_space<vmem>>
      %dma_start3A_144 = arith.constant 0 : i32
      %dma_start3A_145 = arith.constant 0 : i32
      %dma_start3A_146 = tpu.memref_slice %arg2[%dma_start3A_144, %dma_start3A_145] : memref<1007616x32xf32, #tpu.memory_space<hbm>> -> memref<1007616x32xf32, #tpu.memory_space<hbm>>
      tpu.enqueue_indirect_dma source(%dma_start3A_146 : memref<1007616x32xf32, #tpu.memory_space<hbm>>) target(%dma_start3A_142 : memref<128x32xf32, #tpu.memory_space<vmem>>) offsets(%dma_start3A_143 : memref<128xi32, #tpu.memory_space<vmem>>) semaphore(%arg25 : memref<!tpu.dma_semaphore, #tpu.memory_space<semaphore_mem>>)
      %dma_start3A_147 = arith.constant 640 : i32
      %dma_start3A_148 = arith.constant 0 : i32
      %dma_start3A_149 = tpu.memref_slice %arg20[%dma_start3A_147, %dma_start3A_148] : memref<1280x32xf32, #tpu.memory_space<vmem>> -> memref<128x32xf32, #tpu.memory_space<vmem>>
      %dma_start3A_150 = tpu.memref_slice %arg14[%add3A_139] : memref<10240xi32, #tpu.memory_space<vmem>> -> memref<128xi32, #tpu.memory_space<vmem>>
      %dma_start3A_151 = arith.constant 0 : i32
      %dma_start3A_152 = arith.constant 0 : i32
      %dma_start3A_153 = tpu.memref_slice %arg4[%dma_start3A_151, %dma_start3A_152] : memref<1007616x32xf32, #tpu.memory_space<hbm>> -> memref<1007616x32xf32, #tpu.memory_space<hbm>>
      tpu.enqueue_indirect_dma source(%dma_start3A_153 : memref<1007616x32xf32, #tpu.memory_space<hbm>>) target(%dma_start3A_149 : memref<128x32xf32, #tpu.memory_space<vmem>>) offsets(%dma_start3A_150 : memref<128xi32, #tpu.memory_space<vmem>>) semaphore(%arg25 : memref<!tpu.dma_semaphore, #tpu.memory_space<semaphore_mem>>)
      %mul3A_154 = arith.constant 1280 : i32
      %mul3A_155 = arith.muli %scan3A_28, %mul3A_154 : i32
      %add3A_156 = arith.constant 768 : i32
      %add3A_157 = arith.addi %mul3A_155, %add3A_156 : i32
      %dma_start3A_158 = arith.constant 768 : i32
      %dma_start3A_159 = arith.constant 0 : i32
      %dma_start3A_160 = tpu.memref_slice %arg19[%dma_start3A_158, %dma_start3A_159] : memref<1280x32xf32, #tpu.memory_space<vmem>> -> memref<128x32xf32, #tpu.memory_space<vmem>>
      %dma_start3A_161 = tpu.memref_slice %arg14[%add3A_157] : memref<10240xi32, #tpu.memory_space<vmem>> -> memref<128xi32, #tpu.memory_space<vmem>>
      %dma_start3A_162 = arith.constant 0 : i32
      %dma_start3A_163 = arith.constant 0 : i32
      %dma_start3A_164 = tpu.memref_slice %arg2[%dma_start3A_162, %dma_start3A_163] : memref<1007616x32xf32, #tpu.memory_space<hbm>> -> memref<1007616x32xf32, #tpu.memory_space<hbm>>
      tpu.enqueue_indirect_dma source(%dma_start3A_164 : memref<1007616x32xf32, #tpu.memory_space<hbm>>) target(%dma_start3A_160 : memref<128x32xf32, #tpu.memory_space<vmem>>) offsets(%dma_start3A_161 : memref<128xi32, #tpu.memory_space<vmem>>) semaphore(%arg25 : memref<!tpu.dma_semaphore, #tpu.memory_space<semaphore_mem>>)
      %dma_start3A_165 = arith.constant 768 : i32
      %dma_start3A_166 = arith.constant 0 : i32
      %dma_start3A_167 = tpu.memref_slice %arg20[%dma_start3A_165, %dma_start3A_166] : memref<1280x32xf32, #tpu.memory_space<vmem>> -> memref<128x32xf32, #tpu.memory_space<vmem>>
      %dma_start3A_168 = tpu.memref_slice %arg14[%add3A_157] : memref<10240xi32, #tpu.memory_space<vmem>> -> memref<128xi32, #tpu.memory_space<vmem>>
      %dma_start3A_169 = arith.constant 0 : i32
      %dma_start3A_170 = arith.constant 0 : i32
      %dma_start3A_171 = tpu.memref_slice %arg4[%dma_start3A_169, %dma_start3A_170] : memref<1007616x32xf32, #tpu.memory_space<hbm>> -> memref<1007616x32xf32, #tpu.memory_space<hbm>>
      tpu.enqueue_indirect_dma source(%dma_start3A_171 : memref<1007616x32xf32, #tpu.memory_space<hbm>>) target(%dma_start3A_167 : memref<128x32xf32, #tpu.memory_space<vmem>>) offsets(%dma_start3A_168 : memref<128xi32, #tpu.memory_space<vmem>>) semaphore(%arg25 : memref<!tpu.dma_semaphore, #tpu.memory_space<semaphore_mem>>)
      %mul3A_172 = arith.constant 1280 : i32
      %mul3A_173 = arith.muli %scan3A_28, %mul3A_172 : i32
      %add3A_174 = arith.constant 896 : i32
      %add3A_175 = arith.addi %mul3A_173, %add3A_174 : i32
      %dma_start3A_176 = arith.constant 896 : i32
      %dma_start3A_177 = arith.constant 0 : i32
      %dma_start3A_178 = tpu.memref_slice %arg19[%dma_start3A_176, %dma_start3A_177] : memref<1280x32xf32, #tpu.memory_space<vmem>> -> memref<128x32xf32, #tpu.memory_space<vmem>>
      %dma_start3A_179 = tpu.memref_slice %arg14[%add3A_175] : memref<10240xi32, #tpu.memory_space<vmem>> -> memref<128xi32, #tpu.memory_space<vmem>>
      %dma_start3A_180 = arith.constant 0 : i32
      %dma_start3A_181 = arith.constant 0 : i32
      %dma_start3A_182 = tpu.memref_slice %arg2[%dma_start3A_180, %dma_start3A_181] : memref<1007616x32xf32, #tpu.memory_space<hbm>> -> memref<1007616x32xf32, #tpu.memory_space<hbm>>
      tpu.enqueue_indirect_dma source(%dma_start3A_182 : memref<1007616x32xf32, #tpu.memory_space<hbm>>) target(%dma_start3A_178 : memref<128x32xf32, #tpu.memory_space<vmem>>) offsets(%dma_start3A_179 : memref<128xi32, #tpu.memory_space<vmem>>) semaphore(%arg25 : memref<!tpu.dma_semaphore, #tpu.memory_space<semaphore_mem>>)
      %dma_start3A_183 = arith.constant 896 : i32
      %dma_start3A_184 = arith.constant 0 : i32
      %dma_start3A_185 = tpu.memref_slice %arg20[%dma_start3A_183, %dma_start3A_184] : memref<1280x32xf32, #tpu.memory_space<vmem>> -> memref<128x32xf32, #tpu.memory_space<vmem>>
      %dma_start3A_186 = tpu.memref_slice %arg14[%add3A_175] : memref<10240xi32, #tpu.memory_space<vmem>> -> memref<128xi32, #tpu.memory_space<vmem>>
      %dma_start3A_187 = arith.constant 0 : i32
      %dma_start3A_188 = arith.constant 0 : i32
      %dma_start3A_189 = tpu.memref_slice %arg4[%dma_start3A_187, %dma_start3A_188] : memref<1007616x32xf32, #tpu.memory_space<hbm>> -> memref<1007616x32xf32, #tpu.memory_space<hbm>>
      tpu.enqueue_indirect_dma source(%dma_start3A_189 : memref<1007616x32xf32, #tpu.memory_space<hbm>>) target(%dma_start3A_185 : memref<128x32xf32, #tpu.memory_space<vmem>>) offsets(%dma_start3A_186 : memref<128xi32, #tpu.memory_space<vmem>>) semaphore(%arg25 : memref<!tpu.dma_semaphore, #tpu.memory_space<semaphore_mem>>)
      %mul3A_190 = arith.constant 1280 : i32
      %mul3A_191 = arith.muli %scan3A_28, %mul3A_190 : i32
      %add3A_192 = arith.constant 1024 : i32
      %add3A_193 = arith.addi %mul3A_191, %add3A_192 : i32
      %dma_start3A_194 = arith.constant 1024 : i32
      %dma_start3A_195 = arith.constant 0 : i32
      %dma_start3A_196 = tpu.memref_slice %arg19[%dma_start3A_194, %dma_start3A_195] : memref<1280x32xf32, #tpu.memory_space<vmem>> -> memref<128x32xf32, #tpu.memory_space<vmem>>
      %dma_start3A_197 = tpu.memref_slice %arg14[%add3A_193] : memref<10240xi32, #tpu.memory_space<vmem>> -> memref<128xi32, #tpu.memory_space<vmem>>
      %dma_start3A_198 = arith.constant 0 : i32
      %dma_start3A_199 = arith.constant 0 : i32
      %dma_start3A_200 = tpu.memref_slice %arg2[%dma_start3A_198, %dma_start3A_199] : memref<1007616x32xf32, #tpu.memory_space<hbm>> -> memref<1007616x32xf32, #tpu.memory_space<hbm>>
      tpu.enqueue_indirect_dma source(%dma_start3A_200 : memref<1007616x32xf32, #tpu.memory_space<hbm>>) target(%dma_start3A_196 : memref<128x32xf32, #tpu.memory_space<vmem>>) offsets(%dma_start3A_197 : memref<128xi32, #tpu.memory_space<vmem>>) semaphore(%arg25 : memref<!tpu.dma_semaphore, #tpu.memory_space<semaphore_mem>>)
      %dma_start3A_201 = arith.constant 1024 : i32
      %dma_start3A_202 = arith.constant 0 : i32
      %dma_start3A_203 = tpu.memref_slice %arg20[%dma_start3A_201, %dma_start3A_202] : memref<1280x32xf32, #tpu.memory_space<vmem>> -> memref<128x32xf32, #tpu.memory_space<vmem>>
      %dma_start3A_204 = tpu.memref_slice %arg14[%add3A_193] : memref<10240xi32, #tpu.memory_space<vmem>> -> memref<128xi32, #tpu.memory_space<vmem>>
      %dma_start3A_205 = arith.constant 0 : i32
      %dma_start3A_206 = arith.constant 0 : i32
      %dma_start3A_207 = tpu.memref_slice %arg4[%dma_start3A_205, %dma_start3A_206] : memref<1007616x32xf32, #tpu.memory_space<hbm>> -> memref<1007616x32xf32, #tpu.memory_space<hbm>>
      tpu.enqueue_indirect_dma source(%dma_start3A_207 : memref<1007616x32xf32, #tpu.memory_space<hbm>>) target(%dma_start3A_203 : memref<128x32xf32, #tpu.memory_space<vmem>>) offsets(%dma_start3A_204 : memref<128xi32, #tpu.memory_space<vmem>>) semaphore(%arg25 : memref<!tpu.dma_semaphore, #tpu.memory_space<semaphore_mem>>)
      %mul3A_208 = arith.constant 1280 : i32
      %mul3A_209 = arith.muli %scan3A_28, %mul3A_208 : i32
      %add3A_210 = arith.constant 1152 : i32
      %add3A_211 = arith.addi %mul3A_209, %add3A_210 : i32
      %dma_start3A_212 = arith.constant 1152 : i32
      %dma_start3A_213 = arith.constant 0 : i32
      %dma_start3A_214 = tpu.memref_slice %arg19[%dma_start3A_212, %dma_start3A_213] : memref<1280x32xf32, #tpu.memory_space<vmem>> -> memref<128x32xf32, #tpu.memory_space<vmem>>
      %dma_start3A_215 = tpu.memref_slice %arg14[%add3A_211] : memref<10240xi32, #tpu.memory_space<vmem>> -> memref<128xi32, #tpu.memory_space<vmem>>
      %dma_start3A_216 = arith.constant 0 : i32
      %dma_start3A_217 = arith.constant 0 : i32
      %dma_start3A_218 = tpu.memref_slice %arg2[%dma_start3A_216, %dma_start3A_217] : memref<1007616x32xf32, #tpu.memory_space<hbm>> -> memref<1007616x32xf32, #tpu.memory_space<hbm>>
      tpu.enqueue_indirect_dma source(%dma_start3A_218 : memref<1007616x32xf32, #tpu.memory_space<hbm>>) target(%dma_start3A_214 : memref<128x32xf32, #tpu.memory_space<vmem>>) offsets(%dma_start3A_215 : memref<128xi32, #tpu.memory_space<vmem>>) semaphore(%arg25 : memref<!tpu.dma_semaphore, #tpu.memory_space<semaphore_mem>>)
      %dma_start3A_219 = arith.constant 1152 : i32
      %dma_start3A_220 = arith.constant 0 : i32
      %dma_start3A_221 = tpu.memref_slice %arg20[%dma_start3A_219, %dma_start3A_220] : memref<1280x32xf32, #tpu.memory_space<vmem>> -> memref<128x32xf32, #tpu.memory_space<vmem>>
      %dma_start3A_222 = tpu.memref_slice %arg14[%add3A_211] : memref<10240xi32, #tpu.memory_space<vmem>> -> memref<128xi32, #tpu.memory_space<vmem>>
      %dma_start3A_223 = arith.constant 0 : i32
      %dma_start3A_224 = arith.constant 0 : i32
      %dma_start3A_225 = tpu.memref_slice %arg4[%dma_start3A_223, %dma_start3A_224] : memref<1007616x32xf32, #tpu.memory_space<hbm>> -> memref<1007616x32xf32, #tpu.memory_space<hbm>>
      tpu.enqueue_indirect_dma source(%dma_start3A_225 : memref<1007616x32xf32, #tpu.memory_space<hbm>>) target(%dma_start3A_221 : memref<128x32xf32, #tpu.memory_space<vmem>>) offsets(%dma_start3A_222 : memref<128xi32, #tpu.memory_space<vmem>>) semaphore(%arg25 : memref<!tpu.dma_semaphore, #tpu.memory_space<semaphore_mem>>)
      %dma_wait3A = tpu.memref_slice %arg12[%mul3A_30] : memref<512xi32, #tpu.memory_space<vmem>> -> memref<64xi32, #tpu.memory_space<vmem>>
      %dma_wait3A_226 = arith.constant 0 : i32
      %dma_wait3A_227 = arith.constant 0 : i32
      %dma_wait3A_228 = tpu.memref_slice %arg2[%dma_wait3A_226, %dma_wait3A_227] : memref<1007616x32xf32, #tpu.memory_space<hbm>> -> memref<1007616x32xf32, #tpu.memory_space<hbm>>
      tpu.wait_indirect_dma semaphore(%arg25 : memref<!tpu.dma_semaphore, #tpu.memory_space<semaphore_mem>>) src(%dma_wait3A_228 : memref<1007616x32xf32, #tpu.memory_space<hbm>>) dst(%arg15 : memref<64x32xf32, #tpu.memory_space<vmem>>)
      %dma_wait3A_229 = tpu.memref_slice %arg12[%mul3A_30] : memref<512xi32, #tpu.memory_space<vmem>> -> memref<64xi32, #tpu.memory_space<vmem>>
      %dma_wait3A_230 = arith.constant 0 : i32
      %dma_wait3A_231 = arith.constant 0 : i32
      %dma_wait3A_232 = tpu.memref_slice %arg3[%dma_wait3A_230, %dma_wait3A_231] : memref<1007616x32xf32, #tpu.memory_space<hbm>> -> memref<1007616x32xf32, #tpu.memory_space<hbm>>
      tpu.wait_indirect_dma semaphore(%arg25 : memref<!tpu.dma_semaphore, #tpu.memory_space<semaphore_mem>>) src(%dma_wait3A_232 : memref<1007616x32xf32, #tpu.memory_space<hbm>>) dst(%arg16 : memref<64x32xf32, #tpu.memory_space<vmem>>)
      %dma_wait3A_233 = tpu.memref_slice %arg13[%mul3A_30] : memref<512xi32, #tpu.memory_space<vmem>> -> memref<64xi32, #tpu.memory_space<vmem>>
      %dma_wait3A_234 = arith.constant 0 : i32
      %dma_wait3A_235 = arith.constant 0 : i32
      %dma_wait3A_236 = tpu.memref_slice %arg2[%dma_wait3A_234, %dma_wait3A_235] : memref<1007616x32xf32, #tpu.memory_space<hbm>> -> memref<1007616x32xf32, #tpu.memory_space<hbm>>
      tpu.wait_indirect_dma semaphore(%arg25 : memref<!tpu.dma_semaphore, #tpu.memory_space<semaphore_mem>>) src(%dma_wait3A_236 : memref<1007616x32xf32, #tpu.memory_space<hbm>>) dst(%arg17 : memref<64x32xf32, #tpu.memory_space<vmem>>)
      %dma_wait3A_237 = tpu.memref_slice %arg13[%mul3A_30] : memref<512xi32, #tpu.memory_space<vmem>> -> memref<64xi32, #tpu.memory_space<vmem>>
      %dma_wait3A_238 = arith.constant 0 : i32
      %dma_wait3A_239 = arith.constant 0 : i32
      %dma_wait3A_240 = tpu.memref_slice %arg4[%dma_wait3A_238, %dma_wait3A_239] : memref<1007616x32xf32, #tpu.memory_space<hbm>> -> memref<1007616x32xf32, #tpu.memory_space<hbm>>
      tpu.wait_indirect_dma semaphore(%arg25 : memref<!tpu.dma_semaphore, #tpu.memory_space<semaphore_mem>>) src(%dma_wait3A_240 : memref<1007616x32xf32, #tpu.memory_space<hbm>>) dst(%arg18 : memref<64x32xf32, #tpu.memory_space<vmem>>)
      %dma_wait3A_241 = arith.constant 0 : i32
      %dma_wait3A_242 = arith.constant 0 : i32
      %dma_wait3A_243 = tpu.memref_slice %arg19[%dma_wait3A_241, %dma_wait3A_242] : memref<1280x32xf32, #tpu.memory_space<vmem>> -> memref<128x32xf32, #tpu.memory_space<vmem>>
      %dma_wait3A_244 = tpu.memref_slice %arg14[%add3A_49] : memref<10240xi32, #tpu.memory_space<vmem>> -> memref<128xi32, #tpu.memory_space<vmem>>
      %dma_wait3A_245 = arith.constant 0 : i32
      %dma_wait3A_246 = arith.constant 0 : i32
      %dma_wait3A_247 = tpu.memref_slice %arg2[%dma_wait3A_245, %dma_wait3A_246] : memref<1007616x32xf32, #tpu.memory_space<hbm>> -> memref<1007616x32xf32, #tpu.memory_space<hbm>>
      tpu.wait_indirect_dma semaphore(%arg25 : memref<!tpu.dma_semaphore, #tpu.memory_space<semaphore_mem>>) src(%dma_wait3A_247 : memref<1007616x32xf32, #tpu.memory_space<hbm>>) dst(%dma_wait3A_243 : memref<128x32xf32, #tpu.memory_space<vmem>>)
      %dma_wait3A_248 = arith.constant 0 : i32
      %dma_wait3A_249 = arith.constant 0 : i32
      %dma_wait3A_250 = tpu.memref_slice %arg20[%dma_wait3A_248, %dma_wait3A_249] : memref<1280x32xf32, #tpu.memory_space<vmem>> -> memref<128x32xf32, #tpu.memory_space<vmem>>
      %dma_wait3A_251 = tpu.memref_slice %arg14[%add3A_49] : memref<10240xi32, #tpu.memory_space<vmem>> -> memref<128xi32, #tpu.memory_space<vmem>>
      %dma_wait3A_252 = arith.constant 0 : i32
      %dma_wait3A_253 = arith.constant 0 : i32
      %dma_wait3A_254 = tpu.memref_slice %arg4[%dma_wait3A_252, %dma_wait3A_253] : memref<1007616x32xf32, #tpu.memory_space<hbm>> -> memref<1007616x32xf32, #tpu.memory_space<hbm>>
      tpu.wait_indirect_dma semaphore(%arg25 : memref<!tpu.dma_semaphore, #tpu.memory_space<semaphore_mem>>) src(%dma_wait3A_254 : memref<1007616x32xf32, #tpu.memory_space<hbm>>) dst(%dma_wait3A_250 : memref<128x32xf32, #tpu.memory_space<vmem>>)
      %dma_wait3A_255 = arith.constant 128 : i32
      %dma_wait3A_256 = arith.constant 0 : i32
      %dma_wait3A_257 = tpu.memref_slice %arg19[%dma_wait3A_255, %dma_wait3A_256] : memref<1280x32xf32, #tpu.memory_space<vmem>> -> memref<128x32xf32, #tpu.memory_space<vmem>>
      %dma_wait3A_258 = tpu.memref_slice %arg14[%add3A_67] : memref<10240xi32, #tpu.memory_space<vmem>> -> memref<128xi32, #tpu.memory_space<vmem>>
      %dma_wait3A_259 = arith.constant 0 : i32
      %dma_wait3A_260 = arith.constant 0 : i32
      %dma_wait3A_261 = tpu.memref_slice %arg2[%dma_wait3A_259, %dma_wait3A_260] : memref<1007616x32xf32, #tpu.memory_space<hbm>> -> memref<1007616x32xf32, #tpu.memory_space<hbm>>
      tpu.wait_indirect_dma semaphore(%arg25 : memref<!tpu.dma_semaphore, #tpu.memory_space<semaphore_mem>>) src(%dma_wait3A_261 : memref<1007616x32xf32, #tpu.memory_space<hbm>>) dst(%dma_wait3A_257 : memref<128x32xf32, #tpu.memory_space<vmem>>)
      %dma_wait3A_262 = arith.constant 128 : i32
      %dma_wait3A_263 = arith.constant 0 : i32
      %dma_wait3A_264 = tpu.memref_slice %arg20[%dma_wait3A_262, %dma_wait3A_263] : memref<1280x32xf32, #tpu.memory_space<vmem>> -> memref<128x32xf32, #tpu.memory_space<vmem>>
      %dma_wait3A_265 = tpu.memref_slice %arg14[%add3A_67] : memref<10240xi32, #tpu.memory_space<vmem>> -> memref<128xi32, #tpu.memory_space<vmem>>
      %dma_wait3A_266 = arith.constant 0 : i32
      %dma_wait3A_267 = arith.constant 0 : i32
      %dma_wait3A_268 = tpu.memref_slice %arg4[%dma_wait3A_266, %dma_wait3A_267] : memref<1007616x32xf32, #tpu.memory_space<hbm>> -> memref<1007616x32xf32, #tpu.memory_space<hbm>>
      tpu.wait_indirect_dma semaphore(%arg25 : memref<!tpu.dma_semaphore, #tpu.memory_space<semaphore_mem>>) src(%dma_wait3A_268 : memref<1007616x32xf32, #tpu.memory_space<hbm>>) dst(%dma_wait3A_264 : memref<128x32xf32, #tpu.memory_space<vmem>>)
      %dma_wait3A_269 = arith.constant 256 : i32
      %dma_wait3A_270 = arith.constant 0 : i32
      %dma_wait3A_271 = tpu.memref_slice %arg19[%dma_wait3A_269, %dma_wait3A_270] : memref<1280x32xf32, #tpu.memory_space<vmem>> -> memref<128x32xf32, #tpu.memory_space<vmem>>
      %dma_wait3A_272 = tpu.memref_slice %arg14[%add3A_85] : memref<10240xi32, #tpu.memory_space<vmem>> -> memref<128xi32, #tpu.memory_space<vmem>>
      %dma_wait3A_273 = arith.constant 0 : i32
      %dma_wait3A_274 = arith.constant 0 : i32
      %dma_wait3A_275 = tpu.memref_slice %arg2[%dma_wait3A_273, %dma_wait3A_274] : memref<1007616x32xf32, #tpu.memory_space<hbm>> -> memref<1007616x32xf32, #tpu.memory_space<hbm>>
      tpu.wait_indirect_dma semaphore(%arg25 : memref<!tpu.dma_semaphore, #tpu.memory_space<semaphore_mem>>) src(%dma_wait3A_275 : memref<1007616x32xf32, #tpu.memory_space<hbm>>) dst(%dma_wait3A_271 : memref<128x32xf32, #tpu.memory_space<vmem>>)
      %dma_wait3A_276 = arith.constant 256 : i32
      %dma_wait3A_277 = arith.constant 0 : i32
      %dma_wait3A_278 = tpu.memref_slice %arg20[%dma_wait3A_276, %dma_wait3A_277] : memref<1280x32xf32, #tpu.memory_space<vmem>> -> memref<128x32xf32, #tpu.memory_space<vmem>>
      %dma_wait3A_279 = tpu.memref_slice %arg14[%add3A_85] : memref<10240xi32, #tpu.memory_space<vmem>> -> memref<128xi32, #tpu.memory_space<vmem>>
      %dma_wait3A_280 = arith.constant 0 : i32
      %dma_wait3A_281 = arith.constant 0 : i32
      %dma_wait3A_282 = tpu.memref_slice %arg4[%dma_wait3A_280, %dma_wait3A_281] : memref<1007616x32xf32, #tpu.memory_space<hbm>> -> memref<1007616x32xf32, #tpu.memory_space<hbm>>
      tpu.wait_indirect_dma semaphore(%arg25 : memref<!tpu.dma_semaphore, #tpu.memory_space<semaphore_mem>>) src(%dma_wait3A_282 : memref<1007616x32xf32, #tpu.memory_space<hbm>>) dst(%dma_wait3A_278 : memref<128x32xf32, #tpu.memory_space<vmem>>)
      %dma_wait3A_283 = arith.constant 384 : i32
      %dma_wait3A_284 = arith.constant 0 : i32
      %dma_wait3A_285 = tpu.memref_slice %arg19[%dma_wait3A_283, %dma_wait3A_284] : memref<1280x32xf32, #tpu.memory_space<vmem>> -> memref<128x32xf32, #tpu.memory_space<vmem>>
      %dma_wait3A_286 = tpu.memref_slice %arg14[%add3A_103] : memref<10240xi32, #tpu.memory_space<vmem>> -> memref<128xi32, #tpu.memory_space<vmem>>
      %dma_wait3A_287 = arith.constant 0 : i32
      %dma_wait3A_288 = arith.constant 0 : i32
      %dma_wait3A_289 = tpu.memref_slice %arg2[%dma_wait3A_287, %dma_wait3A_288] : memref<1007616x32xf32, #tpu.memory_space<hbm>> -> memref<1007616x32xf32, #tpu.memory_space<hbm>>
      tpu.wait_indirect_dma semaphore(%arg25 : memref<!tpu.dma_semaphore, #tpu.memory_space<semaphore_mem>>) src(%dma_wait3A_289 : memref<1007616x32xf32, #tpu.memory_space<hbm>>) dst(%dma_wait3A_285 : memref<128x32xf32, #tpu.memory_space<vmem>>)
      %dma_wait3A_290 = arith.constant 384 : i32
      %dma_wait3A_291 = arith.constant 0 : i32
      %dma_wait3A_292 = tpu.memref_slice %arg20[%dma_wait3A_290, %dma_wait3A_291] : memref<1280x32xf32, #tpu.memory_space<vmem>> -> memref<128x32xf32, #tpu.memory_space<vmem>>
      %dma_wait3A_293 = tpu.memref_slice %arg14[%add3A_103] : memref<10240xi32, #tpu.memory_space<vmem>> -> memref<128xi32, #tpu.memory_space<vmem>>
      %dma_wait3A_294 = arith.constant 0 : i32
      %dma_wait3A_295 = arith.constant 0 : i32
      %dma_wait3A_296 = tpu.memref_slice %arg4[%dma_wait3A_294, %dma_wait3A_295] : memref<1007616x32xf32, #tpu.memory_space<hbm>> -> memref<1007616x32xf32, #tpu.memory_space<hbm>>
      tpu.wait_indirect_dma semaphore(%arg25 : memref<!tpu.dma_semaphore, #tpu.memory_space<semaphore_mem>>) src(%dma_wait3A_296 : memref<1007616x32xf32, #tpu.memory_space<hbm>>) dst(%dma_wait3A_292 : memref<128x32xf32, #tpu.memory_space<vmem>>)
      %dma_wait3A_297 = arith.constant 512 : i32
      %dma_wait3A_298 = arith.constant 0 : i32
      %dma_wait3A_299 = tpu.memref_slice %arg19[%dma_wait3A_297, %dma_wait3A_298] : memref<1280x32xf32, #tpu.memory_space<vmem>> -> memref<128x32xf32, #tpu.memory_space<vmem>>
      %dma_wait3A_300 = tpu.memref_slice %arg14[%add3A_121] : memref<10240xi32, #tpu.memory_space<vmem>> -> memref<128xi32, #tpu.memory_space<vmem>>
      %dma_wait3A_301 = arith.constant 0 : i32
      %dma_wait3A_302 = arith.constant 0 : i32
      %dma_wait3A_303 = tpu.memref_slice %arg2[%dma_wait3A_301, %dma_wait3A_302] : memref<1007616x32xf32, #tpu.memory_space<hbm>> -> memref<1007616x32xf32, #tpu.memory_space<hbm>>
      tpu.wait_indirect_dma semaphore(%arg25 : memref<!tpu.dma_semaphore, #tpu.memory_space<semaphore_mem>>) src(%dma_wait3A_303 : memref<1007616x32xf32, #tpu.memory_space<hbm>>) dst(%dma_wait3A_299 : memref<128x32xf32, #tpu.memory_space<vmem>>)
      %dma_wait3A_304 = arith.constant 512 : i32
      %dma_wait3A_305 = arith.constant 0 : i32
      %dma_wait3A_306 = tpu.memref_slice %arg20[%dma_wait3A_304, %dma_wait3A_305] : memref<1280x32xf32, #tpu.memory_space<vmem>> -> memref<128x32xf32, #tpu.memory_space<vmem>>
      %dma_wait3A_307 = tpu.memref_slice %arg14[%add3A_121] : memref<10240xi32, #tpu.memory_space<vmem>> -> memref<128xi32, #tpu.memory_space<vmem>>
      %dma_wait3A_308 = arith.constant 0 : i32
      %dma_wait3A_309 = arith.constant 0 : i32
      %dma_wait3A_310 = tpu.memref_slice %arg4[%dma_wait3A_308, %dma_wait3A_309] : memref<1007616x32xf32, #tpu.memory_space<hbm>> -> memref<1007616x32xf32, #tpu.memory_space<hbm>>
      tpu.wait_indirect_dma semaphore(%arg25 : memref<!tpu.dma_semaphore, #tpu.memory_space<semaphore_mem>>) src(%dma_wait3A_310 : memref<1007616x32xf32, #tpu.memory_space<hbm>>) dst(%dma_wait3A_306 : memref<128x32xf32, #tpu.memory_space<vmem>>)
      %dma_wait3A_311 = arith.constant 640 : i32
      %dma_wait3A_312 = arith.constant 0 : i32
      %dma_wait3A_313 = tpu.memref_slice %arg19[%dma_wait3A_311, %dma_wait3A_312] : memref<1280x32xf32, #tpu.memory_space<vmem>> -> memref<128x32xf32, #tpu.memory_space<vmem>>
      %dma_wait3A_314 = tpu.memref_slice %arg14[%add3A_139] : memref<10240xi32, #tpu.memory_space<vmem>> -> memref<128xi32, #tpu.memory_space<vmem>>
      %dma_wait3A_315 = arith.constant 0 : i32
      %dma_wait3A_316 = arith.constant 0 : i32
      %dma_wait3A_317 = tpu.memref_slice %arg2[%dma_wait3A_315, %dma_wait3A_316] : memref<1007616x32xf32, #tpu.memory_space<hbm>> -> memref<1007616x32xf32, #tpu.memory_space<hbm>>
      tpu.wait_indirect_dma semaphore(%arg25 : memref<!tpu.dma_semaphore, #tpu.memory_space<semaphore_mem>>) src(%dma_wait3A_317 : memref<1007616x32xf32, #tpu.memory_space<hbm>>) dst(%dma_wait3A_313 : memref<128x32xf32, #tpu.memory_space<vmem>>)
      %dma_wait3A_318 = arith.constant 640 : i32
      %dma_wait3A_319 = arith.constant 0 : i32
      %dma_wait3A_320 = tpu.memref_slice %arg20[%dma_wait3A_318, %dma_wait3A_319] : memref<1280x32xf32, #tpu.memory_space<vmem>> -> memref<128x32xf32, #tpu.memory_space<vmem>>
      %dma_wait3A_321 = tpu.memref_slice %arg14[%add3A_139] : memref<10240xi32, #tpu.memory_space<vmem>> -> memref<128xi32, #tpu.memory_space<vmem>>
      %dma_wait3A_322 = arith.constant 0 : i32
      %dma_wait3A_323 = arith.constant 0 : i32
      %dma_wait3A_324 = tpu.memref_slice %arg4[%dma_wait3A_322, %dma_wait3A_323] : memref<1007616x32xf32, #tpu.memory_space<hbm>> -> memref<1007616x32xf32, #tpu.memory_space<hbm>>
      tpu.wait_indirect_dma semaphore(%arg25 : memref<!tpu.dma_semaphore, #tpu.memory_space<semaphore_mem>>) src(%dma_wait3A_324 : memref<1007616x32xf32, #tpu.memory_space<hbm>>) dst(%dma_wait3A_320 : memref<128x32xf32, #tpu.memory_space<vmem>>)
      %dma_wait3A_325 = arith.constant 768 : i32
      %dma_wait3A_326 = arith.constant 0 : i32
      %dma_wait3A_327 = tpu.memref_slice %arg19[%dma_wait3A_325, %dma_wait3A_326] : memref<1280x32xf32, #tpu.memory_space<vmem>> -> memref<128x32xf32, #tpu.memory_space<vmem>>
      %dma_wait3A_328 = tpu.memref_slice %arg14[%add3A_157] : memref<10240xi32, #tpu.memory_space<vmem>> -> memref<128xi32, #tpu.memory_space<vmem>>
      %dma_wait3A_329 = arith.constant 0 : i32
      %dma_wait3A_330 = arith.constant 0 : i32
      %dma_wait3A_331 = tpu.memref_slice %arg2[%dma_wait3A_329, %dma_wait3A_330] : memref<1007616x32xf32, #tpu.memory_space<hbm>> -> memref<1007616x32xf32, #tpu.memory_space<hbm>>
      tpu.wait_indirect_dma semaphore(%arg25 : memref<!tpu.dma_semaphore, #tpu.memory_space<semaphore_mem>>) src(%dma_wait3A_331 : memref<1007616x32xf32, #tpu.memory_space<hbm>>) dst(%dma_wait3A_327 : memref<128x32xf32, #tpu.memory_space<vmem>>)
      %dma_wait3A_332 = arith.constant 768 : i32
      %dma_wait3A_333 = arith.constant 0 : i32
      %dma_wait3A_334 = tpu.memref_slice %arg20[%dma_wait3A_332, %dma_wait3A_333] : memref<1280x32xf32, #tpu.memory_space<vmem>> -> memref<128x32xf32, #tpu.memory_space<vmem>>
      %dma_wait3A_335 = tpu.memref_slice %arg14[%add3A_157] : memref<10240xi32, #tpu.memory_space<vmem>> -> memref<128xi32, #tpu.memory_space<vmem>>
      %dma_wait3A_336 = arith.constant 0 : i32
      %dma_wait3A_337 = arith.constant 0 : i32
      %dma_wait3A_338 = tpu.memref_slice %arg4[%dma_wait3A_336, %dma_wait3A_337] : memref<1007616x32xf32, #tpu.memory_space<hbm>> -> memref<1007616x32xf32, #tpu.memory_space<hbm>>
      tpu.wait_indirect_dma semaphore(%arg25 : memref<!tpu.dma_semaphore, #tpu.memory_space<semaphore_mem>>) src(%dma_wait3A_338 : memref<1007616x32xf32, #tpu.memory_space<hbm>>) dst(%dma_wait3A_334 : memref<128x32xf32, #tpu.memory_space<vmem>>)
      %dma_wait3A_339 = arith.constant 896 : i32
      %dma_wait3A_340 = arith.constant 0 : i32
      %dma_wait3A_341 = tpu.memref_slice %arg19[%dma_wait3A_339, %dma_wait3A_340] : memref<1280x32xf32, #tpu.memory_space<vmem>> -> memref<128x32xf32, #tpu.memory_space<vmem>>
      %dma_wait3A_342 = tpu.memref_slice %arg14[%add3A_175] : memref<10240xi32, #tpu.memory_space<vmem>> -> memref<128xi32, #tpu.memory_space<vmem>>
      %dma_wait3A_343 = arith.constant 0 : i32
      %dma_wait3A_344 = arith.constant 0 : i32
      %dma_wait3A_345 = tpu.memref_slice %arg2[%dma_wait3A_343, %dma_wait3A_344] : memref<1007616x32xf32, #tpu.memory_space<hbm>> -> memref<1007616x32xf32, #tpu.memory_space<hbm>>
      tpu.wait_indirect_dma semaphore(%arg25 : memref<!tpu.dma_semaphore, #tpu.memory_space<semaphore_mem>>) src(%dma_wait3A_345 : memref<1007616x32xf32, #tpu.memory_space<hbm>>) dst(%dma_wait3A_341 : memref<128x32xf32, #tpu.memory_space<vmem>>)
      %dma_wait3A_346 = arith.constant 896 : i32
      %dma_wait3A_347 = arith.constant 0 : i32
      %dma_wait3A_348 = tpu.memref_slice %arg20[%dma_wait3A_346, %dma_wait3A_347] : memref<1280x32xf32, #tpu.memory_space<vmem>> -> memref<128x32xf32, #tpu.memory_space<vmem>>
      %dma_wait3A_349 = tpu.memref_slice %arg14[%add3A_175] : memref<10240xi32, #tpu.memory_space<vmem>> -> memref<128xi32, #tpu.memory_space<vmem>>
      %dma_wait3A_350 = arith.constant 0 : i32
      %dma_wait3A_351 = arith.constant 0 : i32
      %dma_wait3A_352 = tpu.memref_slice %arg4[%dma_wait3A_350, %dma_wait3A_351] : memref<1007616x32xf32, #tpu.memory_space<hbm>> -> memref<1007616x32xf32, #tpu.memory_space<hbm>>
      tpu.wait_indirect_dma semaphore(%arg25 : memref<!tpu.dma_semaphore, #tpu.memory_space<semaphore_mem>>) src(%dma_wait3A_352 : memref<1007616x32xf32, #tpu.memory_space<hbm>>) dst(%dma_wait3A_348 : memref<128x32xf32, #tpu.memory_space<vmem>>)
      %dma_wait3A_353 = arith.constant 1024 : i32
      %dma_wait3A_354 = arith.constant 0 : i32
      %dma_wait3A_355 = tpu.memref_slice %arg19[%dma_wait3A_353, %dma_wait3A_354] : memref<1280x32xf32, #tpu.memory_space<vmem>> -> memref<128x32xf32, #tpu.memory_space<vmem>>
      %dma_wait3A_356 = tpu.memref_slice %arg14[%add3A_193] : memref<10240xi32, #tpu.memory_space<vmem>> -> memref<128xi32, #tpu.memory_space<vmem>>
      %dma_wait3A_357 = arith.constant 0 : i32
      %dma_wait3A_358 = arith.constant 0 : i32
      %dma_wait3A_359 = tpu.memref_slice %arg2[%dma_wait3A_357, %dma_wait3A_358] : memref<1007616x32xf32, #tpu.memory_space<hbm>> -> memref<1007616x32xf32, #tpu.memory_space<hbm>>
      tpu.wait_indirect_dma semaphore(%arg25 : memref<!tpu.dma_semaphore, #tpu.memory_space<semaphore_mem>>) src(%dma_wait3A_359 : memref<1007616x32xf32, #tpu.memory_space<hbm>>) dst(%dma_wait3A_355 : memref<128x32xf32, #tpu.memory_space<vmem>>)
      %dma_wait3A_360 = arith.constant 1024 : i32
      %dma_wait3A_361 = arith.constant 0 : i32
      %dma_wait3A_362 = tpu.memref_slice %arg20[%dma_wait3A_360, %dma_wait3A_361] : memref<1280x32xf32, #tpu.memory_space<vmem>> -> memref<128x32xf32, #tpu.memory_space<vmem>>
      %dma_wait3A_363 = tpu.memref_slice %arg14[%add3A_193] : memref<10240xi32, #tpu.memory_space<vmem>> -> memref<128xi32, #tpu.memory_space<vmem>>
      %dma_wait3A_364 = arith.constant 0 : i32
      %dma_wait3A_365 = arith.constant 0 : i32
      %dma_wait3A_366 = tpu.memref_slice %arg4[%dma_wait3A_364, %dma_wait3A_365] : memref<1007616x32xf32, #tpu.memory_space<hbm>> -> memref<1007616x32xf32, #tpu.memory_space<hbm>>
      tpu.wait_indirect_dma semaphore(%arg25 : memref<!tpu.dma_semaphore, #tpu.memory_space<semaphore_mem>>) src(%dma_wait3A_366 : memref<1007616x32xf32, #tpu.memory_space<hbm>>) dst(%dma_wait3A_362 : memref<128x32xf32, #tpu.memory_space<vmem>>)
      %dma_wait3A_367 = arith.constant 1152 : i32
      %dma_wait3A_368 = arith.constant 0 : i32
      %dma_wait3A_369 = tpu.memref_slice %arg19[%dma_wait3A_367, %dma_wait3A_368] : memref<1280x32xf32, #tpu.memory_space<vmem>> -> memref<128x32xf32, #tpu.memory_space<vmem>>
      %dma_wait3A_370 = tpu.memref_slice %arg14[%add3A_211] : memref<10240xi32, #tpu.memory_space<vmem>> -> memref<128xi32, #tpu.memory_space<vmem>>
      %dma_wait3A_371 = arith.constant 0 : i32
      %dma_wait3A_372 = arith.constant 0 : i32
      %dma_wait3A_373 = tpu.memref_slice %arg2[%dma_wait3A_371, %dma_wait3A_372] : memref<1007616x32xf32, #tpu.memory_space<hbm>> -> memref<1007616x32xf32, #tpu.memory_space<hbm>>
      tpu.wait_indirect_dma semaphore(%arg25 : memref<!tpu.dma_semaphore, #tpu.memory_space<semaphore_mem>>) src(%dma_wait3A_373 : memref<1007616x32xf32, #tpu.memory_space<hbm>>) dst(%dma_wait3A_369 : memref<128x32xf32, #tpu.memory_space<vmem>>)
      %dma_wait3A_374 = arith.constant 1152 : i32
      %dma_wait3A_375 = arith.constant 0 : i32
      %dma_wait3A_376 = tpu.memref_slice %arg20[%dma_wait3A_374, %dma_wait3A_375] : memref<1280x32xf32, #tpu.memory_space<vmem>> -> memref<128x32xf32, #tpu.memory_space<vmem>>
      %dma_wait3A_377 = tpu.memref_slice %arg14[%add3A_211] : memref<10240xi32, #tpu.memory_space<vmem>> -> memref<128xi32, #tpu.memory_space<vmem>>
      %dma_wait3A_378 = arith.constant 0 : i32
      %dma_wait3A_379 = arith.constant 0 : i32
      %dma_wait3A_380 = tpu.memref_slice %arg4[%dma_wait3A_378, %dma_wait3A_379] : memref<1007616x32xf32, #tpu.memory_space<hbm>> -> memref<1007616x32xf32, #tpu.memory_space<hbm>>
      tpu.wait_indirect_dma semaphore(%arg25 : memref<!tpu.dma_semaphore, #tpu.memory_space<semaphore_mem>>) src(%dma_wait3A_380 : memref<1007616x32xf32, #tpu.memory_space<hbm>>) dst(%dma_wait3A_376 : memref<128x32xf32, #tpu.memory_space<vmem>>)
      %scan3A_381 = arith.constant 0 : i32
      %scan3A_382 = arith.constant 0 : i32
      %scan3A_383 = arith.constant 4 : i32
      %scan3A_384 = arith.addi %scan3A_382, %scan3A_383 : i32
      %scan3A_385 = arith.constant 1 : i32
      scf.for %scan3A_397 = %scan3A_382 to %scan3A_384 step %scan3A_385  : i32 {
        %mul3A_398 = arith.constant 16 : i32
        %mul3A_399 = arith.muli %scan3A_397, %mul3A_398 : i32
        %broadcast_in_dim3A = arith.constant 0.000000e+00 : f32
        %broadcast_in_dim3A_400 = vector.broadcast %broadcast_in_dim3A : f32 to vector<16xf32>
        %broadcast_in_dim3A_401 = arith.constant 0.000000e+00 : f32
        %broadcast_in_dim3A_402 = vector.broadcast %broadcast_in_dim3A_401 : f32 to vector<16xf32>
        %add3A_403 = arith.constant 0 : i32
        %add3A_404 = arith.addi %mul3A_399, %add3A_403 : i32
        %get3A = arith.index_cast %add3A_404 : i32 to index
        %get3A_405 = arith.constant 0 : index
        %get3A_406 = tpu.vector_load %arg15[%get3A, %get3A_405] {strides = array<i32>} : memref<64x32xf32, #tpu.memory_space<vmem>>, vector<16xf32>,
        %get3A_407 = arith.index_cast %add3A_404 : i32 to index
        %get3A_408 = arith.constant 16 : index
        %get3A_409 = tpu.vector_load %arg15[%get3A_407, %get3A_408] {strides = array<i32>} : memref<64x32xf32, #tpu.memory_space<vmem>>, vector<16xf32>,
        %get3A_410 = arith.index_cast %add3A_404 : i32 to index
        %get3A_411 = arith.constant 0 : index
        %get3A_412 = tpu.vector_load %arg17[%get3A_410, %get3A_411] {strides = array<i32>} : memref<64x32xf32, #tpu.memory_space<vmem>>, vector<16xf32>,
        %get3A_413 = arith.index_cast %add3A_404 : i32 to index
        %get3A_414 = arith.constant 16 : index
        %get3A_415 = tpu.vector_load %arg17[%get3A_413, %get3A_414] {strides = array<i32>} : memref<64x32xf32, #tpu.memory_space<vmem>>, vector<16xf32>,
        %eq3A = arith.constant 0 : i32
        %eq3A_416 = vector.broadcast %eq3A : i32 to vector<16xi32>
        %eq3A_417 = arith.cmpi eq, %iota3A, %eq3A_416 : vector<16xi32>
        %mul3A_418 = arith.mulf %get3A_406, %get3A_412 : vector<16xf32>
        %mul3A_419 = arith.mulf %get3A_409, %get3A_415 : vector<16xf32>
        %add3A_420 = arith.addf %mul3A_418, %mul3A_419 : vector<16xf32>
        %reduce_sum3A = arith.constant true
        %reduce_sum3A_421 = vector.broadcast %reduce_sum3A : i1 to vector<16xi1>
        %reduce_sum3A_422 = tpu.scan <sum>, %add3A_420 masked %reduce_sum3A_421 : vector<16xf32>, vector<16xi1> -> vector<16xf32>
        %reduce_sum3A_423 = vector.extract %reduce_sum3A_422[15] : f32 from vector<16xf32>
        %broadcast_in_dim3A_424 = vector.broadcast %reduce_sum3A_423 : f32 to vector<16xf32>
        %select_n3A = arith.select %eq3A_417, %broadcast_in_dim3A_424, %broadcast_in_dim3A_400 : vector<16xi1>, vector<16xf32>
        %get3A_425 = arith.index_cast %add3A_404 : i32 to index
        %get3A_426 = arith.constant 0 : index
        %get3A_427 = tpu.vector_load %arg16[%get3A_425, %get3A_426] {strides = array<i32>} : memref<64x32xf32, #tpu.memory_space<vmem>>, vector<16xf32>,
        %get3A_428 = arith.index_cast %add3A_404 : i32 to index
        %get3A_429 = arith.constant 16 : index
        %get3A_430 = tpu.vector_load %arg16[%get3A_428, %get3A_429] {strides = array<i32>} : memref<64x32xf32, #tpu.memory_space<vmem>>, vector<16xf32>,
        %get3A_431 = arith.index_cast %add3A_404 : i32 to index
        %get3A_432 = arith.constant 0 : index
        %get3A_433 = tpu.vector_load %arg18[%get3A_431, %get3A_432] {strides = array<i32>} : memref<64x32xf32, #tpu.memory_space<vmem>>, vector<16xf32>,
        %get3A_434 = arith.index_cast %add3A_404 : i32 to index
        %get3A_435 = arith.constant 16 : index
        %get3A_436 = tpu.vector_load %arg18[%get3A_434, %get3A_435] {strides = array<i32>} : memref<64x32xf32, #tpu.memory_space<vmem>>, vector<16xf32>,
        %eq3A_437 = arith.constant 0 : i32
        %eq3A_438 = vector.broadcast %eq3A_437 : i32 to vector<16xi32>
        %eq3A_439 = arith.cmpi eq, %iota3A, %eq3A_438 : vector<16xi32>
        %mul3A_440 = arith.mulf %get3A_427, %get3A_433 : vector<16xf32>
        %mul3A_441 = arith.mulf %get3A_430, %get3A_436 : vector<16xf32>
        %add3A_442 = arith.addf %mul3A_440, %mul3A_441 : vector<16xf32>
        %reduce_sum3A_443 = arith.constant true
        %reduce_sum3A_444 = vector.broadcast %reduce_sum3A_443 : i1 to vector<16xi1>
        %reduce_sum3A_445 = tpu.scan <sum>, %add3A_442 masked %reduce_sum3A_444 : vector<16xf32>, vector<16xi1> -> vector<16xf32>
        %reduce_sum3A_446 = vector.extract %reduce_sum3A_445[15] : f32 from vector<16xf32>
        %broadcast_in_dim3A_447 = vector.broadcast %reduce_sum3A_446 : f32 to vector<16xf32>
        %select_n3A_448 = arith.select %eq3A_439, %broadcast_in_dim3A_447, %broadcast_in_dim3A_402 : vector<16xi1>, vector<16xf32>
        %add3A_449 = arith.constant 1 : i32
        %add3A_450 = arith.addi %mul3A_399, %add3A_449 : i32
        %get3A_451 = arith.index_cast %add3A_450 : i32 to index
        %get3A_452 = arith.constant 0 : index
        %get3A_453 = tpu.vector_load %arg15[%get3A_451, %get3A_452] {strides = array<i32>} : memref<64x32xf32, #tpu.memory_space<vmem>>, vector<16xf32>,
        %get3A_454 = arith.index_cast %add3A_450 : i32 to index
        %get3A_455 = arith.constant 16 : index
        %get3A_456 = tpu.vector_load %arg15[%get3A_454, %get3A_455] {strides = array<i32>} : memref<64x32xf32, #tpu.memory_space<vmem>>, vector<16xf32>,
        %get3A_457 = arith.index_cast %add3A_450 : i32 to index
        %get3A_458 = arith.constant 0 : index
        %get3A_459 = tpu.vector_load %arg17[%get3A_457, %get3A_458] {strides = array<i32>} : memref<64x32xf32, #tpu.memory_space<vmem>>, vector<16xf32>,
        %get3A_460 = arith.index_cast %add3A_450 : i32 to index
        %get3A_461 = arith.constant 16 : index
        %get3A_462 = tpu.vector_load %arg17[%get3A_460, %get3A_461] {strides = array<i32>} : memref<64x32xf32, #tpu.memory_space<vmem>>, vector<16xf32>,
        %eq3A_463 = arith.constant 1 : i32
        %eq3A_464 = vector.broadcast %eq3A_463 : i32 to vector<16xi32>
        %eq3A_465 = arith.cmpi eq, %iota3A, %eq3A_464 : vector<16xi32>
        %mul3A_466 = arith.mulf %get3A_453, %get3A_459 : vector<16xf32>
        %mul3A_467 = arith.mulf %get3A_456, %get3A_462 : vector<16xf32>
        %add3A_468 = arith.addf %mul3A_466, %mul3A_467 : vector<16xf32>
        %reduce_sum3A_469 = arith.constant true
        %reduce_sum3A_470 = vector.broadcast %reduce_sum3A_469 : i1 to vector<16xi1>
        %reduce_sum3A_471 = tpu.scan <sum>, %add3A_468 masked %reduce_sum3A_470 : vector<16xf32>, vector<16xi1> -> vector<16xf32>
        %reduce_sum3A_472 = vector.extract %reduce_sum3A_471[15] : f32 from vector<16xf32>
        %broadcast_in_dim3A_473 = vector.broadcast %reduce_sum3A_472 : f32 to vector<16xf32>
        %select_n3A_474 = arith.select %eq3A_465, %broadcast_in_dim3A_473, %select_n3A : vector<16xi1>, vector<16xf32>
        %get3A_475 = arith.index_cast %add3A_450 : i32 to index
        %get3A_476 = arith.constant 0 : index
        %get3A_477 = tpu.vector_load %arg16[%get3A_475, %get3A_476] {strides = array<i32>} : memref<64x32xf32, #tpu.memory_space<vmem>>, vector<16xf32>,
        %get3A_478 = arith.index_cast %add3A_450 : i32 to index
        %get3A_479 = arith.constant 16 : index
        %get3A_480 = tpu.vector_load %arg16[%get3A_478, %get3A_479] {strides = array<i32>} : memref<64x32xf32, #tpu.memory_space<vmem>>, vector<16xf32>,
        %get3A_481 = arith.index_cast %add3A_450 : i32 to index
        %get3A_482 = arith.constant 0 : index
        %get3A_483 = tpu.vector_load %arg18[%get3A_481, %get3A_482] {strides = array<i32>} : memref<64x32xf32, #tpu.memory_space<vmem>>, vector<16xf32>,
        %get3A_484 = arith.index_cast %add3A_450 : i32 to index
        %get3A_485 = arith.constant 16 : index
        %get3A_486 = tpu.vector_load %arg18[%get3A_484, %get3A_485] {strides = array<i32>} : memref<64x32xf32, #tpu.memory_space<vmem>>, vector<16xf32>,
        %eq3A_487 = arith.constant 1 : i32
        %eq3A_488 = vector.broadcast %eq3A_487 : i32 to vector<16xi32>
        %eq3A_489 = arith.cmpi eq, %iota3A, %eq3A_488 : vector<16xi32>
        %mul3A_490 = arith.mulf %get3A_477, %get3A_483 : vector<16xf32>
        %mul3A_491 = arith.mulf %get3A_480, %get3A_486 : vector<16xf32>
        %add3A_492 = arith.addf %mul3A_490, %mul3A_491 : vector<16xf32>
        %reduce_sum3A_493 = arith.constant true
        %reduce_sum3A_494 = vector.broadcast %reduce_sum3A_493 : i1 to vector<16xi1>
        %reduce_sum3A_495 = tpu.scan <sum>, %add3A_492 masked %reduce_sum3A_494 : vector<16xf32>, vector<16xi1> -> vector<16xf32>
        %reduce_sum3A_496 = vector.extract %reduce_sum3A_495[15] : f32 from vector<16xf32>
        %broadcast_in_dim3A_497 = vector.broadcast %reduce_sum3A_496 : f32 to vector<16xf32>
        %select_n3A_498 = arith.select %eq3A_489, %broadcast_in_dim3A_497, %select_n3A_448 : vector<16xi1>, vector<16xf32>
        %add3A_499 = arith.constant 2 : i32
        %add3A_500 = arith.addi %mul3A_399, %add3A_499 : i32
        %get3A_501 = arith.index_cast %add3A_500 : i32 to index
        %get3A_502 = arith.constant 0 : index
        %get3A_503 = tpu.vector_load %arg15[%get3A_501, %get3A_502] {strides = array<i32>} : memref<64x32xf32, #tpu.memory_space<vmem>>, vector<16xf32>,
        %get3A_504 = arith.index_cast %add3A_500 : i32 to index
        %get3A_505 = arith.constant 16 : index
        %get3A_506 = tpu.vector_load %arg15[%get3A_504, %get3A_505] {strides = array<i32>} : memref<64x32xf32, #tpu.memory_space<vmem>>, vector<16xf32>,
        %get3A_507 = arith.index_cast %add3A_500 : i32 to index
        %get3A_508 = arith.constant 0 : index
        %get3A_509 = tpu.vector_load %arg17[%get3A_507, %get3A_508] {strides = array<i32>} : memref<64x32xf32, #tpu.memory_space<vmem>>, vector<16xf32>,
        %get3A_510 = arith.index_cast %add3A_500 : i32 to index
        %get3A_511 = arith.constant 16 : index
        %get3A_512 = tpu.vector_load %arg17[%get3A_510, %get3A_511] {strides = array<i32>} : memref<64x32xf32, #tpu.memory_space<vmem>>, vector<16xf32>,
        %eq3A_513 = arith.constant 2 : i32
        %eq3A_514 = vector.broadcast %eq3A_513 : i32 to vector<16xi32>
        %eq3A_515 = arith.cmpi eq, %iota3A, %eq3A_514 : vector<16xi32>
        %mul3A_516 = arith.mulf %get3A_503, %get3A_509 : vector<16xf32>
        %mul3A_517 = arith.mulf %get3A_506, %get3A_512 : vector<16xf32>
        %add3A_518 = arith.addf %mul3A_516, %mul3A_517 : vector<16xf32>
        %reduce_sum3A_519 = arith.constant true
        %reduce_sum3A_520 = vector.broadcast %reduce_sum3A_519 : i1 to vector<16xi1>
        %reduce_sum3A_521 = tpu.scan <sum>, %add3A_518 masked %reduce_sum3A_520 : vector<16xf32>, vector<16xi1> -> vector<16xf32>
        %reduce_sum3A_522 = vector.extract %reduce_sum3A_521[15] : f32 from vector<16xf32>
        %broadcast_in_dim3A_523 = vector.broadcast %reduce_sum3A_522 : f32 to vector<16xf32>
        %select_n3A_524 = arith.select %eq3A_515, %broadcast_in_dim3A_523, %select_n3A_474 : vector<16xi1>, vector<16xf32>
        %get3A_525 = arith.index_cast %add3A_500 : i32 to index
        %get3A_526 = arith.constant 0 : index
        %get3A_527 = tpu.vector_load %arg16[%get3A_525, %get3A_526] {strides = array<i32>} : memref<64x32xf32, #tpu.memory_space<vmem>>, vector<16xf32>,
        %get3A_528 = arith.index_cast %add3A_500 : i32 to index
        %get3A_529 = arith.constant 16 : index
        %get3A_530 = tpu.vector_load %arg16[%get3A_528, %get3A_529] {strides = array<i32>} : memref<64x32xf32, #tpu.memory_space<vmem>>, vector<16xf32>,
        %get3A_531 = arith.index_cast %add3A_500 : i32 to index
        %get3A_532 = arith.constant 0 : index
        %get3A_533 = tpu.vector_load %arg18[%get3A_531, %get3A_532] {strides = array<i32>} : memref<64x32xf32, #tpu.memory_space<vmem>>, vector<16xf32>,
        %get3A_534 = arith.index_cast %add3A_500 : i32 to index
        %get3A_535 = arith.constant 16 : index
        %get3A_536 = tpu.vector_load %arg18[%get3A_534, %get3A_535] {strides = array<i32>} : memref<64x32xf32, #tpu.memory_space<vmem>>, vector<16xf32>,
        %eq3A_537 = arith.constant 2 : i32
        %eq3A_538 = vector.broadcast %eq3A_537 : i32 to vector<16xi32>
        %eq3A_539 = arith.cmpi eq, %iota3A, %eq3A_538 : vector<16xi32>
        %mul3A_540 = arith.mulf %get3A_527, %get3A_533 : vector<16xf32>
        %mul3A_541 = arith.mulf %get3A_530, %get3A_536 : vector<16xf32>
        %add3A_542 = arith.addf %mul3A_540, %mul3A_541 : vector<16xf32>
        %reduce_sum3A_543 = arith.constant true
        %reduce_sum3A_544 = vector.broadcast %reduce_sum3A_543 : i1 to vector<16xi1>
        %reduce_sum3A_545 = tpu.scan <sum>, %add3A_542 masked %reduce_sum3A_544 : vector<16xf32>, vector<16xi1> -> vector<16xf32>
        %reduce_sum3A_546 = vector.extract %reduce_sum3A_545[15] : f32 from vector<16xf32>
        %broadcast_in_dim3A_547 = vector.broadcast %reduce_sum3A_546 : f32 to vector<16xf32>
        %select_n3A_548 = arith.select %eq3A_539, %broadcast_in_dim3A_547, %select_n3A_498 : vector<16xi1>, vector<16xf32>
        %add3A_549 = arith.constant 3 : i32
        %add3A_550 = arith.addi %mul3A_399, %add3A_549 : i32
        %get3A_551 = arith.index_cast %add3A_550 : i32 to index
        %get3A_552 = arith.constant 0 : index
        %get3A_553 = tpu.vector_load %arg15[%get3A_551, %get3A_552] {strides = array<i32>} : memref<64x32xf32, #tpu.memory_space<vmem>>, vector<16xf32>,
        %get3A_554 = arith.index_cast %add3A_550 : i32 to index
        %get3A_555 = arith.constant 16 : index
        %get3A_556 = tpu.vector_load %arg15[%get3A_554, %get3A_555] {strides = array<i32>} : memref<64x32xf32, #tpu.memory_space<vmem>>, vector<16xf32>,
        %get3A_557 = arith.index_cast %add3A_550 : i32 to index
        %get3A_558 = arith.constant 0 : index
        %get3A_559 = tpu.vector_load %arg17[%get3A_557, %get3A_558] {strides = array<i32>} : memref<64x32xf32, #tpu.memory_space<vmem>>, vector<16xf32>,
        %get3A_560 = arith.index_cast %add3A_550 : i32 to index
        %get3A_561 = arith.constant 16 : index
        %get3A_562 = tpu.vector_load %arg17[%get3A_560, %get3A_561] {strides = array<i32>} : memref<64x32xf32, #tpu.memory_space<vmem>>, vector<16xf32>,
        %eq3A_563 = arith.constant 3 : i32
        %eq3A_564 = vector.broadcast %eq3A_563 : i32 to vector<16xi32>
        %eq3A_565 = arith.cmpi eq, %iota3A, %eq3A_564 : vector<16xi32>
        %mul3A_566 = arith.mulf %get3A_553, %get3A_559 : vector<16xf32>
        %mul3A_567 = arith.mulf %get3A_556, %get3A_562 : vector<16xf32>
        %add3A_568 = arith.addf %mul3A_566, %mul3A_567 : vector<16xf32>
        %reduce_sum3A_569 = arith.constant true
        %reduce_sum3A_570 = vector.broadcast %reduce_sum3A_569 : i1 to vector<16xi1>
        %reduce_sum3A_571 = tpu.scan <sum>, %add3A_568 masked %reduce_sum3A_570 : vector<16xf32>, vector<16xi1> -> vector<16xf32>
        %reduce_sum3A_572 = vector.extract %reduce_sum3A_571[15] : f32 from vector<16xf32>
        %broadcast_in_dim3A_573 = vector.broadcast %reduce_sum3A_572 : f32 to vector<16xf32>
        %select_n3A_574 = arith.select %eq3A_565, %broadcast_in_dim3A_573, %select_n3A_524 : vector<16xi1>, vector<16xf32>
        %get3A_575 = arith.index_cast %add3A_550 : i32 to index
        %get3A_576 = arith.constant 0 : index
        %get3A_577 = tpu.vector_load %arg16[%get3A_575, %get3A_576] {strides = array<i32>} : memref<64x32xf32, #tpu.memory_space<vmem>>, vector<16xf32>,
        %get3A_578 = arith.index_cast %add3A_550 : i32 to index
        %get3A_579 = arith.constant 16 : index
        %get3A_580 = tpu.vector_load %arg16[%get3A_578, %get3A_579] {strides = array<i32>} : memref<64x32xf32, #tpu.memory_space<vmem>>, vector<16xf32>,
        %get3A_581 = arith.index_cast %add3A_550 : i32 to index
        %get3A_582 = arith.constant 0 : index
        %get3A_583 = tpu.vector_load %arg18[%get3A_581, %get3A_582] {strides = array<i32>} : memref<64x32xf32, #tpu.memory_space<vmem>>, vector<16xf32>,
        %get3A_584 = arith.index_cast %add3A_550 : i32 to index
        %get3A_585 = arith.constant 16 : index
        %get3A_586 = tpu.vector_load %arg18[%get3A_584, %get3A_585] {strides = array<i32>} : memref<64x32xf32, #tpu.memory_space<vmem>>, vector<16xf32>,
        %eq3A_587 = arith.constant 3 : i32
        %eq3A_588 = vector.broadcast %eq3A_587 : i32 to vector<16xi32>
        %eq3A_589 = arith.cmpi eq, %iota3A, %eq3A_588 : vector<16xi32>
        %mul3A_590 = arith.mulf %get3A_577, %get3A_583 : vector<16xf32>
        %mul3A_591 = arith.mulf %get3A_580, %get3A_586 : vector<16xf32>
        %add3A_592 = arith.addf %mul3A_590, %mul3A_591 : vector<16xf32>
        %reduce_sum3A_593 = arith.constant true
        %reduce_sum3A_594 = vector.broadcast %reduce_sum3A_593 : i1 to vector<16xi1>
        %reduce_sum3A_595 = tpu.scan <sum>, %add3A_592 masked %reduce_sum3A_594 : vector<16xf32>, vector<16xi1> -> vector<16xf32>
        %reduce_sum3A_596 = vector.extract %reduce_sum3A_595[15] : f32 from vector<16xf32>
        %broadcast_in_dim3A_597 = vector.broadcast %reduce_sum3A_596 : f32 to vector<16xf32>
        %select_n3A_598 = arith.select %eq3A_589, %broadcast_in_dim3A_597, %select_n3A_548 : vector<16xi1>, vector<16xf32>
        %add3A_599 = arith.constant 4 : i32
        %add3A_600 = arith.addi %mul3A_399, %add3A_599 : i32
        %get3A_601 = arith.index_cast %add3A_600 : i32 to index
        %get3A_602 = arith.constant 0 : index
        %get3A_603 = tpu.vector_load %arg15[%get3A_601, %get3A_602] {strides = array<i32>} : memref<64x32xf32, #tpu.memory_space<vmem>>, vector<16xf32>,
        %get3A_604 = arith.index_cast %add3A_600 : i32 to index
        %get3A_605 = arith.constant 16 : index
        %get3A_606 = tpu.vector_load %arg15[%get3A_604, %get3A_605] {strides = array<i32>} : memref<64x32xf32, #tpu.memory_space<vmem>>, vector<16xf32>,
        %get3A_607 = arith.index_cast %add3A_600 : i32 to index
        %get3A_608 = arith.constant 0 : index
        %get3A_609 = tpu.vector_load %arg17[%get3A_607, %get3A_608] {strides = array<i32>} : memref<64x32xf32, #tpu.memory_space<vmem>>, vector<16xf32>,
        %get3A_610 = arith.index_cast %add3A_600 : i32 to index
        %get3A_611 = arith.constant 16 : index
        %get3A_612 = tpu.vector_load %arg17[%get3A_610, %get3A_611] {strides = array<i32>} : memref<64x32xf32, #tpu.memory_space<vmem>>, vector<16xf32>,
        %eq3A_613 = arith.constant 4 : i32
        %eq3A_614 = vector.broadcast %eq3A_613 : i32 to vector<16xi32>
        %eq3A_615 = arith.cmpi eq, %iota3A, %eq3A_614 : vector<16xi32>
        %mul3A_616 = arith.mulf %get3A_603, %get3A_609 : vector<16xf32>
        %mul3A_617 = arith.mulf %get3A_606, %get3A_612 : vector<16xf32>
        %add3A_618 = arith.addf %mul3A_616, %mul3A_617 : vector<16xf32>
        %reduce_sum3A_619 = arith.constant true
        %reduce_sum3A_620 = vector.broadcast %reduce_sum3A_619 : i1 to vector<16xi1>
        %reduce_sum3A_621 = tpu.scan <sum>, %add3A_618 masked %reduce_sum3A_620 : vector<16xf32>, vector<16xi1> -> vector<16xf32>
        %reduce_sum3A_622 = vector.extract %reduce_sum3A_621[15] : f32 from vector<16xf32>
        %broadcast_in_dim3A_623 = vector.broadcast %reduce_sum3A_622 : f32 to vector<16xf32>
        %select_n3A_624 = arith.select %eq3A_615, %broadcast_in_dim3A_623, %select_n3A_574 : vector<16xi1>, vector<16xf32>
        %get3A_625 = arith.index_cast %add3A_600 : i32 to index
        %get3A_626 = arith.constant 0 : index
        %get3A_627 = tpu.vector_load %arg16[%get3A_625, %get3A_626] {strides = array<i32>} : memref<64x32xf32, #tpu.memory_space<vmem>>, vector<16xf32>,
        %get3A_628 = arith.index_cast %add3A_600 : i32 to index
        %get3A_629 = arith.constant 16 : index
        %get3A_630 = tpu.vector_load %arg16[%get3A_628, %get3A_629] {strides = array<i32>} : memref<64x32xf32, #tpu.memory_space<vmem>>, vector<16xf32>,
        %get3A_631 = arith.index_cast %add3A_600 : i32 to index
        %get3A_632 = arith.constant 0 : index
        %get3A_633 = tpu.vector_load %arg18[%get3A_631, %get3A_632] {strides = array<i32>} : memref<64x32xf32, #tpu.memory_space<vmem>>, vector<16xf32>,
        %get3A_634 = arith.index_cast %add3A_600 : i32 to index
        %get3A_635 = arith.constant 16 : index
        %get3A_636 = tpu.vector_load %arg18[%get3A_634, %get3A_635] {strides = array<i32>} : memref<64x32xf32, #tpu.memory_space<vmem>>, vector<16xf32>,
        %eq3A_637 = arith.constant 4 : i32
        %eq3A_638 = vector.broadcast %eq3A_637 : i32 to vector<16xi32>
        %eq3A_639 = arith.cmpi eq, %iota3A, %eq3A_638 : vector<16xi32>
        %mul3A_640 = arith.mulf %get3A_627, %get3A_633 : vector<16xf32>
        %mul3A_641 = arith.mulf %get3A_630, %get3A_636 : vector<16xf32>
        %add3A_642 = arith.addf %mul3A_640, %mul3A_641 : vector<16xf32>
        %reduce_sum3A_643 = arith.constant true
        %reduce_sum3A_644 = vector.broadcast %reduce_sum3A_643 : i1 to vector<16xi1>
        %reduce_sum3A_645 = tpu.scan <sum>, %add3A_642 masked %reduce_sum3A_644 : vector<16xf32>, vector<16xi1> -> vector<16xf32>
        %reduce_sum3A_646 = vector.extract %reduce_sum3A_645[15] : f32 from vector<16xf32>
        %broadcast_in_dim3A_647 = vector.broadcast %reduce_sum3A_646 : f32 to vector<16xf32>
        %select_n3A_648 = arith.select %eq3A_639, %broadcast_in_dim3A_647, %select_n3A_598 : vector<16xi1>, vector<16xf32>
        %add3A_649 = arith.constant 5 : i32
        %add3A_650 = arith.addi %mul3A_399, %add3A_649 : i32
        %get3A_651 = arith.index_cast %add3A_650 : i32 to index
        %get3A_652 = arith.constant 0 : index
        %get3A_653 = tpu.vector_load %arg15[%get3A_651, %get3A_652] {strides = array<i32>} : memref<64x32xf32, #tpu.memory_space<vmem>>, vector<16xf32>,
        %get3A_654 = arith.index_cast %add3A_650 : i32 to index
        %get3A_655 = arith.constant 16 : index
        %get3A_656 = tpu.vector_load %arg15[%get3A_654, %get3A_655] {strides = array<i32>} : memref<64x32xf32, #tpu.memory_space<vmem>>, vector<16xf32>,
        %get3A_657 = arith.index_cast %add3A_650 : i32 to index
        %get3A_658 = arith.constant 0 : index
        %get3A_659 = tpu.vector_load %arg17[%get3A_657, %get3A_658] {strides = array<i32>} : memref<64x32xf32, #tpu.memory_space<vmem>>, vector<16xf32>,
        %get3A_660 = arith.index_cast %add3A_650 : i32 to index
        %get3A_661 = arith.constant 16 : index
        %get3A_662 = tpu.vector_load %arg17[%get3A_660, %get3A_661] {strides = array<i32>} : memref<64x32xf32, #tpu.memory_space<vmem>>, vector<16xf32>,
        %eq3A_663 = arith.constant 5 : i32
        %eq3A_664 = vector.broadcast %eq3A_663 : i32 to vector<16xi32>
        %eq3A_665 = arith.cmpi eq, %iota3A, %eq3A_664 : vector<16xi32>
        %mul3A_666 = arith.mulf %get3A_653, %get3A_659 : vector<16xf32>
        %mul3A_667 = arith.mulf %get3A_656, %get3A_662 : vector<16xf32>
        %add3A_668 = arith.addf %mul3A_666, %mul3A_667 : vector<16xf32>
        %reduce_sum3A_669 = arith.constant true
        %reduce_sum3A_670 = vector.broadcast %reduce_sum3A_669 : i1 to vector<16xi1>
        %reduce_sum3A_671 = tpu.scan <sum>, %add3A_668 masked %reduce_sum3A_670 : vector<16xf32>, vector<16xi1> -> vector<16xf32>
        %reduce_sum3A_672 = vector.extract %reduce_sum3A_671[15] : f32 from vector<16xf32>
        %broadcast_in_dim3A_673 = vector.broadcast %reduce_sum3A_672 : f32 to vector<16xf32>
        %select_n3A_674 = arith.select %eq3A_665, %broadcast_in_dim3A_673, %select_n3A_624 : vector<16xi1>, vector<16xf32>
        %get3A_675 = arith.index_cast %add3A_650 : i32 to index
        %get3A_676 = arith.constant 0 : index
        %get3A_677 = tpu.vector_load %arg16[%get3A_675, %get3A_676] {strides = array<i32>} : memref<64x32xf32, #tpu.memory_space<vmem>>, vector<16xf32>,
        %get3A_678 = arith.index_cast %add3A_650 : i32 to index
        %get3A_679 = arith.constant 16 : index
        %get3A_680 = tpu.vector_load %arg16[%get3A_678, %get3A_679] {strides = array<i32>} : memref<64x32xf32, #tpu.memory_space<vmem>>, vector<16xf32>,
        %get3A_681 = arith.index_cast %add3A_650 : i32 to index
        %get3A_682 = arith.constant 0 : index
        %get3A_683 = tpu.vector_load %arg18[%get3A_681, %get3A_682] {strides = array<i32>} : memref<64x32xf32, #tpu.memory_space<vmem>>, vector<16xf32>,
        %get3A_684 = arith.index_cast %add3A_650 : i32 to index
        %get3A_685 = arith.constant 16 : index
        %get3A_686 = tpu.vector_load %arg18[%get3A_684, %get3A_685] {strides = array<i32>} : memref<64x32xf32, #tpu.memory_space<vmem>>, vector<16xf32>,
        %eq3A_687 = arith.constant 5 : i32
        %eq3A_688 = vector.broadcast %eq3A_687 : i32 to vector<16xi32>
        %eq3A_689 = arith.cmpi eq, %iota3A, %eq3A_688 : vector<16xi32>
        %mul3A_690 = arith.mulf %get3A_677, %get3A_683 : vector<16xf32>
        %mul3A_691 = arith.mulf %get3A_680, %get3A_686 : vector<16xf32>
        %add3A_692 = arith.addf %mul3A_690, %mul3A_691 : vector<16xf32>
        %reduce_sum3A_693 = arith.constant true
        %reduce_sum3A_694 = vector.broadcast %reduce_sum3A_693 : i1 to vector<16xi1>
        %reduce_sum3A_695 = tpu.scan <sum>, %add3A_692 masked %reduce_sum3A_694 : vector<16xf32>, vector<16xi1> -> vector<16xf32>
        %reduce_sum3A_696 = vector.extract %reduce_sum3A_695[15] : f32 from vector<16xf32>
        %broadcast_in_dim3A_697 = vector.broadcast %reduce_sum3A_696 : f32 to vector<16xf32>
        %select_n3A_698 = arith.select %eq3A_689, %broadcast_in_dim3A_697, %select_n3A_648 : vector<16xi1>, vector<16xf32>
        %add3A_699 = arith.constant 6 : i32
        %add3A_700 = arith.addi %mul3A_399, %add3A_699 : i32
        %get3A_701 = arith.index_cast %add3A_700 : i32 to index
        %get3A_702 = arith.constant 0 : index
        %get3A_703 = tpu.vector_load %arg15[%get3A_701, %get3A_702] {strides = array<i32>} : memref<64x32xf32, #tpu.memory_space<vmem>>, vector<16xf32>,
        %get3A_704 = arith.index_cast %add3A_700 : i32 to index
        %get3A_705 = arith.constant 16 : index
        %get3A_706 = tpu.vector_load %arg15[%get3A_704, %get3A_705] {strides = array<i32>} : memref<64x32xf32, #tpu.memory_space<vmem>>, vector<16xf32>,
        %get3A_707 = arith.index_cast %add3A_700 : i32 to index
        %get3A_708 = arith.constant 0 : index
        %get3A_709 = tpu.vector_load %arg17[%get3A_707, %get3A_708] {strides = array<i32>} : memref<64x32xf32, #tpu.memory_space<vmem>>, vector<16xf32>,
        %get3A_710 = arith.index_cast %add3A_700 : i32 to index
        %get3A_711 = arith.constant 16 : index
        %get3A_712 = tpu.vector_load %arg17[%get3A_710, %get3A_711] {strides = array<i32>} : memref<64x32xf32, #tpu.memory_space<vmem>>, vector<16xf32>,
        %eq3A_713 = arith.constant 6 : i32
        %eq3A_714 = vector.broadcast %eq3A_713 : i32 to vector<16xi32>
        %eq3A_715 = arith.cmpi eq, %iota3A, %eq3A_714 : vector<16xi32>
        %mul3A_716 = arith.mulf %get3A_703, %get3A_709 : vector<16xf32>
        %mul3A_717 = arith.mulf %get3A_706, %get3A_712 : vector<16xf32>
        %add3A_718 = arith.addf %mul3A_716, %mul3A_717 : vector<16xf32>
        %reduce_sum3A_719 = arith.constant true
        %reduce_sum3A_720 = vector.broadcast %reduce_sum3A_719 : i1 to vector<16xi1>
        %reduce_sum3A_721 = tpu.scan <sum>, %add3A_718 masked %reduce_sum3A_720 : vector<16xf32>, vector<16xi1> -> vector<16xf32>
        %reduce_sum3A_722 = vector.extract %reduce_sum3A_721[15] : f32 from vector<16xf32>
        %broadcast_in_dim3A_723 = vector.broadcast %reduce_sum3A_722 : f32 to vector<16xf32>
        %select_n3A_724 = arith.select %eq3A_715, %broadcast_in_dim3A_723, %select_n3A_674 : vector<16xi1>, vector<16xf32>
        %get3A_725 = arith.index_cast %add3A_700 : i32 to index
        %get3A_726 = arith.constant 0 : index
        %get3A_727 = tpu.vector_load %arg16[%get3A_725, %get3A_726] {strides = array<i32>} : memref<64x32xf32, #tpu.memory_space<vmem>>, vector<16xf32>,
        %get3A_728 = arith.index_cast %add3A_700 : i32 to index
        %get3A_729 = arith.constant 16 : index
        %get3A_730 = tpu.vector_load %arg16[%get3A_728, %get3A_729] {strides = array<i32>} : memref<64x32xf32, #tpu.memory_space<vmem>>, vector<16xf32>,
        %get3A_731 = arith.index_cast %add3A_700 : i32 to index
        %get3A_732 = arith.constant 0 : index
        %get3A_733 = tpu.vector_load %arg18[%get3A_731, %get3A_732] {strides = array<i32>} : memref<64x32xf32, #tpu.memory_space<vmem>>, vector<16xf32>,
        %get3A_734 = arith.index_cast %add3A_700 : i32 to index
        %get3A_735 = arith.constant 16 : index
        %get3A_736 = tpu.vector_load %arg18[%get3A_734, %get3A_735] {strides = array<i32>} : memref<64x32xf32, #tpu.memory_space<vmem>>, vector<16xf32>,
        %eq3A_737 = arith.constant 6 : i32
        %eq3A_738 = vector.broadcast %eq3A_737 : i32 to vector<16xi32>
        %eq3A_739 = arith.cmpi eq, %iota3A, %eq3A_738 : vector<16xi32>
        %mul3A_740 = arith.mulf %get3A_727, %get3A_733 : vector<16xf32>
        %mul3A_741 = arith.mulf %get3A_730, %get3A_736 : vector<16xf32>
        %add3A_742 = arith.addf %mul3A_740, %mul3A_741 : vector<16xf32>
        %reduce_sum3A_743 = arith.constant true
        %reduce_sum3A_744 = vector.broadcast %reduce_sum3A_743 : i1 to vector<16xi1>
        %reduce_sum3A_745 = tpu.scan <sum>, %add3A_742 masked %reduce_sum3A_744 : vector<16xf32>, vector<16xi1> -> vector<16xf32>
        %reduce_sum3A_746 = vector.extract %reduce_sum3A_745[15] : f32 from vector<16xf32>
        %broadcast_in_dim3A_747 = vector.broadcast %reduce_sum3A_746 : f32 to vector<16xf32>
        %select_n3A_748 = arith.select %eq3A_739, %broadcast_in_dim3A_747, %select_n3A_698 : vector<16xi1>, vector<16xf32>
        %add3A_749 = arith.constant 7 : i32
        %add3A_750 = arith.addi %mul3A_399, %add3A_749 : i32
        %get3A_751 = arith.index_cast %add3A_750 : i32 to index
        %get3A_752 = arith.constant 0 : index
        %get3A_753 = tpu.vector_load %arg15[%get3A_751, %get3A_752] {strides = array<i32>} : memref<64x32xf32, #tpu.memory_space<vmem>>, vector<16xf32>,
        %get3A_754 = arith.index_cast %add3A_750 : i32 to index
        %get3A_755 = arith.constant 16 : index
        %get3A_756 = tpu.vector_load %arg15[%get3A_754, %get3A_755] {strides = array<i32>} : memref<64x32xf32, #tpu.memory_space<vmem>>, vector<16xf32>,
        %get3A_757 = arith.index_cast %add3A_750 : i32 to index
        %get3A_758 = arith.constant 0 : index
        %get3A_759 = tpu.vector_load %arg17[%get3A_757, %get3A_758] {strides = array<i32>} : memref<64x32xf32, #tpu.memory_space<vmem>>, vector<16xf32>,
        %get3A_760 = arith.index_cast %add3A_750 : i32 to index
        %get3A_761 = arith.constant 16 : index
        %get3A_762 = tpu.vector_load %arg17[%get3A_760, %get3A_761] {strides = array<i32>} : memref<64x32xf32, #tpu.memory_space<vmem>>, vector<16xf32>,
        %eq3A_763 = arith.constant 7 : i32
        %eq3A_764 = vector.broadcast %eq3A_763 : i32 to vector<16xi32>
        %eq3A_765 = arith.cmpi eq, %iota3A, %eq3A_764 : vector<16xi32>
        %mul3A_766 = arith.mulf %get3A_753, %get3A_759 : vector<16xf32>
        %mul3A_767 = arith.mulf %get3A_756, %get3A_762 : vector<16xf32>
        %add3A_768 = arith.addf %mul3A_766, %mul3A_767 : vector<16xf32>
        %reduce_sum3A_769 = arith.constant true
        %reduce_sum3A_770 = vector.broadcast %reduce_sum3A_769 : i1 to vector<16xi1>
        %reduce_sum3A_771 = tpu.scan <sum>, %add3A_768 masked %reduce_sum3A_770 : vector<16xf32>, vector<16xi1> -> vector<16xf32>
        %reduce_sum3A_772 = vector.extract %reduce_sum3A_771[15] : f32 from vector<16xf32>
        %broadcast_in_dim3A_773 = vector.broadcast %reduce_sum3A_772 : f32 to vector<16xf32>
        %select_n3A_774 = arith.select %eq3A_765, %broadcast_in_dim3A_773, %select_n3A_724 : vector<16xi1>, vector<16xf32>
        %get3A_775 = arith.index_cast %add3A_750 : i32 to index
        %get3A_776 = arith.constant 0 : index
        %get3A_777 = tpu.vector_load %arg16[%get3A_775, %get3A_776] {strides = array<i32>} : memref<64x32xf32, #tpu.memory_space<vmem>>, vector<16xf32>,
        %get3A_778 = arith.index_cast %add3A_750 : i32 to index
        %get3A_779 = arith.constant 16 : index
        %get3A_780 = tpu.vector_load %arg16[%get3A_778, %get3A_779] {strides = array<i32>} : memref<64x32xf32, #tpu.memory_space<vmem>>, vector<16xf32>,
        %get3A_781 = arith.index_cast %add3A_750 : i32 to index
        %get3A_782 = arith.constant 0 : index
        %get3A_783 = tpu.vector_load %arg18[%get3A_781, %get3A_782] {strides = array<i32>} : memref<64x32xf32, #tpu.memory_space<vmem>>, vector<16xf32>,
        %get3A_784 = arith.index_cast %add3A_750 : i32 to index
        %get3A_785 = arith.constant 16 : index
        %get3A_786 = tpu.vector_load %arg18[%get3A_784, %get3A_785] {strides = array<i32>} : memref<64x32xf32, #tpu.memory_space<vmem>>, vector<16xf32>,
        %eq3A_787 = arith.constant 7 : i32
        %eq3A_788 = vector.broadcast %eq3A_787 : i32 to vector<16xi32>
        %eq3A_789 = arith.cmpi eq, %iota3A, %eq3A_788 : vector<16xi32>
        %mul3A_790 = arith.mulf %get3A_777, %get3A_783 : vector<16xf32>
        %mul3A_791 = arith.mulf %get3A_780, %get3A_786 : vector<16xf32>
        %add3A_792 = arith.addf %mul3A_790, %mul3A_791 : vector<16xf32>
        %reduce_sum3A_793 = arith.constant true
        %reduce_sum3A_794 = vector.broadcast %reduce_sum3A_793 : i1 to vector<16xi1>
        %reduce_sum3A_795 = tpu.scan <sum>, %add3A_792 masked %reduce_sum3A_794 : vector<16xf32>, vector<16xi1> -> vector<16xf32>
        %reduce_sum3A_796 = vector.extract %reduce_sum3A_795[15] : f32 from vector<16xf32>
        %broadcast_in_dim3A_797 = vector.broadcast %reduce_sum3A_796 : f32 to vector<16xf32>
        %select_n3A_798 = arith.select %eq3A_789, %broadcast_in_dim3A_797, %select_n3A_748 : vector<16xi1>, vector<16xf32>
        %add3A_799 = arith.constant 8 : i32
        %add3A_800 = arith.addi %mul3A_399, %add3A_799 : i32
        %get3A_801 = arith.index_cast %add3A_800 : i32 to index
        %get3A_802 = arith.constant 0 : index
        %get3A_803 = tpu.vector_load %arg15[%get3A_801, %get3A_802] {strides = array<i32>} : memref<64x32xf32, #tpu.memory_space<vmem>>, vector<16xf32>,
        %get3A_804 = arith.index_cast %add3A_800 : i32 to index
        %get3A_805 = arith.constant 16 : index
        %get3A_806 = tpu.vector_load %arg15[%get3A_804, %get3A_805] {strides = array<i32>} : memref<64x32xf32, #tpu.memory_space<vmem>>, vector<16xf32>,
        %get3A_807 = arith.index_cast %add3A_800 : i32 to index
        %get3A_808 = arith.constant 0 : index
        %get3A_809 = tpu.vector_load %arg17[%get3A_807, %get3A_808] {strides = array<i32>} : memref<64x32xf32, #tpu.memory_space<vmem>>, vector<16xf32>,
        %get3A_810 = arith.index_cast %add3A_800 : i32 to index
        %get3A_811 = arith.constant 16 : index
        %get3A_812 = tpu.vector_load %arg17[%get3A_810, %get3A_811] {strides = array<i32>} : memref<64x32xf32, #tpu.memory_space<vmem>>, vector<16xf32>,
        %eq3A_813 = arith.constant 8 : i32
        %eq3A_814 = vector.broadcast %eq3A_813 : i32 to vector<16xi32>
        %eq3A_815 = arith.cmpi eq, %iota3A, %eq3A_814 : vector<16xi32>
        %mul3A_816 = arith.mulf %get3A_803, %get3A_809 : vector<16xf32>
        %mul3A_817 = arith.mulf %get3A_806, %get3A_812 : vector<16xf32>
        %add3A_818 = arith.addf %mul3A_816, %mul3A_817 : vector<16xf32>
        %reduce_sum3A_819 = arith.constant true
        %reduce_sum3A_820 = vector.broadcast %reduce_sum3A_819 : i1 to vector<16xi1>
        %reduce_sum3A_821 = tpu.scan <sum>, %add3A_818 masked %reduce_sum3A_820 : vector<16xf32>, vector<16xi1> -> vector<16xf32>
        %reduce_sum3A_822 = vector.extract %reduce_sum3A_821[15] : f32 from vector<16xf32>
        %broadcast_in_dim3A_823 = vector.broadcast %reduce_sum3A_822 : f32 to vector<16xf32>
        %select_n3A_824 = arith.select %eq3A_815, %broadcast_in_dim3A_823, %select_n3A_774 : vector<16xi1>, vector<16xf32>
        %get3A_825 = arith.index_cast %add3A_800 : i32 to index
        %get3A_826 = arith.constant 0 : index
        %get3A_827 = tpu.vector_load %arg16[%get3A_825, %get3A_826] {strides = array<i32>} : memref<64x32xf32, #tpu.memory_space<vmem>>, vector<16xf32>,
        %get3A_828 = arith.index_cast %add3A_800 : i32 to index
        %get3A_829 = arith.constant 16 : index
        %get3A_830 = tpu.vector_load %arg16[%get3A_828, %get3A_829] {strides = array<i32>} : memref<64x32xf32, #tpu.memory_space<vmem>>, vector<16xf32>,
        %get3A_831 = arith.index_cast %add3A_800 : i32 to index
        %get3A_832 = arith.constant 0 : index
        %get3A_833 = tpu.vector_load %arg18[%get3A_831, %get3A_832] {strides = array<i32>} : memref<64x32xf32, #tpu.memory_space<vmem>>, vector<16xf32>,
        %get3A_834 = arith.index_cast %add3A_800 : i32 to index
        %get3A_835 = arith.constant 16 : index
        %get3A_836 = tpu.vector_load %arg18[%get3A_834, %get3A_835] {strides = array<i32>} : memref<64x32xf32, #tpu.memory_space<vmem>>, vector<16xf32>,
        %eq3A_837 = arith.constant 8 : i32
        %eq3A_838 = vector.broadcast %eq3A_837 : i32 to vector<16xi32>
        %eq3A_839 = arith.cmpi eq, %iota3A, %eq3A_838 : vector<16xi32>
        %mul3A_840 = arith.mulf %get3A_827, %get3A_833 : vector<16xf32>
        %mul3A_841 = arith.mulf %get3A_830, %get3A_836 : vector<16xf32>
        %add3A_842 = arith.addf %mul3A_840, %mul3A_841 : vector<16xf32>
        %reduce_sum3A_843 = arith.constant true
        %reduce_sum3A_844 = vector.broadcast %reduce_sum3A_843 : i1 to vector<16xi1>
        %reduce_sum3A_845 = tpu.scan <sum>, %add3A_842 masked %reduce_sum3A_844 : vector<16xf32>, vector<16xi1> -> vector<16xf32>
        %reduce_sum3A_846 = vector.extract %reduce_sum3A_845[15] : f32 from vector<16xf32>
        %broadcast_in_dim3A_847 = vector.broadcast %reduce_sum3A_846 : f32 to vector<16xf32>
        %select_n3A_848 = arith.select %eq3A_839, %broadcast_in_dim3A_847, %select_n3A_798 : vector<16xi1>, vector<16xf32>
        %add3A_849 = arith.constant 9 : i32
        %add3A_850 = arith.addi %mul3A_399, %add3A_849 : i32
        %get3A_851 = arith.index_cast %add3A_850 : i32 to index
        %get3A_852 = arith.constant 0 : index
        %get3A_853 = tpu.vector_load %arg15[%get3A_851, %get3A_852] {strides = array<i32>} : memref<64x32xf32, #tpu.memory_space<vmem>>, vector<16xf32>,
        %get3A_854 = arith.index_cast %add3A_850 : i32 to index
        %get3A_855 = arith.constant 16 : index
        %get3A_856 = tpu.vector_load %arg15[%get3A_854, %get3A_855] {strides = array<i32>} : memref<64x32xf32, #tpu.memory_space<vmem>>, vector<16xf32>,
        %get3A_857 = arith.index_cast %add3A_850 : i32 to index
        %get3A_858 = arith.constant 0 : index
        %get3A_859 = tpu.vector_load %arg17[%get3A_857, %get3A_858] {strides = array<i32>} : memref<64x32xf32, #tpu.memory_space<vmem>>, vector<16xf32>,
        %get3A_860 = arith.index_cast %add3A_850 : i32 to index
        %get3A_861 = arith.constant 16 : index
        %get3A_862 = tpu.vector_load %arg17[%get3A_860, %get3A_861] {strides = array<i32>} : memref<64x32xf32, #tpu.memory_space<vmem>>, vector<16xf32>,
        %eq3A_863 = arith.constant 9 : i32
        %eq3A_864 = vector.broadcast %eq3A_863 : i32 to vector<16xi32>
        %eq3A_865 = arith.cmpi eq, %iota3A, %eq3A_864 : vector<16xi32>
        %mul3A_866 = arith.mulf %get3A_853, %get3A_859 : vector<16xf32>
        %mul3A_867 = arith.mulf %get3A_856, %get3A_862 : vector<16xf32>
        %add3A_868 = arith.addf %mul3A_866, %mul3A_867 : vector<16xf32>
        %reduce_sum3A_869 = arith.constant true
        %reduce_sum3A_870 = vector.broadcast %reduce_sum3A_869 : i1 to vector<16xi1>
        %reduce_sum3A_871 = tpu.scan <sum>, %add3A_868 masked %reduce_sum3A_870 : vector<16xf32>, vector<16xi1> -> vector<16xf32>
        %reduce_sum3A_872 = vector.extract %reduce_sum3A_871[15] : f32 from vector<16xf32>
        %broadcast_in_dim3A_873 = vector.broadcast %reduce_sum3A_872 : f32 to vector<16xf32>
        %select_n3A_874 = arith.select %eq3A_865, %broadcast_in_dim3A_873, %select_n3A_824 : vector<16xi1>, vector<16xf32>
        %get3A_875 = arith.index_cast %add3A_850 : i32 to index
        %get3A_876 = arith.constant 0 : index
        %get3A_877 = tpu.vector_load %arg16[%get3A_875, %get3A_876] {strides = array<i32>} : memref<64x32xf32, #tpu.memory_space<vmem>>, vector<16xf32>,
        %get3A_878 = arith.index_cast %add3A_850 : i32 to index
        %get3A_879 = arith.constant 16 : index
        %get3A_880 = tpu.vector_load %arg16[%get3A_878, %get3A_879] {strides = array<i32>} : memref<64x32xf32, #tpu.memory_space<vmem>>, vector<16xf32>,
        %get3A_881 = arith.index_cast %add3A_850 : i32 to index
        %get3A_882 = arith.constant 0 : index
        %get3A_883 = tpu.vector_load %arg18[%get3A_881, %get3A_882] {strides = array<i32>} : memref<64x32xf32, #tpu.memory_space<vmem>>, vector<16xf32>,
        %get3A_884 = arith.index_cast %add3A_850 : i32 to index
        %get3A_885 = arith.constant 16 : index
        %get3A_886 = tpu.vector_load %arg18[%get3A_884, %get3A_885] {strides = array<i32>} : memref<64x32xf32, #tpu.memory_space<vmem>>, vector<16xf32>,
        %eq3A_887 = arith.constant 9 : i32
        %eq3A_888 = vector.broadcast %eq3A_887 : i32 to vector<16xi32>
        %eq3A_889 = arith.cmpi eq, %iota3A, %eq3A_888 : vector<16xi32>
        %mul3A_890 = arith.mulf %get3A_877, %get3A_883 : vector<16xf32>
        %mul3A_891 = arith.mulf %get3A_880, %get3A_886 : vector<16xf32>
        %add3A_892 = arith.addf %mul3A_890, %mul3A_891 : vector<16xf32>
        %reduce_sum3A_893 = arith.constant true
        %reduce_sum3A_894 = vector.broadcast %reduce_sum3A_893 : i1 to vector<16xi1>
        %reduce_sum3A_895 = tpu.scan <sum>, %add3A_892 masked %reduce_sum3A_894 : vector<16xf32>, vector<16xi1> -> vector<16xf32>
        %reduce_sum3A_896 = vector.extract %reduce_sum3A_895[15] : f32 from vector<16xf32>
        %broadcast_in_dim3A_897 = vector.broadcast %reduce_sum3A_896 : f32 to vector<16xf32>
        %select_n3A_898 = arith.select %eq3A_889, %broadcast_in_dim3A_897, %select_n3A_848 : vector<16xi1>, vector<16xf32>
        %add3A_899 = arith.constant 10 : i32
        %add3A_900 = arith.addi %mul3A_399, %add3A_899 : i32
        %get3A_901 = arith.index_cast %add3A_900 : i32 to index
        %get3A_902 = arith.constant 0 : index
        %get3A_903 = tpu.vector_load %arg15[%get3A_901, %get3A_902] {strides = array<i32>} : memref<64x32xf32, #tpu.memory_space<vmem>>, vector<16xf32>,
        %get3A_904 = arith.index_cast %add3A_900 : i32 to index
        %get3A_905 = arith.constant 16 : index
        %get3A_906 = tpu.vector_load %arg15[%get3A_904, %get3A_905] {strides = array<i32>} : memref<64x32xf32, #tpu.memory_space<vmem>>, vector<16xf32>,
        %get3A_907 = arith.index_cast %add3A_900 : i32 to index
        %get3A_908 = arith.constant 0 : index
        %get3A_909 = tpu.vector_load %arg17[%get3A_907, %get3A_908] {strides = array<i32>} : memref<64x32xf32, #tpu.memory_space<vmem>>, vector<16xf32>,
        %get3A_910 = arith.index_cast %add3A_900 : i32 to index
        %get3A_911 = arith.constant 16 : index
        %get3A_912 = tpu.vector_load %arg17[%get3A_910, %get3A_911] {strides = array<i32>} : memref<64x32xf32, #tpu.memory_space<vmem>>, vector<16xf32>,
        %eq3A_913 = arith.constant 10 : i32
        %eq3A_914 = vector.broadcast %eq3A_913 : i32 to vector<16xi32>
        %eq3A_915 = arith.cmpi eq, %iota3A, %eq3A_914 : vector<16xi32>
        %mul3A_916 = arith.mulf %get3A_903, %get3A_909 : vector<16xf32>
        %mul3A_917 = arith.mulf %get3A_906, %get3A_912 : vector<16xf32>
        %add3A_918 = arith.addf %mul3A_916, %mul3A_917 : vector<16xf32>
        %reduce_sum3A_919 = arith.constant true
        %reduce_sum3A_920 = vector.broadcast %reduce_sum3A_919 : i1 to vector<16xi1>
        %reduce_sum3A_921 = tpu.scan <sum>, %add3A_918 masked %reduce_sum3A_920 : vector<16xf32>, vector<16xi1> -> vector<16xf32>
        %reduce_sum3A_922 = vector.extract %reduce_sum3A_921[15] : f32 from vector<16xf32>
        %broadcast_in_dim3A_923 = vector.broadcast %reduce_sum3A_922 : f32 to vector<16xf32>
        %select_n3A_924 = arith.select %eq3A_915, %broadcast_in_dim3A_923, %select_n3A_874 : vector<16xi1>, vector<16xf32>
        %get3A_925 = arith.index_cast %add3A_900 : i32 to index
        %get3A_926 = arith.constant 0 : index
        %get3A_927 = tpu.vector_load %arg16[%get3A_925, %get3A_926] {strides = array<i32>} : memref<64x32xf32, #tpu.memory_space<vmem>>, vector<16xf32>,
        %get3A_928 = arith.index_cast %add3A_900 : i32 to index
        %get3A_929 = arith.constant 16 : index
        %get3A_930 = tpu.vector_load %arg16[%get3A_928, %get3A_929] {strides = array<i32>} : memref<64x32xf32, #tpu.memory_space<vmem>>, vector<16xf32>,
        %get3A_931 = arith.index_cast %add3A_900 : i32 to index
        %get3A_932 = arith.constant 0 : index
        %get3A_933 = tpu.vector_load %arg18[%get3A_931, %get3A_932] {strides = array<i32>} : memref<64x32xf32, #tpu.memory_space<vmem>>, vector<16xf32>,
        %get3A_934 = arith.index_cast %add3A_900 : i32 to index
        %get3A_935 = arith.constant 16 : index
        %get3A_936 = tpu.vector_load %arg18[%get3A_934, %get3A_935] {strides = array<i32>} : memref<64x32xf32, #tpu.memory_space<vmem>>, vector<16xf32>,
        %eq3A_937 = arith.constant 10 : i32
        %eq3A_938 = vector.broadcast %eq3A_937 : i32 to vector<16xi32>
        %eq3A_939 = arith.cmpi eq, %iota3A, %eq3A_938 : vector<16xi32>
        %mul3A_940 = arith.mulf %get3A_927, %get3A_933 : vector<16xf32>
        %mul3A_941 = arith.mulf %get3A_930, %get3A_936 : vector<16xf32>
        %add3A_942 = arith.addf %mul3A_940, %mul3A_941 : vector<16xf32>
        %reduce_sum3A_943 = arith.constant true
        %reduce_sum3A_944 = vector.broadcast %reduce_sum3A_943 : i1 to vector<16xi1>
        %reduce_sum3A_945 = tpu.scan <sum>, %add3A_942 masked %reduce_sum3A_944 : vector<16xf32>, vector<16xi1> -> vector<16xf32>
        %reduce_sum3A_946 = vector.extract %reduce_sum3A_945[15] : f32 from vector<16xf32>
        %broadcast_in_dim3A_947 = vector.broadcast %reduce_sum3A_946 : f32 to vector<16xf32>
        %select_n3A_948 = arith.select %eq3A_939, %broadcast_in_dim3A_947, %select_n3A_898 : vector<16xi1>, vector<16xf32>
        %add3A_949 = arith.constant 11 : i32
        %add3A_950 = arith.addi %mul3A_399, %add3A_949 : i32
        %get3A_951 = arith.index_cast %add3A_950 : i32 to index
        %get3A_952 = arith.constant 0 : index
        %get3A_953 = tpu.vector_load %arg15[%get3A_951, %get3A_952] {strides = array<i32>} : memref<64x32xf32, #tpu.memory_space<vmem>>, vector<16xf32>,
        %get3A_954 = arith.index_cast %add3A_950 : i32 to index
        %get3A_955 = arith.constant 16 : index
        %get3A_956 = tpu.vector_load %arg15[%get3A_954, %get3A_955] {strides = array<i32>} : memref<64x32xf32, #tpu.memory_space<vmem>>, vector<16xf32>,
        %get3A_957 = arith.index_cast %add3A_950 : i32 to index
        %get3A_958 = arith.constant 0 : index
        %get3A_959 = tpu.vector_load %arg17[%get3A_957, %get3A_958] {strides = array<i32>} : memref<64x32xf32, #tpu.memory_space<vmem>>, vector<16xf32>,
        %get3A_960 = arith.index_cast %add3A_950 : i32 to index
        %get3A_961 = arith.constant 16 : index
        %get3A_962 = tpu.vector_load %arg17[%get3A_960, %get3A_961] {strides = array<i32>} : memref<64x32xf32, #tpu.memory_space<vmem>>, vector<16xf32>,
        %eq3A_963 = arith.constant 11 : i32
        %eq3A_964 = vector.broadcast %eq3A_963 : i32 to vector<16xi32>
        %eq3A_965 = arith.cmpi eq, %iota3A, %eq3A_964 : vector<16xi32>
        %mul3A_966 = arith.mulf %get3A_953, %get3A_959 : vector<16xf32>
        %mul3A_967 = arith.mulf %get3A_956, %get3A_962 : vector<16xf32>
        %add3A_968 = arith.addf %mul3A_966, %mul3A_967 : vector<16xf32>
        %reduce_sum3A_969 = arith.constant true
        %reduce_sum3A_970 = vector.broadcast %reduce_sum3A_969 : i1 to vector<16xi1>
        %reduce_sum3A_971 = tpu.scan <sum>, %add3A_968 masked %reduce_sum3A_970 : vector<16xf32>, vector<16xi1> -> vector<16xf32>
        %reduce_sum3A_972 = vector.extract %reduce_sum3A_971[15] : f32 from vector<16xf32>
        %broadcast_in_dim3A_973 = vector.broadcast %reduce_sum3A_972 : f32 to vector<16xf32>
        %select_n3A_974 = arith.select %eq3A_965, %broadcast_in_dim3A_973, %select_n3A_924 : vector<16xi1>, vector<16xf32>
        %get3A_975 = arith.index_cast %add3A_950 : i32 to index
        %get3A_976 = arith.constant 0 : index
        %get3A_977 = tpu.vector_load %arg16[%get3A_975, %get3A_976] {strides = array<i32>} : memref<64x32xf32, #tpu.memory_space<vmem>>, vector<16xf32>,
        %get3A_978 = arith.index_cast %add3A_950 : i32 to index
        %get3A_979 = arith.constant 16 : index
        %get3A_980 = tpu.vector_load %arg16[%get3A_978, %get3A_979] {strides = array<i32>} : memref<64x32xf32, #tpu.memory_space<vmem>>, vector<16xf32>,
        %get3A_981 = arith.index_cast %add3A_950 : i32 to index
        %get3A_982 = arith.constant 0 : index
        %get3A_983 = tpu.vector_load %arg18[%get3A_981, %get3A_982] {strides = array<i32>} : memref<64x32xf32, #tpu.memory_space<vmem>>, vector<16xf32>,
        %get3A_984 = arith.index_cast %add3A_950 : i32 to index
        %get3A_985 = arith.constant 16 : index
        %get3A_986 = tpu.vector_load %arg18[%get3A_984, %get3A_985] {strides = array<i32>} : memref<64x32xf32, #tpu.memory_space<vmem>>, vector<16xf32>,
        %eq3A_987 = arith.constant 11 : i32
        %eq3A_988 = vector.broadcast %eq3A_987 : i32 to vector<16xi32>
        %eq3A_989 = arith.cmpi eq, %iota3A, %eq3A_988 : vector<16xi32>
        %mul3A_990 = arith.mulf %get3A_977, %get3A_983 : vector<16xf32>
        %mul3A_991 = arith.mulf %get3A_980, %get3A_986 : vector<16xf32>
        %add3A_992 = arith.addf %mul3A_990, %mul3A_991 : vector<16xf32>
        %reduce_sum3A_993 = arith.constant true
        %reduce_sum3A_994 = vector.broadcast %reduce_sum3A_993 : i1 to vector<16xi1>
        %reduce_sum3A_995 = tpu.scan <sum>, %add3A_992 masked %reduce_sum3A_994 : vector<16xf32>, vector<16xi1> -> vector<16xf32>
        %reduce_sum3A_996 = vector.extract %reduce_sum3A_995[15] : f32 from vector<16xf32>
        %broadcast_in_dim3A_997 = vector.broadcast %reduce_sum3A_996 : f32 to vector<16xf32>
        %select_n3A_998 = arith.select %eq3A_989, %broadcast_in_dim3A_997, %select_n3A_948 : vector<16xi1>, vector<16xf32>
        %add3A_999 = arith.constant 12 : i32
        %add3A_1000 = arith.addi %mul3A_399, %add3A_999 : i32
        %get3A_1001 = arith.index_cast %add3A_1000 : i32 to index
        %get3A_1002 = arith.constant 0 : index
        %get3A_1003 = tpu.vector_load %arg15[%get3A_1001, %get3A_1002] {strides = array<i32>} : memref<64x32xf32, #tpu.memory_space<vmem>>, vector<16xf32>,
        %get3A_1004 = arith.index_cast %add3A_1000 : i32 to index
        %get3A_1005 = arith.constant 16 : index
        %get3A_1006 = tpu.vector_load %arg15[%get3A_1004, %get3A_1005] {strides = array<i32>} : memref<64x32xf32, #tpu.memory_space<vmem>>, vector<16xf32>,
        %get3A_1007 = arith.index_cast %add3A_1000 : i32 to index
        %get3A_1008 = arith.constant 0 : index
        %get3A_1009 = tpu.vector_load %arg17[%get3A_1007, %get3A_1008] {strides = array<i32>} : memref<64x32xf32, #tpu.memory_space<vmem>>, vector<16xf32>,
        %get3A_1010 = arith.index_cast %add3A_1000 : i32 to index
        %get3A_1011 = arith.constant 16 : index
        %get3A_1012 = tpu.vector_load %arg17[%get3A_1010, %get3A_1011] {strides = array<i32>} : memref<64x32xf32, #tpu.memory_space<vmem>>, vector<16xf32>,
        %eq3A_1013 = arith.constant 12 : i32
        %eq3A_1014 = vector.broadcast %eq3A_1013 : i32 to vector<16xi32>
        %eq3A_1015 = arith.cmpi eq, %iota3A, %eq3A_1014 : vector<16xi32>
        %mul3A_1016 = arith.mulf %get3A_1003, %get3A_1009 : vector<16xf32>
        %mul3A_1017 = arith.mulf %get3A_1006, %get3A_1012 : vector<16xf32>
        %add3A_1018 = arith.addf %mul3A_1016, %mul3A_1017 : vector<16xf32>
        %reduce_sum3A_1019 = arith.constant true
        %reduce_sum3A_1020 = vector.broadcast %reduce_sum3A_1019 : i1 to vector<16xi1>
        %reduce_sum3A_1021 = tpu.scan <sum>, %add3A_1018 masked %reduce_sum3A_1020 : vector<16xf32>, vector<16xi1> -> vector<16xf32>
        %reduce_sum3A_1022 = vector.extract %reduce_sum3A_1021[15] : f32 from vector<16xf32>
        %broadcast_in_dim3A_1023 = vector.broadcast %reduce_sum3A_1022 : f32 to vector<16xf32>
        %select_n3A_1024 = arith.select %eq3A_1015, %broadcast_in_dim3A_1023, %select_n3A_974 : vector<16xi1>, vector<16xf32>
        %get3A_1025 = arith.index_cast %add3A_1000 : i32 to index
        %get3A_1026 = arith.constant 0 : index
        %get3A_1027 = tpu.vector_load %arg16[%get3A_1025, %get3A_1026] {strides = array<i32>} : memref<64x32xf32, #tpu.memory_space<vmem>>, vector<16xf32>,
        %get3A_1028 = arith.index_cast %add3A_1000 : i32 to index
        %get3A_1029 = arith.constant 16 : index
        %get3A_1030 = tpu.vector_load %arg16[%get3A_1028, %get3A_1029] {strides = array<i32>} : memref<64x32xf32, #tpu.memory_space<vmem>>, vector<16xf32>,
        %get3A_1031 = arith.index_cast %add3A_1000 : i32 to index
        %get3A_1032 = arith.constant 0 : index
        %get3A_1033 = tpu.vector_load %arg18[%get3A_1031, %get3A_1032] {strides = array<i32>} : memref<64x32xf32, #tpu.memory_space<vmem>>, vector<16xf32>,
        %get3A_1034 = arith.index_cast %add3A_1000 : i32 to index
        %get3A_1035 = arith.constant 16 : index
        %get3A_1036 = tpu.vector_load %arg18[%get3A_1034, %get3A_1035] {strides = array<i32>} : memref<64x32xf32, #tpu.memory_space<vmem>>, vector<16xf32>,
        %eq3A_1037 = arith.constant 12 : i32
        %eq3A_1038 = vector.broadcast %eq3A_1037 : i32 to vector<16xi32>
        %eq3A_1039 = arith.cmpi eq, %iota3A, %eq3A_1038 : vector<16xi32>
        %mul3A_1040 = arith.mulf %get3A_1027, %get3A_1033 : vector<16xf32>
        %mul3A_1041 = arith.mulf %get3A_1030, %get3A_1036 : vector<16xf32>
        %add3A_1042 = arith.addf %mul3A_1040, %mul3A_1041 : vector<16xf32>
        %reduce_sum3A_1043 = arith.constant true
        %reduce_sum3A_1044 = vector.broadcast %reduce_sum3A_1043 : i1 to vector<16xi1>
        %reduce_sum3A_1045 = tpu.scan <sum>, %add3A_1042 masked %reduce_sum3A_1044 : vector<16xf32>, vector<16xi1> -> vector<16xf32>
        %reduce_sum3A_1046 = vector.extract %reduce_sum3A_1045[15] : f32 from vector<16xf32>
        %broadcast_in_dim3A_1047 = vector.broadcast %reduce_sum3A_1046 : f32 to vector<16xf32>
        %select_n3A_1048 = arith.select %eq3A_1039, %broadcast_in_dim3A_1047, %select_n3A_998 : vector<16xi1>, vector<16xf32>
        %add3A_1049 = arith.constant 13 : i32
        %add3A_1050 = arith.addi %mul3A_399, %add3A_1049 : i32
        %get3A_1051 = arith.index_cast %add3A_1050 : i32 to index
        %get3A_1052 = arith.constant 0 : index
        %get3A_1053 = tpu.vector_load %arg15[%get3A_1051, %get3A_1052] {strides = array<i32>} : memref<64x32xf32, #tpu.memory_space<vmem>>, vector<16xf32>,
        %get3A_1054 = arith.index_cast %add3A_1050 : i32 to index
        %get3A_1055 = arith.constant 16 : index
        %get3A_1056 = tpu.vector_load %arg15[%get3A_1054, %get3A_1055] {strides = array<i32>} : memref<64x32xf32, #tpu.memory_space<vmem>>, vector<16xf32>,
        %get3A_1057 = arith.index_cast %add3A_1050 : i32 to index
        %get3A_1058 = arith.constant 0 : index
        %get3A_1059 = tpu.vector_load %arg17[%get3A_1057, %get3A_1058] {strides = array<i32>} : memref<64x32xf32, #tpu.memory_space<vmem>>, vector<16xf32>,
        %get3A_1060 = arith.index_cast %add3A_1050 : i32 to index
        %get3A_1061 = arith.constant 16 : index
        %get3A_1062 = tpu.vector_load %arg17[%get3A_1060, %get3A_1061] {strides = array<i32>} : memref<64x32xf32, #tpu.memory_space<vmem>>, vector<16xf32>,
        %eq3A_1063 = arith.constant 13 : i32
        %eq3A_1064 = vector.broadcast %eq3A_1063 : i32 to vector<16xi32>
        %eq3A_1065 = arith.cmpi eq, %iota3A, %eq3A_1064 : vector<16xi32>
        %mul3A_1066 = arith.mulf %get3A_1053, %get3A_1059 : vector<16xf32>
        %mul3A_1067 = arith.mulf %get3A_1056, %get3A_1062 : vector<16xf32>
        %add3A_1068 = arith.addf %mul3A_1066, %mul3A_1067 : vector<16xf32>
        %reduce_sum3A_1069 = arith.constant true
        %reduce_sum3A_1070 = vector.broadcast %reduce_sum3A_1069 : i1 to vector<16xi1>
        %reduce_sum3A_1071 = tpu.scan <sum>, %add3A_1068 masked %reduce_sum3A_1070 : vector<16xf32>, vector<16xi1> -> vector<16xf32>
        %reduce_sum3A_1072 = vector.extract %reduce_sum3A_1071[15] : f32 from vector<16xf32>
        %broadcast_in_dim3A_1073 = vector.broadcast %reduce_sum3A_1072 : f32 to vector<16xf32>
        %select_n3A_1074 = arith.select %eq3A_1065, %broadcast_in_dim3A_1073, %select_n3A_1024 : vector<16xi1>, vector<16xf32>
        %get3A_1075 = arith.index_cast %add3A_1050 : i32 to index
        %get3A_1076 = arith.constant 0 : index
        %get3A_1077 = tpu.vector_load %arg16[%get3A_1075, %get3A_1076] {strides = array<i32>} : memref<64x32xf32, #tpu.memory_space<vmem>>, vector<16xf32>,
        %get3A_1078 = arith.index_cast %add3A_1050 : i32 to index
        %get3A_1079 = arith.constant 16 : index
        %get3A_1080 = tpu.vector_load %arg16[%get3A_1078, %get3A_1079] {strides = array<i32>} : memref<64x32xf32, #tpu.memory_space<vmem>>, vector<16xf32>,
        %get3A_1081 = arith.index_cast %add3A_1050 : i32 to index
        %get3A_1082 = arith.constant 0 : index
        %get3A_1083 = tpu.vector_load %arg18[%get3A_1081, %get3A_1082] {strides = array<i32>} : memref<64x32xf32, #tpu.memory_space<vmem>>, vector<16xf32>,
        %get3A_1084 = arith.index_cast %add3A_1050 : i32 to index
        %get3A_1085 = arith.constant 16 : index
        %get3A_1086 = tpu.vector_load %arg18[%get3A_1084, %get3A_1085] {strides = array<i32>} : memref<64x32xf32, #tpu.memory_space<vmem>>, vector<16xf32>,
        %eq3A_1087 = arith.constant 13 : i32
        %eq3A_1088 = vector.broadcast %eq3A_1087 : i32 to vector<16xi32>
        %eq3A_1089 = arith.cmpi eq, %iota3A, %eq3A_1088 : vector<16xi32>
        %mul3A_1090 = arith.mulf %get3A_1077, %get3A_1083 : vector<16xf32>
        %mul3A_1091 = arith.mulf %get3A_1080, %get3A_1086 : vector<16xf32>
        %add3A_1092 = arith.addf %mul3A_1090, %mul3A_1091 : vector<16xf32>
        %reduce_sum3A_1093 = arith.constant true
        %reduce_sum3A_1094 = vector.broadcast %reduce_sum3A_1093 : i1 to vector<16xi1>
        %reduce_sum3A_1095 = tpu.scan <sum>, %add3A_1092 masked %reduce_sum3A_1094 : vector<16xf32>, vector<16xi1> -> vector<16xf32>
        %reduce_sum3A_1096 = vector.extract %reduce_sum3A_1095[15] : f32 from vector<16xf32>
        %broadcast_in_dim3A_1097 = vector.broadcast %reduce_sum3A_1096 : f32 to vector<16xf32>
        %select_n3A_1098 = arith.select %eq3A_1089, %broadcast_in_dim3A_1097, %select_n3A_1048 : vector<16xi1>, vector<16xf32>
        %add3A_1099 = arith.constant 14 : i32
        %add3A_1100 = arith.addi %mul3A_399, %add3A_1099 : i32
        %get3A_1101 = arith.index_cast %add3A_1100 : i32 to index
        %get3A_1102 = arith.constant 0 : index
        %get3A_1103 = tpu.vector_load %arg15[%get3A_1101, %get3A_1102] {strides = array<i32>} : memref<64x32xf32, #tpu.memory_space<vmem>>, vector<16xf32>,
        %get3A_1104 = arith.index_cast %add3A_1100 : i32 to index
        %get3A_1105 = arith.constant 16 : index
        %get3A_1106 = tpu.vector_load %arg15[%get3A_1104, %get3A_1105] {strides = array<i32>} : memref<64x32xf32, #tpu.memory_space<vmem>>, vector<16xf32>,
        %get3A_1107 = arith.index_cast %add3A_1100 : i32 to index
        %get3A_1108 = arith.constant 0 : index
        %get3A_1109 = tpu.vector_load %arg17[%get3A_1107, %get3A_1108] {strides = array<i32>} : memref<64x32xf32, #tpu.memory_space<vmem>>, vector<16xf32>,
        %get3A_1110 = arith.index_cast %add3A_1100 : i32 to index
        %get3A_1111 = arith.constant 16 : index
        %get3A_1112 = tpu.vector_load %arg17[%get3A_1110, %get3A_1111] {strides = array<i32>} : memref<64x32xf32, #tpu.memory_space<vmem>>, vector<16xf32>,
        %eq3A_1113 = arith.constant 14 : i32
        %eq3A_1114 = vector.broadcast %eq3A_1113 : i32 to vector<16xi32>
        %eq3A_1115 = arith.cmpi eq, %iota3A, %eq3A_1114 : vector<16xi32>
        %mul3A_1116 = arith.mulf %get3A_1103, %get3A_1109 : vector<16xf32>
        %mul3A_1117 = arith.mulf %get3A_1106, %get3A_1112 : vector<16xf32>
        %add3A_1118 = arith.addf %mul3A_1116, %mul3A_1117 : vector<16xf32>
        %reduce_sum3A_1119 = arith.constant true
        %reduce_sum3A_1120 = vector.broadcast %reduce_sum3A_1119 : i1 to vector<16xi1>
        %reduce_sum3A_1121 = tpu.scan <sum>, %add3A_1118 masked %reduce_sum3A_1120 : vector<16xf32>, vector<16xi1> -> vector<16xf32>
        %reduce_sum3A_1122 = vector.extract %reduce_sum3A_1121[15] : f32 from vector<16xf32>
        %broadcast_in_dim3A_1123 = vector.broadcast %reduce_sum3A_1122 : f32 to vector<16xf32>
        %select_n3A_1124 = arith.select %eq3A_1115, %broadcast_in_dim3A_1123, %select_n3A_1074 : vector<16xi1>, vector<16xf32>
        %get3A_1125 = arith.index_cast %add3A_1100 : i32 to index
        %get3A_1126 = arith.constant 0 : index
        %get3A_1127 = tpu.vector_load %arg16[%get3A_1125, %get3A_1126] {strides = array<i32>} : memref<64x32xf32, #tpu.memory_space<vmem>>, vector<16xf32>,
        %get3A_1128 = arith.index_cast %add3A_1100 : i32 to index
        %get3A_1129 = arith.constant 16 : index
        %get3A_1130 = tpu.vector_load %arg16[%get3A_1128, %get3A_1129] {strides = array<i32>} : memref<64x32xf32, #tpu.memory_space<vmem>>, vector<16xf32>,
        %get3A_1131 = arith.index_cast %add3A_1100 : i32 to index
        %get3A_1132 = arith.constant 0 : index
        %get3A_1133 = tpu.vector_load %arg18[%get3A_1131, %get3A_1132] {strides = array<i32>} : memref<64x32xf32, #tpu.memory_space<vmem>>, vector<16xf32>,
        %get3A_1134 = arith.index_cast %add3A_1100 : i32 to index
        %get3A_1135 = arith.constant 16 : index
        %get3A_1136 = tpu.vector_load %arg18[%get3A_1134, %get3A_1135] {strides = array<i32>} : memref<64x32xf32, #tpu.memory_space<vmem>>, vector<16xf32>,
        %eq3A_1137 = arith.constant 14 : i32
        %eq3A_1138 = vector.broadcast %eq3A_1137 : i32 to vector<16xi32>
        %eq3A_1139 = arith.cmpi eq, %iota3A, %eq3A_1138 : vector<16xi32>
        %mul3A_1140 = arith.mulf %get3A_1127, %get3A_1133 : vector<16xf32>
        %mul3A_1141 = arith.mulf %get3A_1130, %get3A_1136 : vector<16xf32>
        %add3A_1142 = arith.addf %mul3A_1140, %mul3A_1141 : vector<16xf32>
        %reduce_sum3A_1143 = arith.constant true
        %reduce_sum3A_1144 = vector.broadcast %reduce_sum3A_1143 : i1 to vector<16xi1>
        %reduce_sum3A_1145 = tpu.scan <sum>, %add3A_1142 masked %reduce_sum3A_1144 : vector<16xf32>, vector<16xi1> -> vector<16xf32>
        %reduce_sum3A_1146 = vector.extract %reduce_sum3A_1145[15] : f32 from vector<16xf32>
        %broadcast_in_dim3A_1147 = vector.broadcast %reduce_sum3A_1146 : f32 to vector<16xf32>
        %select_n3A_1148 = arith.select %eq3A_1139, %broadcast_in_dim3A_1147, %select_n3A_1098 : vector<16xi1>, vector<16xf32>
        %add3A_1149 = arith.constant 15 : i32
        %add3A_1150 = arith.addi %mul3A_399, %add3A_1149 : i32
        %get3A_1151 = arith.index_cast %add3A_1150 : i32 to index
        %get3A_1152 = arith.constant 0 : index
        %get3A_1153 = tpu.vector_load %arg15[%get3A_1151, %get3A_1152] {strides = array<i32>} : memref<64x32xf32, #tpu.memory_space<vmem>>, vector<16xf32>,
        %get3A_1154 = arith.index_cast %add3A_1150 : i32 to index
        %get3A_1155 = arith.constant 16 : index
        %get3A_1156 = tpu.vector_load %arg15[%get3A_1154, %get3A_1155] {strides = array<i32>} : memref<64x32xf32, #tpu.memory_space<vmem>>, vector<16xf32>,
        %get3A_1157 = arith.index_cast %add3A_1150 : i32 to index
        %get3A_1158 = arith.constant 0 : index
        %get3A_1159 = tpu.vector_load %arg17[%get3A_1157, %get3A_1158] {strides = array<i32>} : memref<64x32xf32, #tpu.memory_space<vmem>>, vector<16xf32>,
        %get3A_1160 = arith.index_cast %add3A_1150 : i32 to index
        %get3A_1161 = arith.constant 16 : index
        %get3A_1162 = tpu.vector_load %arg17[%get3A_1160, %get3A_1161] {strides = array<i32>} : memref<64x32xf32, #tpu.memory_space<vmem>>, vector<16xf32>,
        %eq3A_1163 = arith.constant 15 : i32
        %eq3A_1164 = vector.broadcast %eq3A_1163 : i32 to vector<16xi32>
        %eq3A_1165 = arith.cmpi eq, %iota3A, %eq3A_1164 : vector<16xi32>
        %mul3A_1166 = arith.mulf %get3A_1153, %get3A_1159 : vector<16xf32>
        %mul3A_1167 = arith.mulf %get3A_1156, %get3A_1162 : vector<16xf32>
        %add3A_1168 = arith.addf %mul3A_1166, %mul3A_1167 : vector<16xf32>
        %reduce_sum3A_1169 = arith.constant true
        %reduce_sum3A_1170 = vector.broadcast %reduce_sum3A_1169 : i1 to vector<16xi1>
        %reduce_sum3A_1171 = tpu.scan <sum>, %add3A_1168 masked %reduce_sum3A_1170 : vector<16xf32>, vector<16xi1> -> vector<16xf32>
        %reduce_sum3A_1172 = vector.extract %reduce_sum3A_1171[15] : f32 from vector<16xf32>
        %broadcast_in_dim3A_1173 = vector.broadcast %reduce_sum3A_1172 : f32 to vector<16xf32>
        %select_n3A_1174 = arith.select %eq3A_1165, %broadcast_in_dim3A_1173, %select_n3A_1124 : vector<16xi1>, vector<16xf32>
        %get3A_1175 = arith.index_cast %add3A_1150 : i32 to index
        %get3A_1176 = arith.constant 0 : index
        %get3A_1177 = tpu.vector_load %arg16[%get3A_1175, %get3A_1176] {strides = array<i32>} : memref<64x32xf32, #tpu.memory_space<vmem>>, vector<16xf32>,
        %get3A_1178 = arith.index_cast %add3A_1150 : i32 to index
        %get3A_1179 = arith.constant 16 : index
        %get3A_1180 = tpu.vector_load %arg16[%get3A_1178, %get3A_1179] {strides = array<i32>} : memref<64x32xf32, #tpu.memory_space<vmem>>, vector<16xf32>,
        %get3A_1181 = arith.index_cast %add3A_1150 : i32 to index
        %get3A_1182 = arith.constant 0 : index
        %get3A_1183 = tpu.vector_load %arg18[%get3A_1181, %get3A_1182] {strides = array<i32>} : memref<64x32xf32, #tpu.memory_space<vmem>>, vector<16xf32>,
        %get3A_1184 = arith.index_cast %add3A_1150 : i32 to index
        %get3A_1185 = arith.constant 16 : index
        %get3A_1186 = tpu.vector_load %arg18[%get3A_1184, %get3A_1185] {strides = array<i32>} : memref<64x32xf32, #tpu.memory_space<vmem>>, vector<16xf32>,
        %eq3A_1187 = arith.constant 15 : i32
        %eq3A_1188 = vector.broadcast %eq3A_1187 : i32 to vector<16xi32>
        %eq3A_1189 = arith.cmpi eq, %iota3A, %eq3A_1188 : vector<16xi32>
        %mul3A_1190 = arith.mulf %get3A_1177, %get3A_1183 : vector<16xf32>
        %mul3A_1191 = arith.mulf %get3A_1180, %get3A_1186 : vector<16xf32>
        %add3A_1192 = arith.addf %mul3A_1190, %mul3A_1191 : vector<16xf32>
        %reduce_sum3A_1193 = arith.constant true
        %reduce_sum3A_1194 = vector.broadcast %reduce_sum3A_1193 : i1 to vector<16xi1>
        %reduce_sum3A_1195 = tpu.scan <sum>, %add3A_1192 masked %reduce_sum3A_1194 : vector<16xf32>, vector<16xi1> -> vector<16xf32>
        %reduce_sum3A_1196 = vector.extract %reduce_sum3A_1195[15] : f32 from vector<16xf32>
        %broadcast_in_dim3A_1197 = vector.broadcast %reduce_sum3A_1196 : f32 to vector<16xf32>
        %select_n3A_1198 = arith.select %eq3A_1189, %broadcast_in_dim3A_1197, %select_n3A_1148 : vector<16xi1>, vector<16xf32>
        %swap3A = arith.index_cast %mul3A_399 : i32 to index
        %swap3A_1199 = tpu.vector_load %arg21[%swap3A] {strides = array<i32>} : memref<64xf32, #tpu.memory_space<vmem>>, vector<16xf32>,
        tpu.vector_store %arg21[%swap3A], %select_n3A_1174 {strides = array<i32>} : memref<64xf32, #tpu.memory_space<vmem>>, vector<16xf32>,
        %swap3A_1200 = arith.index_cast %mul3A_399 : i32 to index
        %swap3A_1201 = tpu.vector_load %arg22[%swap3A_1200] {strides = array<i32>} : memref<64xf32, #tpu.memory_space<vmem>>, vector<16xf32>,
        tpu.vector_store %arg22[%swap3A_1200], %select_n3A_1198 {strides = array<i32>} : memref<64xf32, #tpu.memory_space<vmem>>, vector<16xf32>,
      }
      %scan3A_386 = arith.constant 4 : i32
      %scan3A_387 = arith.constant 0 : i32
      %scan3A_388 = arith.constant 0 : i32
      %scan3A_389 = arith.constant 64 : i32
      %scan3A_390 = arith.addi %scan3A_388, %scan3A_389 : i32
      %scan3A_391 = arith.constant 1 : i32
      scf.for %scan3A_397 = %scan3A_388 to %scan3A_390 step %scan3A_391  : i32 {
        %get3A = arith.index_cast %scan3A_397 : i32 to index
        %get3A_398 = arith.constant 0 : index
        %get3A_399 = tpu.vector_load %arg15[%get3A, %get3A_398] {strides = array<i32>} : memref<64x32xf32, #tpu.memory_space<vmem>>, vector<16xf32>,
        %get3A_400 = arith.index_cast %scan3A_397 : i32 to index
        %get3A_401 = arith.constant 16 : index
        %get3A_402 = tpu.vector_load %arg15[%get3A_400, %get3A_401] {strides = array<i32>} : memref<64x32xf32, #tpu.memory_space<vmem>>, vector<16xf32>,
        %get3A_403 = arith.index_cast %scan3A_397 : i32 to index
        %get3A_404 = arith.constant 0 : index
        %get3A_405 = tpu.vector_load %arg16[%get3A_403, %get3A_404] {strides = array<i32>} : memref<64x32xf32, #tpu.memory_space<vmem>>, vector<16xf32>,
        %get3A_406 = arith.index_cast %scan3A_397 : i32 to index
        %get3A_407 = arith.constant 16 : index
        %get3A_408 = tpu.vector_load %arg16[%get3A_406, %get3A_407] {strides = array<i32>} : memref<64x32xf32, #tpu.memory_space<vmem>>, vector<16xf32>,
        %broadcast_in_dim3A = arith.constant 0.000000e+00 : f32
        %broadcast_in_dim3A_409 = vector.broadcast %broadcast_in_dim3A : f32 to vector<16xf32>
        %broadcast_in_dim3A_410 = arith.constant 0.000000e+00 : f32
        %broadcast_in_dim3A_411 = vector.broadcast %broadcast_in_dim3A_410 : f32 to vector<16xf32>
        %broadcast_in_dim3A_412 = arith.constant 0.000000e+00 : f32
        %broadcast_in_dim3A_413 = vector.broadcast %broadcast_in_dim3A_412 : f32 to vector<16xf32>
        %broadcast_in_dim3A_414 = arith.constant 0.000000e+00 : f32
        %broadcast_in_dim3A_415 = vector.broadcast %broadcast_in_dim3A_414 : f32 to vector<16xf32>
        %mul3A_416 = arith.constant 20 : i32
        %mul3A_417 = arith.muli %scan3A_397, %mul3A_416 : i32
        %add3A_418 = arith.constant 0 : i32
        %add3A_419 = arith.addi %mul3A_417, %add3A_418 : i32
        %get3A_420 = arith.index_cast %add3A_419 : i32 to index
        %get3A_421 = arith.constant 0 : index
        %get3A_422 = tpu.vector_load %arg19[%get3A_420, %get3A_421] {strides = array<i32>} : memref<1280x32xf32, #tpu.memory_space<vmem>>, vector<16xf32>,
        %add3A_423 = arith.constant 0 : i32
        %add3A_424 = arith.addi %mul3A_417, %add3A_423 : i32
        %get3A_425 = arith.index_cast %add3A_424 : i32 to index
        %get3A_426 = arith.constant 16 : index
        %get3A_427 = tpu.vector_load %arg19[%get3A_425, %get3A_426] {strides = array<i32>} : memref<1280x32xf32, #tpu.memory_space<vmem>>, vector<16xf32>,
        %mul3A_428 = arith.mulf %get3A_399, %get3A_422 : vector<16xf32>
        %mul3A_429 = arith.mulf %get3A_402, %get3A_427 : vector<16xf32>
        %add3A_430 = arith.addf %mul3A_428, %mul3A_429 : vector<16xf32>
        %reduce_sum3A = arith.constant true
        %reduce_sum3A_431 = vector.broadcast %reduce_sum3A : i1 to vector<16xi1>
        %reduce_sum3A_432 = tpu.scan <sum>, %add3A_430 masked %reduce_sum3A_431 : vector<16xf32>, vector<16xi1> -> vector<16xf32>
        %reduce_sum3A_433 = vector.extract %reduce_sum3A_432[15] : f32 from vector<16xf32>
        %add3A_434 = arith.constant 0 : i32
        %add3A_435 = arith.addi %mul3A_417, %add3A_434 : i32
        %get3A_436 = arith.index_cast %add3A_435 : i32 to index
        %get3A_437 = arith.constant 0 : index
        %get3A_438 = tpu.vector_load %arg20[%get3A_436, %get3A_437] {strides = array<i32>} : memref<1280x32xf32, #tpu.memory_space<vmem>>, vector<16xf32>,
        %add3A_439 = arith.constant 0 : i32
        %add3A_440 = arith.addi %mul3A_417, %add3A_439 : i32
        %get3A_441 = arith.index_cast %add3A_440 : i32 to index
        %get3A_442 = arith.constant 16 : index
        %get3A_443 = tpu.vector_load %arg20[%get3A_441, %get3A_442] {strides = array<i32>} : memref<1280x32xf32, #tpu.memory_space<vmem>>, vector<16xf32>,
        %mul3A_444 = arith.mulf %get3A_405, %get3A_438 : vector<16xf32>
        %mul3A_445 = arith.mulf %get3A_408, %get3A_443 : vector<16xf32>
        %add3A_446 = arith.addf %mul3A_444, %mul3A_445 : vector<16xf32>
        %reduce_sum3A_447 = arith.constant true
        %reduce_sum3A_448 = vector.broadcast %reduce_sum3A_447 : i1 to vector<16xi1>
        %reduce_sum3A_449 = tpu.scan <sum>, %add3A_446 masked %reduce_sum3A_448 : vector<16xf32>, vector<16xi1> -> vector<16xf32>
        %reduce_sum3A_450 = vector.extract %reduce_sum3A_449[15] : f32 from vector<16xf32>
        %eq3A = arith.constant 0 : i32
        %eq3A_451 = vector.broadcast %eq3A : i32 to vector<16xi32>
        %eq3A_452 = arith.cmpi eq, %iota3A, %eq3A_451 : vector<16xi32>
        %broadcast_in_dim3A_453 = vector.broadcast %reduce_sum3A_433 : f32 to vector<16xf32>
        %select_n3A = arith.select %eq3A_452, %broadcast_in_dim3A_453, %broadcast_in_dim3A_409 : vector<16xi1>, vector<16xf32>
        %eq3A_454 = arith.constant 0 : i32
        %eq3A_455 = vector.broadcast %eq3A_454 : i32 to vector<16xi32>
        %eq3A_456 = arith.cmpi eq, %iota3A, %eq3A_455 : vector<16xi32>
        %broadcast_in_dim3A_457 = vector.broadcast %reduce_sum3A_450 : f32 to vector<16xf32>
        %select_n3A_458 = arith.select %eq3A_456, %broadcast_in_dim3A_457, %broadcast_in_dim3A_413 : vector<16xi1>, vector<16xf32>
        %add3A_459 = arith.constant 1 : i32
        %add3A_460 = arith.addi %mul3A_417, %add3A_459 : i32
        %get3A_461 = arith.index_cast %add3A_460 : i32 to index
        %get3A_462 = arith.constant 0 : index
        %get3A_463 = tpu.vector_load %arg19[%get3A_461, %get3A_462] {strides = array<i32>} : memref<1280x32xf32, #tpu.memory_space<vmem>>, vector<16xf32>,
        %add3A_464 = arith.constant 1 : i32
        %add3A_465 = arith.addi %mul3A_417, %add3A_464 : i32
        %get3A_466 = arith.index_cast %add3A_465 : i32 to index
        %get3A_467 = arith.constant 16 : index
        %get3A_468 = tpu.vector_load %arg19[%get3A_466, %get3A_467] {strides = array<i32>} : memref<1280x32xf32, #tpu.memory_space<vmem>>, vector<16xf32>,
        %mul3A_469 = arith.mulf %get3A_399, %get3A_463 : vector<16xf32>
        %mul3A_470 = arith.mulf %get3A_402, %get3A_468 : vector<16xf32>
        %add3A_471 = arith.addf %mul3A_469, %mul3A_470 : vector<16xf32>
        %reduce_sum3A_472 = arith.constant true
        %reduce_sum3A_473 = vector.broadcast %reduce_sum3A_472 : i1 to vector<16xi1>
        %reduce_sum3A_474 = tpu.scan <sum>, %add3A_471 masked %reduce_sum3A_473 : vector<16xf32>, vector<16xi1> -> vector<16xf32>
        %reduce_sum3A_475 = vector.extract %reduce_sum3A_474[15] : f32 from vector<16xf32>
        %add3A_476 = arith.constant 1 : i32
        %add3A_477 = arith.addi %mul3A_417, %add3A_476 : i32
        %get3A_478 = arith.index_cast %add3A_477 : i32 to index
        %get3A_479 = arith.constant 0 : index
        %get3A_480 = tpu.vector_load %arg20[%get3A_478, %get3A_479] {strides = array<i32>} : memref<1280x32xf32, #tpu.memory_space<vmem>>, vector<16xf32>,
        %add3A_481 = arith.constant 1 : i32
        %add3A_482 = arith.addi %mul3A_417, %add3A_481 : i32
        %get3A_483 = arith.index_cast %add3A_482 : i32 to index
        %get3A_484 = arith.constant 16 : index
        %get3A_485 = tpu.vector_load %arg20[%get3A_483, %get3A_484] {strides = array<i32>} : memref<1280x32xf32, #tpu.memory_space<vmem>>, vector<16xf32>,
        %mul3A_486 = arith.mulf %get3A_405, %get3A_480 : vector<16xf32>
        %mul3A_487 = arith.mulf %get3A_408, %get3A_485 : vector<16xf32>
        %add3A_488 = arith.addf %mul3A_486, %mul3A_487 : vector<16xf32>
        %reduce_sum3A_489 = arith.constant true
        %reduce_sum3A_490 = vector.broadcast %reduce_sum3A_489 : i1 to vector<16xi1>
        %reduce_sum3A_491 = tpu.scan <sum>, %add3A_488 masked %reduce_sum3A_490 : vector<16xf32>, vector<16xi1> -> vector<16xf32>
        %reduce_sum3A_492 = vector.extract %reduce_sum3A_491[15] : f32 from vector<16xf32>
        %eq3A_493 = arith.constant 1 : i32
        %eq3A_494 = vector.broadcast %eq3A_493 : i32 to vector<16xi32>
        %eq3A_495 = arith.cmpi eq, %iota3A, %eq3A_494 : vector<16xi32>
        %broadcast_in_dim3A_496 = vector.broadcast %reduce_sum3A_475 : f32 to vector<16xf32>
        %select_n3A_497 = arith.select %eq3A_495, %broadcast_in_dim3A_496, %select_n3A : vector<16xi1>, vector<16xf32>
        %eq3A_498 = arith.constant 1 : i32
        %eq3A_499 = vector.broadcast %eq3A_498 : i32 to vector<16xi32>
        %eq3A_500 = arith.cmpi eq, %iota3A, %eq3A_499 : vector<16xi32>
        %broadcast_in_dim3A_501 = vector.broadcast %reduce_sum3A_492 : f32 to vector<16xf32>
        %select_n3A_502 = arith.select %eq3A_500, %broadcast_in_dim3A_501, %select_n3A_458 : vector<16xi1>, vector<16xf32>
        %add3A_503 = arith.constant 2 : i32
        %add3A_504 = arith.addi %mul3A_417, %add3A_503 : i32
        %get3A_505 = arith.index_cast %add3A_504 : i32 to index
        %get3A_506 = arith.constant 0 : index
        %get3A_507 = tpu.vector_load %arg19[%get3A_505, %get3A_506] {strides = array<i32>} : memref<1280x32xf32, #tpu.memory_space<vmem>>, vector<16xf32>,
        %add3A_508 = arith.constant 2 : i32
        %add3A_509 = arith.addi %mul3A_417, %add3A_508 : i32
        %get3A_510 = arith.index_cast %add3A_509 : i32 to index
        %get3A_511 = arith.constant 16 : index
        %get3A_512 = tpu.vector_load %arg19[%get3A_510, %get3A_511] {strides = array<i32>} : memref<1280x32xf32, #tpu.memory_space<vmem>>, vector<16xf32>,
        %mul3A_513 = arith.mulf %get3A_399, %get3A_507 : vector<16xf32>
        %mul3A_514 = arith.mulf %get3A_402, %get3A_512 : vector<16xf32>
        %add3A_515 = arith.addf %mul3A_513, %mul3A_514 : vector<16xf32>
        %reduce_sum3A_516 = arith.constant true
        %reduce_sum3A_517 = vector.broadcast %reduce_sum3A_516 : i1 to vector<16xi1>
        %reduce_sum3A_518 = tpu.scan <sum>, %add3A_515 masked %reduce_sum3A_517 : vector<16xf32>, vector<16xi1> -> vector<16xf32>
        %reduce_sum3A_519 = vector.extract %reduce_sum3A_518[15] : f32 from vector<16xf32>
        %add3A_520 = arith.constant 2 : i32
        %add3A_521 = arith.addi %mul3A_417, %add3A_520 : i32
        %get3A_522 = arith.index_cast %add3A_521 : i32 to index
        %get3A_523 = arith.constant 0 : index
        %get3A_524 = tpu.vector_load %arg20[%get3A_522, %get3A_523] {strides = array<i32>} : memref<1280x32xf32, #tpu.memory_space<vmem>>, vector<16xf32>,
        %add3A_525 = arith.constant 2 : i32
        %add3A_526 = arith.addi %mul3A_417, %add3A_525 : i32
        %get3A_527 = arith.index_cast %add3A_526 : i32 to index
        %get3A_528 = arith.constant 16 : index
        %get3A_529 = tpu.vector_load %arg20[%get3A_527, %get3A_528] {strides = array<i32>} : memref<1280x32xf32, #tpu.memory_space<vmem>>, vector<16xf32>,
        %mul3A_530 = arith.mulf %get3A_405, %get3A_524 : vector<16xf32>
        %mul3A_531 = arith.mulf %get3A_408, %get3A_529 : vector<16xf32>
        %add3A_532 = arith.addf %mul3A_530, %mul3A_531 : vector<16xf32>
        %reduce_sum3A_533 = arith.constant true
        %reduce_sum3A_534 = vector.broadcast %reduce_sum3A_533 : i1 to vector<16xi1>
        %reduce_sum3A_535 = tpu.scan <sum>, %add3A_532 masked %reduce_sum3A_534 : vector<16xf32>, vector<16xi1> -> vector<16xf32>
        %reduce_sum3A_536 = vector.extract %reduce_sum3A_535[15] : f32 from vector<16xf32>
        %eq3A_537 = arith.constant 2 : i32
        %eq3A_538 = vector.broadcast %eq3A_537 : i32 to vector<16xi32>
        %eq3A_539 = arith.cmpi eq, %iota3A, %eq3A_538 : vector<16xi32>
        %broadcast_in_dim3A_540 = vector.broadcast %reduce_sum3A_519 : f32 to vector<16xf32>
        %select_n3A_541 = arith.select %eq3A_539, %broadcast_in_dim3A_540, %select_n3A_497 : vector<16xi1>, vector<16xf32>
        %eq3A_542 = arith.constant 2 : i32
        %eq3A_543 = vector.broadcast %eq3A_542 : i32 to vector<16xi32>
        %eq3A_544 = arith.cmpi eq, %iota3A, %eq3A_543 : vector<16xi32>
        %broadcast_in_dim3A_545 = vector.broadcast %reduce_sum3A_536 : f32 to vector<16xf32>
        %select_n3A_546 = arith.select %eq3A_544, %broadcast_in_dim3A_545, %select_n3A_502 : vector<16xi1>, vector<16xf32>
        %add3A_547 = arith.constant 3 : i32
        %add3A_548 = arith.addi %mul3A_417, %add3A_547 : i32
        %get3A_549 = arith.index_cast %add3A_548 : i32 to index
        %get3A_550 = arith.constant 0 : index
        %get3A_551 = tpu.vector_load %arg19[%get3A_549, %get3A_550] {strides = array<i32>} : memref<1280x32xf32, #tpu.memory_space<vmem>>, vector<16xf32>,
        %add3A_552 = arith.constant 3 : i32
        %add3A_553 = arith.addi %mul3A_417, %add3A_552 : i32
        %get3A_554 = arith.index_cast %add3A_553 : i32 to index
        %get3A_555 = arith.constant 16 : index
        %get3A_556 = tpu.vector_load %arg19[%get3A_554, %get3A_555] {strides = array<i32>} : memref<1280x32xf32, #tpu.memory_space<vmem>>, vector<16xf32>,
        %mul3A_557 = arith.mulf %get3A_399, %get3A_551 : vector<16xf32>
        %mul3A_558 = arith.mulf %get3A_402, %get3A_556 : vector<16xf32>
        %add3A_559 = arith.addf %mul3A_557, %mul3A_558 : vector<16xf32>
        %reduce_sum3A_560 = arith.constant true
        %reduce_sum3A_561 = vector.broadcast %reduce_sum3A_560 : i1 to vector<16xi1>
        %reduce_sum3A_562 = tpu.scan <sum>, %add3A_559 masked %reduce_sum3A_561 : vector<16xf32>, vector<16xi1> -> vector<16xf32>
        %reduce_sum3A_563 = vector.extract %reduce_sum3A_562[15] : f32 from vector<16xf32>
        %add3A_564 = arith.constant 3 : i32
        %add3A_565 = arith.addi %mul3A_417, %add3A_564 : i32
        %get3A_566 = arith.index_cast %add3A_565 : i32 to index
        %get3A_567 = arith.constant 0 : index
        %get3A_568 = tpu.vector_load %arg20[%get3A_566, %get3A_567] {strides = array<i32>} : memref<1280x32xf32, #tpu.memory_space<vmem>>, vector<16xf32>,
        %add3A_569 = arith.constant 3 : i32
        %add3A_570 = arith.addi %mul3A_417, %add3A_569 : i32
        %get3A_571 = arith.index_cast %add3A_570 : i32 to index
        %get3A_572 = arith.constant 16 : index
        %get3A_573 = tpu.vector_load %arg20[%get3A_571, %get3A_572] {strides = array<i32>} : memref<1280x32xf32, #tpu.memory_space<vmem>>, vector<16xf32>,
        %mul3A_574 = arith.mulf %get3A_405, %get3A_568 : vector<16xf32>
        %mul3A_575 = arith.mulf %get3A_408, %get3A_573 : vector<16xf32>
        %add3A_576 = arith.addf %mul3A_574, %mul3A_575 : vector<16xf32>
        %reduce_sum3A_577 = arith.constant true
        %reduce_sum3A_578 = vector.broadcast %reduce_sum3A_577 : i1 to vector<16xi1>
        %reduce_sum3A_579 = tpu.scan <sum>, %add3A_576 masked %reduce_sum3A_578 : vector<16xf32>, vector<16xi1> -> vector<16xf32>
        %reduce_sum3A_580 = vector.extract %reduce_sum3A_579[15] : f32 from vector<16xf32>
        %eq3A_581 = arith.constant 3 : i32
        %eq3A_582 = vector.broadcast %eq3A_581 : i32 to vector<16xi32>
        %eq3A_583 = arith.cmpi eq, %iota3A, %eq3A_582 : vector<16xi32>
        %broadcast_in_dim3A_584 = vector.broadcast %reduce_sum3A_563 : f32 to vector<16xf32>
        %select_n3A_585 = arith.select %eq3A_583, %broadcast_in_dim3A_584, %select_n3A_541 : vector<16xi1>, vector<16xf32>
        %eq3A_586 = arith.constant 3 : i32
        %eq3A_587 = vector.broadcast %eq3A_586 : i32 to vector<16xi32>
        %eq3A_588 = arith.cmpi eq, %iota3A, %eq3A_587 : vector<16xi32>
        %broadcast_in_dim3A_589 = vector.broadcast %reduce_sum3A_580 : f32 to vector<16xf32>
        %select_n3A_590 = arith.select %eq3A_588, %broadcast_in_dim3A_589, %select_n3A_546 : vector<16xi1>, vector<16xf32>
        %add3A_591 = arith.constant 4 : i32
        %add3A_592 = arith.addi %mul3A_417, %add3A_591 : i32
        %get3A_593 = arith.index_cast %add3A_592 : i32 to index
        %get3A_594 = arith.constant 0 : index
        %get3A_595 = tpu.vector_load %arg19[%get3A_593, %get3A_594] {strides = array<i32>} : memref<1280x32xf32, #tpu.memory_space<vmem>>, vector<16xf32>,
        %add3A_596 = arith.constant 4 : i32
        %add3A_597 = arith.addi %mul3A_417, %add3A_596 : i32
        %get3A_598 = arith.index_cast %add3A_597 : i32 to index
        %get3A_599 = arith.constant 16 : index
        %get3A_600 = tpu.vector_load %arg19[%get3A_598, %get3A_599] {strides = array<i32>} : memref<1280x32xf32, #tpu.memory_space<vmem>>, vector<16xf32>,
        %mul3A_601 = arith.mulf %get3A_399, %get3A_595 : vector<16xf32>
        %mul3A_602 = arith.mulf %get3A_402, %get3A_600 : vector<16xf32>
        %add3A_603 = arith.addf %mul3A_601, %mul3A_602 : vector<16xf32>
        %reduce_sum3A_604 = arith.constant true
        %reduce_sum3A_605 = vector.broadcast %reduce_sum3A_604 : i1 to vector<16xi1>
        %reduce_sum3A_606 = tpu.scan <sum>, %add3A_603 masked %reduce_sum3A_605 : vector<16xf32>, vector<16xi1> -> vector<16xf32>
        %reduce_sum3A_607 = vector.extract %reduce_sum3A_606[15] : f32 from vector<16xf32>
        %add3A_608 = arith.constant 4 : i32
        %add3A_609 = arith.addi %mul3A_417, %add3A_608 : i32
        %get3A_610 = arith.index_cast %add3A_609 : i32 to index
        %get3A_611 = arith.constant 0 : index
        %get3A_612 = tpu.vector_load %arg20[%get3A_610, %get3A_611] {strides = array<i32>} : memref<1280x32xf32, #tpu.memory_space<vmem>>, vector<16xf32>,
        %add3A_613 = arith.constant 4 : i32
        %add3A_614 = arith.addi %mul3A_417, %add3A_613 : i32
        %get3A_615 = arith.index_cast %add3A_614 : i32 to index
        %get3A_616 = arith.constant 16 : index
        %get3A_617 = tpu.vector_load %arg20[%get3A_615, %get3A_616] {strides = array<i32>} : memref<1280x32xf32, #tpu.memory_space<vmem>>, vector<16xf32>,
        %mul3A_618 = arith.mulf %get3A_405, %get3A_612 : vector<16xf32>
        %mul3A_619 = arith.mulf %get3A_408, %get3A_617 : vector<16xf32>
        %add3A_620 = arith.addf %mul3A_618, %mul3A_619 : vector<16xf32>
        %reduce_sum3A_621 = arith.constant true
        %reduce_sum3A_622 = vector.broadcast %reduce_sum3A_621 : i1 to vector<16xi1>
        %reduce_sum3A_623 = tpu.scan <sum>, %add3A_620 masked %reduce_sum3A_622 : vector<16xf32>, vector<16xi1> -> vector<16xf32>
        %reduce_sum3A_624 = vector.extract %reduce_sum3A_623[15] : f32 from vector<16xf32>
        %eq3A_625 = arith.constant 4 : i32
        %eq3A_626 = vector.broadcast %eq3A_625 : i32 to vector<16xi32>
        %eq3A_627 = arith.cmpi eq, %iota3A, %eq3A_626 : vector<16xi32>
        %broadcast_in_dim3A_628 = vector.broadcast %reduce_sum3A_607 : f32 to vector<16xf32>
        %select_n3A_629 = arith.select %eq3A_627, %broadcast_in_dim3A_628, %select_n3A_585 : vector<16xi1>, vector<16xf32>
        %eq3A_630 = arith.constant 4 : i32
        %eq3A_631 = vector.broadcast %eq3A_630 : i32 to vector<16xi32>
        %eq3A_632 = arith.cmpi eq, %iota3A, %eq3A_631 : vector<16xi32>
        %broadcast_in_dim3A_633 = vector.broadcast %reduce_sum3A_624 : f32 to vector<16xf32>
        %select_n3A_634 = arith.select %eq3A_632, %broadcast_in_dim3A_633, %select_n3A_590 : vector<16xi1>, vector<16xf32>
        %add3A_635 = arith.constant 5 : i32
        %add3A_636 = arith.addi %mul3A_417, %add3A_635 : i32
        %get3A_637 = arith.index_cast %add3A_636 : i32 to index
        %get3A_638 = arith.constant 0 : index
        %get3A_639 = tpu.vector_load %arg19[%get3A_637, %get3A_638] {strides = array<i32>} : memref<1280x32xf32, #tpu.memory_space<vmem>>, vector<16xf32>,
        %add3A_640 = arith.constant 5 : i32
        %add3A_641 = arith.addi %mul3A_417, %add3A_640 : i32
        %get3A_642 = arith.index_cast %add3A_641 : i32 to index
        %get3A_643 = arith.constant 16 : index
        %get3A_644 = tpu.vector_load %arg19[%get3A_642, %get3A_643] {strides = array<i32>} : memref<1280x32xf32, #tpu.memory_space<vmem>>, vector<16xf32>,
        %mul3A_645 = arith.mulf %get3A_399, %get3A_639 : vector<16xf32>
        %mul3A_646 = arith.mulf %get3A_402, %get3A_644 : vector<16xf32>
        %add3A_647 = arith.addf %mul3A_645, %mul3A_646 : vector<16xf32>
        %reduce_sum3A_648 = arith.constant true
        %reduce_sum3A_649 = vector.broadcast %reduce_sum3A_648 : i1 to vector<16xi1>
        %reduce_sum3A_650 = tpu.scan <sum>, %add3A_647 masked %reduce_sum3A_649 : vector<16xf32>, vector<16xi1> -> vector<16xf32>
        %reduce_sum3A_651 = vector.extract %reduce_sum3A_650[15] : f32 from vector<16xf32>
        %add3A_652 = arith.constant 5 : i32
        %add3A_653 = arith.addi %mul3A_417, %add3A_652 : i32
        %get3A_654 = arith.index_cast %add3A_653 : i32 to index
        %get3A_655 = arith.constant 0 : index
        %get3A_656 = tpu.vector_load %arg20[%get3A_654, %get3A_655] {strides = array<i32>} : memref<1280x32xf32, #tpu.memory_space<vmem>>, vector<16xf32>,
        %add3A_657 = arith.constant 5 : i32
        %add3A_658 = arith.addi %mul3A_417, %add3A_657 : i32
        %get3A_659 = arith.index_cast %add3A_658 : i32 to index
        %get3A_660 = arith.constant 16 : index
        %get3A_661 = tpu.vector_load %arg20[%get3A_659, %get3A_660] {strides = array<i32>} : memref<1280x32xf32, #tpu.memory_space<vmem>>, vector<16xf32>,
        %mul3A_662 = arith.mulf %get3A_405, %get3A_656 : vector<16xf32>
        %mul3A_663 = arith.mulf %get3A_408, %get3A_661 : vector<16xf32>
        %add3A_664 = arith.addf %mul3A_662, %mul3A_663 : vector<16xf32>
        %reduce_sum3A_665 = arith.constant true
        %reduce_sum3A_666 = vector.broadcast %reduce_sum3A_665 : i1 to vector<16xi1>
        %reduce_sum3A_667 = tpu.scan <sum>, %add3A_664 masked %reduce_sum3A_666 : vector<16xf32>, vector<16xi1> -> vector<16xf32>
        %reduce_sum3A_668 = vector.extract %reduce_sum3A_667[15] : f32 from vector<16xf32>
        %eq3A_669 = arith.constant 5 : i32
        %eq3A_670 = vector.broadcast %eq3A_669 : i32 to vector<16xi32>
        %eq3A_671 = arith.cmpi eq, %iota3A, %eq3A_670 : vector<16xi32>
        %broadcast_in_dim3A_672 = vector.broadcast %reduce_sum3A_651 : f32 to vector<16xf32>
        %select_n3A_673 = arith.select %eq3A_671, %broadcast_in_dim3A_672, %select_n3A_629 : vector<16xi1>, vector<16xf32>
        %eq3A_674 = arith.constant 5 : i32
        %eq3A_675 = vector.broadcast %eq3A_674 : i32 to vector<16xi32>
        %eq3A_676 = arith.cmpi eq, %iota3A, %eq3A_675 : vector<16xi32>
        %broadcast_in_dim3A_677 = vector.broadcast %reduce_sum3A_668 : f32 to vector<16xf32>
        %select_n3A_678 = arith.select %eq3A_676, %broadcast_in_dim3A_677, %select_n3A_634 : vector<16xi1>, vector<16xf32>
        %add3A_679 = arith.constant 6 : i32
        %add3A_680 = arith.addi %mul3A_417, %add3A_679 : i32
        %get3A_681 = arith.index_cast %add3A_680 : i32 to index
        %get3A_682 = arith.constant 0 : index
        %get3A_683 = tpu.vector_load %arg19[%get3A_681, %get3A_682] {strides = array<i32>} : memref<1280x32xf32, #tpu.memory_space<vmem>>, vector<16xf32>,
        %add3A_684 = arith.constant 6 : i32
        %add3A_685 = arith.addi %mul3A_417, %add3A_684 : i32
        %get3A_686 = arith.index_cast %add3A_685 : i32 to index
        %get3A_687 = arith.constant 16 : index
        %get3A_688 = tpu.vector_load %arg19[%get3A_686, %get3A_687] {strides = array<i32>} : memref<1280x32xf32, #tpu.memory_space<vmem>>, vector<16xf32>,
        %mul3A_689 = arith.mulf %get3A_399, %get3A_683 : vector<16xf32>
        %mul3A_690 = arith.mulf %get3A_402, %get3A_688 : vector<16xf32>
        %add3A_691 = arith.addf %mul3A_689, %mul3A_690 : vector<16xf32>
        %reduce_sum3A_692 = arith.constant true
        %reduce_sum3A_693 = vector.broadcast %reduce_sum3A_692 : i1 to vector<16xi1>
        %reduce_sum3A_694 = tpu.scan <sum>, %add3A_691 masked %reduce_sum3A_693 : vector<16xf32>, vector<16xi1> -> vector<16xf32>
        %reduce_sum3A_695 = vector.extract %reduce_sum3A_694[15] : f32 from vector<16xf32>
        %add3A_696 = arith.constant 6 : i32
        %add3A_697 = arith.addi %mul3A_417, %add3A_696 : i32
        %get3A_698 = arith.index_cast %add3A_697 : i32 to index
        %get3A_699 = arith.constant 0 : index
        %get3A_700 = tpu.vector_load %arg20[%get3A_698, %get3A_699] {strides = array<i32>} : memref<1280x32xf32, #tpu.memory_space<vmem>>, vector<16xf32>,
        %add3A_701 = arith.constant 6 : i32
        %add3A_702 = arith.addi %mul3A_417, %add3A_701 : i32
        %get3A_703 = arith.index_cast %add3A_702 : i32 to index
        %get3A_704 = arith.constant 16 : index
        %get3A_705 = tpu.vector_load %arg20[%get3A_703, %get3A_704] {strides = array<i32>} : memref<1280x32xf32, #tpu.memory_space<vmem>>, vector<16xf32>,
        %mul3A_706 = arith.mulf %get3A_405, %get3A_700 : vector<16xf32>
        %mul3A_707 = arith.mulf %get3A_408, %get3A_705 : vector<16xf32>
        %add3A_708 = arith.addf %mul3A_706, %mul3A_707 : vector<16xf32>
        %reduce_sum3A_709 = arith.constant true
        %reduce_sum3A_710 = vector.broadcast %reduce_sum3A_709 : i1 to vector<16xi1>
        %reduce_sum3A_711 = tpu.scan <sum>, %add3A_708 masked %reduce_sum3A_710 : vector<16xf32>, vector<16xi1> -> vector<16xf32>
        %reduce_sum3A_712 = vector.extract %reduce_sum3A_711[15] : f32 from vector<16xf32>
        %eq3A_713 = arith.constant 6 : i32
        %eq3A_714 = vector.broadcast %eq3A_713 : i32 to vector<16xi32>
        %eq3A_715 = arith.cmpi eq, %iota3A, %eq3A_714 : vector<16xi32>
        %broadcast_in_dim3A_716 = vector.broadcast %reduce_sum3A_695 : f32 to vector<16xf32>
        %select_n3A_717 = arith.select %eq3A_715, %broadcast_in_dim3A_716, %select_n3A_673 : vector<16xi1>, vector<16xf32>
        %eq3A_718 = arith.constant 6 : i32
        %eq3A_719 = vector.broadcast %eq3A_718 : i32 to vector<16xi32>
        %eq3A_720 = arith.cmpi eq, %iota3A, %eq3A_719 : vector<16xi32>
        %broadcast_in_dim3A_721 = vector.broadcast %reduce_sum3A_712 : f32 to vector<16xf32>
        %select_n3A_722 = arith.select %eq3A_720, %broadcast_in_dim3A_721, %select_n3A_678 : vector<16xi1>, vector<16xf32>
        %add3A_723 = arith.constant 7 : i32
        %add3A_724 = arith.addi %mul3A_417, %add3A_723 : i32
        %get3A_725 = arith.index_cast %add3A_724 : i32 to index
        %get3A_726 = arith.constant 0 : index
        %get3A_727 = tpu.vector_load %arg19[%get3A_725, %get3A_726] {strides = array<i32>} : memref<1280x32xf32, #tpu.memory_space<vmem>>, vector<16xf32>,
        %add3A_728 = arith.constant 7 : i32
        %add3A_729 = arith.addi %mul3A_417, %add3A_728 : i32
        %get3A_730 = arith.index_cast %add3A_729 : i32 to index
        %get3A_731 = arith.constant 16 : index
        %get3A_732 = tpu.vector_load %arg19[%get3A_730, %get3A_731] {strides = array<i32>} : memref<1280x32xf32, #tpu.memory_space<vmem>>, vector<16xf32>,
        %mul3A_733 = arith.mulf %get3A_399, %get3A_727 : vector<16xf32>
        %mul3A_734 = arith.mulf %get3A_402, %get3A_732 : vector<16xf32>
        %add3A_735 = arith.addf %mul3A_733, %mul3A_734 : vector<16xf32>
        %reduce_sum3A_736 = arith.constant true
        %reduce_sum3A_737 = vector.broadcast %reduce_sum3A_736 : i1 to vector<16xi1>
        %reduce_sum3A_738 = tpu.scan <sum>, %add3A_735 masked %reduce_sum3A_737 : vector<16xf32>, vector<16xi1> -> vector<16xf32>
        %reduce_sum3A_739 = vector.extract %reduce_sum3A_738[15] : f32 from vector<16xf32>
        %add3A_740 = arith.constant 7 : i32
        %add3A_741 = arith.addi %mul3A_417, %add3A_740 : i32
        %get3A_742 = arith.index_cast %add3A_741 : i32 to index
        %get3A_743 = arith.constant 0 : index
        %get3A_744 = tpu.vector_load %arg20[%get3A_742, %get3A_743] {strides = array<i32>} : memref<1280x32xf32, #tpu.memory_space<vmem>>, vector<16xf32>,
        %add3A_745 = arith.constant 7 : i32
        %add3A_746 = arith.addi %mul3A_417, %add3A_745 : i32
        %get3A_747 = arith.index_cast %add3A_746 : i32 to index
        %get3A_748 = arith.constant 16 : index
        %get3A_749 = tpu.vector_load %arg20[%get3A_747, %get3A_748] {strides = array<i32>} : memref<1280x32xf32, #tpu.memory_space<vmem>>, vector<16xf32>,
        %mul3A_750 = arith.mulf %get3A_405, %get3A_744 : vector<16xf32>
        %mul3A_751 = arith.mulf %get3A_408, %get3A_749 : vector<16xf32>
        %add3A_752 = arith.addf %mul3A_750, %mul3A_751 : vector<16xf32>
        %reduce_sum3A_753 = arith.constant true
        %reduce_sum3A_754 = vector.broadcast %reduce_sum3A_753 : i1 to vector<16xi1>
        %reduce_sum3A_755 = tpu.scan <sum>, %add3A_752 masked %reduce_sum3A_754 : vector<16xf32>, vector<16xi1> -> vector<16xf32>
        %reduce_sum3A_756 = vector.extract %reduce_sum3A_755[15] : f32 from vector<16xf32>
        %eq3A_757 = arith.constant 7 : i32
        %eq3A_758 = vector.broadcast %eq3A_757 : i32 to vector<16xi32>
        %eq3A_759 = arith.cmpi eq, %iota3A, %eq3A_758 : vector<16xi32>
        %broadcast_in_dim3A_760 = vector.broadcast %reduce_sum3A_739 : f32 to vector<16xf32>
        %select_n3A_761 = arith.select %eq3A_759, %broadcast_in_dim3A_760, %select_n3A_717 : vector<16xi1>, vector<16xf32>
        %eq3A_762 = arith.constant 7 : i32
        %eq3A_763 = vector.broadcast %eq3A_762 : i32 to vector<16xi32>
        %eq3A_764 = arith.cmpi eq, %iota3A, %eq3A_763 : vector<16xi32>
        %broadcast_in_dim3A_765 = vector.broadcast %reduce_sum3A_756 : f32 to vector<16xf32>
        %select_n3A_766 = arith.select %eq3A_764, %broadcast_in_dim3A_765, %select_n3A_722 : vector<16xi1>, vector<16xf32>
        %add3A_767 = arith.constant 8 : i32
        %add3A_768 = arith.addi %mul3A_417, %add3A_767 : i32
        %get3A_769 = arith.index_cast %add3A_768 : i32 to index
        %get3A_770 = arith.constant 0 : index
        %get3A_771 = tpu.vector_load %arg19[%get3A_769, %get3A_770] {strides = array<i32>} : memref<1280x32xf32, #tpu.memory_space<vmem>>, vector<16xf32>,
        %add3A_772 = arith.constant 8 : i32
        %add3A_773 = arith.addi %mul3A_417, %add3A_772 : i32
        %get3A_774 = arith.index_cast %add3A_773 : i32 to index
        %get3A_775 = arith.constant 16 : index
        %get3A_776 = tpu.vector_load %arg19[%get3A_774, %get3A_775] {strides = array<i32>} : memref<1280x32xf32, #tpu.memory_space<vmem>>, vector<16xf32>,
        %mul3A_777 = arith.mulf %get3A_399, %get3A_771 : vector<16xf32>
        %mul3A_778 = arith.mulf %get3A_402, %get3A_776 : vector<16xf32>
        %add3A_779 = arith.addf %mul3A_777, %mul3A_778 : vector<16xf32>
        %reduce_sum3A_780 = arith.constant true
        %reduce_sum3A_781 = vector.broadcast %reduce_sum3A_780 : i1 to vector<16xi1>
        %reduce_sum3A_782 = tpu.scan <sum>, %add3A_779 masked %reduce_sum3A_781 : vector<16xf32>, vector<16xi1> -> vector<16xf32>
        %reduce_sum3A_783 = vector.extract %reduce_sum3A_782[15] : f32 from vector<16xf32>
        %add3A_784 = arith.constant 8 : i32
        %add3A_785 = arith.addi %mul3A_417, %add3A_784 : i32
        %get3A_786 = arith.index_cast %add3A_785 : i32 to index
        %get3A_787 = arith.constant 0 : index
        %get3A_788 = tpu.vector_load %arg20[%get3A_786, %get3A_787] {strides = array<i32>} : memref<1280x32xf32, #tpu.memory_space<vmem>>, vector<16xf32>,
        %add3A_789 = arith.constant 8 : i32
        %add3A_790 = arith.addi %mul3A_417, %add3A_789 : i32
        %get3A_791 = arith.index_cast %add3A_790 : i32 to index
        %get3A_792 = arith.constant 16 : index
        %get3A_793 = tpu.vector_load %arg20[%get3A_791, %get3A_792] {strides = array<i32>} : memref<1280x32xf32, #tpu.memory_space<vmem>>, vector<16xf32>,
        %mul3A_794 = arith.mulf %get3A_405, %get3A_788 : vector<16xf32>
        %mul3A_795 = arith.mulf %get3A_408, %get3A_793 : vector<16xf32>
        %add3A_796 = arith.addf %mul3A_794, %mul3A_795 : vector<16xf32>
        %reduce_sum3A_797 = arith.constant true
        %reduce_sum3A_798 = vector.broadcast %reduce_sum3A_797 : i1 to vector<16xi1>
        %reduce_sum3A_799 = tpu.scan <sum>, %add3A_796 masked %reduce_sum3A_798 : vector<16xf32>, vector<16xi1> -> vector<16xf32>
        %reduce_sum3A_800 = vector.extract %reduce_sum3A_799[15] : f32 from vector<16xf32>
        %eq3A_801 = arith.constant 8 : i32
        %eq3A_802 = vector.broadcast %eq3A_801 : i32 to vector<16xi32>
        %eq3A_803 = arith.cmpi eq, %iota3A, %eq3A_802 : vector<16xi32>
        %broadcast_in_dim3A_804 = vector.broadcast %reduce_sum3A_783 : f32 to vector<16xf32>
        %select_n3A_805 = arith.select %eq3A_803, %broadcast_in_dim3A_804, %select_n3A_761 : vector<16xi1>, vector<16xf32>
        %eq3A_806 = arith.constant 8 : i32
        %eq3A_807 = vector.broadcast %eq3A_806 : i32 to vector<16xi32>
        %eq3A_808 = arith.cmpi eq, %iota3A, %eq3A_807 : vector<16xi32>
        %broadcast_in_dim3A_809 = vector.broadcast %reduce_sum3A_800 : f32 to vector<16xf32>
        %select_n3A_810 = arith.select %eq3A_808, %broadcast_in_dim3A_809, %select_n3A_766 : vector<16xi1>, vector<16xf32>
        %add3A_811 = arith.constant 9 : i32
        %add3A_812 = arith.addi %mul3A_417, %add3A_811 : i32
        %get3A_813 = arith.index_cast %add3A_812 : i32 to index
        %get3A_814 = arith.constant 0 : index
        %get3A_815 = tpu.vector_load %arg19[%get3A_813, %get3A_814] {strides = array<i32>} : memref<1280x32xf32, #tpu.memory_space<vmem>>, vector<16xf32>,
        %add3A_816 = arith.constant 9 : i32
        %add3A_817 = arith.addi %mul3A_417, %add3A_816 : i32
        %get3A_818 = arith.index_cast %add3A_817 : i32 to index
        %get3A_819 = arith.constant 16 : index
        %get3A_820 = tpu.vector_load %arg19[%get3A_818, %get3A_819] {strides = array<i32>} : memref<1280x32xf32, #tpu.memory_space<vmem>>, vector<16xf32>,
        %mul3A_821 = arith.mulf %get3A_399, %get3A_815 : vector<16xf32>
        %mul3A_822 = arith.mulf %get3A_402, %get3A_820 : vector<16xf32>
        %add3A_823 = arith.addf %mul3A_821, %mul3A_822 : vector<16xf32>
        %reduce_sum3A_824 = arith.constant true
        %reduce_sum3A_825 = vector.broadcast %reduce_sum3A_824 : i1 to vector<16xi1>
        %reduce_sum3A_826 = tpu.scan <sum>, %add3A_823 masked %reduce_sum3A_825 : vector<16xf32>, vector<16xi1> -> vector<16xf32>
        %reduce_sum3A_827 = vector.extract %reduce_sum3A_826[15] : f32 from vector<16xf32>
        %add3A_828 = arith.constant 9 : i32
        %add3A_829 = arith.addi %mul3A_417, %add3A_828 : i32
        %get3A_830 = arith.index_cast %add3A_829 : i32 to index
        %get3A_831 = arith.constant 0 : index
        %get3A_832 = tpu.vector_load %arg20[%get3A_830, %get3A_831] {strides = array<i32>} : memref<1280x32xf32, #tpu.memory_space<vmem>>, vector<16xf32>,
        %add3A_833 = arith.constant 9 : i32
        %add3A_834 = arith.addi %mul3A_417, %add3A_833 : i32
        %get3A_835 = arith.index_cast %add3A_834 : i32 to index
        %get3A_836 = arith.constant 16 : index
        %get3A_837 = tpu.vector_load %arg20[%get3A_835, %get3A_836] {strides = array<i32>} : memref<1280x32xf32, #tpu.memory_space<vmem>>, vector<16xf32>,
        %mul3A_838 = arith.mulf %get3A_405, %get3A_832 : vector<16xf32>
        %mul3A_839 = arith.mulf %get3A_408, %get3A_837 : vector<16xf32>
        %add3A_840 = arith.addf %mul3A_838, %mul3A_839 : vector<16xf32>
        %reduce_sum3A_841 = arith.constant true
        %reduce_sum3A_842 = vector.broadcast %reduce_sum3A_841 : i1 to vector<16xi1>
        %reduce_sum3A_843 = tpu.scan <sum>, %add3A_840 masked %reduce_sum3A_842 : vector<16xf32>, vector<16xi1> -> vector<16xf32>
        %reduce_sum3A_844 = vector.extract %reduce_sum3A_843[15] : f32 from vector<16xf32>
        %eq3A_845 = arith.constant 9 : i32
        %eq3A_846 = vector.broadcast %eq3A_845 : i32 to vector<16xi32>
        %eq3A_847 = arith.cmpi eq, %iota3A, %eq3A_846 : vector<16xi32>
        %broadcast_in_dim3A_848 = vector.broadcast %reduce_sum3A_827 : f32 to vector<16xf32>
        %select_n3A_849 = arith.select %eq3A_847, %broadcast_in_dim3A_848, %select_n3A_805 : vector<16xi1>, vector<16xf32>
        %eq3A_850 = arith.constant 9 : i32
        %eq3A_851 = vector.broadcast %eq3A_850 : i32 to vector<16xi32>
        %eq3A_852 = arith.cmpi eq, %iota3A, %eq3A_851 : vector<16xi32>
        %broadcast_in_dim3A_853 = vector.broadcast %reduce_sum3A_844 : f32 to vector<16xf32>
        %select_n3A_854 = arith.select %eq3A_852, %broadcast_in_dim3A_853, %select_n3A_810 : vector<16xi1>, vector<16xf32>
        %add3A_855 = arith.constant 10 : i32
        %add3A_856 = arith.addi %mul3A_417, %add3A_855 : i32
        %get3A_857 = arith.index_cast %add3A_856 : i32 to index
        %get3A_858 = arith.constant 0 : index
        %get3A_859 = tpu.vector_load %arg19[%get3A_857, %get3A_858] {strides = array<i32>} : memref<1280x32xf32, #tpu.memory_space<vmem>>, vector<16xf32>,
        %add3A_860 = arith.constant 10 : i32
        %add3A_861 = arith.addi %mul3A_417, %add3A_860 : i32
        %get3A_862 = arith.index_cast %add3A_861 : i32 to index
        %get3A_863 = arith.constant 16 : index
        %get3A_864 = tpu.vector_load %arg19[%get3A_862, %get3A_863] {strides = array<i32>} : memref<1280x32xf32, #tpu.memory_space<vmem>>, vector<16xf32>,
        %mul3A_865 = arith.mulf %get3A_399, %get3A_859 : vector<16xf32>
        %mul3A_866 = arith.mulf %get3A_402, %get3A_864 : vector<16xf32>
        %add3A_867 = arith.addf %mul3A_865, %mul3A_866 : vector<16xf32>
        %reduce_sum3A_868 = arith.constant true
        %reduce_sum3A_869 = vector.broadcast %reduce_sum3A_868 : i1 to vector<16xi1>
        %reduce_sum3A_870 = tpu.scan <sum>, %add3A_867 masked %reduce_sum3A_869 : vector<16xf32>, vector<16xi1> -> vector<16xf32>
        %reduce_sum3A_871 = vector.extract %reduce_sum3A_870[15] : f32 from vector<16xf32>
        %add3A_872 = arith.constant 10 : i32
        %add3A_873 = arith.addi %mul3A_417, %add3A_872 : i32
        %get3A_874 = arith.index_cast %add3A_873 : i32 to index
        %get3A_875 = arith.constant 0 : index
        %get3A_876 = tpu.vector_load %arg20[%get3A_874, %get3A_875] {strides = array<i32>} : memref<1280x32xf32, #tpu.memory_space<vmem>>, vector<16xf32>,
        %add3A_877 = arith.constant 10 : i32
        %add3A_878 = arith.addi %mul3A_417, %add3A_877 : i32
        %get3A_879 = arith.index_cast %add3A_878 : i32 to index
        %get3A_880 = arith.constant 16 : index
        %get3A_881 = tpu.vector_load %arg20[%get3A_879, %get3A_880] {strides = array<i32>} : memref<1280x32xf32, #tpu.memory_space<vmem>>, vector<16xf32>,
        %mul3A_882 = arith.mulf %get3A_405, %get3A_876 : vector<16xf32>
        %mul3A_883 = arith.mulf %get3A_408, %get3A_881 : vector<16xf32>
        %add3A_884 = arith.addf %mul3A_882, %mul3A_883 : vector<16xf32>
        %reduce_sum3A_885 = arith.constant true
        %reduce_sum3A_886 = vector.broadcast %reduce_sum3A_885 : i1 to vector<16xi1>
        %reduce_sum3A_887 = tpu.scan <sum>, %add3A_884 masked %reduce_sum3A_886 : vector<16xf32>, vector<16xi1> -> vector<16xf32>
        %reduce_sum3A_888 = vector.extract %reduce_sum3A_887[15] : f32 from vector<16xf32>
        %eq3A_889 = arith.constant 10 : i32
        %eq3A_890 = vector.broadcast %eq3A_889 : i32 to vector<16xi32>
        %eq3A_891 = arith.cmpi eq, %iota3A, %eq3A_890 : vector<16xi32>
        %broadcast_in_dim3A_892 = vector.broadcast %reduce_sum3A_871 : f32 to vector<16xf32>
        %select_n3A_893 = arith.select %eq3A_891, %broadcast_in_dim3A_892, %select_n3A_849 : vector<16xi1>, vector<16xf32>
        %eq3A_894 = arith.constant 10 : i32
        %eq3A_895 = vector.broadcast %eq3A_894 : i32 to vector<16xi32>
        %eq3A_896 = arith.cmpi eq, %iota3A, %eq3A_895 : vector<16xi32>
        %broadcast_in_dim3A_897 = vector.broadcast %reduce_sum3A_888 : f32 to vector<16xf32>
        %select_n3A_898 = arith.select %eq3A_896, %broadcast_in_dim3A_897, %select_n3A_854 : vector<16xi1>, vector<16xf32>
        %add3A_899 = arith.constant 11 : i32
        %add3A_900 = arith.addi %mul3A_417, %add3A_899 : i32
        %get3A_901 = arith.index_cast %add3A_900 : i32 to index
        %get3A_902 = arith.constant 0 : index
        %get3A_903 = tpu.vector_load %arg19[%get3A_901, %get3A_902] {strides = array<i32>} : memref<1280x32xf32, #tpu.memory_space<vmem>>, vector<16xf32>,
        %add3A_904 = arith.constant 11 : i32
        %add3A_905 = arith.addi %mul3A_417, %add3A_904 : i32
        %get3A_906 = arith.index_cast %add3A_905 : i32 to index
        %get3A_907 = arith.constant 16 : index
        %get3A_908 = tpu.vector_load %arg19[%get3A_906, %get3A_907] {strides = array<i32>} : memref<1280x32xf32, #tpu.memory_space<vmem>>, vector<16xf32>,
        %mul3A_909 = arith.mulf %get3A_399, %get3A_903 : vector<16xf32>
        %mul3A_910 = arith.mulf %get3A_402, %get3A_908 : vector<16xf32>
        %add3A_911 = arith.addf %mul3A_909, %mul3A_910 : vector<16xf32>
        %reduce_sum3A_912 = arith.constant true
        %reduce_sum3A_913 = vector.broadcast %reduce_sum3A_912 : i1 to vector<16xi1>
        %reduce_sum3A_914 = tpu.scan <sum>, %add3A_911 masked %reduce_sum3A_913 : vector<16xf32>, vector<16xi1> -> vector<16xf32>
        %reduce_sum3A_915 = vector.extract %reduce_sum3A_914[15] : f32 from vector<16xf32>
        %add3A_916 = arith.constant 11 : i32
        %add3A_917 = arith.addi %mul3A_417, %add3A_916 : i32
        %get3A_918 = arith.index_cast %add3A_917 : i32 to index
        %get3A_919 = arith.constant 0 : index
        %get3A_920 = tpu.vector_load %arg20[%get3A_918, %get3A_919] {strides = array<i32>} : memref<1280x32xf32, #tpu.memory_space<vmem>>, vector<16xf32>,
        %add3A_921 = arith.constant 11 : i32
        %add3A_922 = arith.addi %mul3A_417, %add3A_921 : i32
        %get3A_923 = arith.index_cast %add3A_922 : i32 to index
        %get3A_924 = arith.constant 16 : index
        %get3A_925 = tpu.vector_load %arg20[%get3A_923, %get3A_924] {strides = array<i32>} : memref<1280x32xf32, #tpu.memory_space<vmem>>, vector<16xf32>,
        %mul3A_926 = arith.mulf %get3A_405, %get3A_920 : vector<16xf32>
        %mul3A_927 = arith.mulf %get3A_408, %get3A_925 : vector<16xf32>
        %add3A_928 = arith.addf %mul3A_926, %mul3A_927 : vector<16xf32>
        %reduce_sum3A_929 = arith.constant true
        %reduce_sum3A_930 = vector.broadcast %reduce_sum3A_929 : i1 to vector<16xi1>
        %reduce_sum3A_931 = tpu.scan <sum>, %add3A_928 masked %reduce_sum3A_930 : vector<16xf32>, vector<16xi1> -> vector<16xf32>
        %reduce_sum3A_932 = vector.extract %reduce_sum3A_931[15] : f32 from vector<16xf32>
        %eq3A_933 = arith.constant 11 : i32
        %eq3A_934 = vector.broadcast %eq3A_933 : i32 to vector<16xi32>
        %eq3A_935 = arith.cmpi eq, %iota3A, %eq3A_934 : vector<16xi32>
        %broadcast_in_dim3A_936 = vector.broadcast %reduce_sum3A_915 : f32 to vector<16xf32>
        %select_n3A_937 = arith.select %eq3A_935, %broadcast_in_dim3A_936, %select_n3A_893 : vector<16xi1>, vector<16xf32>
        %eq3A_938 = arith.constant 11 : i32
        %eq3A_939 = vector.broadcast %eq3A_938 : i32 to vector<16xi32>
        %eq3A_940 = arith.cmpi eq, %iota3A, %eq3A_939 : vector<16xi32>
        %broadcast_in_dim3A_941 = vector.broadcast %reduce_sum3A_932 : f32 to vector<16xf32>
        %select_n3A_942 = arith.select %eq3A_940, %broadcast_in_dim3A_941, %select_n3A_898 : vector<16xi1>, vector<16xf32>
        %add3A_943 = arith.constant 12 : i32
        %add3A_944 = arith.addi %mul3A_417, %add3A_943 : i32
        %get3A_945 = arith.index_cast %add3A_944 : i32 to index
        %get3A_946 = arith.constant 0 : index
        %get3A_947 = tpu.vector_load %arg19[%get3A_945, %get3A_946] {strides = array<i32>} : memref<1280x32xf32, #tpu.memory_space<vmem>>, vector<16xf32>,
        %add3A_948 = arith.constant 12 : i32
        %add3A_949 = arith.addi %mul3A_417, %add3A_948 : i32
        %get3A_950 = arith.index_cast %add3A_949 : i32 to index
        %get3A_951 = arith.constant 16 : index
        %get3A_952 = tpu.vector_load %arg19[%get3A_950, %get3A_951] {strides = array<i32>} : memref<1280x32xf32, #tpu.memory_space<vmem>>, vector<16xf32>,
        %mul3A_953 = arith.mulf %get3A_399, %get3A_947 : vector<16xf32>
        %mul3A_954 = arith.mulf %get3A_402, %get3A_952 : vector<16xf32>
        %add3A_955 = arith.addf %mul3A_953, %mul3A_954 : vector<16xf32>
        %reduce_sum3A_956 = arith.constant true
        %reduce_sum3A_957 = vector.broadcast %reduce_sum3A_956 : i1 to vector<16xi1>
        %reduce_sum3A_958 = tpu.scan <sum>, %add3A_955 masked %reduce_sum3A_957 : vector<16xf32>, vector<16xi1> -> vector<16xf32>
        %reduce_sum3A_959 = vector.extract %reduce_sum3A_958[15] : f32 from vector<16xf32>
        %add3A_960 = arith.constant 12 : i32
        %add3A_961 = arith.addi %mul3A_417, %add3A_960 : i32
        %get3A_962 = arith.index_cast %add3A_961 : i32 to index
        %get3A_963 = arith.constant 0 : index
        %get3A_964 = tpu.vector_load %arg20[%get3A_962, %get3A_963] {strides = array<i32>} : memref<1280x32xf32, #tpu.memory_space<vmem>>, vector<16xf32>,
        %add3A_965 = arith.constant 12 : i32
        %add3A_966 = arith.addi %mul3A_417, %add3A_965 : i32
        %get3A_967 = arith.index_cast %add3A_966 : i32 to index
        %get3A_968 = arith.constant 16 : index
        %get3A_969 = tpu.vector_load %arg20[%get3A_967, %get3A_968] {strides = array<i32>} : memref<1280x32xf32, #tpu.memory_space<vmem>>, vector<16xf32>,
        %mul3A_970 = arith.mulf %get3A_405, %get3A_964 : vector<16xf32>
        %mul3A_971 = arith.mulf %get3A_408, %get3A_969 : vector<16xf32>
        %add3A_972 = arith.addf %mul3A_970, %mul3A_971 : vector<16xf32>
        %reduce_sum3A_973 = arith.constant true
        %reduce_sum3A_974 = vector.broadcast %reduce_sum3A_973 : i1 to vector<16xi1>
        %reduce_sum3A_975 = tpu.scan <sum>, %add3A_972 masked %reduce_sum3A_974 : vector<16xf32>, vector<16xi1> -> vector<16xf32>
        %reduce_sum3A_976 = vector.extract %reduce_sum3A_975[15] : f32 from vector<16xf32>
        %eq3A_977 = arith.constant 12 : i32
        %eq3A_978 = vector.broadcast %eq3A_977 : i32 to vector<16xi32>
        %eq3A_979 = arith.cmpi eq, %iota3A, %eq3A_978 : vector<16xi32>
        %broadcast_in_dim3A_980 = vector.broadcast %reduce_sum3A_959 : f32 to vector<16xf32>
        %select_n3A_981 = arith.select %eq3A_979, %broadcast_in_dim3A_980, %select_n3A_937 : vector<16xi1>, vector<16xf32>
        %eq3A_982 = arith.constant 12 : i32
        %eq3A_983 = vector.broadcast %eq3A_982 : i32 to vector<16xi32>
        %eq3A_984 = arith.cmpi eq, %iota3A, %eq3A_983 : vector<16xi32>
        %broadcast_in_dim3A_985 = vector.broadcast %reduce_sum3A_976 : f32 to vector<16xf32>
        %select_n3A_986 = arith.select %eq3A_984, %broadcast_in_dim3A_985, %select_n3A_942 : vector<16xi1>, vector<16xf32>
        %add3A_987 = arith.constant 13 : i32
        %add3A_988 = arith.addi %mul3A_417, %add3A_987 : i32
        %get3A_989 = arith.index_cast %add3A_988 : i32 to index
        %get3A_990 = arith.constant 0 : index
        %get3A_991 = tpu.vector_load %arg19[%get3A_989, %get3A_990] {strides = array<i32>} : memref<1280x32xf32, #tpu.memory_space<vmem>>, vector<16xf32>,
        %add3A_992 = arith.constant 13 : i32
        %add3A_993 = arith.addi %mul3A_417, %add3A_992 : i32
        %get3A_994 = arith.index_cast %add3A_993 : i32 to index
        %get3A_995 = arith.constant 16 : index
        %get3A_996 = tpu.vector_load %arg19[%get3A_994, %get3A_995] {strides = array<i32>} : memref<1280x32xf32, #tpu.memory_space<vmem>>, vector<16xf32>,
        %mul3A_997 = arith.mulf %get3A_399, %get3A_991 : vector<16xf32>
        %mul3A_998 = arith.mulf %get3A_402, %get3A_996 : vector<16xf32>
        %add3A_999 = arith.addf %mul3A_997, %mul3A_998 : vector<16xf32>
        %reduce_sum3A_1000 = arith.constant true
        %reduce_sum3A_1001 = vector.broadcast %reduce_sum3A_1000 : i1 to vector<16xi1>
        %reduce_sum3A_1002 = tpu.scan <sum>, %add3A_999 masked %reduce_sum3A_1001 : vector<16xf32>, vector<16xi1> -> vector<16xf32>
        %reduce_sum3A_1003 = vector.extract %reduce_sum3A_1002[15] : f32 from vector<16xf32>
        %add3A_1004 = arith.constant 13 : i32
        %add3A_1005 = arith.addi %mul3A_417, %add3A_1004 : i32
        %get3A_1006 = arith.index_cast %add3A_1005 : i32 to index
        %get3A_1007 = arith.constant 0 : index
        %get3A_1008 = tpu.vector_load %arg20[%get3A_1006, %get3A_1007] {strides = array<i32>} : memref<1280x32xf32, #tpu.memory_space<vmem>>, vector<16xf32>,
        %add3A_1009 = arith.constant 13 : i32
        %add3A_1010 = arith.addi %mul3A_417, %add3A_1009 : i32
        %get3A_1011 = arith.index_cast %add3A_1010 : i32 to index
        %get3A_1012 = arith.constant 16 : index
        %get3A_1013 = tpu.vector_load %arg20[%get3A_1011, %get3A_1012] {strides = array<i32>} : memref<1280x32xf32, #tpu.memory_space<vmem>>, vector<16xf32>,
        %mul3A_1014 = arith.mulf %get3A_405, %get3A_1008 : vector<16xf32>
        %mul3A_1015 = arith.mulf %get3A_408, %get3A_1013 : vector<16xf32>
        %add3A_1016 = arith.addf %mul3A_1014, %mul3A_1015 : vector<16xf32>
        %reduce_sum3A_1017 = arith.constant true
        %reduce_sum3A_1018 = vector.broadcast %reduce_sum3A_1017 : i1 to vector<16xi1>
        %reduce_sum3A_1019 = tpu.scan <sum>, %add3A_1016 masked %reduce_sum3A_1018 : vector<16xf32>, vector<16xi1> -> vector<16xf32>
        %reduce_sum3A_1020 = vector.extract %reduce_sum3A_1019[15] : f32 from vector<16xf32>
        %eq3A_1021 = arith.constant 13 : i32
        %eq3A_1022 = vector.broadcast %eq3A_1021 : i32 to vector<16xi32>
        %eq3A_1023 = arith.cmpi eq, %iota3A, %eq3A_1022 : vector<16xi32>
        %broadcast_in_dim3A_1024 = vector.broadcast %reduce_sum3A_1003 : f32 to vector<16xf32>
        %select_n3A_1025 = arith.select %eq3A_1023, %broadcast_in_dim3A_1024, %select_n3A_981 : vector<16xi1>, vector<16xf32>
        %eq3A_1026 = arith.constant 13 : i32
        %eq3A_1027 = vector.broadcast %eq3A_1026 : i32 to vector<16xi32>
        %eq3A_1028 = arith.cmpi eq, %iota3A, %eq3A_1027 : vector<16xi32>
        %broadcast_in_dim3A_1029 = vector.broadcast %reduce_sum3A_1020 : f32 to vector<16xf32>
        %select_n3A_1030 = arith.select %eq3A_1028, %broadcast_in_dim3A_1029, %select_n3A_986 : vector<16xi1>, vector<16xf32>
        %add3A_1031 = arith.constant 14 : i32
        %add3A_1032 = arith.addi %mul3A_417, %add3A_1031 : i32
        %get3A_1033 = arith.index_cast %add3A_1032 : i32 to index
        %get3A_1034 = arith.constant 0 : index
        %get3A_1035 = tpu.vector_load %arg19[%get3A_1033, %get3A_1034] {strides = array<i32>} : memref<1280x32xf32, #tpu.memory_space<vmem>>, vector<16xf32>,
        %add3A_1036 = arith.constant 14 : i32
        %add3A_1037 = arith.addi %mul3A_417, %add3A_1036 : i32
        %get3A_1038 = arith.index_cast %add3A_1037 : i32 to index
        %get3A_1039 = arith.constant 16 : index
        %get3A_1040 = tpu.vector_load %arg19[%get3A_1038, %get3A_1039] {strides = array<i32>} : memref<1280x32xf32, #tpu.memory_space<vmem>>, vector<16xf32>,
        %mul3A_1041 = arith.mulf %get3A_399, %get3A_1035 : vector<16xf32>
        %mul3A_1042 = arith.mulf %get3A_402, %get3A_1040 : vector<16xf32>
        %add3A_1043 = arith.addf %mul3A_1041, %mul3A_1042 : vector<16xf32>
        %reduce_sum3A_1044 = arith.constant true
        %reduce_sum3A_1045 = vector.broadcast %reduce_sum3A_1044 : i1 to vector<16xi1>
        %reduce_sum3A_1046 = tpu.scan <sum>, %add3A_1043 masked %reduce_sum3A_1045 : vector<16xf32>, vector<16xi1> -> vector<16xf32>
        %reduce_sum3A_1047 = vector.extract %reduce_sum3A_1046[15] : f32 from vector<16xf32>
        %add3A_1048 = arith.constant 14 : i32
        %add3A_1049 = arith.addi %mul3A_417, %add3A_1048 : i32
        %get3A_1050 = arith.index_cast %add3A_1049 : i32 to index
        %get3A_1051 = arith.constant 0 : index
        %get3A_1052 = tpu.vector_load %arg20[%get3A_1050, %get3A_1051] {strides = array<i32>} : memref<1280x32xf32, #tpu.memory_space<vmem>>, vector<16xf32>,
        %add3A_1053 = arith.constant 14 : i32
        %add3A_1054 = arith.addi %mul3A_417, %add3A_1053 : i32
        %get3A_1055 = arith.index_cast %add3A_1054 : i32 to index
        %get3A_1056 = arith.constant 16 : index
        %get3A_1057 = tpu.vector_load %arg20[%get3A_1055, %get3A_1056] {strides = array<i32>} : memref<1280x32xf32, #tpu.memory_space<vmem>>, vector<16xf32>,
        %mul3A_1058 = arith.mulf %get3A_405, %get3A_1052 : vector<16xf32>
        %mul3A_1059 = arith.mulf %get3A_408, %get3A_1057 : vector<16xf32>
        %add3A_1060 = arith.addf %mul3A_1058, %mul3A_1059 : vector<16xf32>
        %reduce_sum3A_1061 = arith.constant true
        %reduce_sum3A_1062 = vector.broadcast %reduce_sum3A_1061 : i1 to vector<16xi1>
        %reduce_sum3A_1063 = tpu.scan <sum>, %add3A_1060 masked %reduce_sum3A_1062 : vector<16xf32>, vector<16xi1> -> vector<16xf32>
        %reduce_sum3A_1064 = vector.extract %reduce_sum3A_1063[15] : f32 from vector<16xf32>
        %eq3A_1065 = arith.constant 14 : i32
        %eq3A_1066 = vector.broadcast %eq3A_1065 : i32 to vector<16xi32>
        %eq3A_1067 = arith.cmpi eq, %iota3A, %eq3A_1066 : vector<16xi32>
        %broadcast_in_dim3A_1068 = vector.broadcast %reduce_sum3A_1047 : f32 to vector<16xf32>
        %select_n3A_1069 = arith.select %eq3A_1067, %broadcast_in_dim3A_1068, %select_n3A_1025 : vector<16xi1>, vector<16xf32>
        %eq3A_1070 = arith.constant 14 : i32
        %eq3A_1071 = vector.broadcast %eq3A_1070 : i32 to vector<16xi32>
        %eq3A_1072 = arith.cmpi eq, %iota3A, %eq3A_1071 : vector<16xi32>
        %broadcast_in_dim3A_1073 = vector.broadcast %reduce_sum3A_1064 : f32 to vector<16xf32>
        %select_n3A_1074 = arith.select %eq3A_1072, %broadcast_in_dim3A_1073, %select_n3A_1030 : vector<16xi1>, vector<16xf32>
        %add3A_1075 = arith.constant 15 : i32
        %add3A_1076 = arith.addi %mul3A_417, %add3A_1075 : i32
        %get3A_1077 = arith.index_cast %add3A_1076 : i32 to index
        %get3A_1078 = arith.constant 0 : index
        %get3A_1079 = tpu.vector_load %arg19[%get3A_1077, %get3A_1078] {strides = array<i32>} : memref<1280x32xf32, #tpu.memory_space<vmem>>, vector<16xf32>,
        %add3A_1080 = arith.constant 15 : i32
        %add3A_1081 = arith.addi %mul3A_417, %add3A_1080 : i32
        %get3A_1082 = arith.index_cast %add3A_1081 : i32 to index
        %get3A_1083 = arith.constant 16 : index
        %get3A_1084 = tpu.vector_load %arg19[%get3A_1082, %get3A_1083] {strides = array<i32>} : memref<1280x32xf32, #tpu.memory_space<vmem>>, vector<16xf32>,
        %mul3A_1085 = arith.mulf %get3A_399, %get3A_1079 : vector<16xf32>
        %mul3A_1086 = arith.mulf %get3A_402, %get3A_1084 : vector<16xf32>
        %add3A_1087 = arith.addf %mul3A_1085, %mul3A_1086 : vector<16xf32>
        %reduce_sum3A_1088 = arith.constant true
        %reduce_sum3A_1089 = vector.broadcast %reduce_sum3A_1088 : i1 to vector<16xi1>
        %reduce_sum3A_1090 = tpu.scan <sum>, %add3A_1087 masked %reduce_sum3A_1089 : vector<16xf32>, vector<16xi1> -> vector<16xf32>
        %reduce_sum3A_1091 = vector.extract %reduce_sum3A_1090[15] : f32 from vector<16xf32>
        %add3A_1092 = arith.constant 15 : i32
        %add3A_1093 = arith.addi %mul3A_417, %add3A_1092 : i32
        %get3A_1094 = arith.index_cast %add3A_1093 : i32 to index
        %get3A_1095 = arith.constant 0 : index
        %get3A_1096 = tpu.vector_load %arg20[%get3A_1094, %get3A_1095] {strides = array<i32>} : memref<1280x32xf32, #tpu.memory_space<vmem>>, vector<16xf32>,
        %add3A_1097 = arith.constant 15 : i32
        %add3A_1098 = arith.addi %mul3A_417, %add3A_1097 : i32
        %get3A_1099 = arith.index_cast %add3A_1098 : i32 to index
        %get3A_1100 = arith.constant 16 : index
        %get3A_1101 = tpu.vector_load %arg20[%get3A_1099, %get3A_1100] {strides = array<i32>} : memref<1280x32xf32, #tpu.memory_space<vmem>>, vector<16xf32>,
        %mul3A_1102 = arith.mulf %get3A_405, %get3A_1096 : vector<16xf32>
        %mul3A_1103 = arith.mulf %get3A_408, %get3A_1101 : vector<16xf32>
        %add3A_1104 = arith.addf %mul3A_1102, %mul3A_1103 : vector<16xf32>
        %reduce_sum3A_1105 = arith.constant true
        %reduce_sum3A_1106 = vector.broadcast %reduce_sum3A_1105 : i1 to vector<16xi1>
        %reduce_sum3A_1107 = tpu.scan <sum>, %add3A_1104 masked %reduce_sum3A_1106 : vector<16xf32>, vector<16xi1> -> vector<16xf32>
        %reduce_sum3A_1108 = vector.extract %reduce_sum3A_1107[15] : f32 from vector<16xf32>
        %eq3A_1109 = arith.constant 15 : i32
        %eq3A_1110 = vector.broadcast %eq3A_1109 : i32 to vector<16xi32>
        %eq3A_1111 = arith.cmpi eq, %iota3A, %eq3A_1110 : vector<16xi32>
        %broadcast_in_dim3A_1112 = vector.broadcast %reduce_sum3A_1091 : f32 to vector<16xf32>
        %select_n3A_1113 = arith.select %eq3A_1111, %broadcast_in_dim3A_1112, %select_n3A_1069 : vector<16xi1>, vector<16xf32>
        %eq3A_1114 = arith.constant 15 : i32
        %eq3A_1115 = vector.broadcast %eq3A_1114 : i32 to vector<16xi32>
        %eq3A_1116 = arith.cmpi eq, %iota3A, %eq3A_1115 : vector<16xi32>
        %broadcast_in_dim3A_1117 = vector.broadcast %reduce_sum3A_1108 : f32 to vector<16xf32>
        %select_n3A_1118 = arith.select %eq3A_1116, %broadcast_in_dim3A_1117, %select_n3A_1074 : vector<16xi1>, vector<16xf32>
        %add3A_1119 = arith.constant 16 : i32
        %add3A_1120 = arith.addi %mul3A_417, %add3A_1119 : i32
        %get3A_1121 = arith.index_cast %add3A_1120 : i32 to index
        %get3A_1122 = arith.constant 0 : index
        %get3A_1123 = tpu.vector_load %arg19[%get3A_1121, %get3A_1122] {strides = array<i32>} : memref<1280x32xf32, #tpu.memory_space<vmem>>, vector<16xf32>,
        %add3A_1124 = arith.constant 16 : i32
        %add3A_1125 = arith.addi %mul3A_417, %add3A_1124 : i32
        %get3A_1126 = arith.index_cast %add3A_1125 : i32 to index
        %get3A_1127 = arith.constant 16 : index
        %get3A_1128 = tpu.vector_load %arg19[%get3A_1126, %get3A_1127] {strides = array<i32>} : memref<1280x32xf32, #tpu.memory_space<vmem>>, vector<16xf32>,
        %mul3A_1129 = arith.mulf %get3A_399, %get3A_1123 : vector<16xf32>
        %mul3A_1130 = arith.mulf %get3A_402, %get3A_1128 : vector<16xf32>
        %add3A_1131 = arith.addf %mul3A_1129, %mul3A_1130 : vector<16xf32>
        %reduce_sum3A_1132 = arith.constant true
        %reduce_sum3A_1133 = vector.broadcast %reduce_sum3A_1132 : i1 to vector<16xi1>
        %reduce_sum3A_1134 = tpu.scan <sum>, %add3A_1131 masked %reduce_sum3A_1133 : vector<16xf32>, vector<16xi1> -> vector<16xf32>
        %reduce_sum3A_1135 = vector.extract %reduce_sum3A_1134[15] : f32 from vector<16xf32>
        %add3A_1136 = arith.constant 16 : i32
        %add3A_1137 = arith.addi %mul3A_417, %add3A_1136 : i32
        %get3A_1138 = arith.index_cast %add3A_1137 : i32 to index
        %get3A_1139 = arith.constant 0 : index
        %get3A_1140 = tpu.vector_load %arg20[%get3A_1138, %get3A_1139] {strides = array<i32>} : memref<1280x32xf32, #tpu.memory_space<vmem>>, vector<16xf32>,
        %add3A_1141 = arith.constant 16 : i32
        %add3A_1142 = arith.addi %mul3A_417, %add3A_1141 : i32
        %get3A_1143 = arith.index_cast %add3A_1142 : i32 to index
        %get3A_1144 = arith.constant 16 : index
        %get3A_1145 = tpu.vector_load %arg20[%get3A_1143, %get3A_1144] {strides = array<i32>} : memref<1280x32xf32, #tpu.memory_space<vmem>>, vector<16xf32>,
        %mul3A_1146 = arith.mulf %get3A_405, %get3A_1140 : vector<16xf32>
        %mul3A_1147 = arith.mulf %get3A_408, %get3A_1145 : vector<16xf32>
        %add3A_1148 = arith.addf %mul3A_1146, %mul3A_1147 : vector<16xf32>
        %reduce_sum3A_1149 = arith.constant true
        %reduce_sum3A_1150 = vector.broadcast %reduce_sum3A_1149 : i1 to vector<16xi1>
        %reduce_sum3A_1151 = tpu.scan <sum>, %add3A_1148 masked %reduce_sum3A_1150 : vector<16xf32>, vector<16xi1> -> vector<16xf32>
        %reduce_sum3A_1152 = vector.extract %reduce_sum3A_1151[15] : f32 from vector<16xf32>
        %eq3A_1153 = arith.constant 0 : i32
        %eq3A_1154 = vector.broadcast %eq3A_1153 : i32 to vector<16xi32>
        %eq3A_1155 = arith.cmpi eq, %iota3A, %eq3A_1154 : vector<16xi32>
        %broadcast_in_dim3A_1156 = vector.broadcast %reduce_sum3A_1135 : f32 to vector<16xf32>
        %select_n3A_1157 = arith.select %eq3A_1155, %broadcast_in_dim3A_1156, %broadcast_in_dim3A_411 : vector<16xi1>, vector<16xf32>
        %eq3A_1158 = arith.constant 0 : i32
        %eq3A_1159 = vector.broadcast %eq3A_1158 : i32 to vector<16xi32>
        %eq3A_1160 = arith.cmpi eq, %iota3A, %eq3A_1159 : vector<16xi32>
        %broadcast_in_dim3A_1161 = vector.broadcast %reduce_sum3A_1152 : f32 to vector<16xf32>
        %select_n3A_1162 = arith.select %eq3A_1160, %broadcast_in_dim3A_1161, %broadcast_in_dim3A_415 : vector<16xi1>, vector<16xf32>
        %add3A_1163 = arith.constant 17 : i32
        %add3A_1164 = arith.addi %mul3A_417, %add3A_1163 : i32
        %get3A_1165 = arith.index_cast %add3A_1164 : i32 to index
        %get3A_1166 = arith.constant 0 : index
        %get3A_1167 = tpu.vector_load %arg19[%get3A_1165, %get3A_1166] {strides = array<i32>} : memref<1280x32xf32, #tpu.memory_space<vmem>>, vector<16xf32>,
        %add3A_1168 = arith.constant 17 : i32
        %add3A_1169 = arith.addi %mul3A_417, %add3A_1168 : i32
        %get3A_1170 = arith.index_cast %add3A_1169 : i32 to index
        %get3A_1171 = arith.constant 16 : index
        %get3A_1172 = tpu.vector_load %arg19[%get3A_1170, %get3A_1171] {strides = array<i32>} : memref<1280x32xf32, #tpu.memory_space<vmem>>, vector<16xf32>,
        %mul3A_1173 = arith.mulf %get3A_399, %get3A_1167 : vector<16xf32>
        %mul3A_1174 = arith.mulf %get3A_402, %get3A_1172 : vector<16xf32>
        %add3A_1175 = arith.addf %mul3A_1173, %mul3A_1174 : vector<16xf32>
        %reduce_sum3A_1176 = arith.constant true
        %reduce_sum3A_1177 = vector.broadcast %reduce_sum3A_1176 : i1 to vector<16xi1>
        %reduce_sum3A_1178 = tpu.scan <sum>, %add3A_1175 masked %reduce_sum3A_1177 : vector<16xf32>, vector<16xi1> -> vector<16xf32>
        %reduce_sum3A_1179 = vector.extract %reduce_sum3A_1178[15] : f32 from vector<16xf32>
        %add3A_1180 = arith.constant 17 : i32
        %add3A_1181 = arith.addi %mul3A_417, %add3A_1180 : i32
        %get3A_1182 = arith.index_cast %add3A_1181 : i32 to index
        %get3A_1183 = arith.constant 0 : index
        %get3A_1184 = tpu.vector_load %arg20[%get3A_1182, %get3A_1183] {strides = array<i32>} : memref<1280x32xf32, #tpu.memory_space<vmem>>, vector<16xf32>,
        %add3A_1185 = arith.constant 17 : i32
        %add3A_1186 = arith.addi %mul3A_417, %add3A_1185 : i32
        %get3A_1187 = arith.index_cast %add3A_1186 : i32 to index
        %get3A_1188 = arith.constant 16 : index
        %get3A_1189 = tpu.vector_load %arg20[%get3A_1187, %get3A_1188] {strides = array<i32>} : memref<1280x32xf32, #tpu.memory_space<vmem>>, vector<16xf32>,
        %mul3A_1190 = arith.mulf %get3A_405, %get3A_1184 : vector<16xf32>
        %mul3A_1191 = arith.mulf %get3A_408, %get3A_1189 : vector<16xf32>
        %add3A_1192 = arith.addf %mul3A_1190, %mul3A_1191 : vector<16xf32>
        %reduce_sum3A_1193 = arith.constant true
        %reduce_sum3A_1194 = vector.broadcast %reduce_sum3A_1193 : i1 to vector<16xi1>
        %reduce_sum3A_1195 = tpu.scan <sum>, %add3A_1192 masked %reduce_sum3A_1194 : vector<16xf32>, vector<16xi1> -> vector<16xf32>
        %reduce_sum3A_1196 = vector.extract %reduce_sum3A_1195[15] : f32 from vector<16xf32>
        %eq3A_1197 = arith.constant 1 : i32
        %eq3A_1198 = vector.broadcast %eq3A_1197 : i32 to vector<16xi32>
        %eq3A_1199 = arith.cmpi eq, %iota3A, %eq3A_1198 : vector<16xi32>
        %broadcast_in_dim3A_1200 = vector.broadcast %reduce_sum3A_1179 : f32 to vector<16xf32>
        %select_n3A_1201 = arith.select %eq3A_1199, %broadcast_in_dim3A_1200, %select_n3A_1157 : vector<16xi1>, vector<16xf32>
        %eq3A_1202 = arith.constant 1 : i32
        %eq3A_1203 = vector.broadcast %eq3A_1202 : i32 to vector<16xi32>
        %eq3A_1204 = arith.cmpi eq, %iota3A, %eq3A_1203 : vector<16xi32>
        %broadcast_in_dim3A_1205 = vector.broadcast %reduce_sum3A_1196 : f32 to vector<16xf32>
        %select_n3A_1206 = arith.select %eq3A_1204, %broadcast_in_dim3A_1205, %select_n3A_1162 : vector<16xi1>, vector<16xf32>
        %add3A_1207 = arith.constant 18 : i32
        %add3A_1208 = arith.addi %mul3A_417, %add3A_1207 : i32
        %get3A_1209 = arith.index_cast %add3A_1208 : i32 to index
        %get3A_1210 = arith.constant 0 : index
        %get3A_1211 = tpu.vector_load %arg19[%get3A_1209, %get3A_1210] {strides = array<i32>} : memref<1280x32xf32, #tpu.memory_space<vmem>>, vector<16xf32>,
        %add3A_1212 = arith.constant 18 : i32
        %add3A_1213 = arith.addi %mul3A_417, %add3A_1212 : i32
        %get3A_1214 = arith.index_cast %add3A_1213 : i32 to index
        %get3A_1215 = arith.constant 16 : index
        %get3A_1216 = tpu.vector_load %arg19[%get3A_1214, %get3A_1215] {strides = array<i32>} : memref<1280x32xf32, #tpu.memory_space<vmem>>, vector<16xf32>,
        %mul3A_1217 = arith.mulf %get3A_399, %get3A_1211 : vector<16xf32>
        %mul3A_1218 = arith.mulf %get3A_402, %get3A_1216 : vector<16xf32>
        %add3A_1219 = arith.addf %mul3A_1217, %mul3A_1218 : vector<16xf32>
        %reduce_sum3A_1220 = arith.constant true
        %reduce_sum3A_1221 = vector.broadcast %reduce_sum3A_1220 : i1 to vector<16xi1>
        %reduce_sum3A_1222 = tpu.scan <sum>, %add3A_1219 masked %reduce_sum3A_1221 : vector<16xf32>, vector<16xi1> -> vector<16xf32>
        %reduce_sum3A_1223 = vector.extract %reduce_sum3A_1222[15] : f32 from vector<16xf32>
        %add3A_1224 = arith.constant 18 : i32
        %add3A_1225 = arith.addi %mul3A_417, %add3A_1224 : i32
        %get3A_1226 = arith.index_cast %add3A_1225 : i32 to index
        %get3A_1227 = arith.constant 0 : index
        %get3A_1228 = tpu.vector_load %arg20[%get3A_1226, %get3A_1227] {strides = array<i32>} : memref<1280x32xf32, #tpu.memory_space<vmem>>, vector<16xf32>,
        %add3A_1229 = arith.constant 18 : i32
        %add3A_1230 = arith.addi %mul3A_417, %add3A_1229 : i32
        %get3A_1231 = arith.index_cast %add3A_1230 : i32 to index
        %get3A_1232 = arith.constant 16 : index
        %get3A_1233 = tpu.vector_load %arg20[%get3A_1231, %get3A_1232] {strides = array<i32>} : memref<1280x32xf32, #tpu.memory_space<vmem>>, vector<16xf32>,
        %mul3A_1234 = arith.mulf %get3A_405, %get3A_1228 : vector<16xf32>
        %mul3A_1235 = arith.mulf %get3A_408, %get3A_1233 : vector<16xf32>
        %add3A_1236 = arith.addf %mul3A_1234, %mul3A_1235 : vector<16xf32>
        %reduce_sum3A_1237 = arith.constant true
        %reduce_sum3A_1238 = vector.broadcast %reduce_sum3A_1237 : i1 to vector<16xi1>
        %reduce_sum3A_1239 = tpu.scan <sum>, %add3A_1236 masked %reduce_sum3A_1238 : vector<16xf32>, vector<16xi1> -> vector<16xf32>
        %reduce_sum3A_1240 = vector.extract %reduce_sum3A_1239[15] : f32 from vector<16xf32>
        %eq3A_1241 = arith.constant 2 : i32
        %eq3A_1242 = vector.broadcast %eq3A_1241 : i32 to vector<16xi32>
        %eq3A_1243 = arith.cmpi eq, %iota3A, %eq3A_1242 : vector<16xi32>
        %broadcast_in_dim3A_1244 = vector.broadcast %reduce_sum3A_1223 : f32 to vector<16xf32>
        %select_n3A_1245 = arith.select %eq3A_1243, %broadcast_in_dim3A_1244, %select_n3A_1201 : vector<16xi1>, vector<16xf32>
        %eq3A_1246 = arith.constant 2 : i32
        %eq3A_1247 = vector.broadcast %eq3A_1246 : i32 to vector<16xi32>
        %eq3A_1248 = arith.cmpi eq, %iota3A, %eq3A_1247 : vector<16xi32>
        %broadcast_in_dim3A_1249 = vector.broadcast %reduce_sum3A_1240 : f32 to vector<16xf32>
        %select_n3A_1250 = arith.select %eq3A_1248, %broadcast_in_dim3A_1249, %select_n3A_1206 : vector<16xi1>, vector<16xf32>
        %add3A_1251 = arith.constant 19 : i32
        %add3A_1252 = arith.addi %mul3A_417, %add3A_1251 : i32
        %get3A_1253 = arith.index_cast %add3A_1252 : i32 to index
        %get3A_1254 = arith.constant 0 : index
        %get3A_1255 = tpu.vector_load %arg19[%get3A_1253, %get3A_1254] {strides = array<i32>} : memref<1280x32xf32, #tpu.memory_space<vmem>>, vector<16xf32>,
        %add3A_1256 = arith.constant 19 : i32
        %add3A_1257 = arith.addi %mul3A_417, %add3A_1256 : i32
        %get3A_1258 = arith.index_cast %add3A_1257 : i32 to index
        %get3A_1259 = arith.constant 16 : index
        %get3A_1260 = tpu.vector_load %arg19[%get3A_1258, %get3A_1259] {strides = array<i32>} : memref<1280x32xf32, #tpu.memory_space<vmem>>, vector<16xf32>,
        %mul3A_1261 = arith.mulf %get3A_399, %get3A_1255 : vector<16xf32>
        %mul3A_1262 = arith.mulf %get3A_402, %get3A_1260 : vector<16xf32>
        %add3A_1263 = arith.addf %mul3A_1261, %mul3A_1262 : vector<16xf32>
        %reduce_sum3A_1264 = arith.constant true
        %reduce_sum3A_1265 = vector.broadcast %reduce_sum3A_1264 : i1 to vector<16xi1>
        %reduce_sum3A_1266 = tpu.scan <sum>, %add3A_1263 masked %reduce_sum3A_1265 : vector<16xf32>, vector<16xi1> -> vector<16xf32>
        %reduce_sum3A_1267 = vector.extract %reduce_sum3A_1266[15] : f32 from vector<16xf32>
        %add3A_1268 = arith.constant 19 : i32
        %add3A_1269 = arith.addi %mul3A_417, %add3A_1268 : i32
        %get3A_1270 = arith.index_cast %add3A_1269 : i32 to index
        %get3A_1271 = arith.constant 0 : index
        %get3A_1272 = tpu.vector_load %arg20[%get3A_1270, %get3A_1271] {strides = array<i32>} : memref<1280x32xf32, #tpu.memory_space<vmem>>, vector<16xf32>,
        %add3A_1273 = arith.constant 19 : i32
        %add3A_1274 = arith.addi %mul3A_417, %add3A_1273 : i32
        %get3A_1275 = arith.index_cast %add3A_1274 : i32 to index
        %get3A_1276 = arith.constant 16 : index
        %get3A_1277 = tpu.vector_load %arg20[%get3A_1275, %get3A_1276] {strides = array<i32>} : memref<1280x32xf32, #tpu.memory_space<vmem>>, vector<16xf32>,
        %mul3A_1278 = arith.mulf %get3A_405, %get3A_1272 : vector<16xf32>
        %mul3A_1279 = arith.mulf %get3A_408, %get3A_1277 : vector<16xf32>
        %add3A_1280 = arith.addf %mul3A_1278, %mul3A_1279 : vector<16xf32>
        %reduce_sum3A_1281 = arith.constant true
        %reduce_sum3A_1282 = vector.broadcast %reduce_sum3A_1281 : i1 to vector<16xi1>
        %reduce_sum3A_1283 = tpu.scan <sum>, %add3A_1280 masked %reduce_sum3A_1282 : vector<16xf32>, vector<16xi1> -> vector<16xf32>
        %reduce_sum3A_1284 = vector.extract %reduce_sum3A_1283[15] : f32 from vector<16xf32>
        %eq3A_1285 = arith.constant 3 : i32
        %eq3A_1286 = vector.broadcast %eq3A_1285 : i32 to vector<16xi32>
        %eq3A_1287 = arith.cmpi eq, %iota3A, %eq3A_1286 : vector<16xi32>
        %broadcast_in_dim3A_1288 = vector.broadcast %reduce_sum3A_1267 : f32 to vector<16xf32>
        %select_n3A_1289 = arith.select %eq3A_1287, %broadcast_in_dim3A_1288, %select_n3A_1245 : vector<16xi1>, vector<16xf32>
        %eq3A_1290 = arith.constant 3 : i32
        %eq3A_1291 = vector.broadcast %eq3A_1290 : i32 to vector<16xi32>
        %eq3A_1292 = arith.cmpi eq, %iota3A, %eq3A_1291 : vector<16xi32>
        %broadcast_in_dim3A_1293 = vector.broadcast %reduce_sum3A_1284 : f32 to vector<16xf32>
        %select_n3A_1294 = arith.select %eq3A_1292, %broadcast_in_dim3A_1293, %select_n3A_1250 : vector<16xi1>, vector<16xf32>
        %swap3A = arith.index_cast %scan3A_397 : i32 to index
        %swap3A_1295 = arith.constant 0 : index
        %swap3A_1296 = tpu.vector_load %arg23[%swap3A, %swap3A_1295] {strides = array<i32>} : memref<64x32xf32, #tpu.memory_space<vmem>>, vector<16xf32>,
        tpu.vector_store %arg23[%swap3A, %swap3A_1295], %select_n3A_1113 {strides = array<i32>} : memref<64x32xf32, #tpu.memory_space<vmem>>, vector<16xf32>,
        %swap3A_1297 = arith.index_cast %scan3A_397 : i32 to index
        %swap3A_1298 = arith.constant 16 : index
        %swap3A_1299 = tpu.vector_load %arg23[%swap3A_1297, %swap3A_1298] {strides = array<i32>} : memref<64x32xf32, #tpu.memory_space<vmem>>, vector<16xf32>,
        tpu.vector_store %arg23[%swap3A_1297, %swap3A_1298], %select_n3A_1289 {strides = array<i32>} : memref<64x32xf32, #tpu.memory_space<vmem>>, vector<16xf32>,
        %swap3A_1300 = arith.index_cast %scan3A_397 : i32 to index
        %swap3A_1301 = arith.constant 0 : index
        %swap3A_1302 = tpu.vector_load %arg24[%swap3A_1300, %swap3A_1301] {strides = array<i32>} : memref<64x32xf32, #tpu.memory_space<vmem>>, vector<16xf32>,
        tpu.vector_store %arg24[%swap3A_1300, %swap3A_1301], %select_n3A_1118 {strides = array<i32>} : memref<64x32xf32, #tpu.memory_space<vmem>>, vector<16xf32>,
        %swap3A_1303 = arith.index_cast %scan3A_397 : i32 to index
        %swap3A_1304 = arith.constant 16 : index
        %swap3A_1305 = tpu.vector_load %arg24[%swap3A_1303, %swap3A_1304] {strides = array<i32>} : memref<64x32xf32, #tpu.memory_space<vmem>>, vector<16xf32>,
        tpu.vector_store %arg24[%swap3A_1303, %swap3A_1304], %select_n3A_1294 {strides = array<i32>} : memref<64x32xf32, #tpu.memory_space<vmem>>, vector<16xf32>,
      }
      %scan3A_392 = arith.constant 64 : i32
      %add3A_393 = arith.addi %mul3A_2, %mul3A_30 : i32
      "tpu.region"() ({
        %run_scoped3A = tpu.sem_alloc : memref<!tpu.dma_semaphore, #tpu.memory_space<semaphore_mem>>
        %dma_start3A_397 = tpu.memref_slice %arg8[%add3A_393] : memref<16384xf32, #tpu.memory_space<hbm>> -> memref<64xf32, #tpu.memory_space<hbm>>
        %dma_start3A_398 = tpu.memref_slice %arg8[%add3A_393] : memref<16384xf32, #tpu.memory_space<hbm>> -> memref<64xf32, #tpu.memory_space<hbm>>
        tpu.enqueue_dma source(%arg21 : memref<64xf32, #tpu.memory_space<vmem>>) target(%dma_start3A_398 : memref<64xf32, #tpu.memory_space<hbm>>) target_semaphore(%run_scoped3A : memref<!tpu.dma_semaphore, #tpu.memory_space<semaphore_mem>>)
        %dma_wait3A_399 = tpu.memref_slice %arg8[%add3A_393] : memref<16384xf32, #tpu.memory_space<hbm>> -> memref<64xf32, #tpu.memory_space<hbm>>
        %dma_wait3A_400 = tpu.memref_slice %arg8[%add3A_393] : memref<16384xf32, #tpu.memory_space<hbm>> -> memref<64xf32, #tpu.memory_space<hbm>>
        tpu.wait_dma2 semaphore(%run_scoped3A : memref<!tpu.dma_semaphore, #tpu.memory_space<semaphore_mem>>) src(%arg21 : memref<64xf32, #tpu.memory_space<vmem>>) dst(%dma_wait3A_400 : memref<64xf32, #tpu.memory_space<hbm>>)
        tpu.yield
      }) : () -> ()
      %add3A_394 = arith.addi %mul3A_2, %mul3A_30 : i32
      "tpu.region"() ({
        %run_scoped3A = tpu.sem_alloc : memref<!tpu.dma_semaphore, #tpu.memory_space<semaphore_mem>>
        %dma_start3A_397 = tpu.memref_slice %arg9[%add3A_394] : memref<16384xf32, #tpu.memory_space<hbm>> -> memref<64xf32, #tpu.memory_space<hbm>>
        %dma_start3A_398 = tpu.memref_slice %arg9[%add3A_394] : memref<16384xf32, #tpu.memory_space<hbm>> -> memref<64xf32, #tpu.memory_space<hbm>>
        tpu.enqueue_dma source(%arg22 : memref<64xf32, #tpu.memory_space<vmem>>) target(%dma_start3A_398 : memref<64xf32, #tpu.memory_space<hbm>>) target_semaphore(%run_scoped3A : memref<!tpu.dma_semaphore, #tpu.memory_space<semaphore_mem>>)
        %dma_wait3A_399 = tpu.memref_slice %arg9[%add3A_394] : memref<16384xf32, #tpu.memory_space<hbm>> -> memref<64xf32, #tpu.memory_space<hbm>>
        %dma_wait3A_400 = tpu.memref_slice %arg9[%add3A_394] : memref<16384xf32, #tpu.memory_space<hbm>> -> memref<64xf32, #tpu.memory_space<hbm>>
        tpu.wait_dma2 semaphore(%run_scoped3A : memref<!tpu.dma_semaphore, #tpu.memory_space<semaphore_mem>>) src(%arg22 : memref<64xf32, #tpu.memory_space<vmem>>) dst(%dma_wait3A_400 : memref<64xf32, #tpu.memory_space<hbm>>)
        tpu.yield
      }) : () -> ()
      %add3A_395 = arith.addi %mul3A_2, %mul3A_30 : i32
      "tpu.region"() ({
        %run_scoped3A = tpu.sem_alloc : memref<!tpu.dma_semaphore, #tpu.memory_space<semaphore_mem>>
        %dma_start3A_397 = arith.constant 0 : i32
        %dma_start3A_398 = tpu.memref_slice %arg10[%add3A_395, %dma_start3A_397] : memref<16384x32xf32, #tpu.memory_space<hbm>> -> memref<64x32xf32, #tpu.memory_space<hbm>>
        %dma_start3A_399 = arith.constant 0 : i32
        %dma_start3A_400 = tpu.memref_slice %arg10[%add3A_395, %dma_start3A_399] : memref<16384x32xf32, #tpu.memory_space<hbm>> -> memref<64x32xf32, #tpu.memory_space<hbm>>
        tpu.enqueue_dma source(%arg23 : memref<64x32xf32, #tpu.memory_space<vmem>>) target(%dma_start3A_400 : memref<64x32xf32, #tpu.memory_space<hbm>>) target_semaphore(%run_scoped3A : memref<!tpu.dma_semaphore, #tpu.memory_space<semaphore_mem>>)
        %dma_wait3A_401 = arith.constant 0 : i32
        %dma_wait3A_402 = tpu.memref_slice %arg10[%add3A_395, %dma_wait3A_401] : memref<16384x32xf32, #tpu.memory_space<hbm>> -> memref<64x32xf32, #tpu.memory_space<hbm>>
        %dma_wait3A_403 = arith.constant 0 : i32
        %dma_wait3A_404 = tpu.memref_slice %arg10[%add3A_395, %dma_wait3A_403] : memref<16384x32xf32, #tpu.memory_space<hbm>> -> memref<64x32xf32, #tpu.memory_space<hbm>>
        tpu.wait_dma2 semaphore(%run_scoped3A : memref<!tpu.dma_semaphore, #tpu.memory_space<semaphore_mem>>) src(%arg23 : memref<64x32xf32, #tpu.memory_space<vmem>>) dst(%dma_wait3A_404 : memref<64x32xf32, #tpu.memory_space<hbm>>)
        tpu.yield
      }) : () -> ()
      %add3A_396 = arith.addi %mul3A_2, %mul3A_30 : i32
      "tpu.region"() ({
        %run_scoped3A = tpu.sem_alloc : memref<!tpu.dma_semaphore, #tpu.memory_space<semaphore_mem>>
        %dma_start3A_397 = arith.constant 0 : i32
        %dma_start3A_398 = tpu.memref_slice %arg11[%add3A_396, %dma_start3A_397] : memref<16384x32xf32, #tpu.memory_space<hbm>> -> memref<64x32xf32, #tpu.memory_space<hbm>>
        %dma_start3A_399 = arith.constant 0 : i32
        %dma_start3A_400 = tpu.memref_slice %arg11[%add3A_396, %dma_start3A_399] : memref<16384x32xf32, #tpu.memory_space<hbm>> -> memref<64x32xf32, #tpu.memory_space<hbm>>
        tpu.enqueue_dma source(%arg24 : memref<64x32xf32, #tpu.memory_space<vmem>>) target(%dma_start3A_400 : memref<64x32xf32, #tpu.memory_space<hbm>>) target_semaphore(%run_scoped3A : memref<!tpu.dma_semaphore, #tpu.memory_space<semaphore_mem>>)
        %dma_wait3A_401 = arith.constant 0 : i32
        %dma_wait3A_402 = tpu.memref_slice %arg11[%add3A_396, %dma_wait3A_401] : memref<16384x32xf32, #tpu.memory_space<hbm>> -> memref<64x32xf32, #tpu.memory_space<hbm>>
        %dma_wait3A_403 = arith.constant 0 : i32
        %dma_wait3A_404 = tpu.memref_slice %arg11[%add3A_396, %dma_wait3A_403] : memref<16384x32xf32, #tpu.memory_space<hbm>> -> memref<64x32xf32, #tpu.memory_space<hbm>>
        tpu.wait_dma2 semaphore(%run_scoped3A : memref<!tpu.dma_semaphore, #tpu.memory_space<semaphore_mem>>) src(%arg24 : memref<64x32xf32, #tpu.memory_space<vmem>>) dst(%dma_wait3A_404 : memref<64x32xf32, #tpu.memory_space<hbm>>)
        tpu.yield
      }) : () -> ()
    }
    %scan3A_27 = arith.constant 8 : i32
    return
  }
}

module attributes {stable_mosaic.version = 14 : i64} {
  func.func @_transpose_body(%arg0: i32, %arg1: memref<32x8192xf32, #tpu.memory_space<vmem>>, %arg2: memref<32x8192xf32, #tpu.memory_space<vmem>>, %arg3: memref<32x8192xf32, #tpu.memory_space<vmem>>, %arg4: memref<2048x128xf32, #tpu.memory_space<vmem>>, %arg5: memref<2048x128xf32, #tpu.memory_space<vmem>>, %arg6: memref<2048x128xf32, #tpu.memory_space<vmem>>) attributes {dimension_semantics = [#tpu.dimension_semantics<arbitrary>], iteration_bounds = array<i64: 123>, scalar_prefetch = 0 : i64, scratch_operands = 0 : i64, tpu.core_type = #tpu.core_type<tc>, window_params = [{transform_indices = @transform_0, window_bounds = array<i64: 32, 8192>}, {transform_indices = @transform_1, window_bounds = array<i64: 32, 8192>}, {transform_indices = @transform_2, window_bounds = array<i64: 32, 8192>}, {transform_indices = @transform_3, window_bounds = array<i64: 2048, 128>}, {transform_indices = @transform_4, window_bounds = array<i64: 2048, 128>}, {transform_indices = @transform_5, window_bounds = array<i64: 2048, 128>}]} {
    %iota3A = tpu.iota {dimensions = array<i32: 0>} : vector<32x32xi32>
    %iota3A_0 = tpu.iota {dimensions = array<i32: 1>} : vector<32x32xi32>
    %add3A = arith.constant 0 : i32
    %add3A_1 = vector.broadcast %add3A : i32 to vector<32x32xi32>
    %add3A_2 = arith.addi %iota3A, %add3A_1 : vector<32x32xi32>
    %eq3A = arith.cmpi eq, %add3A_2, %iota3A_0 : vector<32x32xi32>
    %convert_element_type3A = arith.extui %eq3A : vector<32x32xi1> to vector<32x32xi32>
    %convert_element_type3A_3 = arith.sitofp %convert_element_type3A : vector<32x32xi32> to vector<32x32xf32>
    %jit3A = arith.constant 0 : i32
    %convert_element_type3A_4 = arith.sitofp %jit3A : i32 to f32
    %pad3A = vector.broadcast %convert_element_type3A_4 : f32 to vector<32x96xf32>
    %pad3A_5 = tpu.concatenate %convert_element_type3A_3, %pad3A in 1 : vector<32x32xf32>, vector<32x96xf32> -> vector<32x128xf32>
    %get3A = arith.constant 0 : index
    %get3A_6 = arith.constant 0 : index
    %get3A_7 = vector.load %arg1[%get3A, %get3A_6] : memref<32x8192xf32, #tpu.memory_space<vmem>>, vector<32x2048xf32>
    %dot_general3A = arith.constant dense<0.000000e+00> : vector<2048x128xf32>
    %dot_general3A_8 = tpu.matmul %get3A_7, %pad3A_5, %dot_general3A {dimension_numbers = #tpu.dot_dimension_numbers<[0], [0], [1], [1], [0, 1, 1, 1], [], []>, precision = #tpu.contract_precision<fp32>, transpose_lhs_hint = false} : vector<32x2048xf32>, vector<32x128xf32>, vector<2048x128xf32> -> vector<2048x128xf32>
    %jit3A_9 = arith.constant 0 : i32
    %convert_element_type3A_10 = arith.sitofp %jit3A_9 : i32 to f32
    %pad3A_11 = vector.broadcast %convert_element_type3A_10 : f32 to vector<32x32xf32>
    %pad3A_12 = tpu.concatenate %pad3A_11, %convert_element_type3A_3 in 1 : vector<32x32xf32>, vector<32x32xf32> -> vector<32x64xf32>
    %pad3A_13 = vector.broadcast %convert_element_type3A_10 : f32 to vector<32x64xf32>
    %pad3A_14 = tpu.concatenate %pad3A_12, %pad3A_13 in 1 : vector<32x64xf32>, vector<32x64xf32> -> vector<32x128xf32>
    %get3A_15 = arith.constant 0 : index
    %get3A_16 = arith.constant 2048 : index
    %get3A_17 = vector.load %arg1[%get3A_15, %get3A_16] : memref<32x8192xf32, #tpu.memory_space<vmem>>, vector<32x2048xf32>
    %dot_general3A_18 = arith.constant dense<0.000000e+00> : vector<2048x128xf32>
    %dot_general3A_19 = tpu.matmul %get3A_17, %pad3A_14, %dot_general3A_18 {dimension_numbers = #tpu.dot_dimension_numbers<[0], [0], [1], [1], [0, 1, 1, 1], [], []>, precision = #tpu.contract_precision<fp32>, transpose_lhs_hint = false} : vector<32x2048xf32>, vector<32x128xf32>, vector<2048x128xf32> -> vector<2048x128xf32>
    %add3A_20 = arith.addf %dot_general3A_8, %dot_general3A_19 : vector<2048x128xf32>
    %jit3A_21 = arith.constant 0 : i32
    %convert_element_type3A_22 = arith.sitofp %jit3A_21 : i32 to f32
    %pad3A_23 = vector.broadcast %convert_element_type3A_22 : f32 to vector<32x64xf32>
    %pad3A_24 = tpu.concatenate %pad3A_23, %convert_element_type3A_3 in 1 : vector<32x64xf32>, vector<32x32xf32> -> vector<32x96xf32>
    %pad3A_25 = vector.broadcast %convert_element_type3A_22 : f32 to vector<32x32xf32>
    %pad3A_26 = tpu.concatenate %pad3A_24, %pad3A_25 in 1 : vector<32x96xf32>, vector<32x32xf32> -> vector<32x128xf32>
    %get3A_27 = arith.constant 0 : index
    %get3A_28 = arith.constant 4096 : index
    %get3A_29 = vector.load %arg1[%get3A_27, %get3A_28] : memref<32x8192xf32, #tpu.memory_space<vmem>>, vector<32x2048xf32>
    %dot_general3A_30 = arith.constant dense<0.000000e+00> : vector<2048x128xf32>
    %dot_general3A_31 = tpu.matmul %get3A_29, %pad3A_26, %dot_general3A_30 {dimension_numbers = #tpu.dot_dimension_numbers<[0], [0], [1], [1], [0, 1, 1, 1], [], []>, precision = #tpu.contract_precision<fp32>, transpose_lhs_hint = false} : vector<32x2048xf32>, vector<32x128xf32>, vector<2048x128xf32> -> vector<2048x128xf32>
    %add3A_32 = arith.addf %add3A_20, %dot_general3A_31 : vector<2048x128xf32>
    %jit3A_33 = arith.constant 0 : i32
    %convert_element_type3A_34 = arith.sitofp %jit3A_33 : i32 to f32
    %pad3A_35 = vector.broadcast %convert_element_type3A_34 : f32 to vector<32x96xf32>
    %pad3A_36 = tpu.concatenate %pad3A_35, %convert_element_type3A_3 in 1 : vector<32x96xf32>, vector<32x32xf32> -> vector<32x128xf32>
    %get3A_37 = arith.constant 0 : index
    %get3A_38 = arith.constant 6144 : index
    %get3A_39 = vector.load %arg1[%get3A_37, %get3A_38] : memref<32x8192xf32, #tpu.memory_space<vmem>>, vector<32x2048xf32>
    %dot_general3A_40 = arith.constant dense<0.000000e+00> : vector<2048x128xf32>
    %dot_general3A_41 = tpu.matmul %get3A_39, %pad3A_36, %dot_general3A_40 {dimension_numbers = #tpu.dot_dimension_numbers<[0], [0], [1], [1], [0, 1, 1, 1], [], []>, precision = #tpu.contract_precision<fp32>, transpose_lhs_hint = false} : vector<32x2048xf32>, vector<32x128xf32>, vector<2048x128xf32> -> vector<2048x128xf32>
    %add3A_42 = arith.addf %add3A_32, %dot_general3A_41 : vector<2048x128xf32>
    %swap3A = arith.constant 0 : index
    %swap3A_43 = arith.constant 0 : index
    %swap3A_44 = vector.load %arg4[%swap3A, %swap3A_43] : memref<2048x128xf32, #tpu.memory_space<vmem>>, vector<2048x128xf32>
    tpu.vector_store %arg4[%swap3A, %swap3A_43], %add3A_42 {strides = array<i32>} : memref<2048x128xf32, #tpu.memory_space<vmem>>, vector<2048x128xf32>,
    %jit3A_45 = arith.constant 0 : i32
    %convert_element_type3A_46 = arith.sitofp %jit3A_45 : i32 to f32
    %pad3A_47 = vector.broadcast %convert_element_type3A_46 : f32 to vector<32x96xf32>
    %pad3A_48 = tpu.concatenate %convert_element_type3A_3, %pad3A_47 in 1 : vector<32x32xf32>, vector<32x96xf32> -> vector<32x128xf32>
    %get3A_49 = arith.constant 0 : index
    %get3A_50 = arith.constant 0 : index
    %get3A_51 = vector.load %arg2[%get3A_49, %get3A_50] : memref<32x8192xf32, #tpu.memory_space<vmem>>, vector<32x2048xf32>
    %dot_general3A_52 = arith.constant dense<0.000000e+00> : vector<2048x128xf32>
    %dot_general3A_53 = tpu.matmul %get3A_51, %pad3A_48, %dot_general3A_52 {dimension_numbers = #tpu.dot_dimension_numbers<[0], [0], [1], [1], [0, 1, 1, 1], [], []>, precision = #tpu.contract_precision<fp32>, transpose_lhs_hint = false} : vector<32x2048xf32>, vector<32x128xf32>, vector<2048x128xf32> -> vector<2048x128xf32>
    %jit3A_54 = arith.constant 0 : i32
    %convert_element_type3A_55 = arith.sitofp %jit3A_54 : i32 to f32
    %pad3A_56 = vector.broadcast %convert_element_type3A_55 : f32 to vector<32x32xf32>
    %pad3A_57 = tpu.concatenate %pad3A_56, %convert_element_type3A_3 in 1 : vector<32x32xf32>, vector<32x32xf32> -> vector<32x64xf32>
    %pad3A_58 = vector.broadcast %convert_element_type3A_55 : f32 to vector<32x64xf32>
    %pad3A_59 = tpu.concatenate %pad3A_57, %pad3A_58 in 1 : vector<32x64xf32>, vector<32x64xf32> -> vector<32x128xf32>
    %get3A_60 = arith.constant 0 : index
    %get3A_61 = arith.constant 2048 : index
    %get3A_62 = vector.load %arg2[%get3A_60, %get3A_61] : memref<32x8192xf32, #tpu.memory_space<vmem>>, vector<32x2048xf32>
    %dot_general3A_63 = arith.constant dense<0.000000e+00> : vector<2048x128xf32>
    %dot_general3A_64 = tpu.matmul %get3A_62, %pad3A_59, %dot_general3A_63 {dimension_numbers = #tpu.dot_dimension_numbers<[0], [0], [1], [1], [0, 1, 1, 1], [], []>, precision = #tpu.contract_precision<fp32>, transpose_lhs_hint = false} : vector<32x2048xf32>, vector<32x128xf32>, vector<2048x128xf32> -> vector<2048x128xf32>
    %add3A_65 = arith.addf %dot_general3A_53, %dot_general3A_64 : vector<2048x128xf32>
    %jit3A_66 = arith.constant 0 : i32
    %convert_element_type3A_67 = arith.sitofp %jit3A_66 : i32 to f32
    %pad3A_68 = vector.broadcast %convert_element_type3A_67 : f32 to vector<32x64xf32>
    %pad3A_69 = tpu.concatenate %pad3A_68, %convert_element_type3A_3 in 1 : vector<32x64xf32>, vector<32x32xf32> -> vector<32x96xf32>
    %pad3A_70 = vector.broadcast %convert_element_type3A_67 : f32 to vector<32x32xf32>
    %pad3A_71 = tpu.concatenate %pad3A_69, %pad3A_70 in 1 : vector<32x96xf32>, vector<32x32xf32> -> vector<32x128xf32>
    %get3A_72 = arith.constant 0 : index
    %get3A_73 = arith.constant 4096 : index
    %get3A_74 = vector.load %arg2[%get3A_72, %get3A_73] : memref<32x8192xf32, #tpu.memory_space<vmem>>, vector<32x2048xf32>
    %dot_general3A_75 = arith.constant dense<0.000000e+00> : vector<2048x128xf32>
    %dot_general3A_76 = tpu.matmul %get3A_74, %pad3A_71, %dot_general3A_75 {dimension_numbers = #tpu.dot_dimension_numbers<[0], [0], [1], [1], [0, 1, 1, 1], [], []>, precision = #tpu.contract_precision<fp32>, transpose_lhs_hint = false} : vector<32x2048xf32>, vector<32x128xf32>, vector<2048x128xf32> -> vector<2048x128xf32>
    %add3A_77 = arith.addf %add3A_65, %dot_general3A_76 : vector<2048x128xf32>
    %jit3A_78 = arith.constant 0 : i32
    %convert_element_type3A_79 = arith.sitofp %jit3A_78 : i32 to f32
    %pad3A_80 = vector.broadcast %convert_element_type3A_79 : f32 to vector<32x96xf32>
    %pad3A_81 = tpu.concatenate %pad3A_80, %convert_element_type3A_3 in 1 : vector<32x96xf32>, vector<32x32xf32> -> vector<32x128xf32>
    %get3A_82 = arith.constant 0 : index
    %get3A_83 = arith.constant 6144 : index
    %get3A_84 = vector.load %arg2[%get3A_82, %get3A_83] : memref<32x8192xf32, #tpu.memory_space<vmem>>, vector<32x2048xf32>
    %dot_general3A_85 = arith.constant dense<0.000000e+00> : vector<2048x128xf32>
    %dot_general3A_86 = tpu.matmul %get3A_84, %pad3A_81, %dot_general3A_85 {dimension_numbers = #tpu.dot_dimension_numbers<[0], [0], [1], [1], [0, 1, 1, 1], [], []>, precision = #tpu.contract_precision<fp32>, transpose_lhs_hint = false} : vector<32x2048xf32>, vector<32x128xf32>, vector<2048x128xf32> -> vector<2048x128xf32>
    %add3A_87 = arith.addf %add3A_77, %dot_general3A_86 : vector<2048x128xf32>
    %swap3A_88 = arith.constant 0 : index
    %swap3A_89 = arith.constant 0 : index
    %swap3A_90 = vector.load %arg5[%swap3A_88, %swap3A_89] : memref<2048x128xf32, #tpu.memory_space<vmem>>, vector<2048x128xf32>
    tpu.vector_store %arg5[%swap3A_88, %swap3A_89], %add3A_87 {strides = array<i32>} : memref<2048x128xf32, #tpu.memory_space<vmem>>, vector<2048x128xf32>,
    %jit3A_91 = arith.constant 0 : i32
    %convert_element_type3A_92 = arith.sitofp %jit3A_91 : i32 to f32
    %pad3A_93 = vector.broadcast %convert_element_type3A_92 : f32 to vector<32x96xf32>
    %pad3A_94 = tpu.concatenate %convert_element_type3A_3, %pad3A_93 in 1 : vector<32x32xf32>, vector<32x96xf32> -> vector<32x128xf32>
    %get3A_95 = arith.constant 0 : index
    %get3A_96 = arith.constant 0 : index
    %get3A_97 = vector.load %arg3[%get3A_95, %get3A_96] : memref<32x8192xf32, #tpu.memory_space<vmem>>, vector<32x2048xf32>
    %dot_general3A_98 = arith.constant dense<0.000000e+00> : vector<2048x128xf32>
    %dot_general3A_99 = tpu.matmul %get3A_97, %pad3A_94, %dot_general3A_98 {dimension_numbers = #tpu.dot_dimension_numbers<[0], [0], [1], [1], [0, 1, 1, 1], [], []>, precision = #tpu.contract_precision<fp32>, transpose_lhs_hint = false} : vector<32x2048xf32>, vector<32x128xf32>, vector<2048x128xf32> -> vector<2048x128xf32>
    %jit3A_100 = arith.constant 0 : i32
    %convert_element_type3A_101 = arith.sitofp %jit3A_100 : i32 to f32
    %pad3A_102 = vector.broadcast %convert_element_type3A_101 : f32 to vector<32x32xf32>
    %pad3A_103 = tpu.concatenate %pad3A_102, %convert_element_type3A_3 in 1 : vector<32x32xf32>, vector<32x32xf32> -> vector<32x64xf32>
    %pad3A_104 = vector.broadcast %convert_element_type3A_101 : f32 to vector<32x64xf32>
    %pad3A_105 = tpu.concatenate %pad3A_103, %pad3A_104 in 1 : vector<32x64xf32>, vector<32x64xf32> -> vector<32x128xf32>
    %get3A_106 = arith.constant 0 : index
    %get3A_107 = arith.constant 2048 : index
    %get3A_108 = vector.load %arg3[%get3A_106, %get3A_107] : memref<32x8192xf32, #tpu.memory_space<vmem>>, vector<32x2048xf32>
    %dot_general3A_109 = arith.constant dense<0.000000e+00> : vector<2048x128xf32>
    %dot_general3A_110 = tpu.matmul %get3A_108, %pad3A_105, %dot_general3A_109 {dimension_numbers = #tpu.dot_dimension_numbers<[0], [0], [1], [1], [0, 1, 1, 1], [], []>, precision = #tpu.contract_precision<fp32>, transpose_lhs_hint = false} : vector<32x2048xf32>, vector<32x128xf32>, vector<2048x128xf32> -> vector<2048x128xf32>
    %add3A_111 = arith.addf %dot_general3A_99, %dot_general3A_110 : vector<2048x128xf32>
    %jit3A_112 = arith.constant 0 : i32
    %convert_element_type3A_113 = arith.sitofp %jit3A_112 : i32 to f32
    %pad3A_114 = vector.broadcast %convert_element_type3A_113 : f32 to vector<32x64xf32>
    %pad3A_115 = tpu.concatenate %pad3A_114, %convert_element_type3A_3 in 1 : vector<32x64xf32>, vector<32x32xf32> -> vector<32x96xf32>
    %pad3A_116 = vector.broadcast %convert_element_type3A_113 : f32 to vector<32x32xf32>
    %pad3A_117 = tpu.concatenate %pad3A_115, %pad3A_116 in 1 : vector<32x96xf32>, vector<32x32xf32> -> vector<32x128xf32>
    %get3A_118 = arith.constant 0 : index
    %get3A_119 = arith.constant 4096 : index
    %get3A_120 = vector.load %arg3[%get3A_118, %get3A_119] : memref<32x8192xf32, #tpu.memory_space<vmem>>, vector<32x2048xf32>
    %dot_general3A_121 = arith.constant dense<0.000000e+00> : vector<2048x128xf32>
    %dot_general3A_122 = tpu.matmul %get3A_120, %pad3A_117, %dot_general3A_121 {dimension_numbers = #tpu.dot_dimension_numbers<[0], [0], [1], [1], [0, 1, 1, 1], [], []>, precision = #tpu.contract_precision<fp32>, transpose_lhs_hint = false} : vector<32x2048xf32>, vector<32x128xf32>, vector<2048x128xf32> -> vector<2048x128xf32>
    %add3A_123 = arith.addf %add3A_111, %dot_general3A_122 : vector<2048x128xf32>
    %jit3A_124 = arith.constant 0 : i32
    %convert_element_type3A_125 = arith.sitofp %jit3A_124 : i32 to f32
    %pad3A_126 = vector.broadcast %convert_element_type3A_125 : f32 to vector<32x96xf32>
    %pad3A_127 = tpu.concatenate %pad3A_126, %convert_element_type3A_3 in 1 : vector<32x96xf32>, vector<32x32xf32> -> vector<32x128xf32>
    %get3A_128 = arith.constant 0 : index
    %get3A_129 = arith.constant 6144 : index
    %get3A_130 = vector.load %arg3[%get3A_128, %get3A_129] : memref<32x8192xf32, #tpu.memory_space<vmem>>, vector<32x2048xf32>
    %dot_general3A_131 = arith.constant dense<0.000000e+00> : vector<2048x128xf32>
    %dot_general3A_132 = tpu.matmul %get3A_130, %pad3A_127, %dot_general3A_131 {dimension_numbers = #tpu.dot_dimension_numbers<[0], [0], [1], [1], [0, 1, 1, 1], [], []>, precision = #tpu.contract_precision<fp32>, transpose_lhs_hint = false} : vector<32x2048xf32>, vector<32x128xf32>, vector<2048x128xf32> -> vector<2048x128xf32>
    %add3A_133 = arith.addf %add3A_123, %dot_general3A_132 : vector<2048x128xf32>
    %swap3A_134 = arith.constant 0 : index
    %swap3A_135 = arith.constant 0 : index
    %swap3A_136 = vector.load %arg6[%swap3A_134, %swap3A_135] : memref<2048x128xf32, #tpu.memory_space<vmem>>, vector<2048x128xf32>
    tpu.vector_store %arg6[%swap3A_134, %swap3A_135], %add3A_133 {strides = array<i32>} : memref<2048x128xf32, #tpu.memory_space<vmem>>, vector<2048x128xf32>,
    return
  }
  func.func @transform_0(%arg0: i32) -> (i32, i32) {
    %c0_i32 = arith.constant 0 : i32
    %c0_i32_0 = arith.constant 0 : i32
    return %c0_i32, %arg0 : i32, i32
  }
  func.func @transform_1(%arg0: i32) -> (i32, i32) {
    %c0_i32 = arith.constant 0 : i32
    %c0_i32_0 = arith.constant 0 : i32
    return %c0_i32, %arg0 : i32, i32
  }
  func.func @transform_2(%arg0: i32) -> (i32, i32) {
    %c0_i32 = arith.constant 0 : i32
    %c0_i32_0 = arith.constant 0 : i32
    return %c0_i32, %arg0 : i32, i32
  }
  func.func @transform_3(%arg0: i32) -> (i32, i32) {
    %c0_i32 = arith.constant 0 : i32
    %c0_i32_0 = arith.constant 0 : i32
    return %arg0, %c0_i32 : i32, i32
  }
  func.func @transform_4(%arg0: i32) -> (i32, i32) {
    %c0_i32 = arith.constant 0 : i32
    %c0_i32_0 = arith.constant 0 : i32
    return %arg0, %c0_i32 : i32, i32
  }
  func.func @transform_5(%arg0: i32) -> (i32, i32) {
    %c0_i32 = arith.constant 0 : i32
    %c0_i32_0 = arith.constant 0 : i32
    return %arg0, %c0_i32 : i32, i32
  }
}

</mosaic_0001>

<sc_bundles>
// kernel: kernel.4.cloned.1.call-start
scs
__scs_entry_jumppad:
0x0: {  	(pc) =	sbr.rel $0x88, $3  }
0x1: {  	(tag) =	ssettag $0x0;
	lr =	simm.s32 $0x1  }
0x2: {  	[smem:$0x3F9B] =	sst lr;
	_ =	strace $0xD0000000  }
0x3: {  	_ = 	snop  }
0x4: {  	_ = 	snop  }
0x5: {  	_ = 	snop  }
0x6: {  	_ = 	snop  }
0x7: {  	_ = 	snop  }
__scs_overlays_trampoline_lowered:
0x8: {  	[smem:$0x3FAA] =	sst s0  }
0x9: {  	[smem:$0x3FAB] =	sst s1  }
0xa: {  	[smem:$0x3FAC] =	sst s2  }
0xb: {  	[smem:$0x3FAD] =	sst s3  }
0xc: {  	[smem:$0x3FAE] =	sst s4  }
0xd: {  	[smem:$0x3FAF] =	sst s5  }
0xe: {  	[smem:$0x3FB0] =	sst s6  }
0xf: {  	[smem:$0x3FB1] =	sst s7  }
0x10: {  	[smem:$0x3FB2] =	sst s8  }
0x11: {  	[smem:$0x3FB3] =	sst s9;
	s0 =	simm.s32 @!p0 $0x0  }
0x12: {  	s1 =	sld [smem:$0x3F99];
	s0 =	simm.s32 @p0 $0x1  }
0x13: {  	[smem:$0x3FB4] =	sst s0;
	s0 =	simm.s32 @!p1 $0x0  }
0x14: {  	s2 =	sld [smem:$0x3F98];
	s0 =	simm.s32 @p1 $0x1  }
0x15: {  	[smem:$0x3FB5] =	sst s0;
	s0 =	simm.s32 @!p2 $0x0  }
0x16: {  	s3 =	sld [smem:$0x3FDB];
	s0 =	simm.s32 @p2 $0x1  }
0x17: {  	s4 =	simm.s32 $0x1BF5;
	[smem:$0x3FB7] =	sst s0  }
0x18: {  	s0 =	sld [smem:$0x3F9A];
	_ =	swait.ge [sflag:s4], $0x0  }
0x19: {  	s7 =	sld [smem:$0x3F9B]  }
0x1a: {  	s8 =	sadd.s32 $0xFFFFE003, lr  }
0x1b: {  	s9 =	sadd.s32 $0xFFFFFEF7, lr;
	s5 =	simm.s32 $0xFFFFFFFF;
	p2 =	slt.u32 s8, $0xFFFFF086  }
0x1c: {  	p1 =	slt.u32 s9, $0xF7A;
	s5 =	simm.s32 @!p2 $0x0  }
0x1d: {  	s5 =	simm.s32 @p1 $0x1;
	p0 =	seq.s32 s7, s2  }
0x1e: {  	s7 =	smul.u32 @!p0 $0xF7A, s2;
	p2 =	seq.s32 @!p0 s5, $0x0  }
0x1f: {  	s9 =	smul.u32 $0xF7A, s1;
	s8 =	simm.s32 @!p0 $0x1BF5;
	p2 =	por !p2, p0  }
0x20: {  	[sflag:s8] =	ssyncset.s32 @!p0 $0xFFFFF086;
	s6 =	sadd.s32 @!p0 s3, s7;
	s7 =	simm.s32 @!p0 $0x108  }
0x21: {  	s3 =	sadd.s32 s3, s9;
	s6 =	sadd.s32 @!p0 $0x88, s6;
	s7 =	simm.s32 @p2 $0x1082  }
0x22: {  	[simem:s7], [sflag:s8] =	dma.local @!p0 [hbm:s6], $0xF7A  }
0x23: {  	s9 =	sor.u32 $0xD0000000, s2;
	s6 =	simm.s32 $0x108;
	_ =	swait.ge @!p0 [sflag:s8], $0x0  }
0x24: {  	s3 =	sadd.s32 $0x88, s3;
	s6 =	simm.s32 @!p1 $0x1082;
	[sflag:s4] =	ssyncset.s32 $0xFFFFF086  }
0x25: {  	[simem:s6], [sflag:s4] =	dma.local [hbm:s3], $0xF7A  }
0x26: {  	[smem:$0x3F9B] =	sst s1;
	(tag) =	ssettag s2;
	_ =	strace s9  }
0x27: {  	s1 =	sld [smem:$0x3FAB]  }
0x28: {  	s2 =	sld [smem:$0x3FAC]  }
0x29: {  	s4 =	sld [smem:$0x3FAE]  }
0x2a: {  	p0 =	seq.s32 s5, $0x0;
	s5 =	sld [smem:$0x3FAF]  }
0x2b: {  	s6 =	sld [smem:$0x3FB0]  }
0x2c: {  	s7 =	sld [smem:$0x3FB1]  }
0x2d: {  	s3 =	simm.s32 $0x108;
	s8 =	sld [smem:$0x3FB2]  }
0x2e: {  	s3 =	simm.s32 @!p0 $0x1082;
	s9 =	sld [smem:$0x3FB3]  }
0x2f: {  	lr =	sadd.s32 s0, s3;
	s0 =	sld [smem:$0x3FAA]  }
0x30: {  	s3 =	sld [smem:$0x3FAD]  }
0x31: {  	[smem:$0x3FB6] =	sst s10  }
0x32: {  	s10 =	sld [smem:$0x3FB4];
	_ =	sdelay $0x3  }
0x33: {  	p0 =	seq.s32 s10, $0x1;
	s10 =	sld [smem:$0x3FB6];
	_ =	sdelay $0x3  }
0x34: {  	[smem:$0x3FB6] =	sst s10  }
0x35: {  	s10 =	sld [smem:$0x3FB5];
	_ =	sdelay $0x3  }
0x36: {  	p1 =	seq.s32 s10, $0x1;
	s10 =	sld [smem:$0x3FB6];
	_ =	sdelay $0x3  }
0x37: {  	[smem:$0x3FB6] =	sst s10  }
0x38: {  	s10 =	sld [smem:$0x3FB7]  }
0x39: {  	_ = 	snop;
	(pc) =	sbr.ind lr, $3  }
0x3a: {  	_ = 	snop  }
0x3b: {  	_ = 	snop  }
0x3c: {  	p2 =	seq.s32 s10, $0x1;
	s10 =	sld [smem:$0x3FB6]  }
0x3d: {  	_ =	shalt  }
0x3e: {  	_ =	shalt  }
0x3f: {  	_ =	shalt  }
0x40: {  	_ =	shalt  }
0x41: {  	_ =	shalt  }
0x42: {  	_ =	shalt  }
0x43: {  	_ =	shalt  }
0x44: {  	_ =	shalt  }
0x45: {  	_ =	shalt  }
0x46: {  	_ =	shalt  }
0x47: {  	_ =	shalt  }
0x48: {  	_ =	shalt  }
0x49: {  	_ =	shalt  }
0x4a: {  	_ =	shalt  }
0x4b: {  	_ =	shalt  }
0x4c: {  	_ =	shalt  }
0x4d: {  	_ =	shalt  }
0x4e: {  	_ =	shalt  }
0x4f: {  	_ =	shalt  }
0x50: {  	_ =	shalt  }
0x51: {  	_ =	shalt  }
0x52: {  	_ =	shalt  }
0x53: {  	_ =	shalt  }
0x54: {  	_ =	shalt  }
0x55: {  	_ =	shalt  }
0x56: {  	_ =	shalt  }
0x57: {  	_ =	shalt  }
0x58: {  	_ =	shalt  }
0x59: {  	_ =	shalt  }
0x5a: {  	_ =	shalt  }
0x5b: {  	_ =	shalt  }
0x5c: {  	_ =	shalt  }
0x5d: {  	_ =	shalt  }
0x5e: {  	_ =	shalt  }
0x5f: {  	_ =	shalt  }
0x60: {  	_ =	shalt  }
0x61: {  	_ =	shalt  }
0x62: {  	_ =	shalt  }
0x63: {  	_ =	shalt  }
0x64: {  	_ =	shalt  }
0x65: {  	_ =	shalt  }
0x66: {  	_ =	shalt  }
0x67: {  	_ =	shalt  }
0x68: {  	_ =	shalt  }
0x69: {  	_ =	shalt  }
0x6a: {  	_ =	shalt  }
0x6b: {  	_ =	shalt  }
0x6c: {  	_ =	shalt  }
0x6d: {  	_ =	shalt  }
0x6e: {  	_ =	shalt  }
0x6f: {  	_ =	shalt  }
0x70: {  	_ =	shalt  }
0x71: {  	_ =	shalt  }
0x72: {  	_ =	shalt  }
0x73: {  	_ =	shalt  }
0x74: {  	_ =	shalt  }
0x75: {  	_ =	shalt  }
0x76: {  	_ =	shalt  }
0x77: {  	_ =	shalt  }
0x78: {  	_ =	shalt  }
0x79: {  	_ =	shalt  }
0x7a: {  	_ =	shalt  }
0x7b: {  	_ =	shalt  }
0x7c: {  	_ =	shalt  }
0x7d: {  	_ =	shalt  }
0x7e: {  	_ =	shalt  }
0x7f: {  	_ =	shalt  }
0x80: {  	_ =	shalt  }
0x81: {  	_ =	shalt  }
0x82: {  	_ =	shalt  }
0x83: {  	_ =	shalt  }
0x84: {  	_ =	shalt  }
0x85: {  	_ =	shalt  }
0x86: {  	_ =	shalt  }
0x87: {  	_ =	shalt  }
.Lfunc_end0:
.L_simem_size_0:
called_computation_lowered:
.L_overlay_start_0:
0x88: {  	s2 =	sld [smem:$0x3FD9]  }
0x89: {  	s3 =	sld [smem:$0x3FFE];
	_ =	sdelay $0x1  }
0x8a: {  	s1 =	srdreg.scid  }
0x8b: {  	s0 =	sand.u32 $0x1, s1  }
0x8c: {  	s14 =	sshll.u32 s0, $0xA;
	s2 =	sadd.s32 s3, s2  }
0x8d: {  	s2 =	sadd.s32 s2, s14  }
0x8e: {  	[smem:$0x3FC2] =	sst s2  }
0x8f: {  	_ = 	snop  }
0x90: {  	s2 =	sld [smem:$0x3FD0];
	_ =	sdelay $0x1  }
0x91: {  	s15 =	sld [smem:$0x3FC6]  }
0x92: {  	s5 =	simm.s32 $0xA;
	s6 =	simm.s32 $0x10;
	s4 =	sld [smem:$0x3FC5]  }
0x93: {  	[smem:s6], [sflag:s5] =	dma.local [hbm:s2], $0x1  }
0x94: {  	_ =	swait.eq [sflag:s5], $0x1  }
0x95: {  	s16 =	sld [smem:$0x10];
	[sflag:s5] =	ssyncset.done $0x0  }
0x96: {  	s17 =	sld [smem:$0x11];
	[sflag:s5] =	ssyncadd.s32 $0xFFFFFFFF  }
0x97: {  	s18 =	sld [smem:$0x13];
	(tm) =	ssettm $0x1  }
0x98: {  	s7 =	sld [smem:$0x3FFB];
	_ =	sdelay $0x3  }
0x99: {  	_ =	strace s7  }
0x9a: {  	s7 =	sld [smem:$0x3FFC];
	_ =	sdelay $0x3  }
0x9b: {  	_ =	strace s7  }
0x9c: {  	s7 =	sld [smem:$0x3FFD];
	_ =	sdelay $0x3  }
0x9d: {  	_ =	strace s7  }
0x9e: {  	_ =	strace $0x8FFFFFFF  }
0x9f: {  	s19 =	sld [smem:$0x3FDB];
	_ =	sdelay $0x1  }
0xa0: {  	s8 =	simm.s32 $_scs_section_size  }
0xa1: {  	s9 =	simm.s32 $_size__tile_overlayer_lowered;
	s10 =	simm.s32 $_tile_overlayer_lowered  }
0xa2: {  	s22 =	simm.s32 $0x1BFF;
	s21 =	sshll.u32 s10, $0x1;
	s7 =	sadd.s32 s8, s19  }
0xa3: {  	s11 =	simm.s32 $0x0;
	s20 =	sshll.u32 s9, $0x1;
	s9 =	sadd.s32 s21, s7  }
0xa4: {  	[timem:s11], [sflag:s22] =	dma.local [hbm:s9], s20  }
0xa5: {  	_ =	swait.ge [sflag:s22], s20  }
0xa6: {  	s8 =	ssub.s32 $0x0, s20;
	[sflag:s22] =	ssyncset.done $0x0  }
0xa7: {  	[sflag:s22] =	ssyncadd.s32 s8;
	_ =	sdelay $0x1  }
0xa8: {  	s23 =	simm.s32 $0x1B8B  }
0xa9: {  	_ =	swait.ge [sflag:s23], $0x1  }
0xaa: {  	[sflag:s23] =	ssyncset.done $0x0  }
0xab: {  	s25 =	simm.s32 $0x1B8E;
	s24 =	sld [smem:$0x3FFE];
	[sflag:s23] =	ssyncadd.s32 $0xFFFFFFFF  }
0xac: {  	s26 =	simm.s32 $execute0_lowered;
	[smem:$0x3FD2] =	sst s25  }
0xad: {  	s9 =	sshll.u32 s26, $0x1;
	_ =	strace $0x80000046;
	[dreg:$0x1] =	wrdreg $0xFFFFFFFF  }
0xae: {  	s28 =	simm.s32 $_size_execute0_lowered;
	s7 =	sadd.s32 s7, s9;
	[dreg:$0x0] =	wrdreg $0x0  }
0xaf: {  	s9 =	sshll.u32 s28, $0x1;
	[dreg:$0x2] =	wrdreg s7  }
0xb0: {  	[dreg:$0x3] =	wrdreg s9  }
0xb1: {  	[dreg:$0x4] =	wrdreg $0xC0  }
0xb2: {  	_ =	task [dreg:s11], $0x5FFFF  }
0xb3: {  	[dreg:$0x1] =	wrdreg $0xFFFFFFFF  }
0xb4: {  	[dreg:$0x0] =	wrdreg $0x60  }
0xb5: {  	[dreg:$0x2] =	wrdreg s24  }
0xb6: {  	[dreg:$0x3] =	wrdreg s15  }
0xb7: {  	[dreg:$0x4] =	wrdreg s4  }
0xb8: {  	[dreg:$0x5] =	wrdreg s18  }
0xb9: {  	[dreg:$0x6] =	wrdreg s16  }
0xba: {  	[dreg:$0x7] =	wrdreg s17  }
0xbb: {  	[dreg:$0x8] =	wrdreg $0x9  }
0xbc: {  	_ =	task.clear_ibuf [dreg:s11], $0x9FFFF;
	_ =	strace $0x90000046  }
0xbd: {  	s29 =	simm.s32 $0x9;
	_ =	strace $0x80000048  }
0xbe: {  	_ =	swait.ge [sflag:s29], $0x1  }
0xbf: {  	[sflag:s29] =	ssyncadd.s32 $0xFFFFFFFF  }
0xc0: {  	_ =	strace $0x90000048  }
0xc1: {  	_ =	sfence  }
0xc2: {  	s30 =	sld [smem:$0x0];
	_ =	sdelay $0x2  }
0xc3: {  	s31 =	sshll.u32 s1, $0xD;
	s1 =	sshrl.u32 s1, $0x2  }
0xc4: {  	s3 =	sand.u32 $0x4000, s31;
	s1 =	sadd.s32 s1, s30  }
0xc5: {  	s0 =	sor.u32 s3, s0;
	s1 =	sshll.u32 s1, $0x11  }
0xc6: {  	s0 =	sor.u32 s1, s0  }
0xc7: {  	s0 =	sadd.s32 $0x8F2B, s0  }
0xc8: {  	[sflag:s0] =	ssyncadd.remote.s32 $0x1  }
0xc9: {  	_ =	sfence.sel $0xFFFF  }
0xca: {  	[dreg:$0x0] =	wrdreg $0xFFFFFFFF;
	(pc) =	sbr.abs _section_cstart, $3  }
0xcb: {  	[dreg:$0x1] =	wrdreg $0xFFFFFFFF  }
0xcc: {  	_ =	task.clear_ibuf [dreg:s11], $0x2FFFF;
	_ =	strace $0x9FFFFFFF  }
0xcd: {  	(tm) =	ssettm $0x7FFFFFFF  }
tec
execute0_lowered:
.L_overlay_start_1:
0x0: {  	(tag) =	ssettag $0x1  }
0x1: {  	s0 =	rddreg [dreg:$0x0]  }
0x2: {  	s1 =	rddreg [dreg:$0x1]  }
0x3: {  	s2 =	rddreg [dreg:$0x2]  }
0x4: {  	s4 =	rddreg [dreg:$0x3];
	s3 =	simm.s32 $0x0  }
0x5: {  	s8 =	srdreg.scid;
	s10 =	stileid.u32;
	s15 =	simm.s32 $0x2  }
0x6: {  	s18 =	simm.s32 $0x40;
	s23 =	simm.s32 $0x80;
	s17 =	simm.s32 $0x9C00  }
0x7: {  	s14 =	simm.s32 $0xBC00;
	s19 =	simm.s32 $0x16C00;
	s20 =	simm.s32 $0xDC00  }
0x8: {  	s21 =	simm.s32 $0x17C00;
	s22 =	simm.s32 $0x1;
	s24 =	simm.s32 $0x18C00  }
0x9: {  	s25 =	simm.s32 $0x18C40;
	s28 =	simm.s32 $0x19480;
	[smem:$0x7FF] =	sst s3  }
0xa: {  	s5 =	sadd.s32 $0xC00, s0;
	s6 =	sadd.s32 $0x3D8C00, s0;
	s7 =	sadd.s32 $0x7B0C00, s0  }
0xb: {  	s9 =	sand.u32 $0x1, s8;
	s10 =	sshll.u32 s10, $0x1;
	s8 =	sadd.s32 $0xB88C00, s0  }
0xc: {  	_ =	strace $0x80000047;
	s11 =	ssub.s32 $0x2, s9;
	s12 =	sor.u32 s9, s10  }
0xd: {  	s9 =	sadd.s32 $0xB98C00, s0;
	s26 =	sshrl.u32 s11, $0x1;
	s13 =	smul.u32 $0x500, s12  }
0xe: {  	vm0 =	vmmov $0x1;
	vm1 =	vmmov $0x3;
	s10 =	sshll.u32 s12, $0x9;
	s29 =	sshll.u32 s12, $0x6;
	s12 =	simm.s32 $0xAC00  }
0xf: {  	vm2 =	vmmov $0x7;
	vm3 =	vmmov $0xf;
	vm4 =	vmmov $0x1f;
	s0 =	ssub.s32 s11, s26;
	s1 =	sadd.s32 s1, s29;
	s30 =	sadd.s32 s2, s29  }
0x10: {  	vm5 =	vmmov $0x3f;
	vm6 =	vmmov $0x7f;
	vm7 =	vmmov $0xff;
	s11 =	simm.s32 $0x13C00;
	s2 =	simm.s32 $0xCC00;
	[dreg:$0x7] =	wrdreg s1  }
0x11: {  	vm8 =	vmmov $0x1ff;
	vm14 =	vmmov $0x7fff;
	v0 =	vimm.s32 $0x0;
	s26 =	simm.s32 $0x18C80;
	[dreg:$0x8] =	wrdreg s30;
	s31 =	sadd.s32 s4, s13  }
0x12: {  	vm9 =	vmmov $0x3ff;
	vm10 =	vmmov $0x7ff;
	v0 =	vsel vm14, $0xFFFFFFFF, v0;
	s0 =	smax.u32 s0, $0x1;
	s13 =	simm.s32 $0x14C00;
	[dreg:$0x9] =	wrdreg s31  }
0x13: {  	vm11 =	vmmov $0xfff;
	vm12 =	vmmov $0x1fff;
	vm13 =	vmmov $0x3fff;
	[tilespmem:$0x1FFF0] =	vst v0;
	s1 =	simm.s32 $0x15C00;
	s4 =	simm.s32 $0x0;
	[dreg:$0xa] =	wrdreg s0  }
.LBB2_1:
0x14: {  	[dreg:$0xb] =	wrdreg s4  }
0x15: {  	s0 =	rddreg [dreg:$0x7]  }
0x16: {  	[tilespmem:s3], [sflag:$0x2] =	stream.linear.gather [hbm4b:s0+s3], $0x200, $0x38;
	[tilespmem:$0x19C80] =	vst v63  }
0x17: {  	_ =	swait.ge [sflag:s15], $0x200  }
0x18: {  	[sflag:s15] =	ssyncset.done $0x0  }
0x19: {  	s29 =	simm.s32 $0x200;
	s16 =	rddreg [dreg:$0x8];
	[sflag:s15] =	ssyncadd.s32 $0xFFFFFE00  }
0x1a: {  	[tilespmem:s29], [sflag:$0x2] =	stream.linear.gather [hbm4b:s16+s3], $0x200, $0x38;
	[tilespmem:$0x19C80] =	vst v63  }
0x1b: {  	_ =	swait.ge [sflag:s15], $0x200  }
0x1c: {  	[sflag:s15] =	ssyncset.done $0x0  }
0x1d: {  	s31 =	simm.s32 $0x400;
	s30 =	rddreg [dreg:$0x9];
	[sflag:s15] =	ssyncadd.s32 $0xFFFFFE00  }
0x1e: {  	[tilespmem:s31], [sflag:$0x2] =	stream.linear.gather [hbm4b:s30+s3], $0x2800, $0x38;
	[tilespmem:$0x19C80] =	vst v63  }
0x1f: {  	_ =	swait.ge [sflag:s15], $0x2800  }
0x20: {  	[sflag:s15] =	ssyncset.done $0x0  }
0x21: {  	s4 =	simm.s32 $0x40;
	s0 =	simm.s32 $0x0;
	[sflag:s15] =	ssyncadd.s32 $0xFFFFD800  }
.LBB2_2:
0x22: {  	p0 =	sne.s32 s4, $0x7C0;
	v0 =	vld [tilespmem:s0+$0x0];
	_ =	sdelay $0x4  }
.Ltmp0:
0x23: {  	v1 =	vshll.u32 v0, $0x2;
	(pc) =	sbr.rel @p0 .LBB2_2-.Ltmp0, $4  }
0x24: {  	v2 =	vand.u32 $0xFFFFE000, v0;
	v0 =	vshrl.u32 v0, $0xB;
	v1 =	vand.u32 $0x1FFC, v1  }
0x25: {  	v0 =	vand.u32 $0x3, v0;
	v1 =	vor.u32 v2, v1  }
0x26: {  	v0 =	vor.u32 v0, v1  }
0x27: {  	[tilespmem:s0+$0x0] =	vst v0;
	s0 =	sshra.s32 s4, $0x2;
	s4 =	sadd.s32 $0x40, s4  }
0x28: {  	v0 =	vld [tilespmem:s0+$0x0];
	_ =	sdelay $0x4  }
0x29: {  	v1 =	vshll.u32 v0, $0x2  }
0x2a: {  	v2 =	vand.u32 $0xFFFFE000, v0;
	v0 =	vshrl.u32 v0, $0xB;
	v1 =	vand.u32 $0x1FFC, v1  }
0x2b: {  	v0 =	vand.u32 $0x3, v0;
	v1 =	vor.u32 v2, v1  }
0x2c: {  	v0 =	vor.u32 v0, v1  }
0x2d: {  	s4 =	simm.s32 $0x40;
	[tilespmem:s0+$0x0] =	vst v0;
	s0 =	simm.s32 $0x0  }
.LBB2_4:
0x2e: {  	p0 =	sne.s32 s4, $0x7C0;
	v0 =	vld [tilespmem:s0+$0x200];
	_ =	sdelay $0x4  }
.Ltmp1:
0x2f: {  	v1 =	vshll.u32 v0, $0x2;
	(pc) =	sbr.rel @p0 .LBB2_4-.Ltmp1, $4  }
0x30: {  	v2 =	vand.u32 $0xFFFFE000, v0;
	v0 =	vshrl.u32 v0, $0xB;
	v1 =	vand.u32 $0x1FFC, v1  }
0x31: {  	v0 =	vand.u32 $0x3, v0;
	v1 =	vor.u32 v2, v1  }
0x32: {  	v0 =	vor.u32 v0, v1  }
0x33: {  	[tilespmem:s0+$0x200] =	vst v0;
	s0 =	sshra.s32 s4, $0x2;
	s4 =	sadd.s32 $0x40, s4  }
0x34: {  	v0 =	vld [tilespmem:s0+$0x200];
	_ =	sdelay $0x4  }
0x35: {  	v1 =	vshll.u32 v0, $0x2  }
0x36: {  	v2 =	vand.u32 $0xFFFFE000, v0;
	v0 =	vshrl.u32 v0, $0xB;
	v1 =	vand.u32 $0x1FFC, v1  }
0x37: {  	v0 =	vand.u32 $0x3, v0;
	v1 =	vor.u32 v2, v1  }
0x38: {  	v0 =	vor.u32 v0, v1  }
0x39: {  	s4 =	simm.s32 $0x40;
	[tilespmem:s0+$0x200] =	vst v0;
	s0 =	simm.s32 $0x0  }
.LBB2_6:
0x3a: {  	p0 =	sne.s32 s4, $0x9FC0;
	v0 =	vld [tilespmem:s0+$0x400];
	_ =	sdelay $0x4  }
.Ltmp2:
0x3b: {  	v1 =	vshll.u32 v0, $0x2;
	(pc) =	sbr.rel @p0 .LBB2_6-.Ltmp2, $4  }
0x3c: {  	v2 =	vand.u32 $0xFFFFE000, v0;
	v0 =	vshrl.u32 v0, $0xB;
	v1 =	vand.u32 $0x1FFC, v1  }
0x3d: {  	v0 =	vand.u32 $0x3, v0;
	v1 =	vor.u32 v2, v1  }
0x3e: {  	v0 =	vor.u32 v0, v1  }
0x3f: {  	[tilespmem:s0+$0x400] =	vst v0;
	s0 =	sshra.s32 s4, $0x2;
	s4 =	sadd.s32 $0x40, s4  }
0x40: {  	v0 =	vld [tilespmem:s0+$0x400];
	_ =	sdelay $0x4  }
0x41: {  	v1 =	vshll.u32 v0, $0x2  }
0x42: {  	v2 =	vand.u32 $0xFFFFE000, v0;
	v0 =	vshrl.u32 v0, $0xB;
	v1 =	vand.u32 $0x1FFC, v1  }
0x43: {  	v0 =	vand.u32 $0x3, v0;
	v1 =	vor.u32 v2, v1  }
0x44: {  	v0 =	vor.u32 v0, v1  }
0x45: {  	s29 =	simm.s32 $0x0;
	[tilespmem:s0+$0x400] =	vst v0  }
.LBB2_8:
0x46: {  	s30 =	sshll.u32 s29, $0x6;
	s0 =	simm.s32 $0x2C00  }
0x47: {  	[tilespmem:s0], [sflag:$0x1] =	stream.indirect.gather [hbm4b:s5+s18], $0x20, s30, s18, $0xb8;
	[tilespmem:$0x19C80] =	vst v63  }
0x48: {  	s4 =	simm.s32 $0x3400  }
0x49: {  	[tilespmem:s4], [sflag:$0x1] =	stream.indirect.gather [hbm4b:s6+s18], $0x20, s30, s18, $0xb8;
	[tilespmem:$0x19C80] =	vst v63  }
0x4a: {  	s0 =	sadd.s32 $0x200, s30;
	s4 =	simm.s32 $0x3C00  }
0x4b: {  	[tilespmem:s4], [sflag:$0x1] =	stream.indirect.gather [hbm4b:s5+s18], $0x20, s0, s18, $0xb8;
	[tilespmem:$0x19C80] =	vst v63  }
0x4c: {  	s16 =	simm.s32 $0x4400;
	s4 =	smul.u32 $0x1400, s29  }
0x4d: {  	[tilespmem:s16], [sflag:$0x1] =	stream.indirect.gather [hbm4b:s7+s18], $0x20, s0, s18, $0xb8;
	[tilespmem:$0x19C80] =	vst v63  }
0x4e: {  	s0 =	sshra.s32 s4, $0x2  }
0x4f: {  	s16 =	simm.s32 $0x4C00;
	s4 =	sadd.s32 $0x400, s0  }
0x50: {  	[tilespmem:s16], [sflag:$0x1] =	stream.indirect.gather [hbm4b:s5+s23], $0x20, s4, s23, $0xb8;
	[tilespmem:$0x19C80] =	vst v63  }
0x51: {  	s16 =	simm.s32 $0xEC00  }
0x52: {  	[tilespmem:s16], [sflag:$0x1] =	stream.indirect.gather [hbm4b:s7+s23], $0x20, s4, s23, $0xb8;
	[tilespmem:$0x19C80] =	vst v63  }
0x53: {  	s4 =	sadd.s32 $0x480, s0;
	s16 =	simm.s32 $0x5C00  }
0x54: {  	[tilespmem:s16], [sflag:$0x1] =	stream.indirect.gather [hbm4b:s5+s23], $0x20, s4, s23, $0xb8;
	[tilespmem:$0x19C80] =	vst v63  }
0x55: {  	s16 =	simm.s32 $0xFC00  }
0x56: {  	[tilespmem:s16], [sflag:$0x1] =	stream.indirect.gather [hbm4b:s7+s23], $0x20, s4, s23, $0xb8;
	[tilespmem:$0x19C80] =	vst v63  }
0x57: {  	s4 =	sadd.s32 $0x500, s0;
	s16 =	simm.s32 $0x6C00  }
0x58: {  	[tilespmem:s16], [sflag:$0x1] =	stream.indirect.gather [hbm4b:s5+s23], $0x20, s4, s23, $0xb8;
	[tilespmem:$0x19C80] =	vst v63  }
0x59: {  	s16 =	simm.s32 $0x10C00  }
0x5a: {  	[tilespmem:s16], [sflag:$0x1] =	stream.indirect.gather [hbm4b:s7+s23], $0x20, s4, s23, $0xb8;
	[tilespmem:$0x19C80] =	vst v63  }
0x5b: {  	s4 =	sadd.s32 $0x580, s0;
	s16 =	simm.s32 $0x7C00  }
0x5c: {  	[tilespmem:s16], [sflag:$0x1] =	stream.indirect.gather [hbm4b:s5+s23], $0x20, s4, s23, $0xb8;
	[tilespmem:$0x19C80] =	vst v63  }
0x5d: {  	s16 =	simm.s32 $0x11C00  }
0x5e: {  	[tilespmem:s16], [sflag:$0x1] =	stream.indirect.gather [hbm4b:s7+s23], $0x20, s4, s23, $0xb8;
	[tilespmem:$0x19C80] =	vst v63  }
0x5f: {  	s4 =	sadd.s32 $0x600, s0;
	s16 =	simm.s32 $0x8C00  }
0x60: {  	[tilespmem:s16], [sflag:$0x1] =	stream.indirect.gather [hbm4b:s5+s23], $0x20, s4, s23, $0xb8;
	[tilespmem:$0x19C80] =	vst v63  }
0x61: {  	s16 =	simm.s32 $0x12C00  }
0x62: {  	[tilespmem:s16], [sflag:$0x1] =	stream.indirect.gather [hbm4b:s7+s23], $0x20, s4, s23, $0xb8;
	[tilespmem:$0x19C80] =	vst v63  }
0x63: {  	s16 =	sadd.s32 $0x680, s0  }
0x64: {  	[tilespmem:s17], [sflag:$0x1] =	stream.indirect.gather [hbm4b:s5+s23], $0x20, s16, s23, $0xb8;
	[tilespmem:$0x19C80] =	vst v63  }
0x65: {  	_ = 	snop  }
0x66: {  	[tilespmem:s11], [sflag:$0x1] =	stream.indirect.gather [hbm4b:s7+s23], $0x20, s16, s23, $0xb8;
	[tilespmem:$0x19C80] =	vst v63  }
0x67: {  	s16 =	sadd.s32 $0x700, s0  }
0x68: {  	[tilespmem:s12], [sflag:$0x1] =	stream.indirect.gather [hbm4b:s5+s23], $0x20, s16, s23, $0xb8;
	[tilespmem:$0x19C80] =	vst v63  }
0x69: {  	_ = 	snop  }
0x6a: {  	[tilespmem:s13], [sflag:$0x1] =	stream.indirect.gather [hbm4b:s7+s23], $0x20, s16, s23, $0xb8;
	[tilespmem:$0x19C80] =	vst v63  }
0x6b: {  	s16 =	sadd.s32 $0x780, s0  }
0x6c: {  	[tilespmem:s14], [sflag:$0x1] =	stream.indirect.gather [hbm4b:s5+s23], $0x20, s16, s23, $0xb8;
	[tilespmem:$0x19C80] =	vst v63  }
0x6d: {  	_ = 	snop  }
0x6e: {  	[tilespmem:s1], [sflag:$0x1] =	stream.indirect.gather [hbm4b:s7+s23], $0x20, s16, s23, $0xb8;
	[tilespmem:$0x19C80] =	vst v63  }
0x6f: {  	s16 =	sadd.s32 $0x800, s0  }
0x70: {  	[tilespmem:s2], [sflag:$0x1] =	stream.indirect.gather [hbm4b:s5+s23], $0x20, s16, s23, $0xb8;
	[tilespmem:$0x19C80] =	vst v63  }
0x71: {  	_ = 	snop  }
0x72: {  	[tilespmem:s19], [sflag:$0x1] =	stream.indirect.gather [hbm4b:s7+s23], $0x20, s16, s23, $0xb8;
	[tilespmem:$0x19C80] =	vst v63  }
0x73: {  	s0 =	sadd.s32 $0x880, s0  }
0x74: {  	[tilespmem:s20], [sflag:$0x1] =	stream.indirect.gather [hbm4b:s5+s23], $0x20, s0, s23, $0xb8;
	[tilespmem:$0x19C80] =	vst v63  }
0x75: {  	_ = 	snop  }
0x76: {  	[tilespmem:s21], [sflag:$0x1] =	stream.indirect.gather [hbm4b:s7+s23], $0x20, s0, s23, $0xb8;
	[tilespmem:$0x19C80] =	vst v63  }
0x77: {  	_ =	swait.ge [sflag:s22], $0x800  }
0x78: {  	[sflag:s22] =	ssyncset.done $0x0  }
0x79: {  	[sflag:s22] =	ssyncadd.s32 $0xFFFFF800  }
0x7a: {  	_ =	swait.ge [sflag:s22], $0x800  }
0x7b: {  	[sflag:s22] =	ssyncset.done $0x0  }
0x7c: {  	[sflag:s22] =	ssyncadd.s32 $0xFFFFF800  }
0x7d: {  	_ =	swait.ge [sflag:s22], $0x800  }
0x7e: {  	[sflag:s22] =	ssyncset.done $0x0  }
0x7f: {  	[sflag:s22] =	ssyncadd.s32 $0xFFFFF800  }
0x80: {  	_ =	swait.ge [sflag:s22], $0x800  }
0x81: {  	[sflag:s22] =	ssyncset.done $0x0  }
0x82: {  	[sflag:s22] =	ssyncadd.s32 $0xFFFFF800  }
0x83: {  	_ =	swait.ge [sflag:s22], $0x1000  }
0x84: {  	[sflag:s22] =	ssyncset.done $0x0  }
0x85: {  	[sflag:s22] =	ssyncadd.s32 $0xFFFFF000  }
0x86: {  	_ =	swait.ge [sflag:s22], $0x1000  }
0x87: {  	[sflag:s22] =	ssyncset.done $0x0  }
0x88: {  	[sflag:s22] =	ssyncadd.s32 $0xFFFFF000  }
0x89: {  	_ =	swait.ge [sflag:s22], $0x1000  }
0x8a: {  	[sflag:s22] =	ssyncset.done $0x0  }
0x8b: {  	[sflag:s22] =	ssyncadd.s32 $0xFFFFF000  }
0x8c: {  	_ =	swait.ge [sflag:s22], $0x1000  }
0x8d: {  	[sflag:s22] =	ssyncset.done $0x0  }
0x8e: {  	[sflag:s22] =	ssyncadd.s32 $0xFFFFF000  }
0x8f: {  	_ =	swait.ge [sflag:s22], $0x1000  }
0x90: {  	[sflag:s22] =	ssyncset.done $0x0  }
0x91: {  	[sflag:s22] =	ssyncadd.s32 $0xFFFFF000  }
0x92: {  	_ =	swait.ge [sflag:s22], $0x1000  }
0x93: {  	[sflag:s22] =	ssyncset.done $0x0  }
0x94: {  	[sflag:s22] =	ssyncadd.s32 $0xFFFFF000  }
0x95: {  	_ =	swait.ge [sflag:s22], $0x1000  }
0x96: {  	[sflag:s22] =	ssyncset.done $0x0  }
0x97: {  	[sflag:s22] =	ssyncadd.s32 $0xFFFFF000  }
0x98: {  	_ =	swait.ge [sflag:s22], $0x1000  }
0x99: {  	[sflag:s22] =	ssyncset.done $0x0  }
0x9a: {  	[sflag:s22] =	ssyncadd.s32 $0xFFFFF000  }
0x9b: {  	_ =	swait.ge [sflag:s22], $0x1000  }
0x9c: {  	[sflag:s22] =	ssyncset.done $0x0  }
0x9d: {  	[sflag:s22] =	ssyncadd.s32 $0xFFFFF000  }
0x9e: {  	_ =	swait.ge [sflag:s22], $0x1000  }
0x9f: {  	[sflag:s22] =	ssyncset.done $0x0  }
0xa0: {  	[sflag:s22] =	ssyncadd.s32 $0xFFFFF000  }
0xa1: {  	_ =	swait.ge [sflag:s22], $0x1000  }
0xa2: {  	[sflag:s22] =	ssyncset.done $0x0  }
0xa3: {  	[sflag:s22] =	ssyncadd.s32 $0xFFFFF000  }
0xa4: {  	_ =	swait.ge [sflag:s22], $0x1000  }
0xa5: {  	[sflag:s22] =	ssyncset.done $0x0  }
0xa6: {  	[sflag:s22] =	ssyncadd.s32 $0xFFFFF000  }
0xa7: {  	_ =	swait.ge [sflag:s22], $0x1000  }
0xa8: {  	[sflag:s22] =	ssyncset.done $0x0  }
0xa9: {  	[sflag:s22] =	ssyncadd.s32 $0xFFFFF000  }
0xaa: {  	_ =	swait.ge [sflag:s22], $0x1000  }
0xab: {  	[sflag:s22] =	ssyncset.done $0x0  }
0xac: {  	[sflag:s22] =	ssyncadd.s32 $0xFFFFF000  }
0xad: {  	_ =	swait.ge [sflag:s22], $0x1000  }
0xae: {  	[sflag:s22] =	ssyncset.done $0x0  }
0xaf: {  	[sflag:s22] =	ssyncadd.s32 $0xFFFFF000  }
0xb0: {  	_ =	swait.ge [sflag:s22], $0x1000  }
0xb1: {  	[sflag:s22] =	ssyncset.done $0x0  }
0xb2: {  	[sflag:s22] =	ssyncadd.s32 $0xFFFFF000  }
0xb3: {  	_ =	swait.ge [sflag:s22], $0x1000  }
0xb4: {  	[sflag:s22] =	ssyncset.done $0x0  }
0xb5: {  	[sflag:s22] =	ssyncadd.s32 $0xFFFFF000  }
0xb6: {  	_ =	swait.ge [sflag:s22], $0x1000  }
0xb7: {  	[sflag:s22] =	ssyncset.done $0x0  }
0xb8: {  	[sflag:s22] =	ssyncadd.s32 $0xFFFFF000  }
0xb9: {  	_ =	swait.ge [sflag:s22], $0x1000  }
0xba: {  	[sflag:s22] =	ssyncset.done $0x0  }
0xbb: {  	[sflag:s22] =	ssyncadd.s32 $0xFFFFF000  }
0xbc: {  	_ =	swait.ge [sflag:s22], $0x1000  }
0xbd: {  	[sflag:s22] =	ssyncset.done $0x0  }
0xbe: {  	s16 =	simm.s32 $0x0;
	[sflag:s22] =	ssyncadd.s32 $0xFFFFF000  }
0xbf: {  	v13 =	vld [tilespmem:s16+$0x44A0];
	_ =	sdelay $0x4  }
0xc0: {  	[tilespmem:$0x1FC70] =	vst v13;
	v13 =	vld [tilespmem:s16+$0x34A0];
	_ =	sdelay $0x4  }
0xc1: {  	[tilespmem:$0x1FC80] =	vst v13;
	v13 =	vld [tilespmem:s16+$0x44B0];
	_ =	sdelay $0x4  }
0xc2: {  	[tilespmem:$0x1FC90] =	vst v13;
	v13 =	vld [tilespmem:s16+$0x34B0];
	_ =	sdelay $0x1  }
0xc3: {  	v10 =	vld [tilespmem:s16+$0x45E0]  }
0xc4: {  	v11 =	vld [tilespmem:s16+$0x35E0]  }
0xc5: {  	v12 =	vld [tilespmem:s16+$0x45F0]  }
0xc6: {  	[tilespmem:$0x1FCA0] =	vst v13;
	v13 =	vld [tilespmem:s16+$0x2CA0]  }
0xc7: {  	v14 =	vld [tilespmem:s16+$0x35F0]  }
0xc8: {  	v0 =	vld [tilespmem:s16+$0x2DE0]  }
0xc9: {  	v15 =	vld [tilespmem:s16+$0x45C0]  }
0xca: {  	v16 =	vld [tilespmem:s16+$0x35C0]  }
0xcb: {  	[tilespmem:$0x1FCB0] =	vst v13;
	v13 =	vld [tilespmem:s16+$0x3CA0]  }
0xcc: {  	v17 =	vld [tilespmem:s16+$0x45D0]  }
0xcd: {  	v18 =	vld [tilespmem:s16+$0x35D0]  }
0xce: {  	v19 =	vld [tilespmem:s16+$0x2DC0]  }
0xcf: {  	v20 =	vld [tilespmem:s16+$0x3DC0]  }
0xd0: {  	[tilespmem:$0x1FCC0] =	vst v13;
	v13 =	vld [tilespmem:s16+$0x2CB0]  }
0xd1: {  	v21 =	vld [tilespmem:s16+$0x2DD0]  }
0xd2: {  	v22 =	vld [tilespmem:s16+$0x3DD0]  }
0xd3: {  	v23 =	vld [tilespmem:s16+$0x45A0]  }
0xd4: {  	v24 =	vld [tilespmem:s16+$0x35A0]  }
0xd5: {  	[tilespmem:$0x1FCD0] =	vst v13;
	v13 =	vld [tilespmem:s16+$0x3CB0]  }
0xd6: {  	v25 =	vld [tilespmem:s16+$0x45B0]  }
0xd7: {  	v26 =	vld [tilespmem:s16+$0x35B0]  }
0xd8: {  	v27 =	vld [tilespmem:s16+$0x2DA0]  }
0xd9: {  	v28 =	vld [tilespmem:s16+$0x3DA0]  }
0xda: {  	[tilespmem:$0x1FCE0] =	vst v13;
	v13 =	vld [tilespmem:s16+$0x4480]  }
0xdb: {  	v29 =	vld [tilespmem:s16+$0x2DB0]  }
0xdc: {  	v30 =	vld [tilespmem:s16+$0x3DB0]  }
0xdd: {  	v31 =	vld [tilespmem:s16+$0x2D80]  }
0xde: {  	v32 =	vld [tilespmem:s16+$0x3D80]  }
0xdf: {  	[tilespmem:$0x1FCF0] =	vst v13;
	v13 =	vld [tilespmem:s16+$0x3480]  }
0xe0: {  	v33 =	vld [tilespmem:s16+$0x2D90]  }
0xe1: {  	v34 =	vld [tilespmem:s16+$0x3D90]  }
0xe2: {  	v35 =	vld [tilespmem:s16+$0x4560]  }
0xe3: {  	v36 =	vld [tilespmem:s16+$0x3560]  }
0xe4: {  	[tilespmem:$0x1FD00] =	vst v13;
	v13 =	vld [tilespmem:s16+$0x4490]  }
0xe5: {  	v37 =	vld [tilespmem:s16+$0x4570]  }
0xe6: {  	v38 =	vld [tilespmem:s16+$0x3570]  }
0xe7: {  	v39 =	vld [tilespmem:s16+$0x2D60]  }
0xe8: {  	v40 =	vld [tilespmem:s16+$0x3D60]  }
0xe9: {  	[tilespmem:$0x1FD10] =	vst v13;
	v13 =	vld [tilespmem:s16+$0x3490]  }
0xea: {  	v41 =	vld [tilespmem:s16+$0x2D70]  }
0xeb: {  	[tilespmem:$0x1FDE0] =	vst v0;
	v0 =	vld [tilespmem:s16+$0x3DE0]  }
0xec: {  	v42 =	vld [tilespmem:s16+$0x3D70]  }
0xed: {  	v43 =	vld [tilespmem:s16+$0x4540]  }
0xee: {  	[tilespmem:$0x1FD20] =	vst v13;
	v13 =	vld [tilespmem:s16+$0x2C80]  }
0xef: {  	v44 =	vld [tilespmem:s16+$0x3540]  }
0xf0: {  	[tilespmem:$0x1FDF0] =	vst v0;
	v0 =	vld [tilespmem:s16+$0x2DF0]  }
0xf1: {  	v45 =	vld [tilespmem:s16+$0x4550]  }
0xf2: {  	v46 =	vld [tilespmem:s16+$0x3550]  }
0xf3: {  	[tilespmem:$0x1FD30] =	vst v13;
	v13 =	vld [tilespmem:s16+$0x3C80]  }
0xf4: {  	v47 =	vld [tilespmem:s16+$0x2D40]  }
0xf5: {  	[tilespmem:$0x1FE00] =	vst v0;
	v0 =	vld [tilespmem:s16+$0x3DF0]  }
0xf6: {  	v48 =	vld [tilespmem:s16+$0x3D40]  }
0xf7: {  	v49 =	vld [tilespmem:s16+$0x2D50]  }
0xf8: {  	[tilespmem:$0x1FD40] =	vst v13;
	v13 =	vld [tilespmem:s16+$0x2C90]  }
0xf9: {  	v50 =	vld [tilespmem:s16+$0x3D50]  }
0xfa: {  	[tilespmem:$0x1FE10] =	vst v0;
	v0 =	vld [tilespmem:s16+$0x4580]  }
0xfb: {  	v51 =	vld [tilespmem:s16+$0x2D20]  }
0xfc: {  	v52 =	vld [tilespmem:s16+$0x3D20]  }
0xfd: {  	[tilespmem:$0x1FD50] =	vst v13;
	v13 =	vld [tilespmem:s16+$0x3C90]  }
0xfe: {  	v53 =	vld [tilespmem:s16+$0x2D30]  }
0xff: {  	[tilespmem:$0x1FE30] =	vst v0;
	v0 =	vld [tilespmem:s16+$0x3580]  }
0x100: {  	v54 =	vld [tilespmem:s16+$0x3D30]  }
0x101: {  	v55 =	vld [tilespmem:s16+$0x4500]  }
0x102: {  	[tilespmem:$0x1FD60] =	vst v13;
	v13 =	vld [tilespmem:s16+$0x4460]  }
0x103: {  	v56 =	vld [tilespmem:s16+$0x3500]  }
0x104: {  	[tilespmem:$0x1FE40] =	vst v0;
	v0 =	vld [tilespmem:s16+$0x4590]  }
0x105: {  	v57 =	vld [tilespmem:s16+$0x4510]  }
0x106: {  	v63 =	vld [tilespmem:s16+$0x44E0]  }
0x107: {  	[tilespmem:$0x1FDD0] =	vst v13;
	v13 =	vld [tilespmem:s16+$0x2C60]  }
0x108: {  	v2 =	vld [tilespmem:s16+$0x34E0]  }
0x109: {  	[tilespmem:$0x1FE50] =	vst v0;
	v0 =	vld [tilespmem:s16+$0x3590]  }
0x10a: {  	v1 =	vld [tilespmem:s16+$0x44F0]  }
0x10b: {  	v9 =	vld [tilespmem:s16+$0x2CE0]  }
0x10c: {  	[tilespmem:$0x1FD70] =	vst v13;
	v13 =	vld [tilespmem:s16+$0x3C60]  }
0x10d: {  	v5 =	vld [tilespmem:s16+$0x3CE0]  }
0x10e: {  	[tilespmem:$0x1FE60] =	vst v0;
	v0 =	vld [tilespmem:s16+$0x4520]  }
0x10f: {  	v6 =	vld [tilespmem:s16+$0x44C0]  }
0x110: {  	v4 =	vld [tilespmem:s16+$0x2CF0]  }
0x111: {  	[tilespmem:$0x1FD80] =	vst v13;
	v13 =	vld [tilespmem:s16+$0x2C70]  }
0x112: {  	v3 =	vld [tilespmem:s16+$0x3CF0]  }
0x113: {  	[tilespmem:$0x1FE70] =	vst v0;
	v0 =	vld [tilespmem:s16+$0x34F0]  }
0x114: {  	[tilespmem:$0x1FE20] =	vst v6;
	v6 =	vld [tilespmem:s16+$0x2CC0]  }
0x115: {  	v58 =	vld [tilespmem:s16+$0x3510];
	v10 =	vmul.f32 v10, v11;
	v11 =	vmul.f32 v12, v14  }
0x116: {  	v14 =	vmul.f32 v15, v16;
	v15 =	vmul.f32 v17, v18;
	[tilespmem:$0x1FD90] =	vst v13;
	v13 =	vld [tilespmem:s16+$0x3C70]  }
0x117: {  	v59 =	vld [tilespmem:s16+$0x2D00];
	v17 =	vmul.f32 v22, v21;
	v2 =	vmul.f32 v63, v2  }
0x118: {  	v60 =	vld [tilespmem:s16+$0x3D00];
	v5 =	vmul.f32 v5, v9;
	v10 =	vadd.f32 v11, v10;
	v0 =	vmul.f32 v1, v0  }
0x119: {  	v7 =	vld [tilespmem:s16+$0x3CC0];
	v3 =	vmul.f32 v3, v4;
	v11 =	vmul.f32 v20, v19;
	v14 =	vadd.f32 v15, v14;
	[tilespmem:$0x1FC60] =	vst v6  }
0x11a: {  	v15 =	vmul.f32 v23, v24;
	v19 =	vmul.f32 v25, v26;
	(xrf2) =	vadd.scan.msk.f32 $0xffff, v10;
	v2 =	vadd.f32 v0, v2;
	v0 =	vld [tilespmem:$0x1FC60]  }
0x11b: {  	v10 =	vadd.f32 v17, v11;
	v11 =	vmul.f32 v28, v27;
	v17 =	vmul.f32 v30, v29;
	[tilespmem:$0x1FDA0] =	vst v13;
	v13 =	vld [tilespmem:s16+$0x4440]  }
0x11c: {  	v61 =	vld [tilespmem:s16+$0x2D10];
	(xrf2) =	vadd.scan.msk.f32 $0xffff, v14;
	v14 =	vadd.f32 v19, v15;
	v15 =	vmul.f32 v32, v31;
	v19 =	vmul.f32 v34, v33  }
0x11d: {  	v62 =	vld [tilespmem:s16+$0x3D10];
	v3 =	vadd.f32 v3, v5;
	(xrf2) =	vadd.scan.msk.f32 $0xffff, v10;
	v10 =	vadd.f32 v17, v11;
	v11 =	vmul.f32 v35, v36  }
0x11e: {  	v17 =	vmul.f32 v37, v38;
	v5 =	vld [tilespmem:$0x1FC80];
	(xrf2) =	vadd.scan.msk.f32 $0xffff, v14;
	v14 =	vadd.f32 v19, v15;
	v15 =	vmul.f32 v40, v39  }
0x11f: {  	v19 =	vmul.f32 v42, v41;
	(xrf2) =	vadd.scan.msk.f32 $0xffff, v10;
	v7 =	vmul.f32 v7, v0;
	v0 =	vld [tilespmem:$0x1FC70]  }
0x120: {  	v10 =	vadd.f32 v17, v11;
	v11 =	vmul.f32 v43, v44;
	v17 =	vmul.f32 v45, v46;
	[tilespmem:$0x1FDB0] =	vst v13;
	v13 =	vld [tilespmem:s16+$0x3440]  }
0x121: {  	(xrf2) =	vadd.scan.msk.f32 $0xffff, v14;
	v14 =	vadd.f32 v19, v15;
	v15 =	vmul.f32 v48, v47;
	v19 =	vmul.f32 v50, v49  }
0x122: {  	v8 =	vld [tilespmem:s16+$0x2CD0];
	(xrf2) =	vadd.scan.msk.f32 $0xffff, v10;
	v10 =	vadd.f32 v17, v11;
	v11 =	vmul.f32 v52, v51;
	v17 =	vmul.f32 v54, v53  }
0x123: {  	v6 =	vld [tilespmem:s16+$0x3CD0];
	(xrf2) =	vadd.scan.msk.f32 $0xffff, v14;
	v14 =	vadd.f32 v19, v15;
	v15 =	vmul.f32 v55, v56  }
0x124: {  	v19 =	vmul.f32 v57, v58;
	v11 =	vadd.f32 v17, v11;
	v5 =	vmul.f32 v0, v5;
	v0 =	vld [tilespmem:$0x1FC90]  }
0x125: {  	v29 =	vmul.f32 v62, v61;
	(xrf2) =	vadd.scan.msk.f32 $0xffff, v10;
	v17 =	vmul.f32 v60, v59;
	[tilespmem:$0x1FDC0] =	vst v13;
	v13 =	vld [tilespmem:$0x1FCA0]  }
0x126: {  	(xrf2) =	vadd.scan.msk.f32 $0xffff, v14;
	v14 =	vadd.f32 v19, v15  }
0x127: {  	v10, _, _ =	vpop (xrf2);
	(xrf2) =	vadd.scan.msk.f32 $0xffff, v11;
	v15 =	vadd.f32 v29, v17  }
0x128: {  	v6 =	vmul.f32 v6, v8;
	v11, _, _ =	vpop (xrf2);
	(xrf2) =	vadd.scan.msk.f32 $0xffff, v14  }
0x129: {  	v12 =	vld [tilespmem:s16+$0x4450];
	v9, _, _ =	vpop (xrf2);
	(xrf2) =	vadd.scan.msk.f32 $0xffff, v15  }
0x12a: {  	v13 =	vmul.f32 v0, v13;
	v0, _, _ =	vpop (xrf2);
	(xrf2) =	vadd.scan.msk.f32 $0xffff, v2;
	v2 =	vadd.f32 v6, v7;
	v6 =	vld [tilespmem:$0x1FCB0]  }
0x12b: {  	v7 =	vld [tilespmem:$0x1FCC0]  }
0x12c: {  	v16 =	vld [tilespmem:s16+$0x3450]  }
0x12d: {  	v14 =	vld [tilespmem:$0x1FCE0]  }
0x12e: {  	v19, _, _ =	vpop (xrf2);
	(xrf2) =	vadd.scan.msk.f32 $0xffff, v3;
	v3 =	vadd.f32 v13, v5;
	v5 =	vld [tilespmem:$0x1FCF0]  }
0x12f: {  	v13 =	vld [tilespmem:$0x1FD00]  }
0x130: {  	v6 =	vmul.f32 v7, v6;
	v7 =	vld [tilespmem:$0x1FCD0]  }
0x131: {  	v18 =	vld [tilespmem:s16+$0x2C40]  }
0x132: {  	v21 =	vld [tilespmem:s16+$0x2C50]  }
0x133: {  	v22 =	vld [tilespmem:s16+$0x3C50]  }
0x134: {  	v4 =	vld [tilespmem:s16+$0x3C00]  }
0x135: {  	v5 =	vmul.f32 v5, v13;
	v13 =	vld [tilespmem:$0x1FD10];
	v7 =	vmul.f32 v14, v7  }
0x136: {  	v14 =	vld [tilespmem:$0x1FD20]  }
0x137: {  	v31, _, _ =	vpop (xrf2);
	(xrf2) =	vadd.scan.msk.f32 $0xffff, v2;
	v2 =	vadd.f32 v7, v6;
	v6 =	vld [tilespmem:$0x1FD30]  }
0x138: {  	v7 =	vld [tilespmem:$0x1FD40]  }
0x139: {  	v20 =	vld [tilespmem:s16+$0x3C40]  }
0x13a: {  	v23 =	vld [tilespmem:s16+$0x4400]  }
0x13b: {  	v24 =	vld [tilespmem:s16+$0x3400]  }
0x13c: {  	v13 =	vmul.f32 v13, v14;
	v14 =	vld [tilespmem:$0x1FD60]  }
0x13d: {  	v6 =	vmul.f32 v7, v6;
	v7 =	vld [tilespmem:$0x1FD50]  }
0x13e: {  	v25 =	vld [tilespmem:s16+$0x4410]  }
0x13f: {  	v26 =	vld [tilespmem:s16+$0x3410]  }
0x140: {  	v27 =	vld [tilespmem:s16+$0x4420]  }
0x141: {  	v28 =	vld [tilespmem:s16+$0x3420]  }
0x142: {  	v7 =	vmul.f32 v14, v7;
	v14, _, _ =	vpop (xrf2);
	(xrf2) =	vadd.scan.msk.f32 $0xffff, v3;
	v3 =	vadd.f32 v13, v5;
	v5 =	vld [tilespmem:$0x1FD70]  }
0x143: {  	v13 =	vld [tilespmem:$0x1FD80]  }
0x144: {  	v30 =	vld [tilespmem:s16+$0x4430]  }
0x145: {  	v61 =	vld [tilespmem:s16+$0x2C30]  }
0x146: {  	v60 =	vld [tilespmem:$0x1FDA0]  }
0x147: {  	v62, _, _ =	vpop (xrf2);
	(xrf2) =	vadd.scan.msk.f32 $0xffff, v2;
	v2 =	vadd.f32 v7, v6;
	v6 =	vld [tilespmem:$0x1FDB0]  }
0x148: {  	v5 =	vmul.f32 v13, v5;
	v13 =	vld [tilespmem:$0x1FD90]  }
0x149: {  	v7 =	vld [tilespmem:$0x1FDC0]  }
0x14a: {  	v8 =	vld [tilespmem:s16+$0x2C00]  }
0x14b: {  	v17 =	vld [tilespmem:s16+$0x3C10]  }
0x14c: {  	v1 =	vld [tilespmem:s16+$0x3430]  }
0x14d: {  	v15 =	vld [tilespmem:s16+$0x2C10];
	v13 =	vmul.f32 v60, v13  }
0x14e: {  	v6 =	vmul.f32 v6, v7;
	v7 =	vmul.f32 v12, v16;
	v12 =	vld [tilespmem:s16+$0x3C30]  }
0x14f: {  	v59 =	vld [tilespmem:s16+$0x3C20];
	v16, _, _ =	vpop (xrf2);
	(xrf2) =	vadd.scan.msk.f32 $0xffff, v3;
	v3 =	vadd.f32 v13, v5;
	v5 =	vmul.f32 v20, v18;
	v13 =	vmul.f32 v22, v21  }
0x150: {  	v29 =	vld [tilespmem:s16+$0x2C20];
	v20, _, _ =	vpop (xrf2);
	(xrf2) =	vadd.scan.msk.f32 $0xffff, v2;
	v2 =	vadd.f32 v7, v6;
	v6 =	vmul.f32 v23, v24;
	v7 =	vmul.f32 v25, v26  }
0x151: {  	v1 =	vmul.f32 v30, v1;
	v22, _, _ =	vpop (xrf2);
	(xrf2) =	vadd.scan.msk.f32 $0xffff, v3;
	v3 =	vadd.f32 v13, v5;
	v5 =	vmul.f32 v27, v28  }
0x152: {  	v23, _, _ =	vpop (xrf2);
	(xrf2) =	vadd.scan.msk.f32 $0xffff, v2;
	v2 =	vadd.f32 v7, v6;
	v6 =	vmul.f32 v17, v15  }
0x153: {  	v4 =	vmul.f32 v4, v8;
	v18 =	vld [tilespmem:s16+$0x3460];
	v1 =	vadd.f32 v1, v5;
	v5 =	vmul.f32 v12, v61  }
0x154: {  	v21 =	vld [tilespmem:s16+$0x4470];
	v8, _, _ =	vpop (xrf2);
	(xrf2) =	vadd.scan.msk.f32 $0xffff, v3  }
0x155: {  	v26 =	vld [tilespmem:$0x1FE20];
	v3 =	vmul.f32 v59, v29;
	v15, _, _ =	vpop (xrf2);
	(xrf2) =	vadd.scan.msk.f32 $0xffff, v2;
	v2 =	vadd.f32 v6, v4  }
0x156: {  	v13 =	vld [tilespmem:s16+$0x3470];
	v6, _, _ =	vpop (xrf2);
	(xrf2) =	vadd.scan.msk.f32 $0xffff, v1  }
0x157: {  	v1 =	vadd.f32 v5, v3;
	v5, _, _ =	vpop (xrf2);
	(xrf2) =	vadd.scan.msk.f32 $0xffff, v2;
	v2 =	vld [tilespmem:$0x1FDD0]  }
0x158: {  	v7 =	vld [tilespmem:s16+$0x34C0]  }
0x159: {  	v12 =	vld [tilespmem:s16+$0x44D0]  }
0x15a: {  	v4 =	vld [tilespmem:s16+$0x34D0]  }
0x15b: {  	v24 =	vld [tilespmem:$0x1FDF0]  }
0x15c: {  	v25 =	vld [tilespmem:$0x1FE10];
	v13 =	vmul.f32 v21, v13;
	v2 =	vmul.f32 v2, v18  }
0x15d: {  	v27 =	vld [tilespmem:$0x1FE60]  }
0x15e: {  	v2 =	vadd.f32 v13, v2;
	v13 =	vld [tilespmem:$0x1FDE0]  }
0x15f: {  	v28 =	vld [tilespmem:$0x1FE70];
	v7 =	vmul.f32 v26, v7;
	v4 =	vmul.f32 v12, v4  }
0x160: {  	v26 =	vld [tilespmem:$0x1FE40]  }
0x161: {  	v4 =	vadd.f32 v4, v7;
	v7 =	vld [tilespmem:$0x1FE30]  }
0x162: {  	v17 =	vld [tilespmem:s16+$0x4530]  }
0x163: {  	v13 =	vmul.f32 v24, v13;
	v24 =	vld [tilespmem:$0x1FE00]  }
0x164: {  	v3 =	vld [tilespmem:s16+$0x3520]  }
0x165: {  	v21 =	vld [tilespmem:s16+$0x3530]  }
0x166: {  	v18, _, _ =	vpop (xrf2);
	(xrf2) =	vadd.scan.msk.f32 $0xffff, v1;
	v7 =	vmul.f32 v7, v26;
	v26 =	vld [tilespmem:$0x1FE50]  }
0x167: {  	v1, _, _ =	vpop (xrf2)  }
0x168: {  	v24 =	vmul.f32 v25, v24;
	v25, _, _ =	vpop (xrf2)  }
0x169: {  	(xrf2) =	vadd.scan.msk.f32 $0xffff, v2;
	v12, _, _ =	vpop (xrf2)  }
0x16a: {  	v3 =	vmul.f32 v28, v3;
	v2, _, _ =	vpop (xrf2)  }
0x16b: {  	v17 =	vmul.f32 v17, v21;
	v26 =	vmul.f32 v26, v27;
	v27, _, _ =	vpop (xrf2)  }
0x16c: {  	(xrf2) =	vadd.scan.msk.f32 $0xffff, v4;
	v21, _, _ =	vpop (xrf2)  }
0x16d: {  	v3 =	vadd.f32 v17, v3;
	v4, _, _ =	vpop (xrf2)  }
0x16e: {  	v17 =	vbroadcast v20, $0xF;
	v20, _, _ =	vpop (xrf2)  }
0x16f: {  	v5 =	vbroadcast v5, $0xF;
	v1 =	vbroadcast v1, $0xF;
	(xrf2) =	vadd.scan.msk.f32 $0xffff, v3;
	v30, _, _ =	vpop (xrf2)  }
0x170: {  	v7 =	vadd.f32 v26, v7;
	v12 =	vbroadcast v12, $0xF;
	v3 =	vbroadcast v21, $0xF;
	v21, _, _ =	vpop (xrf2)  }
0x171: {  	v26 =	vbroadcast v30, $0xF;
	v21 =	vbroadcast v21, $0xF  }
0x172: {  	v13 =	vadd.f32 v24, v13;
	v4 =	vbroadcast v4, $0xF;
	v20 =	vbroadcast v20, $0xF;
	(xrf2) =	vadd.scan.msk.f32 $0xffff, v7  }
0x173: {  	v2 =	vbroadcast v2, $0xF;
	v24, _, _ =	vpop (xrf2);
	v7 =	vsel vm0, v26, v21;
	v21 =	vbroadcast v27, $0xF  }
0x174: {  	v4 =	vsel vm0, v4, v20;
	v3 =	vsel vm1, v7, v3;
	v7 =	vbroadcast v24, $0xF  }
0x175: {  	v4 =	vsel vm1, v4, v21;
	v2 =	vsel vm2, v3, v2;
	v3 =	vbroadcast v25, $0xF  }
0x176: {  	v4 =	vsel vm2, v4, v7;
	v2 =	vsel vm3, v2, v12;
	v7 =	vbroadcast v18, $0xF;
	v12, _, _ =	vpop (xrf2)  }
0x177: {  	v3 =	vsel vm3, v4, v3;
	v1 =	vsel vm4, v2, v1;
	v2 =	vbroadcast v12, $0xF  }
0x178: {  	v4 =	vbroadcast v15, $0xF;
	v3 =	vsel vm4, v3, v7  }
0x179: {  	v1 =	vsel vm5, v1, v5;
	v5, _, _ =	vpop (xrf2);
	v2 =	vsel vm5, v3, v2;
	v3 =	vbroadcast v23, $0xF  }
0x17a: {  	v2 =	vsel vm6, v2, v4;
	v4 =	vbroadcast v5, $0xF  }
0x17b: {  	v2 =	vsel vm7, v2, v3;
	v3 =	vbroadcast v16, $0xF  }
0x17c: {  	v0 =	vbroadcast v0, $0xF;
	(xrf2) =	vadd.scan.msk.f32 $0xffff, v13;
	v5, _, _ =	vpop (xrf2);
	v2 =	vsel vm8, v2, v4;
	v4 =	vbroadcast v14, $0xF  }
0x17d: {  	v6 =	vbroadcast v6, $0xF;
	v2 =	vsel vm9, v2, v3;
	v3 =	vbroadcast v5, $0xF  }
0x17e: {  	v22 =	vbroadcast v22, $0xF;
	v8 =	vbroadcast v8, $0xF;
	v2 =	vsel vm10, v2, v4  }
0x17f: {  	v1 =	vsel vm6, v1, v6;
	v2 =	vsel vm11, v2, v3;
	v3 =	vbroadcast v11, $0xF  }
0x180: {  	v1 =	vsel vm7, v1, v8;
	v0 =	vsel vm12, v2, v0  }
0x181: {  	v28 =	vbroadcast v62, $0xF;
	v1 =	vsel vm8, v1, v22;
	v0 =	vsel vm13, v0, v3;
	v3 =	vld [tilespmem:$0x1FFF0]  }
0x182: {  	v29 =	vbroadcast v31, $0xF;
	v1 =	vsel vm9, v1, v17  }
0x183: {  	v19 =	vbroadcast v19, $0xF;
	v1 =	vsel vm10, v1, v28  }
0x184: {  	v9 =	vbroadcast v9, $0xF;
	v1 =	vsel vm11, v1, v29  }
0x185: {  	v1 =	vsel vm12, v1, v19  }
0x186: {  	v1 =	vsel vm13, v1, v9;
	v2, _, _ =	vpop (xrf2);
	vm14 =	vnez.u8 v3  }
0x187: {  	s31 =	simm.s32 $0x18C00;
	v1 =	vsel vm14, v1, v2  }
0x188: {  	s0 =	simm.s32 $0x18C40;
	v0 =	vsel vm14, v0, v10;
	[tilespmem:s31+$0x0] =	vst v1  }
0x189: {  	s4 =	simm.s32 $0x200;
	[tilespmem:s0+$0x0] =	vst v0  }
0x18a: {  	v10 =	vld [tilespmem:s4+$0x2CE0];
	_ =	sdelay $0x4  }
0x18b: {  	[tilespmem:$0x1FEC0] =	vst v10;
	v10 =	vld [tilespmem:s4+$0x3CE0];
	_ =	sdelay $0x4  }
0x18c: {  	[tilespmem:$0x1FED0] =	vst v10;
	v10 =	vld [tilespmem:s4+$0x2CF0];
	_ =	sdelay $0x4  }
0x18d: {  	[tilespmem:$0x1FEE0] =	vst v10;
	v10 =	vld [tilespmem:s4+$0x3CF0];
	_ =	sdelay $0x4  }
0x18e: {  	[tilespmem:$0x1FEF0] =	vst v10;
	v10 =	vld [tilespmem:s4+$0x2CC0];
	_ =	sdelay $0x4  }
0x18f: {  	[tilespmem:$0x1FF00] =	vst v10;
	v10 =	vld [tilespmem:s4+$0x3CC0];
	_ =	sdelay $0x4  }
0x190: {  	[tilespmem:$0x1FF10] =	vst v10;
	v10 =	vld [tilespmem:s4+$0x2CD0];
	_ =	sdelay $0x4  }
0x191: {  	[tilespmem:$0x1FF20] =	vst v10;
	v10 =	vld [tilespmem:s4+$0x3CD0];
	_ =	sdelay $0x4  }
0x192: {  	[tilespmem:$0x1FF30] =	vst v10;
	v10 =	vld [tilespmem:s4+$0x44A0];
	_ =	sdelay $0x4  }
0x193: {  	[tilespmem:$0x1FF40] =	vst v10;
	v10 =	vld [tilespmem:s4+$0x34A0];
	_ =	sdelay $0x2  }
0x194: {  	v0 =	vld [tilespmem:s4+$0x45E0]  }
0x195: {  	v12 =	vld [tilespmem:s4+$0x35F0]  }
0x196: {  	[tilespmem:$0x1FF50] =	vst v10;
	v10 =	vld [tilespmem:s4+$0x44B0]  }
0x197: {  	v14 =	vld [tilespmem:s4+$0x45C0]  }
0x198: {  	v15 =	vld [tilespmem:s4+$0x35C0]  }
0x199: {  	v16 =	vld [tilespmem:s4+$0x45D0]  }
0x19a: {  	v17 =	vld [tilespmem:s4+$0x35D0]  }
0x19b: {  	[tilespmem:$0x1FF60] =	vst v10;
	v10 =	vld [tilespmem:s4+$0x34B0]  }
0x19c: {  	v18 =	vld [tilespmem:s4+$0x2DC0]  }
0x19d: {  	v19 =	vld [tilespmem:s4+$0x3DC0]  }
0x19e: {  	v20 =	vld [tilespmem:s4+$0x2DD0]  }
0x19f: {  	v21 =	vld [tilespmem:s4+$0x3DD0]  }
0x1a0: {  	[tilespmem:$0x1FF70] =	vst v10;
	v10 =	vld [tilespmem:s4+$0x2CA0]  }
0x1a1: {  	v22 =	vld [tilespmem:s4+$0x45A0]  }
0x1a2: {  	v23 =	vld [tilespmem:s4+$0x35A0]  }
0x1a3: {  	v24 =	vld [tilespmem:s4+$0x45B0]  }
0x1a4: {  	v25 =	vld [tilespmem:s4+$0x35B0]  }
0x1a5: {  	[tilespmem:$0x1FF80] =	vst v10;
	v10 =	vld [tilespmem:s4+$0x3CA0]  }
0x1a6: {  	v26 =	vld [tilespmem:s4+$0x2DA0]  }
0x1a7: {  	v27 =	vld [tilespmem:s4+$0x3DA0]  }
0x1a8: {  	v28 =	vld [tilespmem:s4+$0x2DB0]  }
0x1a9: {  	v29 =	vld [tilespmem:s4+$0x3DB0]  }
0x1aa: {  	[tilespmem:$0x1FF90] =	vst v10;
	v10 =	vld [tilespmem:s4+$0x2CB0]  }
0x1ab: {  	v30 =	vld [tilespmem:s4+$0x2D80]  }
0x1ac: {  	v31 =	vld [tilespmem:s4+$0x3D80]  }
0x1ad: {  	v32 =	vld [tilespmem:s4+$0x2D90]  }
0x1ae: {  	v33 =	vld [tilespmem:s4+$0x3D90]  }
0x1af: {  	[tilespmem:$0x1FFA0] =	vst v10;
	v10 =	vld [tilespmem:s4+$0x3CB0]  }
0x1b0: {  	v34 =	vld [tilespmem:s4+$0x4560]  }
0x1b1: {  	v35 =	vld [tilespmem:s4+$0x3560]  }
0x1b2: {  	v36 =	vld [tilespmem:s4+$0x4570]  }
0x1b3: {  	v37 =	vld [tilespmem:s4+$0x3570]  }
0x1b4: {  	[tilespmem:$0x1FFB0] =	vst v10;
	v10 =	vld [tilespmem:s4+$0x4480]  }
0x1b5: {  	v38 =	vld [tilespmem:s4+$0x2D60]  }
0x1b6: {  	v39 =	vld [tilespmem:s4+$0x3D60]  }
0x1b7: {  	v40 =	vld [tilespmem:s4+$0x2D70]  }
0x1b8: {  	v41 =	vld [tilespmem:s4+$0x3D70]  }
0x1b9: {  	[tilespmem:$0x1FFC0] =	vst v10;
	v10 =	vld [tilespmem:s4+$0x3480]  }
0x1ba: {  	v42 =	vld [tilespmem:s4+$0x4540]  }
0x1bb: {  	v43 =	vld [tilespmem:s4+$0x3540]  }
0x1bc: {  	[tilespmem:$0x1FE80] =	vst v0;
	v0 =	vld [tilespmem:s4+$0x35E0]  }
0x1bd: {  	v44 =	vld [tilespmem:s4+$0x4550]  }
0x1be: {  	[tilespmem:$0x1FFD0] =	vst v10;
	v10 =	vld [tilespmem:s4+$0x4490]  }
0x1bf: {  	v45 =	vld [tilespmem:s4+$0x3550]  }
0x1c0: {  	v46 =	vld [tilespmem:s4+$0x2D40]  }
0x1c1: {  	[tilespmem:$0x1FE90] =	vst v0;
	v0 =	vld [tilespmem:s4+$0x45F0]  }
0x1c2: {  	v11 =	vld [tilespmem:$0x1FE90]  }
0x1c3: {  	[tilespmem:$0x1FFE0] =	vst v10;
	v10 =	vld [tilespmem:$0x1FE80]  }
0x1c4: {  	v47 =	vld [tilespmem:s4+$0x3D40]  }
0x1c5: {  	v48 =	vld [tilespmem:s4+$0x2D50]  }
0x1c6: {  	v49 =	vld [tilespmem:s4+$0x3D50]  }
0x1c7: {  	v50 =	vld [tilespmem:s4+$0x2D20];
	[tilespmem:$0x1FEA0] =	vst v0  }
0x1c8: {  	v10 =	vmul.f32 v10, v11;
	v11 =	vld [tilespmem:$0x1FEA0]  }
0x1c9: {  	v51 =	vld [tilespmem:s4+$0x3D20]  }
0x1ca: {  	v52 =	vld [tilespmem:s4+$0x2D30]  }
0x1cb: {  	v8 =	vld [tilespmem:s4+$0x44E0]  }
0x1cc: {  	v53 =	vld [tilespmem:s4+$0x3D30]  }
0x1cd: {  	v54 =	vld [tilespmem:s4+$0x4500];
	v11 =	vmul.f32 v11, v12  }
0x1ce: {  	v55 =	vld [tilespmem:s4+$0x3500];
	v14 =	vmul.f32 v14, v15;
	v15 =	vmul.f32 v16, v17  }
0x1cf: {  	v56 =	vld [tilespmem:s4+$0x4510];
	v17 =	vmul.f32 v21, v20;
	v10 =	vadd.f32 v11, v10;
	v11 =	vmul.f32 v19, v18  }
0x1d0: {  	v57 =	vld [tilespmem:s4+$0x3510];
	[tilespmem:$0x1FEB0] =	vst v8;
	v14 =	vadd.f32 v15, v14;
	v15 =	vmul.f32 v22, v23;
	v18 =	vmul.f32 v24, v25  }
0x1d1: {  	v58 =	vld [tilespmem:s4+$0x2D00];
	(xrf2) =	vadd.scan.msk.f32 $0xffff, v10;
	v10 =	vadd.f32 v17, v11;
	v11 =	vmul.f32 v27, v26;
	v17 =	vmul.f32 v29, v28  }
0x1d2: {  	v59 =	vld [tilespmem:s4+$0x3D00];
	(xrf2) =	vadd.scan.msk.f32 $0xffff, v14;
	v14 =	vadd.f32 v18, v15;
	v15 =	vmul.f32 v31, v30;
	v18 =	vmul.f32 v33, v32  }
0x1d3: {  	v60 =	vld [tilespmem:s4+$0x2D10];
	(xrf2) =	vadd.scan.msk.f32 $0xffff, v10;
	v10 =	vadd.f32 v17, v11;
	v11 =	vmul.f32 v34, v35;
	v17 =	vmul.f32 v36, v37  }
0x1d4: {  	v61 =	vld [tilespmem:s4+$0x3D10];
	(xrf2) =	vadd.scan.msk.f32 $0xffff, v14;
	v14 =	vadd.f32 v18, v15;
	v15 =	vmul.f32 v39, v38;
	v18 =	vmul.f32 v41, v40  }
0x1d5: {  	v62 =	vld [tilespmem:s4+$0x44F0];
	(xrf2) =	vadd.scan.msk.f32 $0xffff, v10;
	v10 =	vadd.f32 v17, v11;
	v11 =	vmul.f32 v42, v43;
	v17 =	vmul.f32 v44, v45  }
0x1d6: {  	v8 =	vld [tilespmem:s4+$0x34F0];
	(xrf2) =	vadd.scan.msk.f32 $0xffff, v14;
	v14 =	vadd.f32 v18, v15;
	v15 =	vmul.f32 v47, v46;
	v18 =	vmul.f32 v49, v48  }
0x1d7: {  	(xrf2) =	vadd.scan.msk.f32 $0xffff, v10;
	v10 =	vadd.f32 v17, v11;
	v11 =	vmul.f32 v51, v50;
	v17 =	vmul.f32 v53, v52  }
0x1d8: {  	(xrf2) =	vadd.scan.msk.f32 $0xffff, v14;
	v14 =	vadd.f32 v18, v15  }
0x1d9: {  	v15 =	vmul.f32 v54, v55;
	v18 =	vmul.f32 v56, v57;
	(xrf2) =	vadd.scan.msk.f32 $0xffff, v10;
	v10 =	vadd.f32 v17, v11  }
0x1da: {  	v11 =	vmul.f32 v59, v58;
	v17 =	vmul.f32 v61, v60;
	(xrf2) =	vadd.scan.msk.f32 $0xffff, v14  }
0x1db: {  	v14 =	vadd.f32 v18, v15;
	v18 =	vmul.f32 v62, v8;
	v8, _, _ =	vpop (xrf2);
	(xrf2) =	vadd.scan.msk.f32 $0xffff, v10;
	v10 =	vld [tilespmem:$0x1FEC0]  }
0x1dc: {  	v11 =	vadd.f32 v17, v11;
	v17 =	vld [tilespmem:$0x1FED0];
	_ =	sdelay $0x1  }
0x1dd: {  	v63 =	vld [tilespmem:s4+$0x34E0]  }
0x1de: {  	v15 =	vld [tilespmem:$0x1FEB0]  }
0x1df: {  	v23 =	vld [tilespmem:$0x1FEF0]  }
0x1e0: {  	v17 =	vmul.f32 v17, v10;
	v10 =	vld [tilespmem:$0x1FEE0];
	_ =	sdelay $0x2  }
0x1e1: {  	v15 =	vmul.f32 v15, v63;
	_ =	sdelay $0x1  }
0x1e2: {  	v23 =	vmul.f32 v23, v10;
	v10, _, _ =	vpop (xrf2);
	(xrf2) =	vadd.scan.msk.f32 $0xffff, v14;
	v14 =	vadd.f32 v18, v15;
	v15 =	vld [tilespmem:$0x1FF00]  }
0x1e3: {  	v18 =	vld [tilespmem:$0x1FF10]  }
0x1e4: {  	v1 =	vld [tilespmem:s4+$0x3DE0]  }
0x1e5: {  	v2 =	vld [tilespmem:s4+$0x2DF0]  }
0x1e6: {  	v3 =	vld [tilespmem:s4+$0x3DF0]  }
0x1e7: {  	v24 =	vld [tilespmem:$0x1FF30]  }
0x1e8: {  	v18 =	vmul.f32 v18, v15;
	v15 =	vld [tilespmem:$0x1FF20]  }
0x1e9: {  	v4 =	vld [tilespmem:s4+$0x4580]  }
0x1ea: {  	v5 =	vld [tilespmem:s4+$0x3580]  }
0x1eb: {  	v6 =	vld [tilespmem:s4+$0x4590]  }
0x1ec: {  	v17 =	vadd.f32 v23, v17;
	v23 =	vld [tilespmem:$0x1FF50]  }
0x1ed: {  	v24 =	vmul.f32 v24, v15;
	v15, _, _ =	vpop (xrf2);
	(xrf2) =	vadd.scan.msk.f32 $0xffff, v11;
	v11 =	vld [tilespmem:$0x1FF40]  }
0x1ee: {  	v7 =	vld [tilespmem:s4+$0x3590]  }
0x1ef: {  	v9 =	vld [tilespmem:s4+$0x4520]  }
0x1f0: {  	v13 =	vld [tilespmem:s4+$0x44C0]  }
0x1f1: {  	v31 =	vld [tilespmem:$0x1FF70]  }
0x1f2: {  	v23 =	vmul.f32 v11, v23;
	v11 =	vld [tilespmem:$0x1FF60]  }
0x1f3: {  	v16 =	vld [tilespmem:s4+$0x2C80]  }
0x1f4: {  	v20 =	vld [tilespmem:s4+$0x2C90]  }
0x1f5: {  	v21 =	vld [tilespmem:s4+$0x4460]  }
0x1f6: {  	v22 =	vld [tilespmem:s4+$0x3C90]  }
0x1f7: {  	v31 =	vmul.f32 v11, v31;
	v11, _, _ =	vpop (xrf2);
	(xrf2) =	vadd.scan.msk.f32 $0xffff, v14;
	v14 =	vadd.f32 v24, v18;
	v18 =	vld [tilespmem:$0x1FF80]  }
0x1f8: {  	v24 =	vld [tilespmem:$0x1FF90]  }
0x1f9: {  	v0 =	vld [tilespmem:s4+$0x2DE0]  }
0x1fa: {  	v12 =	vld [tilespmem:s4+$0x3490]  }
0x1fb: {  	v19 =	vld [tilespmem:s4+$0x3C80]  }
0x1fc: {  	v51 =	vld [tilespmem:$0x1FFB0]  }
0x1fd: {  	v24 =	vmul.f32 v24, v18;
	v18 =	vld [tilespmem:$0x1FFA0]  }
0x1fe: {  	v25 =	vld [tilespmem:s4+$0x2C60]  }
0x1ff: {  	v26 =	vld [tilespmem:s4+$0x3C60]  }
0x200: {  	v27 =	vld [tilespmem:s4+$0x2C70]  }
0x201: {  	v23 =	vadd.f32 v31, v23;
	v31 =	vld [tilespmem:$0x1FFD0]  }
0x202: {  	v37 =	vmul.f32 v51, v18;
	v18, _, _ =	vpop (xrf2);
	(xrf2) =	vadd.scan.msk.f32 $0xffff, v17;
	v17 =	vld [tilespmem:$0x1FFC0]  }
0x203: {  	v28 =	vld [tilespmem:s4+$0x3C70]  }
0x204: {  	v29 =	vld [tilespmem:s4+$0x4440]  }
0x205: {  	v30 =	vld [tilespmem:s4+$0x3440]  }
0x206: {  	v32 =	vld [tilespmem:s4+$0x4450]  }
0x207: {  	v31 =	vmul.f32 v17, v31;
	v17 =	vld [tilespmem:$0x1FFE0]  }
0x208: {  	v33 =	vld [tilespmem:s4+$0x2C10]  }
0x209: {  	v35 =	vld [tilespmem:s4+$0x3C10]  }
0x20a: {  	v38 =	vld [tilespmem:s4+$0x3C30]  }
0x20b: {  	v48 =	vld [tilespmem:s4+$0x2C40]  }
0x20c: {  	v49 =	vld [tilespmem:s4+$0x3C40];
	v53 =	vmul.f32 v17, v12  }
0x20d: {  	v50 =	vld [tilespmem:s4+$0x2C50];
	v17, _, _ =	vpop (xrf2);
	(xrf2) =	vadd.scan.msk.f32 $0xffff, v14;
	v14 =	vadd.f32 v37, v24  }
0x20e: {  	v16 =	vmul.f32 v19, v16;
	v19 =	vmul.f32 v22, v20;
	v52 =	vld [tilespmem:s4+$0x3C50];
	v22 =	vadd.f32 v53, v31  }
0x20f: {  	v54 =	vld [tilespmem:s4+$0x4400];
	v12, _, _ =	vpop (xrf2);
	(xrf2) =	vadd.scan.msk.f32 $0xffff, v23  }
0x210: {  	v16 =	vadd.f32 v19, v16;
	v55 =	vld [tilespmem:s4+$0x3400];
	v20, _, _ =	vpop (xrf2);
	(xrf2) =	vadd.scan.msk.f32 $0xffff, v14  }
0x211: {  	v63 =	vld [tilespmem:s4+$0x3450];
	v14, _, _ =	vpop (xrf2);
	(xrf2) =	vadd.scan.msk.f32 $0xffff, v22  }
0x212: {  	v56 =	vld [tilespmem:s4+$0x4410];
	v22, _, _ =	vpop (xrf2);
	(xrf2) =	vadd.scan.msk.f32 $0xffff, v16  }
0x213: {  	v57 =	vld [tilespmem:s4+$0x3410];
	v23, _, _ =	vpop (xrf2)  }
0x214: {  	v58 =	vld [tilespmem:s4+$0x4420];
	v16, _, _ =	vpop (xrf2)  }
0x215: {  	v25 =	vmul.f32 v26, v25;
	v27 =	vmul.f32 v28, v27;
	v59 =	vld [tilespmem:s4+$0x3420];
	v24, _, _ =	vpop (xrf2)  }
0x216: {  	v29 =	vmul.f32 v29, v30;
	v60 =	vld [tilespmem:s4+$0x4430];
	v30 =	vmul.f32 v32, v63;
	v19, _, _ =	vpop (xrf2)  }
0x217: {  	v27 =	vadd.f32 v27, v25;
	v61 =	vld [tilespmem:s4+$0x3430];
	v34 =	vmul.f32 v49, v48;
	v36 =	vmul.f32 v52, v50;
	v26, _, _ =	vpop (xrf2)  }
0x218: {  	v62 =	vmul.f32 v56, v57;
	v32 =	vld [tilespmem:s4+$0x2C00];
	v30 =	vadd.f32 v30, v29;
	v37 =	vmul.f32 v54, v55;
	v28, _, _ =	vpop (xrf2)  }
0x219: {  	v63 =	vadd.f32 v36, v34;
	v34 =	vld [tilespmem:s4+$0x2C20];
	v25, _, _ =	vpop (xrf2);
	(xrf2) =	vadd.scan.msk.f32 $0xffff, v27  }
0x21a: {  	v36 =	vld [tilespmem:s4+$0x3C20];
	v41 =	vadd.f32 v62, v37;
	v29, _, _ =	vpop (xrf2);
	(xrf2) =	vadd.scan.msk.f32 $0xffff, v30  }
0x21b: {  	v31 =	vld [tilespmem:s4+$0x3C00];
	v27, _, _ =	vpop (xrf2);
	(xrf2) =	vadd.scan.msk.f32 $0xffff, v63  }
0x21c: {  	s16 =	simm.s32 $0x1000;
	v39 =	vmul.f32 v58, v59;
	v40 =	vmul.f32 v60, v61;
	v37 =	vld [tilespmem:s4+$0x2C30];
	v30, _, _ =	vpop (xrf2);
	(xrf2) =	vadd.scan.msk.f32 $0xffff, v41  }
.LBB2_9:
0x21d: {  	_ =	sdelay $0x1  }
0x21e: {  	v59 =	vld [tilespmem:s4+$0x3460]  }
0x21f: {  	v61 =	vld [tilespmem:s4+$0x4470]  }
0x220: {  	v62 =	vld [tilespmem:s4+$0x3470];
	v42 =	vadd.f32 v40, v39;
	v31 =	vmul.f32 v31, v32;
	v60 =	vmul.f32 v35, v33  }
0x221: {  	v63 =	vld [tilespmem:s4+$0x34C0]  }
0x222: {  	v47 =	vld [tilespmem:s4+$0x44D0];
	v34 =	vmul.f32 v36, v34;
	v46 =	vmul.f32 v38, v37;
	v41, _, _ =	vpop (xrf2);
	(xrf2) =	vadd.scan.msk.f32 $0xffff, v42;
	v31 =	vadd.f32 v60, v31  }
0x223: {  	v48 =	vld [tilespmem:s4+$0x34D0]  }
0x224: {  	v49 =	vld [tilespmem:s4+$0x3520];
	v45, _, _ =	vpop (xrf2);
	(xrf2) =	vadd.scan.msk.f32 $0xffff, v31;
	v31 =	vadd.f32 v46, v34  }
0x225: {  	v51 =	vld [tilespmem:s4+$0x4530];
	v21 =	vmul.f32 v21, v59;
	v33 =	vmul.f32 v61, v62  }
0x226: {  	v52 =	vld [tilespmem:s4+$0x3530];
	v50, _, _ =	vpop (xrf2);
	(xrf2) =	vadd.scan.msk.f32 $0xffff, v31  }
0x227: {  	v0 =	vmul.f32 v1, v0;
	v1 =	vmul.f32 v3, v2;
	v21 =	vadd.f32 v33, v21  }
0x228: {  	v3 =	vmul.f32 v13, v63;
	v13 =	vmul.f32 v47, v48  }
0x229: {  	v2, _, _ =	vpop (xrf2);
	(xrf2) =	vadd.scan.msk.f32 $0xffff, v21  }
0x22a: {  	v4 =	vmul.f32 v4, v5;
	v5 =	vmul.f32 v6, v7;
	v3 =	vadd.f32 v13, v3  }
0x22b: {  	v7 =	vmul.f32 v9, v49;
	v9 =	vmul.f32 v51, v52  }
0x22c: {  	v6, _, _ =	vpop (xrf2);
	(xrf2) =	vadd.scan.msk.f32 $0xffff, v3  }
0x22d: {  	v13 =	vbroadcast v20, $0xF;
	v7 =	vadd.f32 v9, v7;
	v9 =	vbroadcast v22, $0xF  }
0x22e: {  	v22 =	vbroadcast v24, $0xF;
	v24 =	vbroadcast v28, $0xF  }
0x22f: {  	v2 =	vbroadcast v2, $0xF;
	v21 =	vbroadcast v26, $0xF;
	v20, _, _ =	vpop (xrf2);
	(xrf2) =	vadd.scan.msk.f32 $0xffff, v7  }
0x230: {  	v4 =	vadd.f32 v5, v4;
	v26 =	vbroadcast v30, $0xF;
	v6 =	vbroadcast v6, $0xF;
	v5, _, _ =	vpop (xrf2)  }
0x231: {  	v28 =	vbroadcast v20, $0xF;
	v5 =	vbroadcast v5, $0xF  }
0x232: {  	v0 =	vadd.f32 v1, v0;
	v3 =	vbroadcast v23, $0xF;
	v7 =	vbroadcast v50, $0xF;
	(xrf2) =	vadd.scan.msk.f32 $0xffff, v4  }
0x233: {  	v2 =	vsel vm0, v2, v6;
	v4 =	vbroadcast v45, $0xF;
	v20, _, _ =	vpop (xrf2);
	v1 =	vsel vm0, v28, v5  }
0x234: {  	v5 =	vbroadcast v41, $0xF;
	v1 =	vsel vm1, v1, v7;
	v7 =	vbroadcast v20, $0xF  }
0x235: {  	v23 =	vbroadcast v29, $0xF;
	v2 =	vsel vm1, v2, v4;
	v4 =	vbroadcast v27, $0xF  }
0x236: {  	v1 =	vsel vm2, v1, v5;
	v2 =	vsel vm2, v2, v7;
	v7 =	vbroadcast v25, $0xF;
	v6, _, _ =	vpop (xrf2)  }
0x237: {  	v1 =	vsel vm3, v1, v26;
	(xrf2) =	vadd.scan.msk.f32 $0xffff, v0;
	v0 =	vsel vm3, v2, v4;
	v2 =	vbroadcast v6, $0xF  }
0x238: {  	v1 =	vsel vm4, v1, v23;
	v4 =	vbroadcast v19, $0xF;
	v0 =	vsel vm4, v0, v7  }
0x239: {  	v1 =	vsel vm5, v1, v24;
	v5, _, _ =	vpop (xrf2);
	v0 =	vsel vm5, v0, v2;
	v2 =	vbroadcast v16, $0xF  }
0x23a: {  	v1 =	vsel vm6, v1, v21;
	v5 =	vbroadcast v5, $0xF;
	v0 =	vsel vm6, v0, v4  }
0x23b: {  	v1 =	vsel vm7, v1, v22;
	v0 =	vsel vm7, v0, v2;
	v2 =	vbroadcast v14, $0xF  }
0x23c: {  	v1 =	vsel vm8, v1, v3;
	v3 =	vbroadcast v12, $0xF;
	v4, _, _ =	vpop (xrf2);
	v0 =	vsel vm8, v0, v5  }
0x23d: {  	v0 =	vsel vm9, v0, v2;
	v2 =	vbroadcast v4, $0xF  }
0x23e: {  	v4 =	vbroadcast v11, $0xF;
	v0 =	vsel vm10, v0, v3  }
0x23f: {  	v0 =	vsel vm11, v0, v2;
	v2 =	vbroadcast v10, $0xF  }
0x240: {  	v0 =	vsel vm12, v0, v4  }
0x241: {  	v0 =	vsel vm13, v0, v2;
	v2 =	vld [tilespmem:$0x1FFF0]  }
0x242: {  	v17 =	vbroadcast v17, $0xF;
	v1 =	vsel vm9, v1, v9  }
0x243: {  	v18 =	vbroadcast v18, $0xF;
	v1 =	vsel vm10, v1, v13  }
0x244: {  	v15 =	vbroadcast v15, $0xF;
	v1 =	vsel vm11, v1, v17  }
0x245: {  	v1 =	vsel vm12, v1, v18  }
0x246: {  	v1 =	vsel vm13, v1, v15;
	v3, _, _ =	vpop (xrf2);
	vm14 =	vnez.u8 v2  }
0x247: {  	s31 =	sadd.s32 $0x10, s31;
	v1 =	vsel vm14, v1, v3  }
0x248: {  	s0 =	sadd.s32 $0x10, s0;
	v0 =	vsel vm14, v0, v8;
	[tilespmem:s31+$0x0] =	vst v1  }
0x249: {  	s4 =	sshra.s32 s16, $0x2;
	[tilespmem:s0+$0x0] =	vst v0  }
0x24a: {  	v8 =	vld [tilespmem:s4+$0x45E0]  }
0x24b: {  	v9 =	vld [tilespmem:s4+$0x35E0]  }
0x24c: {  	v10 =	vld [tilespmem:s4+$0x45F0]  }
0x24d: {  	v11 =	vld [tilespmem:s4+$0x35F0]  }
0x24e: {  	v0 =	vld [tilespmem:s4+$0x2DE0]  }
0x24f: {  	v1 =	vld [tilespmem:s4+$0x3DE0]  }
0x250: {  	v2 =	vld [tilespmem:s4+$0x2DF0]  }
0x251: {  	v3 =	vld [tilespmem:s4+$0x3DF0]  }
0x252: {  	v12 =	vld [tilespmem:s4+$0x45C0]  }
0x253: {  	v13 =	vld [tilespmem:s4+$0x35C0]  }
0x254: {  	v14 =	vld [tilespmem:s4+$0x45D0]  }
0x255: {  	v15 =	vld [tilespmem:s4+$0x35D0]  }
0x256: {  	v16 =	vld [tilespmem:s4+$0x2DC0]  }
0x257: {  	v17 =	vld [tilespmem:s4+$0x3DC0]  }
0x258: {  	v18 =	vld [tilespmem:s4+$0x2DD0]  }
0x259: {  	v19 =	vld [tilespmem:s4+$0x3DD0]  }
0x25a: {  	v20 =	vld [tilespmem:s4+$0x45A0]  }
0x25b: {  	v21 =	vld [tilespmem:s4+$0x35A0]  }
0x25c: {  	v22 =	vld [tilespmem:s4+$0x45B0]  }
0x25d: {  	v23 =	vld [tilespmem:s4+$0x35B0]  }
0x25e: {  	v24 =	vld [tilespmem:s4+$0x2DA0]  }
0x25f: {  	v25 =	vld [tilespmem:s4+$0x3DA0]  }
0x260: {  	v26 =	vld [tilespmem:s4+$0x2DB0]  }
0x261: {  	v27 =	vld [tilespmem:s4+$0x3DB0]  }
0x262: {  	v4 =	vld [tilespmem:s4+$0x4580]  }
0x263: {  	v5 =	vld [tilespmem:s4+$0x3580]  }
0x264: {  	v6 =	vld [tilespmem:s4+$0x4590]  }
0x265: {  	v7 =	vld [tilespmem:s4+$0x3590]  }
0x266: {  	v28 =	vld [tilespmem:s4+$0x2D80]  }
0x267: {  	v29 =	vld [tilespmem:s4+$0x3D80]  }
0x268: {  	v30 =	vld [tilespmem:s4+$0x2D90]  }
0x269: {  	v31 =	vld [tilespmem:s4+$0x3D90]  }
0x26a: {  	v53 =	vld [tilespmem:s4+$0x4560]  }
0x26b: {  	v54 =	vld [tilespmem:s4+$0x3560]  }
0x26c: {  	v55 =	vld [tilespmem:s4+$0x4570]  }
0x26d: {  	v56 =	vld [tilespmem:s4+$0x3570]  }
0x26e: {  	v57 =	vld [tilespmem:s4+$0x2D60]  }
0x26f: {  	v58 =	vld [tilespmem:s4+$0x3D60]  }
0x270: {  	v59 =	vld [tilespmem:s4+$0x2D70]  }
0x271: {  	v60 =	vld [tilespmem:s4+$0x3D70]  }
0x272: {  	v61 =	vld [tilespmem:s4+$0x4540]  }
0x273: {  	v62 =	vld [tilespmem:s4+$0x3540]  }
0x274: {  	v63 =	vld [tilespmem:s4+$0x4550]  }
0x275: {  	v43 =	vld [tilespmem:s4+$0x3550]  }
0x276: {  	v44 =	vld [tilespmem:s4+$0x2D40]  }
0x277: {  	v45 =	vld [tilespmem:s4+$0x3D40]  }
0x278: {  	v46 =	vld [tilespmem:s4+$0x2D50]  }
0x279: {  	v47 =	vld [tilespmem:s4+$0x3D50]  }
0x27a: {  	v48 =	vld [tilespmem:s4+$0x2D30]  }
0x27b: {  	v49 =	vld [tilespmem:s4+$0x3500]  }
0x27c: {  	v32 =	vld [tilespmem:s4+$0x2CF0]  }
0x27d: {  	v33 =	vld [tilespmem:s4+$0x3CF0]  }
0x27e: {  	v35 =	vld [tilespmem:s4+$0x2CC0]  }
0x27f: {  	v36 =	vld [tilespmem:s4+$0x3CC0]  }
0x280: {  	v34 =	vld [tilespmem:s4+$0x2CD0];
	v8 =	vmul.f32 v8, v9  }
0x281: {  	v9 =	vmul.f32 v10, v11;
	v10 =	vmul.f32 v12, v13;
	v12 =	vld [tilespmem:s4+$0x2D20]  }
0x282: {  	v11 =	vmul.f32 v14, v15;
	v14 =	vld [tilespmem:s4+$0x3D20]  }
0x283: {  	v50 =	vmul.f32 v61, v62;
	v61 =	vld [tilespmem:s4+$0x2CB0]  }
0x284: {  	v51 =	vmul.f32 v63, v43;
	v63 =	vld [tilespmem:s4+$0x3480]  }
0x285: {  	v8 =	vadd.f32 v9, v8;
	v9 =	vld [tilespmem:s4+$0x4520]  }
0x286: {  	v41 =	vadd.f32 v51, v50;
	v50 =	vld [tilespmem:s4+$0x44A0]  }
0x287: {  	v51 =	vld [tilespmem:s4+$0x4490]  }
0x288: {  	(xrf2) =	vadd.scan.msk.f32 $0xffff, v8;
	v8 =	vadd.f32 v11, v10;
	v10 =	vmul.f32 v17, v16;
	v11 =	vmul.f32 v19, v18;
	v16 =	vld [tilespmem:s4+$0x3D30]  }
0x289: {  	v19 =	vld [tilespmem:s4+$0x4500];
	v17 =	vmul.f32 v55, v56  }
0x28a: {  	v55 =	vld [tilespmem:s4+$0x34A0];
	(xrf2) =	vadd.scan.msk.f32 $0xffff, v8;
	v8 =	vadd.f32 v11, v10;
	v10 =	vmul.f32 v20, v21;
	v11 =	vmul.f32 v22, v23  }
0x28b: {  	v20 =	vld [tilespmem:s4+$0x4510]  }
0x28c: {  	v21 =	vld [tilespmem:s4+$0x3510];
	v13 =	vadd.f32 v11, v10  }
0x28d: {  	v22 =	vld [tilespmem:s4+$0x2D00];
	(xrf2) =	vadd.scan.msk.f32 $0xffff, v8  }
0x28e: {  	v23 =	vld [tilespmem:s4+$0x3D00];
	v10 =	vmul.f32 v25, v24;
	v11 =	vmul.f32 v27, v26;
	(xrf2) =	vadd.scan.msk.f32 $0xffff, v13  }
0x28f: {  	v24 =	vld [tilespmem:s4+$0x2D10]  }
0x290: {  	v25 =	vld [tilespmem:s4+$0x3D10];
	v15 =	vadd.f32 v11, v10;
	v11 =	vmul.f32 v29, v28;
	v13 =	vmul.f32 v31, v30  }
0x291: {  	v26 =	vld [tilespmem:s4+$0x44E0]  }
0x292: {  	v56 =	vmul.f32 v14, v12;
	v27 =	vld [tilespmem:s4+$0x34E0];
	v11 =	vadd.f32 v13, v11;
	v13 =	vmul.f32 v53, v54;
	v8, _, _ =	vpop (xrf2);
	(xrf2) =	vadd.scan.msk.f32 $0xffff, v15  }
0x293: {  	v14 =	vmul.f32 v16, v48;
	v16 =	vmul.f32 v19, v49;
	v48 =	vld [tilespmem:s4+$0x3C70]  }
0x294: {  	v49 =	vld [tilespmem:s4+$0x4440];
	v18 =	vadd.f32 v17, v13;
	v13 =	vmul.f32 v58, v57;
	v17 =	vmul.f32 v60, v59  }
0x295: {  	v40 =	vmul.f32 v50, v55;
	v50 =	vld [tilespmem:s4+$0x3440]  }
0x296: {  	v28 =	vld [tilespmem:s4+$0x44F0];
	v10, _, _ =	vpop (xrf2);
	(xrf2) =	vadd.scan.msk.f32 $0xffff, v11;
	v17 =	vadd.f32 v17, v13  }
0x297: {  	v29 =	vld [tilespmem:s4+$0x34F0];
	v15, _, _ =	vpop (xrf2);
	(xrf2) =	vadd.scan.msk.f32 $0xffff, v18  }
0x298: {  	v30 =	vld [tilespmem:s4+$0x2CE0];
	v11, _, _ =	vpop (xrf2);
	(xrf2) =	vadd.scan.msk.f32 $0xffff, v17  }
0x299: {  	v31 =	vld [tilespmem:s4+$0x3CE0];
	v19 =	vmul.f32 v20, v21  }
0x29a: {  	v54 =	vld [tilespmem:s4+$0x3CD0]  }
0x29b: {  	v52 =	vmul.f32 v45, v44;
	v62 =	vadd.f32 v19, v16;
	v19 =	vld [tilespmem:s4+$0x3CB0]  }
0x29c: {  	v53 =	vmul.f32 v47, v46;
	v21 =	vmul.f32 v25, v24;
	v25 =	vld [tilespmem:s4+$0x4480];
	v18, _, _ =	vpop (xrf2);
	(xrf2) =	vadd.scan.msk.f32 $0xffff, v41  }
0x29d: {  	v24 =	vmul.f32 v33, v32;
	v32 =	vld [tilespmem:s4+$0x2C00]  }
0x29e: {  	v33 =	vld [tilespmem:s4+$0x2C10];
	v37 =	vadd.f32 v53, v52  }
0x29f: {  	v14 =	vadd.f32 v14, v56;
	v57 =	vld [tilespmem:s4+$0x44B0]  }
0x2a0: {  	v58 =	vld [tilespmem:s4+$0x34B0];
	v17, _, _ =	vpop (xrf2);
	(xrf2) =	vadd.scan.msk.f32 $0xffff, v37  }
0x2a1: {  	v59 =	vld [tilespmem:s4+$0x2CA0];
	v12, _, _ =	vpop (xrf2);
	(xrf2) =	vadd.scan.msk.f32 $0xffff, v14  }
0x2a2: {  	v16 =	vmul.f32 v23, v22;
	v60 =	vld [tilespmem:s4+$0x3CA0];
	v20, _, _ =	vpop (xrf2);
	(xrf2) =	vadd.scan.msk.f32 $0xffff, v62  }
0x2a3: {  	v53 =	vld [tilespmem:s4+$0x2C60]  }
0x2a4: {  	v16 =	vadd.f32 v21, v16;
	v21 =	vmul.f32 v26, v27;
	v23 =	vmul.f32 v28, v29;
	v26 =	vld [tilespmem:s4+$0x3490]  }
0x2a5: {  	v27 =	vld [tilespmem:s4+$0x2C80]  }
0x2a6: {  	v28 =	vld [tilespmem:s4+$0x3C80];
	v14, _, _ =	vpop (xrf2);
	(xrf2) =	vadd.scan.msk.f32 $0xffff, v16;
	v16 =	vadd.f32 v23, v21;
	v21 =	vmul.f32 v31, v30  }
0x2a7: {  	v29 =	vld [tilespmem:s4+$0x2C90]  }
0x2a8: {  	v13 =	vld [tilespmem:s4+$0x44C0];
	v31 =	vmul.f32 v54, v34;
	v52 =	vadd.f32 v24, v21;
	v24 =	vmul.f32 v36, v35  }
0x2a9: {  	v56 =	vmul.f32 v19, v61;
	v61 =	vld [tilespmem:s4+$0x2C50]  }
0x2aa: {  	v25 =	vmul.f32 v25, v63;
	v63 =	vld [tilespmem:s4+$0x3400];
	v22, _, _ =	vpop (xrf2);
	(xrf2) =	vadd.scan.msk.f32 $0xffff, v16;
	v39 =	vadd.f32 v31, v24  }
0x2ab: {  	v47 =	vmul.f32 v57, v58;
	v57 =	vld [tilespmem:s4+$0x4450];
	v23, _, _ =	vpop (xrf2);
	(xrf2) =	vadd.scan.msk.f32 $0xffff, v52  }
0x2ac: {  	v58 =	vld [tilespmem:s4+$0x3450];
	v16, _, _ =	vpop (xrf2);
	(xrf2) =	vadd.scan.msk.f32 $0xffff, v39  }
0x2ad: {  	v55 =	vmul.f32 v60, v59;
	v30 =	vld [tilespmem:s4+$0x3C90]  }
0x2ae: {  	v60 =	vld [tilespmem:s4+$0x3C40]  }
0x2af: {  	v38 =	vadd.f32 v56, v55;
	v55 =	vld [tilespmem:s4+$0x3420]  }
0x2b0: {  	v37 =	vld [tilespmem:s4+$0x2C30]  }
0x2b1: {  	v59 =	vmul.f32 v51, v26;
	v62 =	vld [tilespmem:s4+$0x3C50];
	v34 =	vadd.f32 v47, v40  }
0x2b2: {  	v27 =	vmul.f32 v28, v27;
	v54 =	vld [tilespmem:s4+$0x3C60];
	v29 =	vmul.f32 v30, v29  }
0x2b3: {  	v25 =	vadd.f32 v59, v25;
	v40 =	vld [tilespmem:s4+$0x2C40];
	v24, _, _ =	vpop (xrf2);
	(xrf2) =	vadd.scan.msk.f32 $0xffff, v34  }
0x2b4: {  	v31 =	vld [tilespmem:s4+$0x2C70];
	v51 =	vadd.f32 v29, v27;
	v19, _, _ =	vpop (xrf2);
	(xrf2) =	vadd.scan.msk.f32 $0xffff, v38  }
0x2b5: {  	v52 =	vld [tilespmem:s4+$0x4410];
	v26, _, _ =	vpop (xrf2);
	(xrf2) =	vadd.scan.msk.f32 $0xffff, v25  }
0x2b6: {  	v30 =	vld [tilespmem:s4+$0x4400];
	v28, _, _ =	vpop (xrf2);
	(xrf2) =	vadd.scan.msk.f32 $0xffff, v51  }
0x2b7: {  	v27 =	vmul.f32 v54, v53;
	v53 =	vld [tilespmem:s4+$0x3410]  }
0x2b8: {  	v21 =	vld [tilespmem:s4+$0x4460]  }
0x2b9: {  	v54 =	vld [tilespmem:s4+$0x4420];
	v29 =	vmul.f32 v48, v31  }
0x2ba: {  	v56 =	vmul.f32 v49, v50;
	v31 =	vmul.f32 v57, v58;
	v57 =	vld [tilespmem:s4+$0x4430]  }
0x2bb: {  	p0 =	sne.s32 s16, $0x1800;
	v59 =	vmul.f32 v60, v40;
	v60 =	vmul.f32 v62, v61;
	v58 =	vld [tilespmem:s4+$0x3430];
	v27 =	vadd.f32 v29, v27  }
.Ltmp3:
0x2bc: {  	v35 =	vld [tilespmem:s4+$0x3C10];
	v62 =	vmul.f32 v30, v63;
	v39 =	vadd.f32 v31, v56;
	v36 =	vmul.f32 v52, v53;
	(pc) =	sbr.rel @p0 .LBB2_9-.Ltmp3, $4  }
0x2bd: {  	v61 =	vadd.f32 v60, v59;
	v34 =	vld [tilespmem:s4+$0x2C20];
	v25, _, _ =	vpop (xrf2);
	(xrf2) =	vadd.scan.msk.f32 $0xffff, v27  }
0x2be: {  	v31 =	vld [tilespmem:s4+$0x3C00];
	v63 =	vadd.f32 v36, v62;
	v29, _, _ =	vpop (xrf2);
	(xrf2) =	vadd.scan.msk.f32 $0xffff, v39  }
0x2bf: {  	v38 =	vld [tilespmem:s4+$0x3C30];
	v27, _, _ =	vpop (xrf2);
	(xrf2) =	vadd.scan.msk.f32 $0xffff, v61  }
0x2c0: {  	s16 =	sadd.s32 $0x800, s16;
	v36 =	vld [tilespmem:s4+$0x3C20];
	v40 =	vmul.f32 v57, v58;
	v39 =	vmul.f32 v54, v55;
	v30, _, _ =	vpop (xrf2);
	(xrf2) =	vadd.scan.msk.f32 $0xffff, v63  }
0x2c1: {  	v41 =	vld [tilespmem:s4+$0x3460]  }
0x2c2: {  	v42 =	vld [tilespmem:s4+$0x4470]  }
0x2c3: {  	v43 =	vld [tilespmem:s4+$0x3470]  }
0x2c4: {  	v47 =	vmul.f32 v35, v33;
	v48 =	vld [tilespmem:s4+$0x34C0];
	v31 =	vmul.f32 v31, v32  }
0x2c5: {  	v51 =	vld [tilespmem:s4+$0x44D0];
	v49 =	vadd.f32 v40, v39;
	v50 =	vmul.f32 v38, v37;
	v34 =	vmul.f32 v36, v34  }
0x2c6: {  	v52 =	vld [tilespmem:s4+$0x34D0];
	v31 =	vadd.f32 v47, v31  }
0x2c7: {  	v53 =	vld [tilespmem:s4+$0x3520];
	(xrf2) =	vadd.scan.msk.f32 $0xffff, v49;
	v34 =	vadd.f32 v50, v34  }
0x2c8: {  	v55 =	vld [tilespmem:s4+$0x4530];
	v21 =	vmul.f32 v21, v41;
	v54 =	vmul.f32 v42, v43;
	(xrf2) =	vadd.scan.msk.f32 $0xffff, v31  }
0x2c9: {  	v56 =	vld [tilespmem:s4+$0x3530];
	(xrf2) =	vadd.scan.msk.f32 $0xffff, v34  }
0x2ca: {  	v0 =	vmul.f32 v1, v0;
	v57 =	vmul.f32 v3, v2;
	v21 =	vadd.f32 v54, v21  }
0x2cb: {  	v58 =	vmul.f32 v13, v48;
	v59 =	vmul.f32 v51, v52  }
0x2cc: {  	v15 =	vbroadcast v15, $0xF;
	v61 =	vmul.f32 v4, v5;
	(xrf2) =	vadd.scan.msk.f32 $0xffff, v21  }
0x2cd: {  	v62 =	vmul.f32 v6, v7;
	v20 =	vbroadcast v20, $0xF;
	v60, _, _ =	vpop (xrf2);
	v2 =	vadd.f32 v59, v58  }
0x2ce: {  	v32 =	vmul.f32 v55, v56;
	v31 =	vmul.f32 v9, v53;
	v63, _, _ =	vpop (xrf2)  }
0x2cf: {  	v17 =	vbroadcast v17, $0xF;
	v35 =	vbroadcast v23, $0xF;
	v33, _, _ =	vpop (xrf2);
	(xrf2) =	vadd.scan.msk.f32 $0xffff, v2  }
0x2d0: {  	v24 =	vbroadcast v24, $0xF;
	v29 =	vbroadcast v29, $0xF;
	v6 =	vadd.f32 v32, v31;
	v34, _, _ =	vpop (xrf2)  }
0x2d1: {  	v28 =	vbroadcast v28, $0xF;
	v0 =	vadd.f32 v57, v0;
	v57 =	vbroadcast v12, $0xF;
	v37, _, _ =	vpop (xrf2)  }
0x2d2: {  	v38 =	vbroadcast v26, $0xF;
	v36 =	vbroadcast v22, $0xF;
	(xrf2) =	vadd.scan.msk.f32 $0xffff, v6;
	v39, _, _ =	vpop (xrf2)  }
0x2d3: {  	v3 =	vadd.f32 v62, v61;
	v41 =	vbroadcast v30, $0xF;
	v40 =	vbroadcast v33, $0xF;
	v42, _, _ =	vpop (xrf2)  }
0x2d4: {  	v26 =	vbroadcast v39, $0xF;
	v4 =	vbroadcast v42, $0xF  }
0x2d5: {  	v2 =	vbroadcast v34, $0xF;
	(xrf2) =	vadd.scan.msk.f32 $0xffff, v3;
	v22 =	vbroadcast v37, $0xF  }
0x2d6: {  	v45 =	vbroadcast v60, $0xF;
	v44 =	vbroadcast v63, $0xF;
	v46, _, _ =	vpop (xrf2);
	v43 =	vsel vm0, v26, v4  }
0x2d7: {  	v2 =	vsel vm0, v2, v22;
	v5 =	vbroadcast v46, $0xF;
	v1 =	vsel vm1, v43, v40  }
0x2d8: {  	v47 =	vbroadcast v27, $0xF;
	v2 =	vsel vm1, v2, v44;
	v1 =	vsel vm2, v1, v45  }
0x2d9: {  	v48 =	vbroadcast v25, $0xF;
	v49, _, _ =	vpop (xrf2);
	(xrf2) =	vadd.scan.msk.f32 $0xffff, v0;
	v2 =	vsel vm2, v2, v5;
	v1 =	vsel vm3, v1, v41  }
0x2da: {  	v51 =	vbroadcast v49, $0xF;
	v50 =	vsel vm3, v2, v47;
	v1 =	vsel vm4, v1, v29  }
0x2db: {  	v52 =	vbroadcast v19, $0xF;
	v0 =	vsel vm4, v50, v48;
	v1 =	vsel vm5, v1, v28  }
0x2dc: {  	v53 =	vbroadcast v16, $0xF;
	v54, _, _ =	vpop (xrf2);
	v0 =	vsel vm5, v0, v51;
	v1 =	vsel vm6, v1, v38  }
0x2dd: {  	v55 =	vbroadcast v54, $0xF;
	v0 =	vsel vm6, v0, v52;
	v1 =	vsel vm7, v1, v24  }
0x2de: {  	v56 =	vbroadcast v14, $0xF;
	v63 =	vld [tilespmem:$0x1FFF0];
	v0 =	vsel vm7, v0, v53;
	v1 =	vsel vm8, v1, v35  }
0x2df: {  	v13 =	vbroadcast v18, $0xF;
	v58, _, _ =	vpop (xrf2);
	v0 =	vsel vm8, v0, v55;
	v1 =	vsel vm9, v1, v36  }
0x2e0: {  	v59 =	vbroadcast v58, $0xF;
	v0 =	vsel vm9, v0, v56;
	v1 =	vsel vm10, v1, v20  }
0x2e1: {  	v60 =	vbroadcast v11, $0xF;
	v0 =	vsel vm10, v0, v57;
	v1 =	vsel vm11, v1, v17  }
0x2e2: {  	v61 =	vbroadcast v10, $0xF;
	v0 =	vsel vm11, v0, v59;
	v1 =	vsel vm12, v1, v13  }
0x2e3: {  	vm14 =	vnez.u8 v63;
	v62, _, _ =	vpop (xrf2);
	v0 =	vsel vm12, v0, v60;
	v1 =	vsel vm13, v1, v15  }
0x2e4: {  	s31 =	sadd.s32 $0x10, s31;
	v0 =	vsel vm13, v0, v61;
	v1 =	vsel vm14, v1, v62  }
0x2e5: {  	s0 =	sadd.s32 $0x10, s0;
	v0 =	vsel vm14, v0, v8;
	[tilespmem:s31+$0x0] =	vst v1  }
0x2e6: {  	s4 =	simm.s32 $0x4D40;
	s16 =	simm.s32 $0xED40;
	[tilespmem:s0+$0x0] =	vst v0;
	s0 =	simm.s32 $0x0  }
.LBB2_11:
0x2e7: {  	v4 =	vld [tilespmem:s4+$0xFFFFFEC0]  }
0x2e8: {  	v5 =	vld [tilespmem:s4+$0xFFFFFED0]  }
0x2e9: {  	v6 =	vld [tilespmem:s16+$0xFFFFFEC0]  }
0x2ea: {  	v7 =	vld [tilespmem:s16+$0xFFFFFED0]  }
0x2eb: {  	v8 =	vld [tilespmem:s4+$0xFFFFFEE0]  }
0x2ec: {  	v9 =	vld [tilespmem:s4+$0xFFFFFEF0]  }
0x2ed: {  	v10 =	vld [tilespmem:s16+$0xFFFFFEE0]  }
0x2ee: {  	v11 =	vld [tilespmem:s16+$0xFFFFFEF0]  }
0x2ef: {  	v12 =	vld [tilespmem:s4+$0xFFFFFF00]  }
0x2f0: {  	v13 =	vld [tilespmem:s4+$0xFFFFFF10]  }
0x2f1: {  	v14 =	vld [tilespmem:s16+$0xFFFFFF00]  }
0x2f2: {  	v15 =	vld [tilespmem:s16+$0xFFFFFF10]  }
0x2f3: {  	v16 =	vld [tilespmem:s4+$0xFFFFFF20]  }
0x2f4: {  	v17 =	vld [tilespmem:s4+$0xFFFFFF30]  }
0x2f5: {  	v18 =	vld [tilespmem:s16+$0xFFFFFF20]  }
0x2f6: {  	v19 =	vld [tilespmem:s16+$0xFFFFFF30]  }
0x2f7: {  	v20 =	vld [tilespmem:s4+$0xFFFFFF40]  }
0x2f8: {  	v21 =	vld [tilespmem:s4+$0xFFFFFF50]  }
0x2f9: {  	v22 =	vld [tilespmem:s16+$0xFFFFFF40]  }
0x2fa: {  	v23 =	vld [tilespmem:s16+$0xFFFFFF50]  }
0x2fb: {  	v24 =	vld [tilespmem:s4+$0xFFFFFF60]  }
0x2fc: {  	v25 =	vld [tilespmem:s4+$0xFFFFFF70]  }
0x2fd: {  	v26 =	vld [tilespmem:s16+$0xFFFFFF60]  }
0x2fe: {  	v27 =	vld [tilespmem:s16+$0xFFFFFF70]  }
0x2ff: {  	v28 =	vld [tilespmem:s4+$0xFFFFFF80]  }
0x300: {  	v29 =	vld [tilespmem:s4+$0xFFFFFF90]  }
0x301: {  	v30 =	vld [tilespmem:s16+$0xFFFFFF80]  }
0x302: {  	v31 =	vld [tilespmem:s16+$0xFFFFFF90]  }
0x303: {  	s31 =	sshra.s32 s0, $0x2;
	v32 =	vld [tilespmem:s4+$0xFFFFFFA0]  }
0x304: {  	v3 =	vld [tilespmem:s31+$0x2C00]  }
0x305: {  	v2 =	vld [tilespmem:s31+$0x2C10]  }
0x306: {  	v0 =	vld [tilespmem:s31+$0x3410]  }
0x307: {  	v33 =	vld [tilespmem:s4+$0xFFFFFFB0]  }
0x308: {  	v1 =	vld [tilespmem:s31+$0x3400]  }
0x309: {  	v34 =	vld [tilespmem:s16+$0xFFFFFFA0]  }
0x30a: {  	v54 =	vmul.f32 v9, v2;
	v9 =	vld [tilespmem:s16+$0xFFFFFFB0]  }
0x30b: {  	v4 =	vmul.f32 v4, v3;
	v56 =	vmul.f32 v11, v0;
	v11 =	vld [tilespmem:s4+$0xFFFFFFC0]  }
0x30c: {  	v5 =	vmul.f32 v5, v2;
	v58 =	vmul.f32 v12, v3;
	v12 =	vld [tilespmem:s4+$0xFFFFFFD0]  }
0x30d: {  	v6 =	vmul.f32 v6, v1;
	v59 =	vmul.f32 v13, v2;
	v13 =	vld [tilespmem:s16+$0xFFFFFFC0]  }
0x30e: {  	v7 =	vmul.f32 v7, v0;
	v61 =	vmul.f32 v14, v1;
	v14 =	vld [tilespmem:s16+$0xFFFFFFD0]  }
0x30f: {  	v53 =	vmul.f32 v8, v3;
	v62 =	vmul.f32 v15, v0;
	v15 =	vld [tilespmem:s4+$0xFFFFFFE0]  }
0x310: {  	v55 =	vmul.f32 v10, v1;
	v35 =	vmul.f32 v16, v3;
	v16 =	vld [tilespmem:s4+$0xFFFFFFF0];
	v4 =	vadd.f32 v5, v4  }
0x311: {  	v36 =	vmul.f32 v17, v2;
	v38 =	vmul.f32 v18, v1;
	v17 =	vld [tilespmem:s16+$0xFFFFFFE0];
	v6 =	vadd.f32 v7, v6  }
0x312: {  	v39 =	vmul.f32 v19, v0;
	v41 =	vmul.f32 v20, v3;
	v18 =	vld [tilespmem:s16+$0xFFFFFFF0];
	v57 =	vadd.f32 v54, v53;
	(xrf2) =	vadd.scan.msk.f32 $0xffff, v4  }
0x313: {  	v42 =	vmul.f32 v21, v2;
	v44 =	vmul.f32 v22, v1;
	v19 =	vld [tilespmem:s4+$0x0];
	v60 =	vadd.f32 v56, v55;
	(xrf2) =	vadd.scan.msk.f32 $0xffff, v6  }
0x314: {  	v45 =	vmul.f32 v23, v0;
	v47 =	vmul.f32 v24, v3;
	v20 =	vld [tilespmem:s4+$0x10];
	v63 =	vadd.f32 v59, v58;
	(xrf2) =	vadd.scan.msk.f32 $0xffff, v57  }
0x315: {  	v48 =	vmul.f32 v25, v2;
	v50 =	vmul.f32 v26, v1;
	v21 =	vld [tilespmem:s16+$0x0];
	v37 =	vadd.f32 v62, v61;
	(xrf2) =	vadd.scan.msk.f32 $0xffff, v60  }
0x316: {  	v51 =	vmul.f32 v27, v0;
	v8 =	vld [tilespmem:s16+$0x10];
	v40 =	vadd.f32 v36, v35;
	v43 =	vadd.f32 v39, v38;
	(xrf2) =	vadd.scan.msk.f32 $0xffff, v63  }
0x317: {  	v23 =	vld [tilespmem:s4+$0x30];
	v46 =	vadd.f32 v42, v41;
	v53 =	vmul.f32 v28, v3;
	v54 =	vmul.f32 v29, v2;
	(xrf2) =	vadd.scan.msk.f32 $0xffff, v37  }
0x318: {  	v32 =	vmul.f32 v32, v3;
	v49 =	vadd.f32 v45, v44;
	v55 =	vadd.f32 v51, v50;
	v7 =	vld [tilespmem:s4+$0x20];
	(xrf2) =	vadd.scan.msk.f32 $0xffff, v40  }
0x319: {  	v56 =	vmul.f32 v30, v1;
	v51 =	vld [tilespmem:s4+$0x80];
	v59 =	vadd.f32 v54, v53;
	v53 =	vmul.f32 v34, v1;
	(xrf2) =	vadd.scan.msk.f32 $0xffff, v43  }
0x31a: {  	v25 =	vld [tilespmem:s16+$0x30];
	v52 =	vadd.f32 v48, v47;
	v9 =	vmul.f32 v9, v0;
	v54 =	vmul.f32 v11, v3;
	(xrf2) =	vadd.scan.msk.f32 $0xffff, v46  }
0x31b: {  	v6 =	vld [tilespmem:s16+$0x20];
	v12 =	vmul.f32 v12, v2;
	v57 =	vmul.f32 v31, v0;
	(xrf2) =	vadd.scan.msk.f32 $0xffff, v49  }
0x31c: {  	v27 =	vld [tilespmem:s4+$0x40];
	v13 =	vmul.f32 v13, v1;
	v14 =	vmul.f32 v14, v0;
	v58, _, _ =	vpop (xrf2);
	(xrf2) =	vadd.scan.msk.f32 $0xffff, v52  }
0x31d: {  	v29 =	vld [tilespmem:s4+$0x50];
	v15 =	vmul.f32 v15, v3;
	v8 =	vmul.f32 v8, v0;
	v61 =	vadd.f32 v57, v56;
	v60, _, _ =	vpop (xrf2);
	(xrf2) =	vadd.scan.msk.f32 $0xffff, v55  }
0x31e: {  	v28 =	vld [tilespmem:s4+$0x60];
	v7 =	vmul.f32 v7, v3;
	v51 =	vmul.f32 v51, v3;
	v62, _, _ =	vpop (xrf2);
	(xrf2) =	vadd.scan.msk.f32 $0xffff, v59  }
0x31f: {  	v34 =	vld [tilespmem:s16+$0x80];
	v56 =	vmul.f32 v16, v2;
	v57 =	vmul.f32 v17, v1;
	v63, _, _ =	vpop (xrf2);
	(xrf2) =	vadd.scan.msk.f32 $0xffff, v61  }
0x320: {  	v11 =	vld [tilespmem:s16+$0x90];
	v6 =	vmul.f32 v6, v1;
	v52 =	vmul.f32 v33, v2;
	v35, _, _ =	vpop (xrf2)  }
0x321: {  	v31 =	vld [tilespmem:s16+$0x40];
	v33 =	vmul.f32 v23, v2;
	v22 =	vbroadcast v58, $0xF;
	v36, _, _ =	vpop (xrf2)  }
0x322: {  	v9 =	vadd.f32 v9, v53;
	v17 =	vld [tilespmem:s16+$0xA0];
	v5 =	vbroadcast v60, $0xF;
	v59 =	vmul.f32 v18, v0;
	v37, _, _ =	vpop (xrf2)  }
0x323: {  	v16 =	vld [tilespmem:s16+$0xD0];
	v58 =	vadd.f32 v14, v13;
	v60 =	vmul.f32 v19, v3;
	v10 =	vbroadcast v62, $0xF;
	v38, _, _ =	vpop (xrf2)  }
0x324: {  	v23 =	vld [tilespmem:s16+$0xF0];
	v55 =	vadd.f32 v52, v32;
	v62 =	vmul.f32 v20, v2;
	v4 =	vbroadcast v63, $0xF;
	v40, _, _ =	vpop (xrf2)  }
0x325: {  	v13 =	vld [tilespmem:s4+$0xD0];
	v24 =	vbroadcast v35, $0xF;
	v10 =	vsel vm0, v22, v10;
	v39 =	vbroadcast v36, $0xF;
	v43, _, _ =	vpop (xrf2)  }
0x326: {  	v14 =	vld [tilespmem:s16+$0xC0];
	v4 =	vsel vm0, v5, v4;
	v42 =	vbroadcast v37, $0xF;
	v44 =	vbroadcast v38, $0xF;
	v45, _, _ =	vpop (xrf2)  }
0x327: {  	v32 =	vld [tilespmem:s4+$0xB0];
	v41 =	vsel vm1, v10, v24;
	v4 =	vsel vm1, v4, v39;
	v26 =	vbroadcast v40, $0xF;
	v47, _, _ =	vpop (xrf2)  }
0x328: {  	v18 =	vld [tilespmem:s16+$0xB0];
	v5 =	vsel vm2, v41, v42;
	v46 =	vbroadcast v43, $0xF;
	v4 =	vsel vm2, v4, v44;
	v49, _, _ =	vpop (xrf2)  }
0x329: {  	v19 =	vld [tilespmem:s4+$0xC0];
	v30 =	vbroadcast v45, $0xF;
	v5 =	vsel vm3, v5, v26;
	v48 =	vbroadcast v47, $0xF;
	v50, _, _ =	vpop (xrf2)  }
0x32a: {  	v20 =	vld [tilespmem:s4+$0xE0];
	v4 =	vsel vm3, v4, v46;
	v24 =	vbroadcast v49, $0xF;
	v10 =	vbroadcast v50, $0xF  }
0x32b: {  	v7 =	vadd.f32 v33, v7;
	v35 =	vld [tilespmem:s16+$0x50];
	v5 =	vsel vm4, v5, v30;
	v22 =	vsel vm4, v4, v48  }
0x32c: {  	v36 =	vld [tilespmem:s4+$0x70];
	(xrf2) =	vadd.scan.msk.f32 $0xffff, v55;
	v4 =	vsel vm5, v5, v24;
	v5 =	vsel vm5, v22, v10;
	v10 =	vadd.f32 v12, v54  }
0x32d: {  	v63 =	vmul.f32 v21, v1;
	v21 =	vadd.f32 v59, v57;
	v57 =	vmul.f32 v11, v0;
	v37 =	vld [tilespmem:s16+$0x60];
	(xrf2) =	vadd.scan.msk.f32 $0xffff, v9  }
0x32e: {  	v61 =	vadd.f32 v56, v15;
	v33 =	vmul.f32 v19, v3;
	v38 =	vld [tilespmem:s4+$0x90];
	v39 =	vmul.f32 v25, v0;
	(xrf2) =	vadd.scan.msk.f32 $0xffff, v10  }
0x32f: {  	vm15 =	vcmask $0x310;
	v40 =	vmul.f32 v27, v3;
	v41 =	vmul.f32 v29, v2;
	v26 =	vld [tilespmem:s16+$0x70];
	(xrf2) =	vadd.scan.msk.f32 $0xffff, v58  }
0x330: {  	v59 =	vld [tilespmem:s4+$0x110];
	v42 =	vmul.f32 v31, v1;
	v43 =	vmul.f32 v35, v0;
	v22 =	vadd.f32 v62, v60;
	(xrf2) =	vadd.scan.msk.f32 $0xffff, v61  }
0x331: {  	v8 =	vadd.f32 v8, v63;
	v63 =	vld [tilespmem:s16+$0x100];
	v44 =	vmul.f32 v28, v3;
	v46 =	vmul.f32 v36, v2;
	(xrf2) =	vadd.scan.msk.f32 $0xffff, v21  }
0x332: {  	v6 =	vadd.f32 v39, v6;
	v47 =	vmul.f32 v37, v1;
	v37 =	vmul.f32 v13, v2;
	v55 =	vld [tilespmem:s4+$0x100];
	(xrf2) =	vadd.scan.msk.f32 $0xffff, v22  }
0x333: {  	v45 =	vadd.f32 v41, v40;
	v53 =	vmul.f32 v38, v2;
	v38 =	vmul.f32 v14, v1;
	v24 =	vld [tilespmem:s4+$0xA0];
	(xrf2) =	vadd.scan.msk.f32 $0xffff, v8  }
0x334: {  	v49 =	vadd.f32 v43, v42;
	v42 =	vmul.f32 v16, v0;
	v48 =	vld [tilespmem:s16+$0xE0];
	v50 =	vmul.f32 v26, v0;
	(xrf2) =	vadd.scan.msk.f32 $0xffff, v7  }
0x335: {  	v39 =	vld [tilespmem:s4+$0x120];
	v43 =	vmul.f32 v20, v3;
	v52 =	vadd.f32 v46, v44;
	v54 =	vmul.f32 v34, v1;
	(xrf2) =	vadd.scan.msk.f32 $0xffff, v6  }
0x336: {  	v60 =	vadd.f32 v53, v51;
	v62 =	vmul.f32 v17, v1;
	v34 =	vld [tilespmem:s16+$0x110];
	v56 =	vadd.f32 v50, v47;
	v25, _, _ =	vpop (xrf2);
	(xrf2) =	vadd.scan.msk.f32 $0xffff, v45  }
0x337: {  	v31 =	vadd.f32 v57, v54;
	v53 =	vmul.f32 v55, v3;
	v57 =	vmul.f32 v59, v2;
	v21 =	vld [tilespmem:s4+$0xF0];
	v27, _, _ =	vpop (xrf2);
	(xrf2) =	vadd.scan.msk.f32 $0xffff, v49  }
0x338: {  	v44 =	vld [tilespmem:s4+$0x130];
	v46 =	vadd.f32 v37, v33;
	v58 =	vmul.f32 v24, v3;
	v61 =	vmul.f32 v32, v2;
	v24, _, _ =	vpop (xrf2);
	(xrf2) =	vadd.scan.msk.f32 $0xffff, v52  }
0x339: {  	v51 =	vadd.f32 v42, v38;
	v48 =	vmul.f32 v48, v1;
	v32 =	vmul.f32 v18, v0;
	v28, _, _ =	vpop (xrf2);
	(xrf2) =	vadd.scan.msk.f32 $0xffff, v56  }
0x33a: {  	v54 =	vld [tilespmem:s16+$0x130];
	v3 =	vmul.f32 v39, v3;
	v36 =	vadd.f32 v61, v58;
	v58 =	vmul.f32 v63, v1;
	v35, _, _ =	vpop (xrf2);
	(xrf2) =	vadd.scan.msk.f32 $0xffff, v60  }
0x33b: {  	v41 =	vadd.f32 v32, v62;
	v61 =	vmul.f32 v34, v0;
	v17 =	vbroadcast v25, $0xF;
	v49 =	vld [tilespmem:s16+$0x120];
	v40, _, _ =	vpop (xrf2);
	(xrf2) =	vadd.scan.msk.f32 $0xffff, v31  }
0x33c: {  	v63 =	vadd.f32 v57, v53;
	v29 =	vbroadcast v27, $0xF;
	v47 =	vmul.f32 v21, v2;
	v45, _, _ =	vpop (xrf2);
	(xrf2) =	vadd.scan.msk.f32 $0xffff, v36  }
0x33d: {  	v25 =	vadd.f32 v61, v58;
	v2 =	vmul.f32 v44, v2;
	v52 =	vmul.f32 v23, v0;
	v50, _, _ =	vpop (xrf2);
	(xrf2) =	vadd.scan.msk.f32 $0xffff, v41  }
0x33e: {  	v4 =	vsel vm6, v4, v17;
	v5 =	vsel vm6, v5, v29;
	v56 =	vadd.f32 v47, v43;
	v55, _, _ =	vpop (xrf2);
	(xrf2) =	vadd.scan.msk.f32 $0xffff, v46  }
0x33f: {  	v0 =	vmul.f32 v54, v0;
	v60 =	vadd.f32 v52, v48;
	v33 =	vbroadcast v28, $0xF;
	v59, _, _ =	vpop (xrf2);
	(xrf2) =	vadd.scan.msk.f32 $0xffff, v51  }
0x340: {  	v2 =	vadd.f32 v2, v3;
	v31 =	vbroadcast v24, $0xF;
	v1 =	vmul.f32 v49, v1;
	v62, _, _ =	vpop (xrf2);
	(xrf2) =	vadd.scan.msk.f32 $0xffff, v56  }
0x341: {  	v35 =	vbroadcast v35, $0xF;
	v5 =	vsel vm7, v5, v33;
	v37 =	vbroadcast v40, $0xF;
	v18, _, _ =	vpop (xrf2);
	(xrf2) =	vadd.scan.msk.f32 $0xffff, v60  }
0x342: {  	v3 =	vsel vm7, v4, v31;
	v38 =	vbroadcast v45, $0xF;
	v0 =	vadd.f32 v0, v1;
	v30, _, _ =	vpop (xrf2);
	(xrf2) =	vadd.scan.msk.f32 $0xffff, v63  }
0x343: {  	v39 =	vbroadcast v50, $0xF;
	v5 =	vsel vm8, v5, v37;
	v40 =	vbroadcast v55, $0xF;
	v32, _, _ =	vpop (xrf2);
	(xrf2) =	vadd.scan.msk.f32 $0xffff, v25  }
0x344: {  	v55 =	vld [tilespmem:$0x1FFF0];
	v43 =	vbroadcast v59, $0xF;
	v45 =	vbroadcast v62, $0xF;
	v34, _, _ =	vpop (xrf2);
	(xrf2) =	vadd.scan.msk.f32 $0xffff, v2;
	v2 =	vsel vm8, v3, v35  }
0x345: {  	v47 =	vbroadcast v18, $0xF;
	v48 =	vbroadcast v30, $0xF;
	v2 =	vsel vm9, v2, v38  }
0x346: {  	v3 =	vsel vm9, v5, v39;
	v50 =	vbroadcast v32, $0xF;
	v36, _, _ =	vpop (xrf2);
	v2 =	vsel vm10, v2, v40  }
0x347: {  	v3 =	vsel vm10, v3, v43;
	v4 =	vbroadcast v34, $0xF;
	v41, _, _ =	vpop (xrf2);
	v2 =	vsel vm11, v2, v45  }
0x348: {  	v3 =	vsel vm11, v3, v47;
	v1 =	vbroadcast v36, $0xF;
	v42, _, _ =	vpop (xrf2);
	v2 =	vsel vm12, v2, v48  }
0x349: {  	vm14 =	vnez.u8 v55;
	v3 =	vsel vm12, v3, v50;
	v44, _, _ =	vpop (xrf2);
	v2 =	vsel vm13, v2, v4  }
0x34a: {  	(xrf2) =	vadd.scan.msk.f32 $0xffff, v0;
	v1 =	vsel vm13, v3, v1;
	v46, _, _ =	vpop (xrf2);
	v53 =	vbroadcast v44, $0xF;
	v2 =	vsel vm14, v2, v41  }
0x34b: {  	v9 =	vbroadcast v46, $0xF;
	vm14 =	vmmov vm13;
	vm13 =	vmmov vm12  }
0x34c: {  	vm12 =	vmmov vm11;
	vm11 =	vmmov vm10;
	vm10 =	vmmov vm9  }
0x34d: {  	vm9 =	vmmov vm8;
	vm8 =	vmmov vm7;
	vm7 =	vmmov vm6  }
0x34e: {  	v62 =	vld [tilespmem:$0x1FFF0];
	v49, _, _ =	vpop (xrf2);
	vm6 =	vmmov vm5;
	vm5 =	vmmov vm4;
	vm4 =	vmmov vm3  }
0x34f: {  	vm3 =	vmmov vm2;
	vm2 =	vmmov vm1;
	v51, _, _ =	vpop (xrf2);
	v56 =	vbroadcast v49, $0xF  }
0x350: {  	vm1 =	vcmask $0x710;
	v4 =	vnsel vm0, $0x0, v53;
	v52, _, _ =	vpop (xrf2);
	v58 =	vbroadcast v51, $0xF  }
0x351: {  	v60 =	vnsel vm0, $0x0, v9;
	v54, _, _ =	vpop (xrf2);
	v6 =	vbroadcast v52, $0xF;
	v3 =	vsel vm15, v4, v56  }
0x352: {  	v57, _, _ =	vpop (xrf2);
	v5 =	vbroadcast v54, $0xF;
	v4 =	vsel vm15, v60, v58;
	vm15 =	vmmov vm0  }
0x353: {  	v59 =	vbroadcast v57, $0xF;
	v3 =	vsel vm1, v3, v6;
	vm1 =	vnez.u8 v62  }
0x354: {  	vm0 =	vcmask $0xB10;
	v61, _, _ =	vpop (xrf2);
	v0 =	vsel vm1, v1, v42;
	vm1 =	vcmask $0x710  }
0x355: {  	p0 =	sne.s32 s0, $0x1F80;
	v3 =	vsel vm0, v3, v59;
	v6 =	vbroadcast v61, $0xF;
	v63 =	vsel vm1, v4, v5  }
.Ltmp4:
0x356: {  	vm1 =	vmmov vm2;
	vm2 =	vmmov vm3;
	vm3 =	vmmov vm4;
	(pc) =	sbr.rel @p0 .LBB2_11-.Ltmp4, $4  }
0x357: {  	[tilespmem:s31+$0x18C80] =	vst v2;
	vm4 =	vmmov vm5;
	vm5 =	vmmov vm6;
	vm6 =	vmmov vm7  }
0x358: {  	vm7 =	vmmov vm8;
	vm8 =	vmmov vm9;
	vm9 =	vmmov vm10;
	[tilespmem:s31+$0x19480] =	vst v0  }
0x359: {  	vm10 =	vmmov vm11;
	vm11 =	vmmov vm12;
	[tilespmem:s31+$0x18C90] =	vst v3;
	v1 =	vsel vm0, v63, v6  }
0x35a: {  	s0 =	sadd.s32 $0x80, s0;
	s4 =	sadd.s32 $0x280, s4;
	s16 =	sadd.s32 $0x280, s16;
	vm12 =	vmmov vm13;
	vm13 =	vmmov vm14;
	vm0 =	vmmov vm15;
	[tilespmem:s31+$0x19490] =	vst v1  }
0x35b: {  	s0 =	sadd.s32 s10, s30  }
0x35c: {  	s16 =	rddreg [dreg:$0x4];
	s4 =	sshrl.u32 s0, $0x3  }
0x35d: {  	s16 =	sadd.s32 s16, s4  }
0x35e: {  	[hbm4b:s16+s3] =	stream.linear.scatter [tilespmem:s24], [sflag:$0x2], $0x40, $0x38;
	[tilespmem:$0x19C80] =	vst v63  }
0x35f: {  	_ =	swait.ge [sflag:s15], $0x40  }
0x360: {  	[sflag:s15] =	ssyncset.done $0x0  }
0x361: {  	[sflag:s15] =	ssyncadd.s32 $0xFFFFFFC0  }
0x362: {  	s30 =	rddreg [dreg:$0x5]  }
0x363: {  	s4 =	sadd.s32 s30, s4  }
0x364: {  	[hbm4b:s4+s3] =	stream.linear.scatter [tilespmem:s25], [sflag:$0x2], $0x40, $0x38;
	[tilespmem:$0x19C80] =	vst v63  }
0x365: {  	_ =	swait.ge [sflag:s15], $0x40  }
0x366: {  	s0 =	sshll.u32 s0, $0x2;
	[sflag:s15] =	ssyncset.done $0x0  }
0x367: {  	s31 =	sadd.s32 s8, s0;
	[sflag:s15] =	ssyncadd.s32 $0xFFFFFFC0  }
0x368: {  	[hbm4b:s31+s3] =	stream.linear.scatter [tilespmem:s26], [sflag:$0x2], $0x800, $0x38;
	[tilespmem:$0x19C80] =	vst v63  }
0x369: {  	s29 =	sadd.s32 $0x1, s29;
	_ =	swait.ge [sflag:s15], $0x800  }
0x36a: {  	p0 =	sne.s32 s29, $0x8;
	[sflag:s15] =	ssyncset.done $0x0  }
.Ltmp5:
0x36b: {  	s0 =	sadd.s32 s9, s0;
	[sflag:s15] =	ssyncadd.s32 $0xFFFFF800;
	(pc) =	sbr.rel @p0 .LBB2_8-.Ltmp5, $4  }
0x36c: {  	[hbm4b:s0+s3] =	stream.linear.scatter [tilespmem:s28], [sflag:$0x2], $0x800, $0x38;
	[tilespmem:$0x19C80] =	vst v63  }
0x36d: {  	_ =	swait.ge [sflag:s15], $0x800  }
0x36e: {  	[sflag:s15] =	ssyncset.done $0x0  }
0x36f: {  	[sflag:s15] =	ssyncadd.s32 $0xFFFFF800  }
0x370: {  	s4 =	rddreg [dreg:$0xb]  }
0x371: {  	s0 =	rddreg [dreg:$0xa];
	s4 =	sadd.s32 $0x1, s4  }
0x372: {  	p0 =	sne.s32 s4, s0  }
.Ltmp6:
0x373: {  	_ = 	snop;
	(pc) =	sbr.rel @p0 .LBB2_1-.Ltmp6, $1  }
0x374: {  	_ =	sdelay $0x3  }
0x375: {  	_ =	sfence.sel $0x180000  }
0x376: {  	[bflag:$0x0] =	sbarrier.arrive $0xFFFF  }
0x377: {  	_ =	strace $0x90000047  }
0x378: {  	s0 =	stileid.u32;
	[bflag:$0x2] =	sbarrier.arrive $0xFFFF  }
0x379: {  	p0 =	sne.s32 s0, $0x0;
	s0 =	rddreg [dreg:$0x6]  }
0x37a: {  	s0 =	sadd.s32 @!p0 $0x100000, s0  }
0x37b: {  	[sflag:s0] =	ssyncadd.tile.s32 @!p0 $0x1;
	_ =	shalt  }
.Lfunc_end2:
_tile_overlayer_lowered:
.L_overlay_start_2:
0x37c: {  	(tag) =	ssettag $0x2  }
0x37d: {  	s0 =	rddreg [dreg:$0x0];
	s2 =	stileid.u32  }
0x37e: {  	s1 =	rddreg [dreg:$0x1];
	p0 =	sne.s32 s2, $0x0  }
0x37f: {  	s3 =	rddreg [dreg:$0x2];
	[bflag:$0x3] =	sbarrier.arrive $0xFFFF;
	s2 =	simm.s32 @!p0 $0x1C02  }
0x380: {  	[timem:s3], [sflag:s2] =	dma.local @!p0 [hbm:s0], s1  }
0x381: {  	s0 =	simm.s32 @!p0 $0x2  }
0x382: {  	_ =	swait.ge @!p0 [sflag:s0], s1  }
0x383: {  	s1 =	ssub.s32 @!p0 $0x0, s1;
	[sflag:s0] =	ssyncset.done @!p0 $0x0  }
0x384: {  	[sflag:s0] =	ssyncadd.s32 @!p0 s1  }
0x385: {  	[bflag:$0x3] =	sbarrier.arrive $0xFFFF  }
0x386: {  	_ =	shalt  }

</sc_bundles>
